<compile_context>
chip_gen: v7x
topology: tpu7x:2x2x1
jax: 0.10.2.dev20260603
libtpu: 0.0.44.dev20260713+nightly
codegen_flags: <defaults>
</compile_context>

<pallas_src>
import jax
import jax.numpy as jnp
import numpy as np
from jax import lax
from jax.experimental import pallas as pl
from jax.experimental.pallas import tpu as pltpu
from jax.experimental.pallas import tpu_sc as plsc

N = 10000
E = 320000
H = 128

NTILES = 32
CHUNK = 128
NCH = 79
EPT = NCH * CHUNK
EPAD = NTILES * EPT
NP = 10240
RPT = NP // 16

BN = 2000
BM = 2048

_relu = jax.nn.relu


def _bf(a):
    return a.astype(jnp.bfloat16)


def _dot(a, b):
    return jax.lax.dot_general(
        _bf(a), _bf(b), (((a.ndim - 1,), (0,)), ((), ())),
        preferred_element_type=jnp.float32)


def _dot_hi(a, b):
    return jax.lax.dot_general(
        a, b, (((a.ndim - 1,), (0,)), ((), ())),
        preferred_element_type=jnp.float32,
        precision=jax.lax.Precision.HIGHEST)



def _encoder_body(x, w1, bb1, w2, bb2, out):
    t = bb1[...] * jnp.ones((x.shape[0], 1), jnp.float32)
    for k in range(4):
        t = t + (_bf(x[:, k:k + 1]) * _bf(w1[k:k + 1, :])).astype(jnp.float32)
    t = _relu(t)
    out[...] = _dot(t, w2[...]) + bb2[...]


def _encoder(x, We1, be1, We2, be2):
    return pl.pallas_call(
        _encoder_body,
        grid=(N // BN,),
        in_specs=[
            pl.BlockSpec((BN, 4), lambda i: (i, 0)),
            pl.BlockSpec((4, H), lambda i: (0, 0)),
            pl.BlockSpec((1, H), lambda i: (0, 0)),
            pl.BlockSpec((H, H), lambda i: (0, 0)),
            pl.BlockSpec((1, H), lambda i: (0, 0)),
        ],
        out_specs=pl.BlockSpec((BN, H), lambda i: (i, 0)),
        out_shape=jax.ShapeDtypeStruct((N, H), jnp.float32),
    )(x, We1, be1[None], We2, be2[None])


def _node_prep_body(h, w1d, w1s, bb1, a, b):
    hv = h[...]
    a[...] = _dot(hv, w1d[...]) + bb1[...]
    b[...] = _dot(hv, w1s[...])


def _node_prep(h, W1d, W1s, b1):
    return pl.pallas_call(
        _node_prep_body,
        grid=(N // BN,),
        in_specs=[
            pl.BlockSpec((BN, H), lambda i: (i, 0)),
            pl.BlockSpec((H, H), lambda i: (0, 0)),
            pl.BlockSpec((H, H), lambda i: (0, 0)),
            pl.BlockSpec((1, H), lambda i: (0, 0)),
        ],
        out_specs=[
            pl.BlockSpec((BN, H), lambda i: (i, 0)),
            pl.BlockSpec((BN, H), lambda i: (i, 0)),
        ],
        out_shape=[
            jax.ShapeDtypeStruct((N, H), jnp.float32),
            jax.ShapeDtypeStruct((N, H), jnp.float32),
        ],
    )(h, W1d, W1s, b1[None])


def _edge_mm_body(ag, bg, ea, w1e, w2, bb2, w3, bb3, u):
    g = ag[...] + bg[...]
    for k in range(3):
        g = g + (_bf(ea[:, k:k + 1]) * _bf(w1e[k:k + 1, :])).astype(jnp.float32)
    e = _dot(_relu(g), w2[...]) + bb2[...]
    t = _dot(e, w3[...]) + bb3[...]
    u[...] = _bf(_relu(t)).astype(jnp.float32)


def _edge_mm(Ag, Bg, eap, W1e, W2, b2, W3, b3):
    return pl.pallas_call(
        _edge_mm_body,
        grid=(EPAD // BM,),
        in_specs=[
            pl.BlockSpec((BM, H), lambda i: (i, 0)),
            pl.BlockSpec((BM, H), lambda i: (i, 0)),
            pl.BlockSpec((BM, 3), lambda i: (i, 0)),
            pl.BlockSpec((3, H), lambda i: (0, 0)),
            pl.BlockSpec((H, H), lambda i: (0, 0)),
            pl.BlockSpec((1, H), lambda i: (0, 0)),
            pl.BlockSpec((H, H), lambda i: (0, 0)),
            pl.BlockSpec((1, H), lambda i: (0, 0)),
        ],
        out_specs=pl.BlockSpec((BM, H), lambda i: (i, 0)),
        out_shape=jax.ShapeDtypeStruct((EPAD, H), jnp.float32),
    )(Ag, Bg, eap, W1e, W2, b2[None], W3, b3[None])


def _node_update_body(h, s, cnt, wua, wub, w4, bb4, bbu1, wu2, bbu2, g, b, out):
    hv = h[...]
    ssum = s[0] + s[1]
    c = cnt[0, :, 0:1] + cnt[1, :, 0:1]
    aggr = _dot_hi(ssum, _bf(w4[...]).astype(jnp.float32)) + c * bb4[...]
    z = (_dot(hv, wua[...])
         + _dot(aggr, wub[...])
         + bbu1[...])
    hn = _dot(_relu(z), wu2[...]) + bbu2[...]
    y = hv + hn
    m = jnp.mean(y, axis=-1, keepdims=True)
    yc = y - m
    v = jnp.mean(yc * yc, axis=-1, keepdims=True)
    out[...] = yc * lax.rsqrt(v + 1e-5) * g[...] + b[...]


def _node_update(h, S, cnt, Wua, Wub, W4, b4, bu1, Wu2, bu2, lg, lb):
    full = lambda i: (0, 0)
    return pl.pallas_call(
        _node_update_body,
        grid=(N // BN,),
        in_specs=[
            pl.BlockSpec((BN, H), lambda i: (i, 0)),
            pl.BlockSpec((2, BN, H), lambda i: (0, i, 0)),
            pl.BlockSpec((2, BN, H), lambda i: (0, i, 0)),
            pl.BlockSpec((H, H), full),
            pl.BlockSpec((H, H), full),
            pl.BlockSpec((H, H), full),
            pl.BlockSpec((1, H), full),
            pl.BlockSpec((1, H), full),
            pl.BlockSpec((H, H), full),
            pl.BlockSpec((1, H), full),
            pl.BlockSpec((1, H), full),
            pl.BlockSpec((1, H), full),
        ],
        out_specs=pl.BlockSpec((BN, H), lambda i: (i, 0)),
        out_shape=jax.ShapeDtypeStruct((N, H), jnp.float32),
    )(h, S, cnt, Wua, Wub, W4, b4[None], bu1[None], Wu2, bu2[None], lg[None],
      lb[None])


def _pool_body(h, ap0, ab0, ap1r, ga, gb1, gbm, gb2, gg, gbb, wk, bk, wv, bv,
               kout, vout):
    hv = h[...]
    t = jnp.tanh(_dot(hv, ap0[...]) + ab0[...])
    logits = jnp.sum((_bf(t) * _bf(ap1r[...])).astype(jnp.float32),
                     axis=-1, keepdims=True)
    m = jnp.max(logits)
    ew = jnp.exp(logits - m)
    s = jnp.sum(ew)
    w = ew / s
    hg = jnp.sum(hv * w, axis=0, keepdims=True)
    for i in range(3):
        u = _relu(_dot(hg, ga[i])
                  + gb1[i:i + 1, :])
        u = _dot(u, gbm[i]) + gb2[i:i + 1, :]
        y = hg + u
        mu = jnp.mean(y, axis=-1, keepdims=True)
        yc = y - mu
        var = jnp.mean(yc * yc, axis=-1, keepdims=True)
        hg = yc * lax.rsqrt(var + 1e-5) * gg[...] + gbb[...]
    kout[...] = _dot(hg, wk[...]) + bk[...]
    vout[...] = _dot(hg, wv[...]) + bv[...]


def _pool_global(h, attn_pool, gmlp, ln_global, kp, vp):
    ap0, ab0 = attn_pool[0]
    ap1 = attn_pool[1][0]
    ga = jnp.stack([mp[0][0] for mp in gmlp])
    gb1 = jnp.stack([mp[0][1] for mp in gmlp])
    gbm = jnp.stack([mp[1][0] for mp in gmlp])
    gb2 = jnp.stack([mp[1][1] for mp in gmlp])
    gg, gbb = ln_global
    full2 = lambda: None
    return pl.pallas_call(
        _pool_body,
        grid=(1,),
        in_specs=[
            pl.BlockSpec((N, H), lambda i: (0, 0)),
            pl.BlockSpec((H, H), lambda i: (0, 0)),
            pl.BlockSpec((1, H), lambda i: (0, 0)),
            pl.BlockSpec((1, H), lambda i: (0, 0)),
            pl.BlockSpec((3, H, H), lambda i: (0, 0, 0)),
            pl.BlockSpec((3, H), lambda i: (0, 0)),
            pl.BlockSpec((3, H, H), lambda i: (0, 0, 0)),
            pl.BlockSpec((3, H), lambda i: (0, 0)),
            pl.BlockSpec((1, H), lambda i: (0, 0)),
            pl.BlockSpec((1, H), lambda i: (0, 0)),
            pl.BlockSpec((H, H), lambda i: (0, 0)),
            pl.BlockSpec((1, H), lambda i: (0, 0)),
            pl.BlockSpec((H, H), lambda i: (0, 0)),
            pl.BlockSpec((1, H), lambda i: (0, 0)),
        ],
        out_specs=[
            pl.BlockSpec((1, H), lambda i: (0, 0)),
            pl.BlockSpec((1, H), lambda i: (0, 0)),
        ],
        out_shape=[
            jax.ShapeDtypeStruct((1, H), jnp.float32),
            jax.ShapeDtypeStruct((1, H), jnp.float32),
        ],
    )(h, ap0, ab0[None], ap1.T, ga, gb1, gbm, gb2, gg[None], gbb[None],
      kp[0], kp[1][None], vp[0], vp[1][None])


def _fuse_body(h, kv, vv, wq, bq, wo1, bo1, wo2, bo2, wh1, bh1, wh2, bh2,
               o0, o1, o2):
    hv = h[...]
    q = _dot(hv, wq[...]) + bq[...]
    s = jnp.sum(q * kv[...], axis=-1, keepdims=True) * (1.0 / np.sqrt(H))
    w = jax.nn.sigmoid(s)
    xo = hv + w * vv[...]
    y = _relu(_dot(xo, wo1[...]) + bo1[...])
    y = _dot(y, wo2[...]) + bo2[...]
    outs = [o0, o1, o2]
    for n in range(3):
        yh = _relu(_dot(y, wh1[n])
                   + bh1[n:n + 1, :])
        outs[n][...] = (jnp.sum((_bf(yh) * _bf(wh2[n:n + 1, :])).astype(
            jnp.float32), axis=-1, keepdims=True) + bh2[n:n + 1, :])


def _fuse_heads(h, Kv, Vv, qp, outp, heads):
    wh1 = jnp.stack([heads[n][0][0] for n in ('switch', 'voltage', 'current')])
    bh1 = jnp.stack([heads[n][0][1] for n in ('switch', 'voltage', 'current')])
    wh2 = jnp.stack([heads[n][1][0][:, 0] for n in ('switch', 'voltage', 'current')])
    bh2 = jnp.stack([heads[n][1][1] for n in ('switch', 'voltage', 'current')])
    full = lambda i: (0, 0)
    return pl.pallas_call(
        _fuse_body,
        grid=(N // BN,),
        in_specs=[
            pl.BlockSpec((BN, H), lambda i: (i, 0)),
            pl.BlockSpec((1, H), full),
            pl.BlockSpec((1, H), full),
            pl.BlockSpec((H, H), full),
            pl.BlockSpec((1, H), full),
            pl.BlockSpec((H, H), full),
            pl.BlockSpec((1, H), full),
            pl.BlockSpec((H, H), full),
            pl.BlockSpec((1, H), full),
            pl.BlockSpec((3, H, 64), lambda i: (0, 0, 0)),
            pl.BlockSpec((3, 64), full),
            pl.BlockSpec((3, 64), full),
            pl.BlockSpec((3, 1), full),
        ],
        out_specs=[
            pl.BlockSpec((BN, 1), lambda i: (i, 0)),
            pl.BlockSpec((BN, 1), lambda i: (i, 0)),
            pl.BlockSpec((BN, 1), lambda i: (i, 0)),
        ],
        out_shape=[
            jax.ShapeDtypeStruct((N, 1), jnp.float32),
            jax.ShapeDtypeStruct((N, 1), jnp.float32),
            jax.ShapeDtypeStruct((N, 1), jnp.float32),
        ],
    )(h, Kv, Vv, qp[0], qp[1][None], outp[0][0], outp[0][1][None],
      outp[1][0], outp[1][1][None], wh1, bh1, wh2, bh2)



def _sc_mesh():
    return plsc.VectorSubcoreMesh(core_axis_name="c", subcore_axis_name="s")


NCHP = 80


def _sc_gather_body(a_hbm, b_hbm, di_hbm, si_hbm, ag_hbm, bg_hbm,
                    idx_d, idx_s, ba0, ba1, bb0, bb1, sg0, sg1, sw0, sw1):
    wid = lax.axis_index("s") * 2 + lax.axis_index("c")
    base = wid * EPT
    pltpu.sync_copy(di_hbm.at[pl.ds(base, EPT)], idx_d)
    pltpu.sync_copy(si_hbm.at[pl.ds(base, EPT)], idx_s)
    bufa = (ba0, ba1)
    bufb = (bb0, bb1)
    sg = (sg0, sg1)
    sw = (sw0, sw1)

    def fire_g(j, k):
        jj = jnp.minimum(j, NCH - 1)
        sl = pl.ds(jj * CHUNK, CHUNK)
        pltpu.async_copy(a_hbm.at[idx_d.at[sl]], bufa[k], sg[k])
        pltpu.async_copy(b_hbm.at[idx_s.at[sl]], bufb[k], sg[k])

    def wait_g(k):
        pltpu.make_async_copy(a_hbm.at[pl.ds(0, CHUNK)], bufa[k], sg[k]).wait()
        pltpu.make_async_copy(a_hbm.at[pl.ds(0, CHUNK)], bufb[k], sg[k]).wait()

    def fire_w(j, k):
        jj = jnp.minimum(j, NCH - 1)
        sl = pl.ds(base + jj * CHUNK, CHUNK)
        pltpu.async_copy(bufa[k], ag_hbm.at[sl], sw[k])
        pltpu.async_copy(bufb[k], bg_hbm.at[sl], sw[k])

    def wait_w(k):
        pltpu.make_async_copy(a_hbm.at[pl.ds(0, CHUNK)], bufa[k], sw[k]).wait()
        pltpu.make_async_copy(a_hbm.at[pl.ds(0, CHUNK)], bufb[k], sw[k]).wait()

    fire_g(0, 0)

    def body(g, carry):
        for pz in (0, 1):
            j = 2 * g + pz

            @pl.when(j > 0)
            def _():
                wait_w(1 - pz)

            @pl.when(j + 1 < NCHP)
            def _():
                fire_g(j + 1, 1 - pz)

            wait_g(pz)
            fire_w(j, pz)
        return carry

    lax.fori_loop(0, NCHP // 2, body, 0)
    wait_w(1)


def _sc_gather(A, B, dstp, srcp):
    return pl.kernel(
        _sc_gather_body,
        out_type=(jax.ShapeDtypeStruct((EPAD, H), jnp.float32),
                  jax.ShapeDtypeStruct((EPAD, H), jnp.float32)),
        mesh=_sc_mesh(),
        scratch_types=[
            pltpu.VMEM((EPT,), jnp.int32),
            pltpu.VMEM((EPT,), jnp.int32),
            pltpu.VMEM((CHUNK, H), jnp.float32),
            pltpu.VMEM((CHUNK, H), jnp.float32),
            pltpu.VMEM((CHUNK, H), jnp.float32),
            pltpu.VMEM((CHUNK, H), jnp.float32),
            pltpu.SemaphoreType.DMA,
            pltpu.SemaphoreType.DMA,
            pltpu.SemaphoreType.DMA,
            pltpu.SemaphoreType.DMA,
        ],
    )(A, B, dstp, srcp)


def _sc_scatter_body(u_hbm, ds_hbm, z_hbm, s_hbm, idx2d, bu0, bu1, sl0, sl1,
                     acc_ref):
    cid = lax.axis_index("c")
    sid = lax.axis_index("s")
    wid = sid * 2 + cid
    rbase = sid * RPT
    pltpu.sync_copy(z_hbm.at[pl.ds(rbase, RPT)], acc_ref.at[pl.ds(rbase, RPT)])
    pltpu.sync_copy(ds_hbm.at[wid], idx2d)
    plsc.subcore_barrier()
    base = wid * EPT
    bufu = (bu0, bu1)
    sl = (sl0, sl1)

    def fire_l(j, k):
        jj = jnp.minimum(j, NCH - 1)
        pltpu.async_copy(u_hbm.at[pl.ds(base + jj * CHUNK, CHUNK)], bufu[k], sl[k])

    def wait_l(k):
        pltpu.make_async_copy(u_hbm.at[pl.ds(0, CHUNK)], bufu[k], sl[k]).wait()

    fire_l(0, 0)

    def body(g, carry):
        for pz in (0, 1):
            j = 2 * g + pz

            @pl.when(j + 1 < NCHP)
            def _():
                fire_l(j + 1, 1 - pz)

            wait_l(pz)
            pltpu.sync_copy(bufu[pz], acc_ref.at[idx2d.at[j]], add=True)
        return carry

    lax.fori_loop(0, NCHP // 2, body, 0)
    plsc.subcore_barrier()
    pltpu.sync_copy(acc_ref.at[pl.ds(rbase, RPT)],
                    s_hbm.at[cid].at[pl.ds(rbase, RPT)])


def _sc_scatter(U, dsts2, zf):
    return pl.kernel(
        _sc_scatter_body,
        out_type=jax.ShapeDtypeStruct((2, NP, H), jnp.float32),
        mesh=_sc_mesh(),
        scratch_types=[
            pltpu.VMEM((NCHP, CHUNK), jnp.int32),
            pltpu.VMEM((CHUNK, H), jnp.float32),
            pltpu.VMEM((CHUNK, H), jnp.float32),
            pltpu.SemaphoreType.DMA,
            pltpu.SemaphoreType.DMA,
            pltpu.VMEM_SHARED((NP, H), jnp.float32),
        ],
    )(U, dsts2, zf)


def _sc_cnt_body(ds_hbm, z_hbm, ones_hbm, cnt_hbm, idx_v, ones_v, acc):
    cid = lax.axis_index("c")
    sid = lax.axis_index("s")
    wid = sid * 2 + cid
    rbase = sid * RPT
    pltpu.sync_copy(z_hbm.at[pl.ds(rbase, RPT)], acc.at[pl.ds(rbase, RPT)])
    pltpu.sync_copy(ones_hbm, ones_v)
    plsc.subcore_barrier()
    base = wid * EPT

    def body(j, carry):
        off = base + j * CHUNK
        pltpu.sync_copy(ds_hbm.at[pl.ds(off, CHUNK)], idx_v)
        pltpu.sync_copy(ones_v, acc.at[idx_v], add=True)
        return carry

    lax.fori_loop(0, NCH, body, 0)
    plsc.subcore_barrier()
    pltpu.sync_copy(acc.at[pl.ds(rbase, RPT)], cnt_hbm.at[cid].at[pl.ds(rbase, RPT)])


def _sc_cnt(dsts, zc, ones):
    return pl.kernel(
        _sc_cnt_body,
        out_type=jax.ShapeDtypeStruct((2, NP, H), jnp.float32),
        mesh=_sc_mesh(),
        scratch_types=[
            pltpu.VMEM((CHUNK,), jnp.int32),
            pltpu.VMEM((CHUNK, H), jnp.float32),
            pltpu.VMEM_SHARED((NP, H), jnp.float32),
        ],
    )(dsts, zc, ones)



def kernel(x, edge_index, edge_attr, params):
    p = params
    src = edge_index[0]
    dst = edge_index[1]
    padz = jnp.zeros((EPAD - E,), jnp.int32)
    srcp = jnp.concatenate([src, padz])
    dstp = jnp.concatenate([dst, padz])
    dsts = jnp.concatenate([dst, jnp.full((EPAD - E,), N, jnp.int32)])
    dsts2 = jnp.concatenate(
        [dsts.reshape(NTILES, NCH, CHUNK),
         jnp.full((NTILES, 1, CHUNK), N, jnp.int32)], axis=1)
    eap = jnp.concatenate(
        [edge_attr, jnp.zeros((EPAD - E, 3), edge_attr.dtype)], axis=0)
    zf = jnp.zeros((NP, H), jnp.float32)
    ones128 = jnp.ones((CHUNK, H), jnp.float32)

    convs = p['convs']
    W1 = jnp.stack([c['edge'][0][0] for c in convs])
    b1 = jnp.stack([c['edge'][0][1] for c in convs])
    W2 = jnp.stack([c['edge'][1][0] for c in convs])
    b2 = jnp.stack([c['edge'][1][1] for c in convs])
    W3 = jnp.stack([c['msg'][0][0] for c in convs])
    b3 = jnp.stack([c['msg'][0][1] for c in convs])
    W4 = jnp.stack([c['msg'][1][0] for c in convs])
    b4 = jnp.stack([c['msg'][1][1] for c in convs])
    Wu = jnp.stack([c['upd'][0][0] for c in convs])
    bu1 = jnp.stack([c['upd'][0][1] for c in convs])
    Wu2 = jnp.stack([c['upd'][1][0] for c in convs])
    bu2 = jnp.stack([c['upd'][1][1] for c in convs])
    W1d = W1[:, :H]
    W1s = W1[:, H:2 * H]
    W1e = W1[:, 2 * H:]
    Wua = Wu[:, :H]
    Wub = Wu[:, H:]

    h = _encoder(x, p['enc'][0][0], p['enc'][0][1], p['enc'][1][0], p['enc'][1][1])

    cnt = _sc_cnt(dsts, zf, ones128)

    lg, lb = p['ln_local']
    for l in range(4):
        A, B = _node_prep(h, W1d[l], W1s[l], b1[l])
        Ag, Bg = _sc_gather(A, B, dstp, srcp)
        U = _edge_mm(Ag, Bg, eap, W1e[l], W2[l], b2[l], W3[l], b3[l])
        S = _sc_scatter(U, dsts2, zf)
        h = _node_update(h, S, cnt, Wua[l], Wub[l], W4[l], b4[l], bu1[l],
                         Wu2[l], bu2[l], lg, lb)

    Kv, Vv = _pool_global(h, p['attn_pool'], p['gmlp'], p['ln_global'],
                          p['k'], p['v'])
    o0, o1, o2 = _fuse_heads(h, Kv, Vv, p['q'], p['outp'], p['heads'])
    return jnp.concatenate([o0, o1, o2], axis=-1)

# --- scband reference (transcript-rebuilt; emitter-appended) ---
"""Pipeline reference for scband-ds-pah-gnn-1443109011699 (READ-ONLY COPY).

The authoritative reference and input builder live on the scoring server;
editing this copy changes nothing except your own understanding.
"""

import jax, jax.numpy as jnp
import numpy as np

N = 10000
E = 320000
ND = 4
ED = 3
H = 128


def _lin(key, din, dout):
    return (jax.random.normal(key, (din, dout), dtype=jnp.float32) / np.sqrt(din),
            jnp.zeros((dout,), jnp.float32))


def _mlp2(p, x):
    h = x @ p[0][0] + p[0][1]
    h = jax.nn.relu(h)
    return h @ p[1][0] + p[1][1]


def _ln(x, g, b):
    m = x.mean(-1, keepdims=True)
    v = x.var(-1, keepdims=True)
    return (x - m) / jnp.sqrt(v + 1e-5) * g + b


def setup_inputs(seed: int = 0):
    key = jax.random.key(seed)
    ks = jax.random.split(key, 64)
    it = iter(range(64))
    def nk():
        return ks[next(it)]
    x = jax.random.normal(nk(), (N, ND), dtype=jnp.float32)
    edge_index = jax.random.randint(nk(), (2, E), 0, N, dtype=jnp.int32)
    edge_attr = jax.random.normal(nk(), (E, ED), dtype=jnp.float32)
    params = {
        'enc': [_lin(nk(), ND, H), _lin(nk(), H, H)],
        'convs': [{'edge': [_lin(nk(), ED + 2 * H, H), _lin(nk(), H, H)],
                   'msg': [_lin(nk(), H, H), _lin(nk(), H, H)],
                   'upd': [_lin(nk(), 2 * H, H), _lin(nk(), H, H)]} for _ in range(4)],
        'ln_local': (jnp.ones((H,), jnp.float32), jnp.zeros((H,), jnp.float32)),
        'attn_pool': [_lin(nk(), H, H), _lin(nk(), H, 1)],
        'gmlp': [[_lin(nk(), H, H), _lin(nk(), H, H)] for _ in range(3)],
        'ln_global': (jnp.ones((H,), jnp.float32), jnp.zeros((H,), jnp.float32)),
        'q': _lin(nk(), H, H),
        'k': _lin(nk(), H, H),
        'v': _lin(nk(), H, H),
        'outp': [_lin(nk(), H, H), _lin(nk(), H, H)],
        'heads': {n: [_lin(nk(), H, H // 2), _lin(nk(), H // 2, 1)]
                  for n in ('switch', 'voltage', 'current')},
    }
    return {'x': x, 'edge_index': edge_index, 'edge_attr': edge_attr, 'params': params}


def _forward(x, edge_index, edge_attr, params):
    # LocalStream
    h = _mlp2(params['enc'], x)
    src = edge_index[0]
    dst = edge_index[1]
    for c in params['convs']:
        x_i = h[dst]  # target node feats (PyG x_i)
        x_j = h[src]  # source node feats (PyG x_j)
        e_in = jnp.concatenate([x_i, x_j, edge_attr], axis=-1)
        e = _mlp2(c['edge'], e_in)
        m = _mlp2(c['msg'], e)
        aggr = jax.ops.segment_sum(m, dst, num_segments=N)
        h_new = _mlp2(c['upd'], jnp.concatenate([h, aggr], axis=-1))
        h = _ln(h + h_new, *params['ln_local'])
    h_local = h
    # GlobalStream (batch=None path)
    p = params['attn_pool']
    t = jnp.tanh(h_local @ p[0][0] + p[0][1])
    logits = t @ p[1][0] + p[1][1]
    aw = jax.nn.softmax(logits, axis=0)
    hg = (h_local * aw).sum(axis=0, keepdims=True)
    for mp in params['gmlp']:
        hg = _ln(hg + _mlp2(mp, hg), *params['ln_global'])
    # CrossHierarchyFusion
    hge = jnp.broadcast_to(hg, (h_local.shape[0], hg.shape[-1]))
    Q = h_local @ params['q'][0] + params['q'][1]
    K = hge @ params['k'][0] + params['k'][1]
    V = hge @ params['v'][0] + params['v'][1]
    w = jax.nn.sigmoid((Q * K).sum(-1, keepdims=True) / np.sqrt(H))
    h_fused = _mlp2(params['outp'], h_local + w * V)
    outs = [_mlp2(params['heads'][n], h_fused) for n in ('switch', 'voltage', 'current')]
    return jnp.concatenate(outs, axis=-1)


def reference(x, edge_index, edge_attr, params):
    return _forward(x, edge_index, edge_attr, params)

if __name__ == "__main__":
    import jax
    _d = setup_inputs()
    print(jax.jit(kernel)(*tuple(_d.values())))

</pallas_src>

<mosaic_0001>
#map = affine_map<(d0, d1) -> (0, 0)>
#map1 = affine_map<(d0, d1) -> (0)>
module attributes {stable_mosaic.version = 14 : i64} {
  func.func @_sc_gather_body(%arg0: i32, %arg1: i32, %arg2: memref<10000x128xf32, #tpu.memory_space<hbm>>, %arg3: memref<10000x128xf32, #tpu.memory_space<hbm>>, %arg4: memref<323584xi32, #tpu.memory_space<hbm>>, %arg5: memref<323584xi32, #tpu.memory_space<hbm>>, %arg6: memref<323584x128xf32, #tpu.memory_space<hbm>>, %arg7: memref<323584x128xf32, #tpu.memory_space<hbm>>, %arg8: memref<10112xi32, #tpu.memory_space<vmem>>, %arg9: memref<10112xi32, #tpu.memory_space<vmem>>, %arg10: memref<128x128xf32, #tpu.memory_space<vmem>>, %arg11: memref<128x128xf32, #tpu.memory_space<vmem>>, %arg12: memref<128x128xf32, #tpu.memory_space<vmem>>, %arg13: memref<128x128xf32, #tpu.memory_space<vmem>>, %arg14: memref<!tpu.dma_semaphore, #tpu.memory_space<semaphore_mem>>, %arg15: memref<!tpu.dma_semaphore, #tpu.memory_space<semaphore_mem>>, %arg16: memref<!tpu.dma_semaphore, #tpu.memory_space<semaphore_mem>>, %arg17: memref<!tpu.dma_semaphore, #tpu.memory_space<semaphore_mem>>) attributes {dimension_semantics = [#tpu.dimension_semantics<core_parallel>, #tpu.dimension_semantics<subcore_parallel>], iteration_bounds = array<i64: 2, 16>, scalar_prefetch = 0 : i64, scratch_operands = 10 : i64, tpu.core_type = #tpu.core_type<sc_vector_subcore>, window_params = [{transform_indices = #map}, {transform_indices = #map}, {transform_indices = #map1}, {transform_indices = #map1}, {transform_indices = #map}, {transform_indices = #map}]} {
    %mul3A = arith.constant 2 : i32
    %mul3A_0 = arith.muli %arg1, %mul3A : i32
    %add3A = arith.addi %mul3A_0, %arg0 : i32
    %mul3A_1 = arith.constant 10112 : i32
    %mul3A_2 = arith.muli %add3A, %mul3A_1 : i32
    "tpu.region"() ({
      %run_scoped3A = tpu.sem_alloc : memref<!tpu.dma_semaphore, #tpu.memory_space<semaphore_mem>>
      %dma_start3A_30 = tpu.memref_slice %arg4[%mul3A_2] : memref<323584xi32, #tpu.memory_space<hbm>> -> memref<10112xi32, #tpu.memory_space<hbm>>
      %dma_start3A_31 = tpu.memref_slice %arg4[%mul3A_2] : memref<323584xi32, #tpu.memory_space<hbm>> -> memref<10112xi32, #tpu.memory_space<hbm>>
      tpu.enqueue_dma source(%dma_start3A_31 : memref<10112xi32, #tpu.memory_space<hbm>>) target(%arg8 : memref<10112xi32, #tpu.memory_space<vmem>>) target_semaphore(%run_scoped3A : memref<!tpu.dma_semaphore, #tpu.memory_space<semaphore_mem>>)
      %dma_wait3A_32 = tpu.memref_slice %arg4[%mul3A_2] : memref<323584xi32, #tpu.memory_space<hbm>> -> memref<10112xi32, #tpu.memory_space<hbm>>
      %dma_wait3A_33 = tpu.memref_slice %arg4[%mul3A_2] : memref<323584xi32, #tpu.memory_space<hbm>> -> memref<10112xi32, #tpu.memory_space<hbm>>
      tpu.wait_dma2 semaphore(%run_scoped3A : memref<!tpu.dma_semaphore, #tpu.memory_space<semaphore_mem>>) src(%dma_wait3A_33 : memref<10112xi32, #tpu.memory_space<hbm>>) dst(%arg8 : memref<10112xi32, #tpu.memory_space<vmem>>)
      tpu.yield
    }) : () -> ()
    "tpu.region"() ({
      %run_scoped3A = tpu.sem_alloc : memref<!tpu.dma_semaphore, #tpu.memory_space<semaphore_mem>>
      %dma_start3A_30 = tpu.memref_slice %arg5[%mul3A_2] : memref<323584xi32, #tpu.memory_space<hbm>> -> memref<10112xi32, #tpu.memory_space<hbm>>
      %dma_start3A_31 = tpu.memref_slice %arg5[%mul3A_2] : memref<323584xi32, #tpu.memory_space<hbm>> -> memref<10112xi32, #tpu.memory_space<hbm>>
      tpu.enqueue_dma source(%dma_start3A_31 : memref<10112xi32, #tpu.memory_space<hbm>>) target(%arg9 : memref<10112xi32, #tpu.memory_space<vmem>>) target_semaphore(%run_scoped3A : memref<!tpu.dma_semaphore, #tpu.memory_space<semaphore_mem>>)
      %dma_wait3A_32 = tpu.memref_slice %arg5[%mul3A_2] : memref<323584xi32, #tpu.memory_space<hbm>> -> memref<10112xi32, #tpu.memory_space<hbm>>
      %dma_wait3A_33 = tpu.memref_slice %arg5[%mul3A_2] : memref<323584xi32, #tpu.memory_space<hbm>> -> memref<10112xi32, #tpu.memory_space<hbm>>
      tpu.wait_dma2 semaphore(%run_scoped3A : memref<!tpu.dma_semaphore, #tpu.memory_space<semaphore_mem>>) src(%dma_wait3A_33 : memref<10112xi32, #tpu.memory_space<hbm>>) dst(%arg9 : memref<10112xi32, #tpu.memory_space<vmem>>)
      tpu.yield
    }) : () -> ()
    %min3A = arith.constant 0 : i32
    %min3A_3 = arith.constant 78 : i32
    %min3A_4 = arith.minsi %min3A, %min3A_3 : i32
    %mul3A_5 = arith.constant 128 : i32
    %mul3A_6 = arith.muli %min3A_4, %mul3A_5 : i32
    %dma_start3A = tpu.memref_slice %arg8[%mul3A_6] : memref<10112xi32, #tpu.memory_space<vmem>> -> memref<128xi32, #tpu.memory_space<vmem>>
    %dma_start3A_7 = arith.constant 0 : i32
    %dma_start3A_8 = arith.constant 0 : i32
    %dma_start3A_9 = tpu.memref_slice %arg2[%dma_start3A_7, %dma_start3A_8] : memref<10000x128xf32, #tpu.memory_space<hbm>> -> memref<10000x128xf32, #tpu.memory_space<hbm>>
    tpu.enqueue_indirect_dma source(%dma_start3A_9 : memref<10000x128xf32, #tpu.memory_space<hbm>>) target(%arg10 : memref<128x128xf32, #tpu.memory_space<vmem>>) offsets(%dma_start3A : memref<128xi32, #tpu.memory_space<vmem>>) semaphore(%arg14 : memref<!tpu.dma_semaphore, #tpu.memory_space<semaphore_mem>>)
    %dma_start3A_10 = tpu.memref_slice %arg9[%mul3A_6] : memref<10112xi32, #tpu.memory_space<vmem>> -> memref<128xi32, #tpu.memory_space<vmem>>
    %dma_start3A_11 = arith.constant 0 : i32
    %dma_start3A_12 = arith.constant 0 : i32
    %dma_start3A_13 = tpu.memref_slice %arg3[%dma_start3A_11, %dma_start3A_12] : memref<10000x128xf32, #tpu.memory_space<hbm>> -> memref<10000x128xf32, #tpu.memory_space<hbm>>
    tpu.enqueue_indirect_dma source(%dma_start3A_13 : memref<10000x128xf32, #tpu.memory_space<hbm>>) target(%arg12 : memref<128x128xf32, #tpu.memory_space<vmem>>) offsets(%dma_start3A_10 : memref<128xi32, #tpu.memory_space<vmem>>) semaphore(%arg14 : memref<!tpu.dma_semaphore, #tpu.memory_space<semaphore_mem>>)
    %scan3A = arith.constant 0 : i32
    %scan3A_14 = arith.constant 0 : i32
    %scan3A_15 = arith.constant 40 : i32
    %scan3A_16 = arith.addi %scan3A_14, %scan3A_15 : i32
    %scan3A_17 = arith.constant 1 : i32
    scf.for %scan3A_30 = %scan3A_14 to %scan3A_16 step %scan3A_17  : i32 {
      %mul3A_31 = arith.constant 2 : i32
      %mul3A_32 = arith.muli %mul3A_31, %scan3A_30 : i32
      %add3A_33 = arith.constant 0 : i32
      %add3A_34 = arith.addi %mul3A_32, %add3A_33 : i32
      %gt3A = arith.constant 0 : i32
      %gt3A_35 = arith.cmpi sgt, %add3A_34, %gt3A : i32
      %convert_element_type3A = arith.extui %gt3A_35 : i1 to i32
      %cond3A = arith.constant 0 : i32
      %cond3A_36 = arith.cmpi ne, %convert_element_type3A, %cond3A : i32
      scf.if %cond3A_36 {
        %dma_wait3A_109 = arith.constant 0 : i32
        %dma_wait3A_110 = arith.constant 0 : i32
        %dma_wait3A_111 = tpu.memref_slice %arg2[%dma_wait3A_109, %dma_wait3A_110] : memref<10000x128xf32, #tpu.memory_space<hbm>> -> memref<128x128xf32, #tpu.memory_space<hbm>>
        %dma_wait3A_112 = arith.constant 0 : i32
        %dma_wait3A_113 = arith.constant 0 : i32
        %dma_wait3A_114 = tpu.memref_slice %arg2[%dma_wait3A_112, %dma_wait3A_113] : memref<10000x128xf32, #tpu.memory_space<hbm>> -> memref<128x128xf32, #tpu.memory_space<hbm>>
        tpu.wait_dma2 semaphore(%arg17 : memref<!tpu.dma_semaphore, #tpu.memory_space<semaphore_mem>>) src(%dma_wait3A_114 : memref<128x128xf32, #tpu.memory_space<hbm>>) dst(%arg11 : memref<128x128xf32, #tpu.memory_space<vmem>>)
        %dma_wait3A_115 = arith.constant 0 : i32
        %dma_wait3A_116 = arith.constant 0 : i32
        %dma_wait3A_117 = tpu.memref_slice %arg2[%dma_wait3A_115, %dma_wait3A_116] : memref<10000x128xf32, #tpu.memory_space<hbm>> -> memref<128x128xf32, #tpu.memory_space<hbm>>
        %dma_wait3A_118 = arith.constant 0 : i32
        %dma_wait3A_119 = arith.constant 0 : i32
        %dma_wait3A_120 = tpu.memref_slice %arg2[%dma_wait3A_118, %dma_wait3A_119] : memref<10000x128xf32, #tpu.memory_space<hbm>> -> memref<128x128xf32, #tpu.memory_space<hbm>>
        tpu.wait_dma2 semaphore(%arg17 : memref<!tpu.dma_semaphore, #tpu.memory_space<semaphore_mem>>) src(%dma_wait3A_120 : memref<128x128xf32, #tpu.memory_space<hbm>>) dst(%arg13 : memref<128x128xf32, #tpu.memory_space<vmem>>)
      } else {
      }
      %add3A_37 = arith.constant 1 : i32
      %add3A_38 = arith.addi %add3A_34, %add3A_37 : i32
      %lt3A = arith.constant 80 : i32
      %lt3A_39 = arith.cmpi slt, %add3A_38, %lt3A : i32
      %convert_element_type3A_40 = arith.extui %lt3A_39 : i1 to i32
      %cond3A_41 = arith.constant 0 : i32
      %cond3A_42 = arith.cmpi ne, %convert_element_type3A_40, %cond3A_41 : i32
      scf.if %cond3A_42 {
        %add3A_109 = arith.constant 1 : i32
        %add3A_110 = arith.addi %add3A_34, %add3A_109 : i32
        %min3A_111 = arith.constant 78 : i32
        %min3A_112 = arith.minsi %add3A_110, %min3A_111 : i32
        %mul3A_113 = arith.constant 128 : i32
        %mul3A_114 = arith.muli %min3A_112, %mul3A_113 : i32
        %dma_start3A_115 = tpu.memref_slice %arg8[%mul3A_114] : memref<10112xi32, #tpu.memory_space<vmem>> -> memref<128xi32, #tpu.memory_space<vmem>>
        %dma_start3A_116 = arith.constant 0 : i32
        %dma_start3A_117 = arith.constant 0 : i32
        %dma_start3A_118 = tpu.memref_slice %arg2[%dma_start3A_116, %dma_start3A_117] : memref<10000x128xf32, #tpu.memory_space<hbm>> -> memref<10000x128xf32, #tpu.memory_space<hbm>>
        tpu.enqueue_indirect_dma source(%dma_start3A_118 : memref<10000x128xf32, #tpu.memory_space<hbm>>) target(%arg11 : memref<128x128xf32, #tpu.memory_space<vmem>>) offsets(%dma_start3A_115 : memref<128xi32, #tpu.memory_space<vmem>>) semaphore(%arg15 : memref<!tpu.dma_semaphore, #tpu.memory_space<semaphore_mem>>)
        %dma_start3A_119 = tpu.memref_slice %arg9[%mul3A_114] : memref<10112xi32, #tpu.memory_space<vmem>> -> memref<128xi32, #tpu.memory_space<vmem>>
        %dma_start3A_120 = arith.constant 0 : i32
        %dma_start3A_121 = arith.constant 0 : i32
        %dma_start3A_122 = tpu.memref_slice %arg3[%dma_start3A_120, %dma_start3A_121] : memref<10000x128xf32, #tpu.memory_space<hbm>> -> memref<10000x128xf32, #tpu.memory_space<hbm>>
        tpu.enqueue_indirect_dma source(%dma_start3A_122 : memref<10000x128xf32, #tpu.memory_space<hbm>>) target(%arg13 : memref<128x128xf32, #tpu.memory_space<vmem>>) offsets(%dma_start3A_119 : memref<128xi32, #tpu.memory_space<vmem>>) semaphore(%arg15 : memref<!tpu.dma_semaphore, #tpu.memory_space<semaphore_mem>>)
      } else {
      }
      %dma_wait3A_43 = arith.constant 0 : i32
      %dma_wait3A_44 = arith.constant 0 : i32
      %dma_wait3A_45 = tpu.memref_slice %arg2[%dma_wait3A_43, %dma_wait3A_44] : memref<10000x128xf32, #tpu.memory_space<hbm>> -> memref<128x128xf32, #tpu.memory_space<hbm>>
      %dma_wait3A_46 = arith.constant 0 : i32
      %dma_wait3A_47 = arith.constant 0 : i32
      %dma_wait3A_48 = tpu.memref_slice %arg2[%dma_wait3A_46, %dma_wait3A_47] : memref<10000x128xf32, #tpu.memory_space<hbm>> -> memref<128x128xf32, #tpu.memory_space<hbm>>
      tpu.wait_dma2 semaphore(%arg14 : memref<!tpu.dma_semaphore, #tpu.memory_space<semaphore_mem>>) src(%dma_wait3A_48 : memref<128x128xf32, #tpu.memory_space<hbm>>) dst(%arg10 : memref<128x128xf32, #tpu.memory_space<vmem>>)
      %dma_wait3A_49 = arith.constant 0 : i32
      %dma_wait3A_50 = arith.constant 0 : i32
      %dma_wait3A_51 = tpu.memref_slice %arg2[%dma_wait3A_49, %dma_wait3A_50] : memref<10000x128xf32, #tpu.memory_space<hbm>> -> memref<128x128xf32, #tpu.memory_space<hbm>>
      %dma_wait3A_52 = arith.constant 0 : i32
      %dma_wait3A_53 = arith.constant 0 : i32
      %dma_wait3A_54 = tpu.memref_slice %arg2[%dma_wait3A_52, %dma_wait3A_53] : memref<10000x128xf32, #tpu.memory_space<hbm>> -> memref<128x128xf32, #tpu.memory_space<hbm>>
      tpu.wait_dma2 semaphore(%arg14 : memref<!tpu.dma_semaphore, #tpu.memory_space<semaphore_mem>>) src(%dma_wait3A_54 : memref<128x128xf32, #tpu.memory_space<hbm>>) dst(%arg12 : memref<128x128xf32, #tpu.memory_space<vmem>>)
      %min3A_55 = arith.constant 78 : i32
      %min3A_56 = arith.minsi %add3A_34, %min3A_55 : i32
      %mul3A_57 = arith.constant 128 : i32
      %mul3A_58 = arith.muli %min3A_56, %mul3A_57 : i32
      %add3A_59 = arith.addi %mul3A_2, %mul3A_58 : i32
      %dma_start3A_60 = arith.constant 0 : i32
      %dma_start3A_61 = tpu.memref_slice %arg6[%add3A_59, %dma_start3A_60] : memref<323584x128xf32, #tpu.memory_space<hbm>> -> memref<128x128xf32, #tpu.memory_space<hbm>>
      %dma_start3A_62 = arith.constant 0 : i32
      %dma_start3A_63 = tpu.memref_slice %arg6[%add3A_59, %dma_start3A_62] : memref<323584x128xf32, #tpu.memory_space<hbm>> -> memref<128x128xf32, #tpu.memory_space<hbm>>
      tpu.enqueue_dma source(%arg10 : memref<128x128xf32, #tpu.memory_space<vmem>>) target(%dma_start3A_63 : memref<128x128xf32, #tpu.memory_space<hbm>>) target_semaphore(%arg16 : memref<!tpu.dma_semaphore, #tpu.memory_space<semaphore_mem>>)
      %dma_start3A_64 = arith.constant 0 : i32
      %dma_start3A_65 = tpu.memref_slice %arg7[%add3A_59, %dma_start3A_64] : memref<323584x128xf32, #tpu.memory_space<hbm>> -> memref<128x128xf32, #tpu.memory_space<hbm>>
      %dma_start3A_66 = arith.constant 0 : i32
      %dma_start3A_67 = tpu.memref_slice %arg7[%add3A_59, %dma_start3A_66] : memref<323584x128xf32, #tpu.memory_space<hbm>> -> memref<128x128xf32, #tpu.memory_space<hbm>>
      tpu.enqueue_dma source(%arg12 : memref<128x128xf32, #tpu.memory_space<vmem>>) target(%dma_start3A_67 : memref<128x128xf32, #tpu.memory_space<hbm>>) target_semaphore(%arg16 : memref<!tpu.dma_semaphore, #tpu.memory_space<semaphore_mem>>)
      %mul3A_68 = arith.constant 2 : i32
      %mul3A_69 = arith.muli %mul3A_68, %scan3A_30 : i32
      %add3A_70 = arith.constant 1 : i32
      %add3A_71 = arith.addi %mul3A_69, %add3A_70 : i32
      %gt3A_72 = arith.constant 0 : i32
      %gt3A_73 = arith.cmpi sgt, %add3A_71, %gt3A_72 : i32
      %convert_element_type3A_74 = arith.extui %gt3A_73 : i1 to i32
      %cond3A_75 = arith.constant 0 : i32
      %cond3A_76 = arith.cmpi ne, %convert_element_type3A_74, %cond3A_75 : i32
      scf.if %cond3A_76 {
        %dma_wait3A_109 = arith.constant 0 : i32
        %dma_wait3A_110 = arith.constant 0 : i32
        %dma_wait3A_111 = tpu.memref_slice %arg2[%dma_wait3A_109, %dma_wait3A_110] : memref<10000x128xf32, #tpu.memory_space<hbm>> -> memref<128x128xf32, #tpu.memory_space<hbm>>
        %dma_wait3A_112 = arith.constant 0 : i32
        %dma_wait3A_113 = arith.constant 0 : i32
        %dma_wait3A_114 = tpu.memref_slice %arg2[%dma_wait3A_112, %dma_wait3A_113] : memref<10000x128xf32, #tpu.memory_space<hbm>> -> memref<128x128xf32, #tpu.memory_space<hbm>>
        tpu.wait_dma2 semaphore(%arg16 : memref<!tpu.dma_semaphore, #tpu.memory_space<semaphore_mem>>) src(%dma_wait3A_114 : memref<128x128xf32, #tpu.memory_space<hbm>>) dst(%arg10 : memref<128x128xf32, #tpu.memory_space<vmem>>)
        %dma_wait3A_115 = arith.constant 0 : i32
        %dma_wait3A_116 = arith.constant 0 : i32
        %dma_wait3A_117 = tpu.memref_slice %arg2[%dma_wait3A_115, %dma_wait3A_116] : memref<10000x128xf32, #tpu.memory_space<hbm>> -> memref<128x128xf32, #tpu.memory_space<hbm>>
        %dma_wait3A_118 = arith.constant 0 : i32
        %dma_wait3A_119 = arith.constant 0 : i32
        %dma_wait3A_120 = tpu.memref_slice %arg2[%dma_wait3A_118, %dma_wait3A_119] : memref<10000x128xf32, #tpu.memory_space<hbm>> -> memref<128x128xf32, #tpu.memory_space<hbm>>
        tpu.wait_dma2 semaphore(%arg16 : memref<!tpu.dma_semaphore, #tpu.memory_space<semaphore_mem>>) src(%dma_wait3A_120 : memref<128x128xf32, #tpu.memory_space<hbm>>) dst(%arg12 : memref<128x128xf32, #tpu.memory_space<vmem>>)
      } else {
      }
      %add3A_77 = arith.constant 1 : i32
      %add3A_78 = arith.addi %add3A_71, %add3A_77 : i32
      %lt3A_79 = arith.constant 80 : i32
      %lt3A_80 = arith.cmpi slt, %add3A_78, %lt3A_79 : i32
      %convert_element_type3A_81 = arith.extui %lt3A_80 : i1 to i32
      %cond3A_82 = arith.constant 0 : i32
      %cond3A_83 = arith.cmpi ne, %convert_element_type3A_81, %cond3A_82 : i32
      scf.if %cond3A_83 {
        %add3A_109 = arith.constant 1 : i32
        %add3A_110 = arith.addi %add3A_71, %add3A_109 : i32
        %min3A_111 = arith.constant 78 : i32
        %min3A_112 = arith.minsi %add3A_110, %min3A_111 : i32
        %mul3A_113 = arith.constant 128 : i32
        %mul3A_114 = arith.muli %min3A_112, %mul3A_113 : i32
        %dma_start3A_115 = tpu.memref_slice %arg8[%mul3A_114] : memref<10112xi32, #tpu.memory_space<vmem>> -> memref<128xi32, #tpu.memory_space<vmem>>
        %dma_start3A_116 = arith.constant 0 : i32
        %dma_start3A_117 = arith.constant 0 : i32
        %dma_start3A_118 = tpu.memref_slice %arg2[%dma_start3A_116, %dma_start3A_117] : memref<10000x128xf32, #tpu.memory_space<hbm>> -> memref<10000x128xf32, #tpu.memory_space<hbm>>
        tpu.enqueue_indirect_dma source(%dma_start3A_118 : memref<10000x128xf32, #tpu.memory_space<hbm>>) target(%arg10 : memref<128x128xf32, #tpu.memory_space<vmem>>) offsets(%dma_start3A_115 : memref<128xi32, #tpu.memory_space<vmem>>) semaphore(%arg14 : memref<!tpu.dma_semaphore, #tpu.memory_space<semaphore_mem>>)
        %dma_start3A_119 = tpu.memref_slice %arg9[%mul3A_114] : memref<10112xi32, #tpu.memory_space<vmem>> -> memref<128xi32, #tpu.memory_space<vmem>>
        %dma_start3A_120 = arith.constant 0 : i32
        %dma_start3A_121 = arith.constant 0 : i32
        %dma_start3A_122 = tpu.memref_slice %arg3[%dma_start3A_120, %dma_start3A_121] : memref<10000x128xf32, #tpu.memory_space<hbm>> -> memref<10000x128xf32, #tpu.memory_space<hbm>>
        tpu.enqueue_indirect_dma source(%dma_start3A_122 : memref<10000x128xf32, #tpu.memory_space<hbm>>) target(%arg12 : memref<128x128xf32, #tpu.memory_space<vmem>>) offsets(%dma_start3A_119 : memref<128xi32, #tpu.memory_space<vmem>>) semaphore(%arg14 : memref<!tpu.dma_semaphore, #tpu.memory_space<semaphore_mem>>)
      } else {
      }
      %dma_wait3A_84 = arith.constant 0 : i32
      %dma_wait3A_85 = arith.constant 0 : i32
      %dma_wait3A_86 = tpu.memref_slice %arg2[%dma_wait3A_84, %dma_wait3A_85] : memref<10000x128xf32, #tpu.memory_space<hbm>> -> memref<128x128xf32, #tpu.memory_space<hbm>>
      %dma_wait3A_87 = arith.constant 0 : i32
      %dma_wait3A_88 = arith.constant 0 : i32
      %dma_wait3A_89 = tpu.memref_slice %arg2[%dma_wait3A_87, %dma_wait3A_88] : memref<10000x128xf32, #tpu.memory_space<hbm>> -> memref<128x128xf32, #tpu.memory_space<hbm>>
      tpu.wait_dma2 semaphore(%arg15 : memref<!tpu.dma_semaphore, #tpu.memory_space<semaphore_mem>>) src(%dma_wait3A_89 : memref<128x128xf32, #tpu.memory_space<hbm>>) dst(%arg11 : memref<128x128xf32, #tpu.memory_space<vmem>>)
      %dma_wait3A_90 = arith.constant 0 : i32
      %dma_wait3A_91 = arith.constant 0 : i32
      %dma_wait3A_92 = tpu.memref_slice %arg2[%dma_wait3A_90, %dma_wait3A_91] : memref<10000x128xf32, #tpu.memory_space<hbm>> -> memref<128x128xf32, #tpu.memory_space<hbm>>
      %dma_wait3A_93 = arith.constant 0 : i32
      %dma_wait3A_94 = arith.constant 0 : i32
      %dma_wait3A_95 = tpu.memref_slice %arg2[%dma_wait3A_93, %dma_wait3A_94] : memref<10000x128xf32, #tpu.memory_space<hbm>> -> memref<128x128xf32, #tpu.memory_space<hbm>>
      tpu.wait_dma2 semaphore(%arg15 : memref<!tpu.dma_semaphore, #tpu.memory_space<semaphore_mem>>) src(%dma_wait3A_95 : memref<128x128xf32, #tpu.memory_space<hbm>>) dst(%arg13 : memref<128x128xf32, #tpu.memory_space<vmem>>)
      %min3A_96 = arith.constant 78 : i32
      %min3A_97 = arith.minsi %add3A_71, %min3A_96 : i32
      %mul3A_98 = arith.constant 128 : i32
      %mul3A_99 = arith.muli %min3A_97, %mul3A_98 : i32
      %add3A_100 = arith.addi %mul3A_2, %mul3A_99 : i32
      %dma_start3A_101 = arith.constant 0 : i32
      %dma_start3A_102 = tpu.memref_slice %arg6[%add3A_100, %dma_start3A_101] : memref<323584x128xf32, #tpu.memory_space<hbm>> -> memref<128x128xf32, #tpu.memory_space<hbm>>
      %dma_start3A_103 = arith.constant 0 : i32
      %dma_start3A_104 = tpu.memref_slice %arg6[%add3A_100, %dma_start3A_103] : memref<323584x128xf32, #tpu.memory_space<hbm>> -> memref<128x128xf32, #tpu.memory_space<hbm>>
      tpu.enqueue_dma source(%arg11 : memref<128x128xf32, #tpu.memory_space<vmem>>) target(%dma_start3A_104 : memref<128x128xf32, #tpu.memory_space<hbm>>) target_semaphore(%arg17 : memref<!tpu.dma_semaphore, #tpu.memory_space<semaphore_mem>>)
      %dma_start3A_105 = arith.constant 0 : i32
      %dma_start3A_106 = tpu.memref_slice %arg7[%add3A_100, %dma_start3A_105] : memref<323584x128xf32, #tpu.memory_space<hbm>> -> memref<128x128xf32, #tpu.memory_space<hbm>>
      %dma_start3A_107 = arith.constant 0 : i32
      %dma_start3A_108 = tpu.memref_slice %arg7[%add3A_100, %dma_start3A_107] : memref<323584x128xf32, #tpu.memory_space<hbm>> -> memref<128x128xf32, #tpu.memory_space<hbm>>
      tpu.enqueue_dma source(%arg13 : memref<128x128xf32, #tpu.memory_space<vmem>>) target(%dma_start3A_108 : memref<128x128xf32, #tpu.memory_space<hbm>>) target_semaphore(%arg17 : memref<!tpu.dma_semaphore, #tpu.memory_space<semaphore_mem>>)
    }
    %scan3A_18 = arith.constant 40 : i32
    %dma_wait3A = arith.constant 0 : i32
    %dma_wait3A_19 = arith.constant 0 : i32
    %dma_wait3A_20 = tpu.memref_slice %arg2[%dma_wait3A, %dma_wait3A_19] : memref<10000x128xf32, #tpu.memory_space<hbm>> -> memref<128x128xf32, #tpu.memory_space<hbm>>
    %dma_wait3A_21 = arith.constant 0 : i32
    %dma_wait3A_22 = arith.constant 0 : i32
    %dma_wait3A_23 = tpu.memref_slice %arg2[%dma_wait3A_21, %dma_wait3A_22] : memref<10000x128xf32, #tpu.memory_space<hbm>> -> memref<128x128xf32, #tpu.memory_space<hbm>>
    tpu.wait_dma2 semaphore(%arg17 : memref<!tpu.dma_semaphore, #tpu.memory_space<semaphore_mem>>) src(%dma_wait3A_23 : memref<128x128xf32, #tpu.memory_space<hbm>>) dst(%arg11 : memref<128x128xf32, #tpu.memory_space<vmem>>)
    %dma_wait3A_24 = arith.constant 0 : i32
    %dma_wait3A_25 = arith.constant 0 : i32
    %dma_wait3A_26 = tpu.memref_slice %arg2[%dma_wait3A_24, %dma_wait3A_25] : memref<10000x128xf32, #tpu.memory_space<hbm>> -> memref<128x128xf32, #tpu.memory_space<hbm>>
    %dma_wait3A_27 = arith.constant 0 : i32
    %dma_wait3A_28 = arith.constant 0 : i32
    %dma_wait3A_29 = tpu.memref_slice %arg2[%dma_wait3A_27, %dma_wait3A_28] : memref<10000x128xf32, #tpu.memory_space<hbm>> -> memref<128x128xf32, #tpu.memory_space<hbm>>
    tpu.wait_dma2 semaphore(%arg17 : memref<!tpu.dma_semaphore, #tpu.memory_space<semaphore_mem>>) src(%dma_wait3A_29 : memref<128x128xf32, #tpu.memory_space<hbm>>) dst(%arg13 : memref<128x128xf32, #tpu.memory_space<vmem>>)
    return
  }
}

#map = affine_map<(d0, d1) -> (0)>
#map1 = affine_map<(d0, d1) -> (0, 0)>
#map2 = affine_map<(d0, d1) -> (0, 0, 0)>
module attributes {stable_mosaic.version = 14 : i64} {
  func.func @_sc_cnt_body(%arg0: i32, %arg1: i32, %arg2: memref<323584xi32, #tpu.memory_space<hbm>>, %arg3: memref<10240x128xf32, #tpu.memory_space<hbm>>, %arg4: memref<128x128xf32, #tpu.memory_space<hbm>>, %arg5: memref<2x10240x128xf32, #tpu.memory_space<hbm>>, %arg6: memref<128xi32, #tpu.memory_space<vmem>>, %arg7: memref<128x128xf32, #tpu.memory_space<vmem>>, %arg8: memref<10240x128xf32, #tpu.memory_space<vmem_shared>>) attributes {dimension_semantics = [#tpu.dimension_semantics<core_parallel>, #tpu.dimension_semantics<subcore_parallel>], iteration_bounds = array<i64: 2, 16>, scalar_prefetch = 0 : i64, scratch_operands = 3 : i64, tpu.core_type = #tpu.core_type<sc_vector_subcore>, window_params = [{transform_indices = #map}, {transform_indices = #map1}, {transform_indices = #map1}, {transform_indices = #map2}]} {
    %mul3A = arith.constant 2 : i32
    %mul3A_0 = arith.muli %arg1, %mul3A : i32
    %add3A = arith.addi %mul3A_0, %arg0 : i32
    %mul3A_1 = arith.constant 640 : i32
    %mul3A_2 = arith.muli %arg1, %mul3A_1 : i32
    "tpu.region"() ({
      %run_scoped3A = tpu.sem_alloc : memref<!tpu.dma_semaphore, #tpu.memory_space<semaphore_mem>>
      %dma_start3A = arith.constant 0 : i32
      %dma_start3A_11 = tpu.memref_slice %arg8[%mul3A_2, %dma_start3A] : memref<10240x128xf32, #tpu.memory_space<vmem_shared>> -> memref<640x128xf32, #tpu.memory_space<vmem_shared>>
      %dma_start3A_12 = arith.constant 0 : i32
      %dma_start3A_13 = tpu.memref_slice %arg3[%mul3A_2, %dma_start3A_12] : memref<10240x128xf32, #tpu.memory_space<hbm>> -> memref<640x128xf32, #tpu.memory_space<hbm>>
      tpu.enqueue_dma source(%dma_start3A_13 : memref<640x128xf32, #tpu.memory_space<hbm>>) target(%dma_start3A_11 : memref<640x128xf32, #tpu.memory_space<vmem_shared>>) target_semaphore(%run_scoped3A : memref<!tpu.dma_semaphore, #tpu.memory_space<semaphore_mem>>)
      %dma_wait3A = arith.constant 0 : i32
      %dma_wait3A_14 = tpu.memref_slice %arg8[%mul3A_2, %dma_wait3A] : memref<10240x128xf32, #tpu.memory_space<vmem_shared>> -> memref<640x128xf32, #tpu.memory_space<vmem_shared>>
      %dma_wait3A_15 = arith.constant 0 : i32
      %dma_wait3A_16 = tpu.memref_slice %arg3[%mul3A_2, %dma_wait3A_15] : memref<10240x128xf32, #tpu.memory_space<hbm>> -> memref<640x128xf32, #tpu.memory_space<hbm>>
      tpu.wait_dma2 semaphore(%run_scoped3A : memref<!tpu.dma_semaphore, #tpu.memory_space<semaphore_mem>>) src(%dma_wait3A_16 : memref<640x128xf32, #tpu.memory_space<hbm>>) dst(%dma_wait3A_14 : memref<640x128xf32, #tpu.memory_space<vmem_shared>>)
      tpu.yield
    }) : () -> ()
    "tpu.region"() ({
      %run_scoped3A = tpu.sem_alloc : memref<!tpu.dma_semaphore, #tpu.memory_space<semaphore_mem>>
      tpu.enqueue_dma source(%arg4 : memref<128x128xf32, #tpu.memory_space<hbm>>) target(%arg7 : memref<128x128xf32, #tpu.memory_space<vmem>>) target_semaphore(%run_scoped3A : memref<!tpu.dma_semaphore, #tpu.memory_space<semaphore_mem>>)
      tpu.wait_dma2 semaphore(%run_scoped3A : memref<!tpu.dma_semaphore, #tpu.memory_space<semaphore_mem>>) src(%arg4 : memref<128x128xf32, #tpu.memory_space<hbm>>) dst(%arg7 : memref<128x128xf32, #tpu.memory_space<vmem>>)
      tpu.yield
    }) : () -> ()
    %barrier3A = arith.constant 0 : index
    tpu.barrier barrier_id(%barrier3A)
    %mul3A_3 = arith.constant 10112 : i32
    %mul3A_4 = arith.muli %add3A, %mul3A_3 : i32
    %scan3A = arith.constant 0 : i32
    %scan3A_5 = arith.constant 0 : i32
    %scan3A_6 = arith.constant 79 : i32
    %scan3A_7 = arith.addi %scan3A_5, %scan3A_6 : i32
    %scan3A_8 = arith.constant 1 : i32
    scf.for %scan3A_11 = %scan3A_5 to %scan3A_7 step %scan3A_8  : i32 {
      %mul3A_12 = arith.constant 128 : i32
      %mul3A_13 = arith.muli %scan3A_11, %mul3A_12 : i32
      %add3A_14 = arith.addi %mul3A_4, %mul3A_13 : i32
      "tpu.region"() ({
        %run_scoped3A = tpu.sem_alloc : memref<!tpu.dma_semaphore, #tpu.memory_space<semaphore_mem>>
        %dma_start3A = tpu.memref_slice %arg2[%add3A_14] : memref<323584xi32, #tpu.memory_space<hbm>> -> memref<128xi32, #tpu.memory_space<hbm>>
        %dma_start3A_15 = tpu.memref_slice %arg2[%add3A_14] : memref<323584xi32, #tpu.memory_space<hbm>> -> memref<128xi32, #tpu.memory_space<hbm>>
        tpu.enqueue_dma source(%dma_start3A_15 : memref<128xi32, #tpu.memory_space<hbm>>) target(%arg6 : memref<128xi32, #tpu.memory_space<vmem>>) target_semaphore(%run_scoped3A : memref<!tpu.dma_semaphore, #tpu.memory_space<semaphore_mem>>)
        %dma_wait3A = tpu.memref_slice %arg2[%add3A_14] : memref<323584xi32, #tpu.memory_space<hbm>> -> memref<128xi32, #tpu.memory_space<hbm>>
        %dma_wait3A_16 = tpu.memref_slice %arg2[%add3A_14] : memref<323584xi32, #tpu.memory_space<hbm>> -> memref<128xi32, #tpu.memory_space<hbm>>
        tpu.wait_dma2 semaphore(%run_scoped3A : memref<!tpu.dma_semaphore, #tpu.memory_space<semaphore_mem>>) src(%dma_wait3A_16 : memref<128xi32, #tpu.memory_space<hbm>>) dst(%arg6 : memref<128xi32, #tpu.memory_space<vmem>>)
        tpu.yield
      }) : () -> ()
      "tpu.region"() ({
        %run_scoped3A = tpu.sem_alloc : memref<!tpu.dma_semaphore, #tpu.memory_space<semaphore_mem>>
        %dma_start3A = arith.constant 0 : i32
        %dma_start3A_15 = arith.constant 0 : i32
        %dma_start3A_16 = tpu.memref_slice %arg8[%dma_start3A, %dma_start3A_15] : memref<10240x128xf32, #tpu.memory_space<vmem_shared>> -> memref<10240x128xf32, #tpu.memory_space<vmem_shared>>
        tpu.enqueue_indirect_dma source(%arg7 : memref<128x128xf32, #tpu.memory_space<vmem>>) target(%dma_start3A_16 : memref<10240x128xf32, #tpu.memory_space<vmem_shared>>) offsets(%arg6 : memref<128xi32, #tpu.memory_space<vmem>>) semaphore(%run_scoped3A : memref<!tpu.dma_semaphore, #tpu.memory_space<semaphore_mem>>) {add = true}
        %dma_wait3A = arith.constant 0 : i32
        %dma_wait3A_17 = arith.constant 0 : i32
        %dma_wait3A_18 = tpu.memref_slice %arg8[%dma_wait3A, %dma_wait3A_17] : memref<10240x128xf32, #tpu.memory_space<vmem_shared>> -> memref<10240x128xf32, #tpu.memory_space<vmem_shared>>
        tpu.wait_indirect_dma semaphore(%run_scoped3A : memref<!tpu.dma_semaphore, #tpu.memory_space<semaphore_mem>>) src(%arg7 : memref<128x128xf32, #tpu.memory_space<vmem>>) dst(%dma_wait3A_18 : memref<10240x128xf32, #tpu.memory_space<vmem_shared>>)
        tpu.yield
      }) : () -> ()
    }
    %scan3A_9 = arith.constant 79 : i32
    %barrier3A_10 = arith.constant 0 : index
    tpu.barrier barrier_id(%barrier3A_10)
    "tpu.region"() ({
      %run_scoped3A = tpu.sem_alloc : memref<!tpu.dma_semaphore, #tpu.memory_space<semaphore_mem>>
      %dma_start3A = arith.constant 0 : i32
      %dma_start3A_11 = arith.constant 0 : i32
      %dma_start3A_12 = tpu.memref_slice %arg5[%arg0, %dma_start3A, %dma_start3A_11] : memref<2x10240x128xf32, #tpu.memory_space<hbm>> -> memref<1x10240x128xf32, #tpu.memory_space<hbm>>
      %dma_start3A_13 = tpu.memref_squeeze %dma_start3A_12 : memref<1x10240x128xf32, #tpu.memory_space<hbm>> -> memref<10240x128xf32, #tpu.memory_space<hbm>>
      %dma_start3A_14 = arith.constant 0 : i32
      %dma_start3A_15 = tpu.memref_slice %dma_start3A_13[%mul3A_2, %dma_start3A_14] : memref<10240x128xf32, #tpu.memory_space<hbm>> -> memref<640x128xf32, #tpu.memory_space<hbm>>
      %dma_start3A_16 = arith.constant 0 : i32
      %dma_start3A_17 = tpu.memref_slice %arg8[%mul3A_2, %dma_start3A_16] : memref<10240x128xf32, #tpu.memory_space<vmem_shared>> -> memref<640x128xf32, #tpu.memory_space<vmem_shared>>
      tpu.enqueue_dma source(%dma_start3A_17 : memref<640x128xf32, #tpu.memory_space<vmem_shared>>) target(%dma_start3A_15 : memref<640x128xf32, #tpu.memory_space<hbm>>) target_semaphore(%run_scoped3A : memref<!tpu.dma_semaphore, #tpu.memory_space<semaphore_mem>>)
      %dma_wait3A = arith.constant 0 : i32
      %dma_wait3A_18 = arith.constant 0 : i32
      %dma_wait3A_19 = tpu.memref_slice %arg5[%arg0, %dma_wait3A, %dma_wait3A_18] : memref<2x10240x128xf32, #tpu.memory_space<hbm>> -> memref<1x10240x128xf32, #tpu.memory_space<hbm>>
      %dma_wait3A_20 = tpu.memref_squeeze %dma_wait3A_19 : memref<1x10240x128xf32, #tpu.memory_space<hbm>> -> memref<10240x128xf32, #tpu.memory_space<hbm>>
      %dma_wait3A_21 = arith.constant 0 : i32
      %dma_wait3A_22 = tpu.memref_slice %dma_wait3A_20[%mul3A_2, %dma_wait3A_21] : memref<10240x128xf32, #tpu.memory_space<hbm>> -> memref<640x128xf32, #tpu.memory_space<hbm>>
      %dma_wait3A_23 = arith.constant 0 : i32
      %dma_wait3A_24 = tpu.memref_slice %arg8[%mul3A_2, %dma_wait3A_23] : memref<10240x128xf32, #tpu.memory_space<vmem_shared>> -> memref<640x128xf32, #tpu.memory_space<vmem_shared>>
      tpu.wait_dma2 semaphore(%run_scoped3A : memref<!tpu.dma_semaphore, #tpu.memory_space<semaphore_mem>>) src(%dma_wait3A_24 : memref<640x128xf32, #tpu.memory_space<vmem_shared>>) dst(%dma_wait3A_22 : memref<640x128xf32, #tpu.memory_space<hbm>>)
      tpu.yield
    }) : () -> ()
    return
  }
}

#map = affine_map<(d0, d1) -> (0, 0)>
#map1 = affine_map<(d0, d1) -> (0, 0, 0)>
module attributes {stable_mosaic.version = 14 : i64} {
  func.func @_sc_scatter_body(%arg0: i32, %arg1: i32, %arg2: memref<323584x128xf32, #tpu.memory_space<hbm>>, %arg3: memref<32x80x128xi32, #tpu.memory_space<hbm>>, %arg4: memref<10240x128xf32, #tpu.memory_space<hbm>>, %arg5: memref<2x10240x128xf32, #tpu.memory_space<hbm>>, %arg6: memref<80x128xi32, #tpu.memory_space<vmem>>, %arg7: memref<128x128xf32, #tpu.memory_space<vmem>>, %arg8: memref<128x128xf32, #tpu.memory_space<vmem>>, %arg9: memref<!tpu.dma_semaphore, #tpu.memory_space<semaphore_mem>>, %arg10: memref<!tpu.dma_semaphore, #tpu.memory_space<semaphore_mem>>, %arg11: memref<10240x128xf32, #tpu.memory_space<vmem_shared>>) attributes {dimension_semantics = [#tpu.dimension_semantics<core_parallel>, #tpu.dimension_semantics<subcore_parallel>], iteration_bounds = array<i64: 2, 16>, scalar_prefetch = 0 : i64, scratch_operands = 6 : i64, tpu.core_type = #tpu.core_type<sc_vector_subcore>, window_params = [{transform_indices = #map}, {transform_indices = #map1}, {transform_indices = #map}, {transform_indices = #map1}]} {
    %mul3A = arith.constant 2 : i32
    %mul3A_0 = arith.muli %arg1, %mul3A : i32
    %add3A = arith.addi %mul3A_0, %arg0 : i32
    %mul3A_1 = arith.constant 640 : i32
    %mul3A_2 = arith.muli %arg1, %mul3A_1 : i32
    "tpu.region"() ({
      %run_scoped3A = tpu.sem_alloc : memref<!tpu.dma_semaphore, #tpu.memory_space<semaphore_mem>>
      %dma_start3A_19 = arith.constant 0 : i32
      %dma_start3A_20 = tpu.memref_slice %arg11[%mul3A_2, %dma_start3A_19] : memref<10240x128xf32, #tpu.memory_space<vmem_shared>> -> memref<640x128xf32, #tpu.memory_space<vmem_shared>>
      %dma_start3A_21 = arith.constant 0 : i32
      %dma_start3A_22 = tpu.memref_slice %arg4[%mul3A_2, %dma_start3A_21] : memref<10240x128xf32, #tpu.memory_space<hbm>> -> memref<640x128xf32, #tpu.memory_space<hbm>>
      tpu.enqueue_dma source(%dma_start3A_22 : memref<640x128xf32, #tpu.memory_space<hbm>>) target(%dma_start3A_20 : memref<640x128xf32, #tpu.memory_space<vmem_shared>>) target_semaphore(%run_scoped3A : memref<!tpu.dma_semaphore, #tpu.memory_space<semaphore_mem>>)
      %dma_wait3A = arith.constant 0 : i32
      %dma_wait3A_23 = tpu.memref_slice %arg11[%mul3A_2, %dma_wait3A] : memref<10240x128xf32, #tpu.memory_space<vmem_shared>> -> memref<640x128xf32, #tpu.memory_space<vmem_shared>>
      %dma_wait3A_24 = arith.constant 0 : i32
      %dma_wait3A_25 = tpu.memref_slice %arg4[%mul3A_2, %dma_wait3A_24] : memref<10240x128xf32, #tpu.memory_space<hbm>> -> memref<640x128xf32, #tpu.memory_space<hbm>>
      tpu.wait_dma2 semaphore(%run_scoped3A : memref<!tpu.dma_semaphore, #tpu.memory_space<semaphore_mem>>) src(%dma_wait3A_25 : memref<640x128xf32, #tpu.memory_space<hbm>>) dst(%dma_wait3A_23 : memref<640x128xf32, #tpu.memory_space<vmem_shared>>)
      tpu.yield
    }) : () -> ()
    "tpu.region"() ({
      %run_scoped3A = tpu.sem_alloc : memref<!tpu.dma_semaphore, #tpu.memory_space<semaphore_mem>>
      %dma_start3A_19 = arith.constant 0 : i32
      %dma_start3A_20 = arith.constant 0 : i32
      %dma_start3A_21 = tpu.memref_slice %arg3[%add3A, %dma_start3A_19, %dma_start3A_20] : memref<32x80x128xi32, #tpu.memory_space<hbm>> -> memref<1x80x128xi32, #tpu.memory_space<hbm>>
      %dma_start3A_22 = tpu.memref_squeeze %dma_start3A_21 : memref<1x80x128xi32, #tpu.memory_space<hbm>> -> memref<80x128xi32, #tpu.memory_space<hbm>>
      %dma_start3A_23 = arith.constant 0 : i32
      %dma_start3A_24 = arith.constant 0 : i32
      %dma_start3A_25 = tpu.memref_slice %arg3[%add3A, %dma_start3A_23, %dma_start3A_24] : memref<32x80x128xi32, #tpu.memory_space<hbm>> -> memref<1x80x128xi32, #tpu.memory_space<hbm>>
      %dma_start3A_26 = tpu.memref_squeeze %dma_start3A_25 : memref<1x80x128xi32, #tpu.memory_space<hbm>> -> memref<80x128xi32, #tpu.memory_space<hbm>>
      tpu.enqueue_dma source(%dma_start3A_26 : memref<80x128xi32, #tpu.memory_space<hbm>>) target(%arg6 : memref<80x128xi32, #tpu.memory_space<vmem>>) target_semaphore(%run_scoped3A : memref<!tpu.dma_semaphore, #tpu.memory_space<semaphore_mem>>)
      %dma_wait3A = arith.constant 0 : i32
      %dma_wait3A_27 = arith.constant 0 : i32
      %dma_wait3A_28 = tpu.memref_slice %arg3[%add3A, %dma_wait3A, %dma_wait3A_27] : memref<32x80x128xi32, #tpu.memory_space<hbm>> -> memref<1x80x128xi32, #tpu.memory_space<hbm>>
      %dma_wait3A_29 = tpu.memref_squeeze %dma_wait3A_28 : memref<1x80x128xi32, #tpu.memory_space<hbm>> -> memref<80x128xi32, #tpu.memory_space<hbm>>
      %dma_wait3A_30 = arith.constant 0 : i32
      %dma_wait3A_31 = arith.constant 0 : i32
      %dma_wait3A_32 = tpu.memref_slice %arg3[%add3A, %dma_wait3A_30, %dma_wait3A_31] : memref<32x80x128xi32, #tpu.memory_space<hbm>> -> memref<1x80x128xi32, #tpu.memory_space<hbm>>
      %dma_wait3A_33 = tpu.memref_squeeze %dma_wait3A_32 : memref<1x80x128xi32, #tpu.memory_space<hbm>> -> memref<80x128xi32, #tpu.memory_space<hbm>>
      tpu.wait_dma2 semaphore(%run_scoped3A : memref<!tpu.dma_semaphore, #tpu.memory_space<semaphore_mem>>) src(%dma_wait3A_33 : memref<80x128xi32, #tpu.memory_space<hbm>>) dst(%arg6 : memref<80x128xi32, #tpu.memory_space<vmem>>)
      tpu.yield
    }) : () -> ()
    %barrier3A = arith.constant 0 : index
    tpu.barrier barrier_id(%barrier3A)
    %mul3A_3 = arith.constant 10112 : i32
    %mul3A_4 = arith.muli %add3A, %mul3A_3 : i32
    %min3A = arith.constant 0 : i32
    %min3A_5 = arith.constant 78 : i32
    %min3A_6 = arith.minsi %min3A, %min3A_5 : i32
    %mul3A_7 = arith.constant 128 : i32
    %mul3A_8 = arith.muli %min3A_6, %mul3A_7 : i32
    %add3A_9 = arith.addi %mul3A_4, %mul3A_8 : i32
    %dma_start3A = arith.constant 0 : i32
    %dma_start3A_10 = tpu.memref_slice %arg2[%add3A_9, %dma_start3A] : memref<323584x128xf32, #tpu.memory_space<hbm>> -> memref<128x128xf32, #tpu.memory_space<hbm>>
    %dma_start3A_11 = arith.constant 0 : i32
    %dma_start3A_12 = tpu.memref_slice %arg2[%add3A_9, %dma_start3A_11] : memref<323584x128xf32, #tpu.memory_space<hbm>> -> memref<128x128xf32, #tpu.memory_space<hbm>>
    tpu.enqueue_dma source(%dma_start3A_12 : memref<128x128xf32, #tpu.memory_space<hbm>>) target(%arg7 : memref<128x128xf32, #tpu.memory_space<vmem>>) target_semaphore(%arg9 : memref<!tpu.dma_semaphore, #tpu.memory_space<semaphore_mem>>)
    %scan3A = arith.constant 0 : i32
    %scan3A_13 = arith.constant 0 : i32
    %scan3A_14 = arith.constant 40 : i32
    %scan3A_15 = arith.addi %scan3A_13, %scan3A_14 : i32
    %scan3A_16 = arith.constant 1 : i32
    scf.for %scan3A_19 = %scan3A_13 to %scan3A_15 step %scan3A_16  : i32 {
      %mul3A_20 = arith.constant 2 : i32
      %mul3A_21 = arith.muli %mul3A_20, %scan3A_19 : i32
      %add3A_22 = arith.constant 0 : i32
      %add3A_23 = arith.addi %mul3A_21, %add3A_22 : i32
      %add3A_24 = arith.constant 1 : i32
      %add3A_25 = arith.addi %add3A_23, %add3A_24 : i32
      %lt3A = arith.constant 80 : i32
      %lt3A_26 = arith.cmpi slt, %add3A_25, %lt3A : i32
      %convert_element_type3A = arith.extui %lt3A_26 : i1 to i32
      %cond3A = arith.constant 0 : i32
      %cond3A_27 = arith.cmpi ne, %convert_element_type3A, %cond3A : i32
      scf.if %cond3A_27 {
        %add3A_50 = arith.constant 1 : i32
        %add3A_51 = arith.addi %add3A_23, %add3A_50 : i32
        %min3A_52 = arith.constant 78 : i32
        %min3A_53 = arith.minsi %add3A_51, %min3A_52 : i32
        %mul3A_54 = arith.constant 128 : i32
        %mul3A_55 = arith.muli %min3A_53, %mul3A_54 : i32
        %add3A_56 = arith.addi %mul3A_4, %mul3A_55 : i32
        %dma_start3A_57 = arith.constant 0 : i32
        %dma_start3A_58 = tpu.memref_slice %arg2[%add3A_56, %dma_start3A_57] : memref<323584x128xf32, #tpu.memory_space<hbm>> -> memref<128x128xf32, #tpu.memory_space<hbm>>
        %dma_start3A_59 = arith.constant 0 : i32
        %dma_start3A_60 = tpu.memref_slice %arg2[%add3A_56, %dma_start3A_59] : memref<323584x128xf32, #tpu.memory_space<hbm>> -> memref<128x128xf32, #tpu.memory_space<hbm>>
        tpu.enqueue_dma source(%dma_start3A_60 : memref<128x128xf32, #tpu.memory_space<hbm>>) target(%arg8 : memref<128x128xf32, #tpu.memory_space<vmem>>) target_semaphore(%arg10 : memref<!tpu.dma_semaphore, #tpu.memory_space<semaphore_mem>>)
      } else {
      }
      %dma_wait3A = arith.constant 0 : i32
      %dma_wait3A_28 = arith.constant 0 : i32
      %dma_wait3A_29 = tpu.memref_slice %arg2[%dma_wait3A, %dma_wait3A_28] : memref<323584x128xf32, #tpu.memory_space<hbm>> -> memref<128x128xf32, #tpu.memory_space<hbm>>
      %dma_wait3A_30 = arith.constant 0 : i32
      %dma_wait3A_31 = arith.constant 0 : i32
      %dma_wait3A_32 = tpu.memref_slice %arg2[%dma_wait3A_30, %dma_wait3A_31] : memref<323584x128xf32, #tpu.memory_space<hbm>> -> memref<128x128xf32, #tpu.memory_space<hbm>>
      tpu.wait_dma2 semaphore(%arg9 : memref<!tpu.dma_semaphore, #tpu.memory_space<semaphore_mem>>) src(%dma_wait3A_32 : memref<128x128xf32, #tpu.memory_space<hbm>>) dst(%arg7 : memref<128x128xf32, #tpu.memory_space<vmem>>)
      "tpu.region"() ({
        %run_scoped3A = tpu.sem_alloc : memref<!tpu.dma_semaphore, #tpu.memory_space<semaphore_mem>>
        %dma_start3A_50 = arith.constant 0 : i32
        %dma_start3A_51 = tpu.memref_slice %arg6[%add3A_23, %dma_start3A_50] : memref<80x128xi32, #tpu.memory_space<vmem>> -> memref<1x128xi32, #tpu.memory_space<vmem>>
        %dma_start3A_52 = tpu.memref_squeeze %dma_start3A_51 : memref<1x128xi32, #tpu.memory_space<vmem>> -> memref<128xi32, #tpu.memory_space<vmem>>
        %dma_start3A_53 = arith.constant 0 : i32
        %dma_start3A_54 = arith.constant 0 : i32
        %dma_start3A_55 = tpu.memref_slice %arg11[%dma_start3A_53, %dma_start3A_54] : memref<10240x128xf32, #tpu.memory_space<vmem_shared>> -> memref<10240x128xf32, #tpu.memory_space<vmem_shared>>
        tpu.enqueue_indirect_dma source(%arg7 : memref<128x128xf32, #tpu.memory_space<vmem>>) target(%dma_start3A_55 : memref<10240x128xf32, #tpu.memory_space<vmem_shared>>) offsets(%dma_start3A_52 : memref<128xi32, #tpu.memory_space<vmem>>) semaphore(%run_scoped3A : memref<!tpu.dma_semaphore, #tpu.memory_space<semaphore_mem>>) {add = true}
        %dma_wait3A_56 = arith.constant 0 : i32
        %dma_wait3A_57 = tpu.memref_slice %arg6[%add3A_23, %dma_wait3A_56] : memref<80x128xi32, #tpu.memory_space<vmem>> -> memref<1x128xi32, #tpu.memory_space<vmem>>
        %dma_wait3A_58 = tpu.memref_squeeze %dma_wait3A_57 : memref<1x128xi32, #tpu.memory_space<vmem>> -> memref<128xi32, #tpu.memory_space<vmem>>
        %dma_wait3A_59 = arith.constant 0 : i32
        %dma_wait3A_60 = arith.constant 0 : i32
        %dma_wait3A_61 = tpu.memref_slice %arg11[%dma_wait3A_59, %dma_wait3A_60] : memref<10240x128xf32, #tpu.memory_space<vmem_shared>> -> memref<10240x128xf32, #tpu.memory_space<vmem_shared>>
        tpu.wait_indirect_dma semaphore(%run_scoped3A : memref<!tpu.dma_semaphore, #tpu.memory_space<semaphore_mem>>) src(%arg7 : memref<128x128xf32, #tpu.memory_space<vmem>>) dst(%dma_wait3A_61 : memref<10240x128xf32, #tpu.memory_space<vmem_shared>>)
        tpu.yield
      }) : () -> ()
      %mul3A_33 = arith.constant 2 : i32
      %mul3A_34 = arith.muli %mul3A_33, %scan3A_19 : i32
      %add3A_35 = arith.constant 1 : i32
      %add3A_36 = arith.addi %mul3A_34, %add3A_35 : i32
      %add3A_37 = arith.constant 1 : i32
      %add3A_38 = arith.addi %add3A_36, %add3A_37 : i32
      %lt3A_39 = arith.constant 80 : i32
      %lt3A_40 = arith.cmpi slt, %add3A_38, %lt3A_39 : i32
      %convert_element_type3A_41 = arith.extui %lt3A_40 : i1 to i32
      %cond3A_42 = arith.constant 0 : i32
      %cond3A_43 = arith.cmpi ne, %convert_element_type3A_41, %cond3A_42 : i32
      scf.if %cond3A_43 {
        %add3A_50 = arith.constant 1 : i32
        %add3A_51 = arith.addi %add3A_36, %add3A_50 : i32
        %min3A_52 = arith.constant 78 : i32
        %min3A_53 = arith.minsi %add3A_51, %min3A_52 : i32
        %mul3A_54 = arith.constant 128 : i32
        %mul3A_55 = arith.muli %min3A_53, %mul3A_54 : i32
        %add3A_56 = arith.addi %mul3A_4, %mul3A_55 : i32
        %dma_start3A_57 = arith.constant 0 : i32
        %dma_start3A_58 = tpu.memref_slice %arg2[%add3A_56, %dma_start3A_57] : memref<323584x128xf32, #tpu.memory_space<hbm>> -> memref<128x128xf32, #tpu.memory_space<hbm>>
        %dma_start3A_59 = arith.constant 0 : i32
        %dma_start3A_60 = tpu.memref_slice %arg2[%add3A_56, %dma_start3A_59] : memref<323584x128xf32, #tpu.memory_space<hbm>> -> memref<128x128xf32, #tpu.memory_space<hbm>>
        tpu.enqueue_dma source(%dma_start3A_60 : memref<128x128xf32, #tpu.memory_space<hbm>>) target(%arg7 : memref<128x128xf32, #tpu.memory_space<vmem>>) target_semaphore(%arg9 : memref<!tpu.dma_semaphore, #tpu.memory_space<semaphore_mem>>)
      } else {
      }
      %dma_wait3A_44 = arith.constant 0 : i32
      %dma_wait3A_45 = arith.constant 0 : i32
      %dma_wait3A_46 = tpu.memref_slice %arg2[%dma_wait3A_44, %dma_wait3A_45] : memref<323584x128xf32, #tpu.memory_space<hbm>> -> memref<128x128xf32, #tpu.memory_space<hbm>>
      %dma_wait3A_47 = arith.constant 0 : i32
      %dma_wait3A_48 = arith.constant 0 : i32
      %dma_wait3A_49 = tpu.memref_slice %arg2[%dma_wait3A_47, %dma_wait3A_48] : memref<323584x128xf32, #tpu.memory_space<hbm>> -> memref<128x128xf32, #tpu.memory_space<hbm>>
      tpu.wait_dma2 semaphore(%arg10 : memref<!tpu.dma_semaphore, #tpu.memory_space<semaphore_mem>>) src(%dma_wait3A_49 : memref<128x128xf32, #tpu.memory_space<hbm>>) dst(%arg8 : memref<128x128xf32, #tpu.memory_space<vmem>>)
      "tpu.region"() ({
        %run_scoped3A = tpu.sem_alloc : memref<!tpu.dma_semaphore, #tpu.memory_space<semaphore_mem>>
        %dma_start3A_50 = arith.constant 0 : i32
        %dma_start3A_51 = tpu.memref_slice %arg6[%add3A_36, %dma_start3A_50] : memref<80x128xi32, #tpu.memory_space<vmem>> -> memref<1x128xi32, #tpu.memory_space<vmem>>
        %dma_start3A_52 = tpu.memref_squeeze %dma_start3A_51 : memref<1x128xi32, #tpu.memory_space<vmem>> -> memref<128xi32, #tpu.memory_space<vmem>>
        %dma_start3A_53 = arith.constant 0 : i32
        %dma_start3A_54 = arith.constant 0 : i32
        %dma_start3A_55 = tpu.memref_slice %arg11[%dma_start3A_53, %dma_start3A_54] : memref<10240x128xf32, #tpu.memory_space<vmem_shared>> -> memref<10240x128xf32, #tpu.memory_space<vmem_shared>>
        tpu.enqueue_indirect_dma source(%arg8 : memref<128x128xf32, #tpu.memory_space<vmem>>) target(%dma_start3A_55 : memref<10240x128xf32, #tpu.memory_space<vmem_shared>>) offsets(%dma_start3A_52 : memref<128xi32, #tpu.memory_space<vmem>>) semaphore(%run_scoped3A : memref<!tpu.dma_semaphore, #tpu.memory_space<semaphore_mem>>) {add = true}
        %dma_wait3A_56 = arith.constant 0 : i32
        %dma_wait3A_57 = tpu.memref_slice %arg6[%add3A_36, %dma_wait3A_56] : memref<80x128xi32, #tpu.memory_space<vmem>> -> memref<1x128xi32, #tpu.memory_space<vmem>>
        %dma_wait3A_58 = tpu.memref_squeeze %dma_wait3A_57 : memref<1x128xi32, #tpu.memory_space<vmem>> -> memref<128xi32, #tpu.memory_space<vmem>>
        %dma_wait3A_59 = arith.constant 0 : i32
        %dma_wait3A_60 = arith.constant 0 : i32
        %dma_wait3A_61 = tpu.memref_slice %arg11[%dma_wait3A_59, %dma_wait3A_60] : memref<10240x128xf32, #tpu.memory_space<vmem_shared>> -> memref<10240x128xf32, #tpu.memory_space<vmem_shared>>
        tpu.wait_indirect_dma semaphore(%run_scoped3A : memref<!tpu.dma_semaphore, #tpu.memory_space<semaphore_mem>>) src(%arg8 : memref<128x128xf32, #tpu.memory_space<vmem>>) dst(%dma_wait3A_61 : memref<10240x128xf32, #tpu.memory_space<vmem_shared>>)
        tpu.yield
      }) : () -> ()
    }
    %scan3A_17 = arith.constant 40 : i32
    %barrier3A_18 = arith.constant 0 : index
    tpu.barrier barrier_id(%barrier3A_18)
    "tpu.region"() ({
      %run_scoped3A = tpu.sem_alloc : memref<!tpu.dma_semaphore, #tpu.memory_space<semaphore_mem>>
      %dma_start3A_19 = arith.constant 0 : i32
      %dma_start3A_20 = arith.constant 0 : i32
      %dma_start3A_21 = tpu.memref_slice %arg5[%arg0, %dma_start3A_19, %dma_start3A_20] : memref<2x10240x128xf32, #tpu.memory_space<hbm>> -> memref<1x10240x128xf32, #tpu.memory_space<hbm>>
      %dma_start3A_22 = tpu.memref_squeeze %dma_start3A_21 : memref<1x10240x128xf32, #tpu.memory_space<hbm>> -> memref<10240x128xf32, #tpu.memory_space<hbm>>
      %dma_start3A_23 = arith.constant 0 : i32
      %dma_start3A_24 = tpu.memref_slice %dma_start3A_22[%mul3A_2, %dma_start3A_23] : memref<10240x128xf32, #tpu.memory_space<hbm>> -> memref<640x128xf32, #tpu.memory_space<hbm>>
      %dma_start3A_25 = arith.constant 0 : i32
      %dma_start3A_26 = tpu.memref_slice %arg11[%mul3A_2, %dma_start3A_25] : memref<10240x128xf32, #tpu.memory_space<vmem_shared>> -> memref<640x128xf32, #tpu.memory_space<vmem_shared>>
      tpu.enqueue_dma source(%dma_start3A_26 : memref<640x128xf32, #tpu.memory_space<vmem_shared>>) target(%dma_start3A_24 : memref<640x128xf32, #tpu.memory_space<hbm>>) target_semaphore(%run_scoped3A : memref<!tpu.dma_semaphore, #tpu.memory_space<semaphore_mem>>)
      %dma_wait3A = arith.constant 0 : i32
      %dma_wait3A_27 = arith.constant 0 : i32
      %dma_wait3A_28 = tpu.memref_slice %arg5[%arg0, %dma_wait3A, %dma_wait3A_27] : memref<2x10240x128xf32, #tpu.memory_space<hbm>> -> memref<1x10240x128xf32, #tpu.memory_space<hbm>>
      %dma_wait3A_29 = tpu.memref_squeeze %dma_wait3A_28 : memref<1x10240x128xf32, #tpu.memory_space<hbm>> -> memref<10240x128xf32, #tpu.memory_space<hbm>>
      %dma_wait3A_30 = arith.constant 0 : i32
      %dma_wait3A_31 = tpu.memref_slice %dma_wait3A_29[%mul3A_2, %dma_wait3A_30] : memref<10240x128xf32, #tpu.memory_space<hbm>> -> memref<640x128xf32, #tpu.memory_space<hbm>>
      %dma_wait3A_32 = arith.constant 0 : i32
      %dma_wait3A_33 = tpu.memref_slice %arg11[%mul3A_2, %dma_wait3A_32] : memref<10240x128xf32, #tpu.memory_space<vmem_shared>> -> memref<640x128xf32, #tpu.memory_space<vmem_shared>>
      tpu.wait_dma2 semaphore(%run_scoped3A : memref<!tpu.dma_semaphore, #tpu.memory_space<semaphore_mem>>) src(%dma_wait3A_33 : memref<640x128xf32, #tpu.memory_space<vmem_shared>>) dst(%dma_wait3A_31 : memref<640x128xf32, #tpu.memory_space<hbm>>)
      tpu.yield
    }) : () -> ()
    return
  }
}

#map = affine_map<(d0, d1) -> (0, 0)>
#map1 = affine_map<(d0, d1) -> (0)>
module attributes {stable_mosaic.version = 14 : i64} {
  func.func @_sc_gather_body(%arg0: i32, %arg1: i32, %arg2: memref<10000x128xf32, #tpu.memory_space<hbm>>, %arg3: memref<10000x128xf32, #tpu.memory_space<hbm>>, %arg4: memref<323584xi32, #tpu.memory_space<hbm>>, %arg5: memref<323584xi32, #tpu.memory_space<hbm>>, %arg6: memref<323584x128xf32, #tpu.memory_space<hbm>>, %arg7: memref<323584x128xf32, #tpu.memory_space<hbm>>, %arg8: memref<10112xi32, #tpu.memory_space<vmem>>, %arg9: memref<10112xi32, #tpu.memory_space<vmem>>, %arg10: memref<128x128xf32, #tpu.memory_space<vmem>>, %arg11: memref<128x128xf32, #tpu.memory_space<vmem>>, %arg12: memref<128x128xf32, #tpu.memory_space<vmem>>, %arg13: memref<128x128xf32, #tpu.memory_space<vmem>>, %arg14: memref<!tpu.dma_semaphore, #tpu.memory_space<semaphore_mem>>, %arg15: memref<!tpu.dma_semaphore, #tpu.memory_space<semaphore_mem>>, %arg16: memref<!tpu.dma_semaphore, #tpu.memory_space<semaphore_mem>>, %arg17: memref<!tpu.dma_semaphore, #tpu.memory_space<semaphore_mem>>) attributes {dimension_semantics = [#tpu.dimension_semantics<core_parallel>, #tpu.dimension_semantics<subcore_parallel>], iteration_bounds = array<i64: 2, 16>, scalar_prefetch = 0 : i64, scratch_operands = 10 : i64, tpu.core_type = #tpu.core_type<sc_vector_subcore>, window_params = [{transform_indices = #map}, {transform_indices = #map}, {transform_indices = #map1}, {transform_indices = #map1}, {transform_indices = #map}, {transform_indices = #map}]} {
    %mul3A = arith.constant 2 : i32
    %mul3A_0 = arith.muli %arg1, %mul3A : i32
    %add3A = arith.addi %mul3A_0, %arg0 : i32
    %mul3A_1 = arith.constant 10112 : i32
    %mul3A_2 = arith.muli %add3A, %mul3A_1 : i32
    "tpu.region"() ({
      %run_scoped3A = tpu.sem_alloc : memref<!tpu.dma_semaphore, #tpu.memory_space<semaphore_mem>>
      %dma_start3A_30 = tpu.memref_slice %arg4[%mul3A_2] : memref<323584xi32, #tpu.memory_space<hbm>> -> memref<10112xi32, #tpu.memory_space<hbm>>
      %dma_start3A_31 = tpu.memref_slice %arg4[%mul3A_2] : memref<323584xi32, #tpu.memory_space<hbm>> -> memref<10112xi32, #tpu.memory_space<hbm>>
      tpu.enqueue_dma source(%dma_start3A_31 : memref<10112xi32, #tpu.memory_space<hbm>>) target(%arg8 : memref<10112xi32, #tpu.memory_space<vmem>>) target_semaphore(%run_scoped3A : memref<!tpu.dma_semaphore, #tpu.memory_space<semaphore_mem>>)
      %dma_wait3A_32 = tpu.memref_slice %arg4[%mul3A_2] : memref<323584xi32, #tpu.memory_space<hbm>> -> memref<10112xi32, #tpu.memory_space<hbm>>
      %dma_wait3A_33 = tpu.memref_slice %arg4[%mul3A_2] : memref<323584xi32, #tpu.memory_space<hbm>> -> memref<10112xi32, #tpu.memory_space<hbm>>
      tpu.wait_dma2 semaphore(%run_scoped3A : memref<!tpu.dma_semaphore, #tpu.memory_space<semaphore_mem>>) src(%dma_wait3A_33 : memref<10112xi32, #tpu.memory_space<hbm>>) dst(%arg8 : memref<10112xi32, #tpu.memory_space<vmem>>)
      tpu.yield
    }) : () -> ()
    "tpu.region"() ({
      %run_scoped3A = tpu.sem_alloc : memref<!tpu.dma_semaphore, #tpu.memory_space<semaphore_mem>>
      %dma_start3A_30 = tpu.memref_slice %arg5[%mul3A_2] : memref<323584xi32, #tpu.memory_space<hbm>> -> memref<10112xi32, #tpu.memory_space<hbm>>
      %dma_start3A_31 = tpu.memref_slice %arg5[%mul3A_2] : memref<323584xi32, #tpu.memory_space<hbm>> -> memref<10112xi32, #tpu.memory_space<hbm>>
      tpu.enqueue_dma source(%dma_start3A_31 : memref<10112xi32, #tpu.memory_space<hbm>>) target(%arg9 : memref<10112xi32, #tpu.memory_space<vmem>>) target_semaphore(%run_scoped3A : memref<!tpu.dma_semaphore, #tpu.memory_space<semaphore_mem>>)
      %dma_wait3A_32 = tpu.memref_slice %arg5[%mul3A_2] : memref<323584xi32, #tpu.memory_space<hbm>> -> memref<10112xi32, #tpu.memory_space<hbm>>
      %dma_wait3A_33 = tpu.memref_slice %arg5[%mul3A_2] : memref<323584xi32, #tpu.memory_space<hbm>> -> memref<10112xi32, #tpu.memory_space<hbm>>
      tpu.wait_dma2 semaphore(%run_scoped3A : memref<!tpu.dma_semaphore, #tpu.memory_space<semaphore_mem>>) src(%dma_wait3A_33 : memref<10112xi32, #tpu.memory_space<hbm>>) dst(%arg9 : memref<10112xi32, #tpu.memory_space<vmem>>)
      tpu.yield
    }) : () -> ()
    %min3A = arith.constant 0 : i32
    %min3A_3 = arith.constant 78 : i32
    %min3A_4 = arith.minsi %min3A, %min3A_3 : i32
    %mul3A_5 = arith.constant 128 : i32
    %mul3A_6 = arith.muli %min3A_4, %mul3A_5 : i32
    %dma_start3A = tpu.memref_slice %arg8[%mul3A_6] : memref<10112xi32, #tpu.memory_space<vmem>> -> memref<128xi32, #tpu.memory_space<vmem>>
    %dma_start3A_7 = arith.constant 0 : i32
    %dma_start3A_8 = arith.constant 0 : i32
    %dma_start3A_9 = tpu.memref_slice %arg2[%dma_start3A_7, %dma_start3A_8] : memref<10000x128xf32, #tpu.memory_space<hbm>> -> memref<10000x128xf32, #tpu.memory_space<hbm>>
    tpu.enqueue_indirect_dma source(%dma_start3A_9 : memref<10000x128xf32, #tpu.memory_space<hbm>>) target(%arg10 : memref<128x128xf32, #tpu.memory_space<vmem>>) offsets(%dma_start3A : memref<128xi32, #tpu.memory_space<vmem>>) semaphore(%arg14 : memref<!tpu.dma_semaphore, #tpu.memory_space<semaphore_mem>>)
    %dma_start3A_10 = tpu.memref_slice %arg9[%mul3A_6] : memref<10112xi32, #tpu.memory_space<vmem>> -> memref<128xi32, #tpu.memory_space<vmem>>
    %dma_start3A_11 = arith.constant 0 : i32
    %dma_start3A_12 = arith.constant 0 : i32
    %dma_start3A_13 = tpu.memref_slice %arg3[%dma_start3A_11, %dma_start3A_12] : memref<10000x128xf32, #tpu.memory_space<hbm>> -> memref<10000x128xf32, #tpu.memory_space<hbm>>
    tpu.enqueue_indirect_dma source(%dma_start3A_13 : memref<10000x128xf32, #tpu.memory_space<hbm>>) target(%arg12 : memref<128x128xf32, #tpu.memory_space<vmem>>) offsets(%dma_start3A_10 : memref<128xi32, #tpu.memory_space<vmem>>) semaphore(%arg14 : memref<!tpu.dma_semaphore, #tpu.memory_space<semaphore_mem>>)
    %scan3A = arith.constant 0 : i32
    %scan3A_14 = arith.constant 0 : i32
    %scan3A_15 = arith.constant 40 : i32
    %scan3A_16 = arith.addi %scan3A_14, %scan3A_15 : i32
    %scan3A_17 = arith.constant 1 : i32
    scf.for %scan3A_30 = %scan3A_14 to %scan3A_16 step %scan3A_17  : i32 {
      %mul3A_31 = arith.constant 2 : i32
      %mul3A_32 = arith.muli %mul3A_31, %scan3A_30 : i32
      %add3A_33 = arith.constant 0 : i32
      %add3A_34 = arith.addi %mul3A_32, %add3A_33 : i32
      %gt3A = arith.constant 0 : i32
      %gt3A_35 = arith.cmpi sgt, %add3A_34, %gt3A : i32
      %convert_element_type3A = arith.extui %gt3A_35 : i1 to i32
      %cond3A = arith.constant 0 : i32
      %cond3A_36 = arith.cmpi ne, %convert_element_type3A, %cond3A : i32
      scf.if %cond3A_36 {
        %dma_wait3A_109 = arith.constant 0 : i32
        %dma_wait3A_110 = arith.constant 0 : i32
        %dma_wait3A_111 = tpu.memref_slice %arg2[%dma_wait3A_109, %dma_wait3A_110] : memref<10000x128xf32, #tpu.memory_space<hbm>> -> memref<128x128xf32, #tpu.memory_space<hbm>>
        %dma_wait3A_112 = arith.constant 0 : i32
        %dma_wait3A_113 = arith.constant 0 : i32
        %dma_wait3A_114 = tpu.memref_slice %arg2[%dma_wait3A_112, %dma_wait3A_113] : memref<10000x128xf32, #tpu.memory_space<hbm>> -> memref<128x128xf32, #tpu.memory_space<hbm>>
        tpu.wait_dma2 semaphore(%arg17 : memref<!tpu.dma_semaphore, #tpu.memory_space<semaphore_mem>>) src(%dma_wait3A_114 : memref<128x128xf32, #tpu.memory_space<hbm>>) dst(%arg11 : memref<128x128xf32, #tpu.memory_space<vmem>>)
        %dma_wait3A_115 = arith.constant 0 : i32
        %dma_wait3A_116 = arith.constant 0 : i32
        %dma_wait3A_117 = tpu.memref_slice %arg2[%dma_wait3A_115, %dma_wait3A_116] : memref<10000x128xf32, #tpu.memory_space<hbm>> -> memref<128x128xf32, #tpu.memory_space<hbm>>
        %dma_wait3A_118 = arith.constant 0 : i32
        %dma_wait3A_119 = arith.constant 0 : i32
        %dma_wait3A_120 = tpu.memref_slice %arg2[%dma_wait3A_118, %dma_wait3A_119] : memref<10000x128xf32, #tpu.memory_space<hbm>> -> memref<128x128xf32, #tpu.memory_space<hbm>>
        tpu.wait_dma2 semaphore(%arg17 : memref<!tpu.dma_semaphore, #tpu.memory_space<semaphore_mem>>) src(%dma_wait3A_120 : memref<128x128xf32, #tpu.memory_space<hbm>>) dst(%arg13 : memref<128x128xf32, #tpu.memory_space<vmem>>)
      } else {
      }
      %add3A_37 = arith.constant 1 : i32
      %add3A_38 = arith.addi %add3A_34, %add3A_37 : i32
      %lt3A = arith.constant 80 : i32
      %lt3A_39 = arith.cmpi slt, %add3A_38, %lt3A : i32
      %convert_element_type3A_40 = arith.extui %lt3A_39 : i1 to i32
      %cond3A_41 = arith.constant 0 : i32
      %cond3A_42 = arith.cmpi ne, %convert_element_type3A_40, %cond3A_41 : i32
      scf.if %cond3A_42 {
        %add3A_109 = arith.constant 1 : i32
        %add3A_110 = arith.addi %add3A_34, %add3A_109 : i32
        %min3A_111 = arith.constant 78 : i32
        %min3A_112 = arith.minsi %add3A_110, %min3A_111 : i32
        %mul3A_113 = arith.constant 128 : i32
        %mul3A_114 = arith.muli %min3A_112, %mul3A_113 : i32
        %dma_start3A_115 = tpu.memref_slice %arg8[%mul3A_114] : memref<10112xi32, #tpu.memory_space<vmem>> -> memref<128xi32, #tpu.memory_space<vmem>>
        %dma_start3A_116 = arith.constant 0 : i32
        %dma_start3A_117 = arith.constant 0 : i32
        %dma_start3A_118 = tpu.memref_slice %arg2[%dma_start3A_116, %dma_start3A_117] : memref<10000x128xf32, #tpu.memory_space<hbm>> -> memref<10000x128xf32, #tpu.memory_space<hbm>>
        tpu.enqueue_indirect_dma source(%dma_start3A_118 : memref<10000x128xf32, #tpu.memory_space<hbm>>) target(%arg11 : memref<128x128xf32, #tpu.memory_space<vmem>>) offsets(%dma_start3A_115 : memref<128xi32, #tpu.memory_space<vmem>>) semaphore(%arg15 : memref<!tpu.dma_semaphore, #tpu.memory_space<semaphore_mem>>)
        %dma_start3A_119 = tpu.memref_slice %arg9[%mul3A_114] : memref<10112xi32, #tpu.memory_space<vmem>> -> memref<128xi32, #tpu.memory_space<vmem>>
        %dma_start3A_120 = arith.constant 0 : i32
        %dma_start3A_121 = arith.constant 0 : i32
        %dma_start3A_122 = tpu.memref_slice %arg3[%dma_start3A_120, %dma_start3A_121] : memref<10000x128xf32, #tpu.memory_space<hbm>> -> memref<10000x128xf32, #tpu.memory_space<hbm>>
        tpu.enqueue_indirect_dma source(%dma_start3A_122 : memref<10000x128xf32, #tpu.memory_space<hbm>>) target(%arg13 : memref<128x128xf32, #tpu.memory_space<vmem>>) offsets(%dma_start3A_119 : memref<128xi32, #tpu.memory_space<vmem>>) semaphore(%arg15 : memref<!tpu.dma_semaphore, #tpu.memory_space<semaphore_mem>>)
      } else {
      }
      %dma_wait3A_43 = arith.constant 0 : i32
      %dma_wait3A_44 = arith.constant 0 : i32
      %dma_wait3A_45 = tpu.memref_slice %arg2[%dma_wait3A_43, %dma_wait3A_44] : memref<10000x128xf32, #tpu.memory_space<hbm>> -> memref<128x128xf32, #tpu.memory_space<hbm>>
      %dma_wait3A_46 = arith.constant 0 : i32
      %dma_wait3A_47 = arith.constant 0 : i32
      %dma_wait3A_48 = tpu.memref_slice %arg2[%dma_wait3A_46, %dma_wait3A_47] : memref<10000x128xf32, #tpu.memory_space<hbm>> -> memref<128x128xf32, #tpu.memory_space<hbm>>
      tpu.wait_dma2 semaphore(%arg14 : memref<!tpu.dma_semaphore, #tpu.memory_space<semaphore_mem>>) src(%dma_wait3A_48 : memref<128x128xf32, #tpu.memory_space<hbm>>) dst(%arg10 : memref<128x128xf32, #tpu.memory_space<vmem>>)
      %dma_wait3A_49 = arith.constant 0 : i32
      %dma_wait3A_50 = arith.constant 0 : i32
      %dma_wait3A_51 = tpu.memref_slice %arg2[%dma_wait3A_49, %dma_wait3A_50] : memref<10000x128xf32, #tpu.memory_space<hbm>> -> memref<128x128xf32, #tpu.memory_space<hbm>>
      %dma_wait3A_52 = arith.constant 0 : i32
      %dma_wait3A_53 = arith.constant 0 : i32
      %dma_wait3A_54 = tpu.memref_slice %arg2[%dma_wait3A_52, %dma_wait3A_53] : memref<10000x128xf32, #tpu.memory_space<hbm>> -> memref<128x128xf32, #tpu.memory_space<hbm>>
      tpu.wait_dma2 semaphore(%arg14 : memref<!tpu.dma_semaphore, #tpu.memory_space<semaphore_mem>>) src(%dma_wait3A_54 : memref<128x128xf32, #tpu.memory_space<hbm>>) dst(%arg12 : memref<128x128xf32, #tpu.memory_space<vmem>>)
      %min3A_55 = arith.constant 78 : i32
      %min3A_56 = arith.minsi %add3A_34, %min3A_55 : i32
      %mul3A_57 = arith.constant 128 : i32
      %mul3A_58 = arith.muli %min3A_56, %mul3A_57 : i32
      %add3A_59 = arith.addi %mul3A_2, %mul3A_58 : i32
      %dma_start3A_60 = arith.constant 0 : i32
      %dma_start3A_61 = tpu.memref_slice %arg6[%add3A_59, %dma_start3A_60] : memref<323584x128xf32, #tpu.memory_space<hbm>> -> memref<128x128xf32, #tpu.memory_space<hbm>>
      %dma_start3A_62 = arith.constant 0 : i32
      %dma_start3A_63 = tpu.memref_slice %arg6[%add3A_59, %dma_start3A_62] : memref<323584x128xf32, #tpu.memory_space<hbm>> -> memref<128x128xf32, #tpu.memory_space<hbm>>
      tpu.enqueue_dma source(%arg10 : memref<128x128xf32, #tpu.memory_space<vmem>>) target(%dma_start3A_63 : memref<128x128xf32, #tpu.memory_space<hbm>>) target_semaphore(%arg16 : memref<!tpu.dma_semaphore, #tpu.memory_space<semaphore_mem>>)
      %dma_start3A_64 = arith.constant 0 : i32
      %dma_start3A_65 = tpu.memref_slice %arg7[%add3A_59, %dma_start3A_64] : memref<323584x128xf32, #tpu.memory_space<hbm>> -> memref<128x128xf32, #tpu.memory_space<hbm>>
      %dma_start3A_66 = arith.constant 0 : i32
      %dma_start3A_67 = tpu.memref_slice %arg7[%add3A_59, %dma_start3A_66] : memref<323584x128xf32, #tpu.memory_space<hbm>> -> memref<128x128xf32, #tpu.memory_space<hbm>>
      tpu.enqueue_dma source(%arg12 : memref<128x128xf32, #tpu.memory_space<vmem>>) target(%dma_start3A_67 : memref<128x128xf32, #tpu.memory_space<hbm>>) target_semaphore(%arg16 : memref<!tpu.dma_semaphore, #tpu.memory_space<semaphore_mem>>)
      %mul3A_68 = arith.constant 2 : i32
      %mul3A_69 = arith.muli %mul3A_68, %scan3A_30 : i32
      %add3A_70 = arith.constant 1 : i32
      %add3A_71 = arith.addi %mul3A_69, %add3A_70 : i32
      %gt3A_72 = arith.constant 0 : i32
      %gt3A_73 = arith.cmpi sgt, %add3A_71, %gt3A_72 : i32
      %convert_element_type3A_74 = arith.extui %gt3A_73 : i1 to i32
      %cond3A_75 = arith.constant 0 : i32
      %cond3A_76 = arith.cmpi ne, %convert_element_type3A_74, %cond3A_75 : i32
      scf.if %cond3A_76 {
        %dma_wait3A_109 = arith.constant 0 : i32
        %dma_wait3A_110 = arith.constant 0 : i32
        %dma_wait3A_111 = tpu.memref_slice %arg2[%dma_wait3A_109, %dma_wait3A_110] : memref<10000x128xf32, #tpu.memory_space<hbm>> -> memref<128x128xf32, #tpu.memory_space<hbm>>
        %dma_wait3A_112 = arith.constant 0 : i32
        %dma_wait3A_113 = arith.constant 0 : i32
        %dma_wait3A_114 = tpu.memref_slice %arg2[%dma_wait3A_112, %dma_wait3A_113] : memref<10000x128xf32, #tpu.memory_space<hbm>> -> memref<128x128xf32, #tpu.memory_space<hbm>>
        tpu.wait_dma2 semaphore(%arg16 : memref<!tpu.dma_semaphore, #tpu.memory_space<semaphore_mem>>) src(%dma_wait3A_114 : memref<128x128xf32, #tpu.memory_space<hbm>>) dst(%arg10 : memref<128x128xf32, #tpu.memory_space<vmem>>)
        %dma_wait3A_115 = arith.constant 0 : i32
        %dma_wait3A_116 = arith.constant 0 : i32
        %dma_wait3A_117 = tpu.memref_slice %arg2[%dma_wait3A_115, %dma_wait3A_116] : memref<10000x128xf32, #tpu.memory_space<hbm>> -> memref<128x128xf32, #tpu.memory_space<hbm>>
        %dma_wait3A_118 = arith.constant 0 : i32
        %dma_wait3A_119 = arith.constant 0 : i32
        %dma_wait3A_120 = tpu.memref_slice %arg2[%dma_wait3A_118, %dma_wait3A_119] : memref<10000x128xf32, #tpu.memory_space<hbm>> -> memref<128x128xf32, #tpu.memory_space<hbm>>
        tpu.wait_dma2 semaphore(%arg16 : memref<!tpu.dma_semaphore, #tpu.memory_space<semaphore_mem>>) src(%dma_wait3A_120 : memref<128x128xf32, #tpu.memory_space<hbm>>) dst(%arg12 : memref<128x128xf32, #tpu.memory_space<vmem>>)
      } else {
      }
      %add3A_77 = arith.constant 1 : i32
      %add3A_78 = arith.addi %add3A_71, %add3A_77 : i32
      %lt3A_79 = arith.constant 80 : i32
      %lt3A_80 = arith.cmpi slt, %add3A_78, %lt3A_79 : i32
      %convert_element_type3A_81 = arith.extui %lt3A_80 : i1 to i32
      %cond3A_82 = arith.constant 0 : i32
      %cond3A_83 = arith.cmpi ne, %convert_element_type3A_81, %cond3A_82 : i32
      scf.if %cond3A_83 {
        %add3A_109 = arith.constant 1 : i32
        %add3A_110 = arith.addi %add3A_71, %add3A_109 : i32
        %min3A_111 = arith.constant 78 : i32
        %min3A_112 = arith.minsi %add3A_110, %min3A_111 : i32
        %mul3A_113 = arith.constant 128 : i32
        %mul3A_114 = arith.muli %min3A_112, %mul3A_113 : i32
        %dma_start3A_115 = tpu.memref_slice %arg8[%mul3A_114] : memref<10112xi32, #tpu.memory_space<vmem>> -> memref<128xi32, #tpu.memory_space<vmem>>
        %dma_start3A_116 = arith.constant 0 : i32
        %dma_start3A_117 = arith.constant 0 : i32
        %dma_start3A_118 = tpu.memref_slice %arg2[%dma_start3A_116, %dma_start3A_117] : memref<10000x128xf32, #tpu.memory_space<hbm>> -> memref<10000x128xf32, #tpu.memory_space<hbm>>
        tpu.enqueue_indirect_dma source(%dma_start3A_118 : memref<10000x128xf32, #tpu.memory_space<hbm>>) target(%arg10 : memref<128x128xf32, #tpu.memory_space<vmem>>) offsets(%dma_start3A_115 : memref<128xi32, #tpu.memory_space<vmem>>) semaphore(%arg14 : memref<!tpu.dma_semaphore, #tpu.memory_space<semaphore_mem>>)
        %dma_start3A_119 = tpu.memref_slice %arg9[%mul3A_114] : memref<10112xi32, #tpu.memory_space<vmem>> -> memref<128xi32, #tpu.memory_space<vmem>>
        %dma_start3A_120 = arith.constant 0 : i32
        %dma_start3A_121 = arith.constant 0 : i32
        %dma_start3A_122 = tpu.memref_slice %arg3[%dma_start3A_120, %dma_start3A_121] : memref<10000x128xf32, #tpu.memory_space<hbm>> -> memref<10000x128xf32, #tpu.memory_space<hbm>>
        tpu.enqueue_indirect_dma source(%dma_start3A_122 : memref<10000x128xf32, #tpu.memory_space<hbm>>) target(%arg12 : memref<128x128xf32, #tpu.memory_space<vmem>>) offsets(%dma_start3A_119 : memref<128xi32, #tpu.memory_space<vmem>>) semaphore(%arg14 : memref<!tpu.dma_semaphore, #tpu.memory_space<semaphore_mem>>)
      } else {
      }
      %dma_wait3A_84 = arith.constant 0 : i32
      %dma_wait3A_85 = arith.constant 0 : i32
      %dma_wait3A_86 = tpu.memref_slice %arg2[%dma_wait3A_84, %dma_wait3A_85] : memref<10000x128xf32, #tpu.memory_space<hbm>> -> memref<128x128xf32, #tpu.memory_space<hbm>>
      %dma_wait3A_87 = arith.constant 0 : i32
      %dma_wait3A_88 = arith.constant 0 : i32
      %dma_wait3A_89 = tpu.memref_slice %arg2[%dma_wait3A_87, %dma_wait3A_88] : memref<10000x128xf32, #tpu.memory_space<hbm>> -> memref<128x128xf32, #tpu.memory_space<hbm>>
      tpu.wait_dma2 semaphore(%arg15 : memref<!tpu.dma_semaphore, #tpu.memory_space<semaphore_mem>>) src(%dma_wait3A_89 : memref<128x128xf32, #tpu.memory_space<hbm>>) dst(%arg11 : memref<128x128xf32, #tpu.memory_space<vmem>>)
      %dma_wait3A_90 = arith.constant 0 : i32
      %dma_wait3A_91 = arith.constant 0 : i32
      %dma_wait3A_92 = tpu.memref_slice %arg2[%dma_wait3A_90, %dma_wait3A_91] : memref<10000x128xf32, #tpu.memory_space<hbm>> -> memref<128x128xf32, #tpu.memory_space<hbm>>
      %dma_wait3A_93 = arith.constant 0 : i32
      %dma_wait3A_94 = arith.constant 0 : i32
      %dma_wait3A_95 = tpu.memref_slice %arg2[%dma_wait3A_93, %dma_wait3A_94] : memref<10000x128xf32, #tpu.memory_space<hbm>> -> memref<128x128xf32, #tpu.memory_space<hbm>>
      tpu.wait_dma2 semaphore(%arg15 : memref<!tpu.dma_semaphore, #tpu.memory_space<semaphore_mem>>) src(%dma_wait3A_95 : memref<128x128xf32, #tpu.memory_space<hbm>>) dst(%arg13 : memref<128x128xf32, #tpu.memory_space<vmem>>)
      %min3A_96 = arith.constant 78 : i32
      %min3A_97 = arith.minsi %add3A_71, %min3A_96 : i32
      %mul3A_98 = arith.constant 128 : i32
      %mul3A_99 = arith.muli %min3A_97, %mul3A_98 : i32
      %add3A_100 = arith.addi %mul3A_2, %mul3A_99 : i32
      %dma_start3A_101 = arith.constant 0 : i32
      %dma_start3A_102 = tpu.memref_slice %arg6[%add3A_100, %dma_start3A_101] : memref<323584x128xf32, #tpu.memory_space<hbm>> -> memref<128x128xf32, #tpu.memory_space<hbm>>
      %dma_start3A_103 = arith.constant 0 : i32
      %dma_start3A_104 = tpu.memref_slice %arg6[%add3A_100, %dma_start3A_103] : memref<323584x128xf32, #tpu.memory_space<hbm>> -> memref<128x128xf32, #tpu.memory_space<hbm>>
      tpu.enqueue_dma source(%arg11 : memref<128x128xf32, #tpu.memory_space<vmem>>) target(%dma_start3A_104 : memref<128x128xf32, #tpu.memory_space<hbm>>) target_semaphore(%arg17 : memref<!tpu.dma_semaphore, #tpu.memory_space<semaphore_mem>>)
      %dma_start3A_105 = arith.constant 0 : i32
      %dma_start3A_106 = tpu.memref_slice %arg7[%add3A_100, %dma_start3A_105] : memref<323584x128xf32, #tpu.memory_space<hbm>> -> memref<128x128xf32, #tpu.memory_space<hbm>>
      %dma_start3A_107 = arith.constant 0 : i32
      %dma_start3A_108 = tpu.memref_slice %arg7[%add3A_100, %dma_start3A_107] : memref<323584x128xf32, #tpu.memory_space<hbm>> -> memref<128x128xf32, #tpu.memory_space<hbm>>
      tpu.enqueue_dma source(%arg13 : memref<128x128xf32, #tpu.memory_space<vmem>>) target(%dma_start3A_108 : memref<128x128xf32, #tpu.memory_space<hbm>>) target_semaphore(%arg17 : memref<!tpu.dma_semaphore, #tpu.memory_space<semaphore_mem>>)
    }
    %scan3A_18 = arith.constant 40 : i32
    %dma_wait3A = arith.constant 0 : i32
    %dma_wait3A_19 = arith.constant 0 : i32
    %dma_wait3A_20 = tpu.memref_slice %arg2[%dma_wait3A, %dma_wait3A_19] : memref<10000x128xf32, #tpu.memory_space<hbm>> -> memref<128x128xf32, #tpu.memory_space<hbm>>
    %dma_wait3A_21 = arith.constant 0 : i32
    %dma_wait3A_22 = arith.constant 0 : i32
    %dma_wait3A_23 = tpu.memref_slice %arg2[%dma_wait3A_21, %dma_wait3A_22] : memref<10000x128xf32, #tpu.memory_space<hbm>> -> memref<128x128xf32, #tpu.memory_space<hbm>>
    tpu.wait_dma2 semaphore(%arg17 : memref<!tpu.dma_semaphore, #tpu.memory_space<semaphore_mem>>) src(%dma_wait3A_23 : memref<128x128xf32, #tpu.memory_space<hbm>>) dst(%arg11 : memref<128x128xf32, #tpu.memory_space<vmem>>)
    %dma_wait3A_24 = arith.constant 0 : i32
    %dma_wait3A_25 = arith.constant 0 : i32
    %dma_wait3A_26 = tpu.memref_slice %arg2[%dma_wait3A_24, %dma_wait3A_25] : memref<10000x128xf32, #tpu.memory_space<hbm>> -> memref<128x128xf32, #tpu.memory_space<hbm>>
    %dma_wait3A_27 = arith.constant 0 : i32
    %dma_wait3A_28 = arith.constant 0 : i32
    %dma_wait3A_29 = tpu.memref_slice %arg2[%dma_wait3A_27, %dma_wait3A_28] : memref<10000x128xf32, #tpu.memory_space<hbm>> -> memref<128x128xf32, #tpu.memory_space<hbm>>
    tpu.wait_dma2 semaphore(%arg17 : memref<!tpu.dma_semaphore, #tpu.memory_space<semaphore_mem>>) src(%dma_wait3A_29 : memref<128x128xf32, #tpu.memory_space<hbm>>) dst(%arg13 : memref<128x128xf32, #tpu.memory_space<vmem>>)
    return
  }
}

#map = affine_map<(d0, d1) -> (0, 0)>
#map1 = affine_map<(d0, d1) -> (0, 0, 0)>
module attributes {stable_mosaic.version = 14 : i64} {
  func.func @_sc_scatter_body(%arg0: i32, %arg1: i32, %arg2: memref<323584x128xf32, #tpu.memory_space<hbm>>, %arg3: memref<32x80x128xi32, #tpu.memory_space<hbm>>, %arg4: memref<10240x128xf32, #tpu.memory_space<hbm>>, %arg5: memref<2x10240x128xf32, #tpu.memory_space<hbm>>, %arg6: memref<80x128xi32, #tpu.memory_space<vmem>>, %arg7: memref<128x128xf32, #tpu.memory_space<vmem>>, %arg8: memref<128x128xf32, #tpu.memory_space<vmem>>, %arg9: memref<!tpu.dma_semaphore, #tpu.memory_space<semaphore_mem>>, %arg10: memref<!tpu.dma_semaphore, #tpu.memory_space<semaphore_mem>>, %arg11: memref<10240x128xf32, #tpu.memory_space<vmem_shared>>) attributes {dimension_semantics = [#tpu.dimension_semantics<core_parallel>, #tpu.dimension_semantics<subcore_parallel>], iteration_bounds = array<i64: 2, 16>, scalar_prefetch = 0 : i64, scratch_operands = 6 : i64, tpu.core_type = #tpu.core_type<sc_vector_subcore>, window_params = [{transform_indices = #map}, {transform_indices = #map1}, {transform_indices = #map}, {transform_indices = #map1}]} {
    %mul3A = arith.constant 2 : i32
    %mul3A_0 = arith.muli %arg1, %mul3A : i32
    %add3A = arith.addi %mul3A_0, %arg0 : i32
    %mul3A_1 = arith.constant 640 : i32
    %mul3A_2 = arith.muli %arg1, %mul3A_1 : i32
    "tpu.region"() ({
      %run_scoped3A = tpu.sem_alloc : memref<!tpu.dma_semaphore, #tpu.memory_space<semaphore_mem>>
      %dma_start3A_19 = arith.constant 0 : i32
      %dma_start3A_20 = tpu.memref_slice %arg11[%mul3A_2, %dma_start3A_19] : memref<10240x128xf32, #tpu.memory_space<vmem_shared>> -> memref<640x128xf32, #tpu.memory_space<vmem_shared>>
      %dma_start3A_21 = arith.constant 0 : i32
      %dma_start3A_22 = tpu.memref_slice %arg4[%mul3A_2, %dma_start3A_21] : memref<10240x128xf32, #tpu.memory_space<hbm>> -> memref<640x128xf32, #tpu.memory_space<hbm>>
      tpu.enqueue_dma source(%dma_start3A_22 : memref<640x128xf32, #tpu.memory_space<hbm>>) target(%dma_start3A_20 : memref<640x128xf32, #tpu.memory_space<vmem_shared>>) target_semaphore(%run_scoped3A : memref<!tpu.dma_semaphore, #tpu.memory_space<semaphore_mem>>)
      %dma_wait3A = arith.constant 0 : i32
      %dma_wait3A_23 = tpu.memref_slice %arg11[%mul3A_2, %dma_wait3A] : memref<10240x128xf32, #tpu.memory_space<vmem_shared>> -> memref<640x128xf32, #tpu.memory_space<vmem_shared>>
      %dma_wait3A_24 = arith.constant 0 : i32
      %dma_wait3A_25 = tpu.memref_slice %arg4[%mul3A_2, %dma_wait3A_24] : memref<10240x128xf32, #tpu.memory_space<hbm>> -> memref<640x128xf32, #tpu.memory_space<hbm>>
      tpu.wait_dma2 semaphore(%run_scoped3A : memref<!tpu.dma_semaphore, #tpu.memory_space<semaphore_mem>>) src(%dma_wait3A_25 : memref<640x128xf32, #tpu.memory_space<hbm>>) dst(%dma_wait3A_23 : memref<640x128xf32, #tpu.memory_space<vmem_shared>>)
      tpu.yield
    }) : () -> ()
    "tpu.region"() ({
      %run_scoped3A = tpu.sem_alloc : memref<!tpu.dma_semaphore, #tpu.memory_space<semaphore_mem>>
      %dma_start3A_19 = arith.constant 0 : i32
      %dma_start3A_20 = arith.constant 0 : i32
      %dma_start3A_21 = tpu.memref_slice %arg3[%add3A, %dma_start3A_19, %dma_start3A_20] : memref<32x80x128xi32, #tpu.memory_space<hbm>> -> memref<1x80x128xi32, #tpu.memory_space<hbm>>
      %dma_start3A_22 = tpu.memref_squeeze %dma_start3A_21 : memref<1x80x128xi32, #tpu.memory_space<hbm>> -> memref<80x128xi32, #tpu.memory_space<hbm>>
      %dma_start3A_23 = arith.constant 0 : i32
      %dma_start3A_24 = arith.constant 0 : i32
      %dma_start3A_25 = tpu.memref_slice %arg3[%add3A, %dma_start3A_23, %dma_start3A_24] : memref<32x80x128xi32, #tpu.memory_space<hbm>> -> memref<1x80x128xi32, #tpu.memory_space<hbm>>
      %dma_start3A_26 = tpu.memref_squeeze %dma_start3A_25 : memref<1x80x128xi32, #tpu.memory_space<hbm>> -> memref<80x128xi32, #tpu.memory_space<hbm>>
      tpu.enqueue_dma source(%dma_start3A_26 : memref<80x128xi32, #tpu.memory_space<hbm>>) target(%arg6 : memref<80x128xi32, #tpu.memory_space<vmem>>) target_semaphore(%run_scoped3A : memref<!tpu.dma_semaphore, #tpu.memory_space<semaphore_mem>>)
      %dma_wait3A = arith.constant 0 : i32
      %dma_wait3A_27 = arith.constant 0 : i32
      %dma_wait3A_28 = tpu.memref_slice %arg3[%add3A, %dma_wait3A, %dma_wait3A_27] : memref<32x80x128xi32, #tpu.memory_space<hbm>> -> memref<1x80x128xi32, #tpu.memory_space<hbm>>
      %dma_wait3A_29 = tpu.memref_squeeze %dma_wait3A_28 : memref<1x80x128xi32, #tpu.memory_space<hbm>> -> memref<80x128xi32, #tpu.memory_space<hbm>>
      %dma_wait3A_30 = arith.constant 0 : i32
      %dma_wait3A_31 = arith.constant 0 : i32
      %dma_wait3A_32 = tpu.memref_slice %arg3[%add3A, %dma_wait3A_30, %dma_wait3A_31] : memref<32x80x128xi32, #tpu.memory_space<hbm>> -> memref<1x80x128xi32, #tpu.memory_space<hbm>>
      %dma_wait3A_33 = tpu.memref_squeeze %dma_wait3A_32 : memref<1x80x128xi32, #tpu.memory_space<hbm>> -> memref<80x128xi32, #tpu.memory_space<hbm>>
      tpu.wait_dma2 semaphore(%run_scoped3A : memref<!tpu.dma_semaphore, #tpu.memory_space<semaphore_mem>>) src(%dma_wait3A_33 : memref<80x128xi32, #tpu.memory_space<hbm>>) dst(%arg6 : memref<80x128xi32, #tpu.memory_space<vmem>>)
      tpu.yield
    }) : () -> ()
    %barrier3A = arith.constant 0 : index
    tpu.barrier barrier_id(%barrier3A)
    %mul3A_3 = arith.constant 10112 : i32
    %mul3A_4 = arith.muli %add3A, %mul3A_3 : i32
    %min3A = arith.constant 0 : i32
    %min3A_5 = arith.constant 78 : i32
    %min3A_6 = arith.minsi %min3A, %min3A_5 : i32
    %mul3A_7 = arith.constant 128 : i32
    %mul3A_8 = arith.muli %min3A_6, %mul3A_7 : i32
    %add3A_9 = arith.addi %mul3A_4, %mul3A_8 : i32
    %dma_start3A = arith.constant 0 : i32
    %dma_start3A_10 = tpu.memref_slice %arg2[%add3A_9, %dma_start3A] : memref<323584x128xf32, #tpu.memory_space<hbm>> -> memref<128x128xf32, #tpu.memory_space<hbm>>
    %dma_start3A_11 = arith.constant 0 : i32
    %dma_start3A_12 = tpu.memref_slice %arg2[%add3A_9, %dma_start3A_11] : memref<323584x128xf32, #tpu.memory_space<hbm>> -> memref<128x128xf32, #tpu.memory_space<hbm>>
    tpu.enqueue_dma source(%dma_start3A_12 : memref<128x128xf32, #tpu.memory_space<hbm>>) target(%arg7 : memref<128x128xf32, #tpu.memory_space<vmem>>) target_semaphore(%arg9 : memref<!tpu.dma_semaphore, #tpu.memory_space<semaphore_mem>>)
    %scan3A = arith.constant 0 : i32
    %scan3A_13 = arith.constant 0 : i32
    %scan3A_14 = arith.constant 40 : i32
    %scan3A_15 = arith.addi %scan3A_13, %scan3A_14 : i32
    %scan3A_16 = arith.constant 1 : i32
    scf.for %scan3A_19 = %scan3A_13 to %scan3A_15 step %scan3A_16  : i32 {
      %mul3A_20 = arith.constant 2 : i32
      %mul3A_21 = arith.muli %mul3A_20, %scan3A_19 : i32
      %add3A_22 = arith.constant 0 : i32
      %add3A_23 = arith.addi %mul3A_21, %add3A_22 : i32
      %add3A_24 = arith.constant 1 : i32
      %add3A_25 = arith.addi %add3A_23, %add3A_24 : i32
      %lt3A = arith.constant 80 : i32
      %lt3A_26 = arith.cmpi slt, %add3A_25, %lt3A : i32
      %convert_element_type3A = arith.extui %lt3A_26 : i1 to i32
      %cond3A = arith.constant 0 : i32
      %cond3A_27 = arith.cmpi ne, %convert_element_type3A, %cond3A : i32
      scf.if %cond3A_27 {
        %add3A_50 = arith.constant 1 : i32
        %add3A_51 = arith.addi %add3A_23, %add3A_50 : i32
        %min3A_52 = arith.constant 78 : i32
        %min3A_53 = arith.minsi %add3A_51, %min3A_52 : i32
        %mul3A_54 = arith.constant 128 : i32
        %mul3A_55 = arith.muli %min3A_53, %mul3A_54 : i32
        %add3A_56 = arith.addi %mul3A_4, %mul3A_55 : i32
        %dma_start3A_57 = arith.constant 0 : i32
        %dma_start3A_58 = tpu.memref_slice %arg2[%add3A_56, %dma_start3A_57] : memref<323584x128xf32, #tpu.memory_space<hbm>> -> memref<128x128xf32, #tpu.memory_space<hbm>>
        %dma_start3A_59 = arith.constant 0 : i32
        %dma_start3A_60 = tpu.memref_slice %arg2[%add3A_56, %dma_start3A_59] : memref<323584x128xf32, #tpu.memory_space<hbm>> -> memref<128x128xf32, #tpu.memory_space<hbm>>
        tpu.enqueue_dma source(%dma_start3A_60 : memref<128x128xf32, #tpu.memory_space<hbm>>) target(%arg8 : memref<128x128xf32, #tpu.memory_space<vmem>>) target_semaphore(%arg10 : memref<!tpu.dma_semaphore, #tpu.memory_space<semaphore_mem>>)
      } else {
      }
      %dma_wait3A = arith.constant 0 : i32
      %dma_wait3A_28 = arith.constant 0 : i32
      %dma_wait3A_29 = tpu.memref_slice %arg2[%dma_wait3A, %dma_wait3A_28] : memref<323584x128xf32, #tpu.memory_space<hbm>> -> memref<128x128xf32, #tpu.memory_space<hbm>>
      %dma_wait3A_30 = arith.constant 0 : i32
      %dma_wait3A_31 = arith.constant 0 : i32
      %dma_wait3A_32 = tpu.memref_slice %arg2[%dma_wait3A_30, %dma_wait3A_31] : memref<323584x128xf32, #tpu.memory_space<hbm>> -> memref<128x128xf32, #tpu.memory_space<hbm>>
      tpu.wait_dma2 semaphore(%arg9 : memref<!tpu.dma_semaphore, #tpu.memory_space<semaphore_mem>>) src(%dma_wait3A_32 : memref<128x128xf32, #tpu.memory_space<hbm>>) dst(%arg7 : memref<128x128xf32, #tpu.memory_space<vmem>>)
      "tpu.region"() ({
        %run_scoped3A = tpu.sem_alloc : memref<!tpu.dma_semaphore, #tpu.memory_space<semaphore_mem>>
        %dma_start3A_50 = arith.constant 0 : i32
        %dma_start3A_51 = tpu.memref_slice %arg6[%add3A_23, %dma_start3A_50] : memref<80x128xi32, #tpu.memory_space<vmem>> -> memref<1x128xi32, #tpu.memory_space<vmem>>
        %dma_start3A_52 = tpu.memref_squeeze %dma_start3A_51 : memref<1x128xi32, #tpu.memory_space<vmem>> -> memref<128xi32, #tpu.memory_space<vmem>>
        %dma_start3A_53 = arith.constant 0 : i32
        %dma_start3A_54 = arith.constant 0 : i32
        %dma_start3A_55 = tpu.memref_slice %arg11[%dma_start3A_53, %dma_start3A_54] : memref<10240x128xf32, #tpu.memory_space<vmem_shared>> -> memref<10240x128xf32, #tpu.memory_space<vmem_shared>>
        tpu.enqueue_indirect_dma source(%arg7 : memref<128x128xf32, #tpu.memory_space<vmem>>) target(%dma_start3A_55 : memref<10240x128xf32, #tpu.memory_space<vmem_shared>>) offsets(%dma_start3A_52 : memref<128xi32, #tpu.memory_space<vmem>>) semaphore(%run_scoped3A : memref<!tpu.dma_semaphore, #tpu.memory_space<semaphore_mem>>) {add = true}
        %dma_wait3A_56 = arith.constant 0 : i32
        %dma_wait3A_57 = tpu.memref_slice %arg6[%add3A_23, %dma_wait3A_56] : memref<80x128xi32, #tpu.memory_space<vmem>> -> memref<1x128xi32, #tpu.memory_space<vmem>>
        %dma_wait3A_58 = tpu.memref_squeeze %dma_wait3A_57 : memref<1x128xi32, #tpu.memory_space<vmem>> -> memref<128xi32, #tpu.memory_space<vmem>>
        %dma_wait3A_59 = arith.constant 0 : i32
        %dma_wait3A_60 = arith.constant 0 : i32
        %dma_wait3A_61 = tpu.memref_slice %arg11[%dma_wait3A_59, %dma_wait3A_60] : memref<10240x128xf32, #tpu.memory_space<vmem_shared>> -> memref<10240x128xf32, #tpu.memory_space<vmem_shared>>
        tpu.wait_indirect_dma semaphore(%run_scoped3A : memref<!tpu.dma_semaphore, #tpu.memory_space<semaphore_mem>>) src(%arg7 : memref<128x128xf32, #tpu.memory_space<vmem>>) dst(%dma_wait3A_61 : memref<10240x128xf32, #tpu.memory_space<vmem_shared>>)
        tpu.yield
      }) : () -> ()
      %mul3A_33 = arith.constant 2 : i32
      %mul3A_34 = arith.muli %mul3A_33, %scan3A_19 : i32
      %add3A_35 = arith.constant 1 : i32
      %add3A_36 = arith.addi %mul3A_34, %add3A_35 : i32
      %add3A_37 = arith.constant 1 : i32
      %add3A_38 = arith.addi %add3A_36, %add3A_37 : i32
      %lt3A_39 = arith.constant 80 : i32
      %lt3A_40 = arith.cmpi slt, %add3A_38, %lt3A_39 : i32
      %convert_element_type3A_41 = arith.extui %lt3A_40 : i1 to i32
      %cond3A_42 = arith.constant 0 : i32
      %cond3A_43 = arith.cmpi ne, %convert_element_type3A_41, %cond3A_42 : i32
      scf.if %cond3A_43 {
        %add3A_50 = arith.constant 1 : i32
        %add3A_51 = arith.addi %add3A_36, %add3A_50 : i32
        %min3A_52 = arith.constant 78 : i32
        %min3A_53 = arith.minsi %add3A_51, %min3A_52 : i32
        %mul3A_54 = arith.constant 128 : i32
        %mul3A_55 = arith.muli %min3A_53, %mul3A_54 : i32
        %add3A_56 = arith.addi %mul3A_4, %mul3A_55 : i32
        %dma_start3A_57 = arith.constant 0 : i32
        %dma_start3A_58 = tpu.memref_slice %arg2[%add3A_56, %dma_start3A_57] : memref<323584x128xf32, #tpu.memory_space<hbm>> -> memref<128x128xf32, #tpu.memory_space<hbm>>
        %dma_start3A_59 = arith.constant 0 : i32
        %dma_start3A_60 = tpu.memref_slice %arg2[%add3A_56, %dma_start3A_59] : memref<323584x128xf32, #tpu.memory_space<hbm>> -> memref<128x128xf32, #tpu.memory_space<hbm>>
        tpu.enqueue_dma source(%dma_start3A_60 : memref<128x128xf32, #tpu.memory_space<hbm>>) target(%arg7 : memref<128x128xf32, #tpu.memory_space<vmem>>) target_semaphore(%arg9 : memref<!tpu.dma_semaphore, #tpu.memory_space<semaphore_mem>>)
      } else {
      }
      %dma_wait3A_44 = arith.constant 0 : i32
      %dma_wait3A_45 = arith.constant 0 : i32
      %dma_wait3A_46 = tpu.memref_slice %arg2[%dma_wait3A_44, %dma_wait3A_45] : memref<323584x128xf32, #tpu.memory_space<hbm>> -> memref<128x128xf32, #tpu.memory_space<hbm>>
      %dma_wait3A_47 = arith.constant 0 : i32
      %dma_wait3A_48 = arith.constant 0 : i32
      %dma_wait3A_49 = tpu.memref_slice %arg2[%dma_wait3A_47, %dma_wait3A_48] : memref<323584x128xf32, #tpu.memory_space<hbm>> -> memref<128x128xf32, #tpu.memory_space<hbm>>
      tpu.wait_dma2 semaphore(%arg10 : memref<!tpu.dma_semaphore, #tpu.memory_space<semaphore_mem>>) src(%dma_wait3A_49 : memref<128x128xf32, #tpu.memory_space<hbm>>) dst(%arg8 : memref<128x128xf32, #tpu.memory_space<vmem>>)
      "tpu.region"() ({
        %run_scoped3A = tpu.sem_alloc : memref<!tpu.dma_semaphore, #tpu.memory_space<semaphore_mem>>
        %dma_start3A_50 = arith.constant 0 : i32
        %dma_start3A_51 = tpu.memref_slice %arg6[%add3A_36, %dma_start3A_50] : memref<80x128xi32, #tpu.memory_space<vmem>> -> memref<1x128xi32, #tpu.memory_space<vmem>>
        %dma_start3A_52 = tpu.memref_squeeze %dma_start3A_51 : memref<1x128xi32, #tpu.memory_space<vmem>> -> memref<128xi32, #tpu.memory_space<vmem>>
        %dma_start3A_53 = arith.constant 0 : i32
        %dma_start3A_54 = arith.constant 0 : i32
        %dma_start3A_55 = tpu.memref_slice %arg11[%dma_start3A_53, %dma_start3A_54] : memref<10240x128xf32, #tpu.memory_space<vmem_shared>> -> memref<10240x128xf32, #tpu.memory_space<vmem_shared>>
        tpu.enqueue_indirect_dma source(%arg8 : memref<128x128xf32, #tpu.memory_space<vmem>>) target(%dma_start3A_55 : memref<10240x128xf32, #tpu.memory_space<vmem_shared>>) offsets(%dma_start3A_52 : memref<128xi32, #tpu.memory_space<vmem>>) semaphore(%run_scoped3A : memref<!tpu.dma_semaphore, #tpu.memory_space<semaphore_mem>>) {add = true}
        %dma_wait3A_56 = arith.constant 0 : i32
        %dma_wait3A_57 = tpu.memref_slice %arg6[%add3A_36, %dma_wait3A_56] : memref<80x128xi32, #tpu.memory_space<vmem>> -> memref<1x128xi32, #tpu.memory_space<vmem>>
        %dma_wait3A_58 = tpu.memref_squeeze %dma_wait3A_57 : memref<1x128xi32, #tpu.memory_space<vmem>> -> memref<128xi32, #tpu.memory_space<vmem>>
        %dma_wait3A_59 = arith.constant 0 : i32
        %dma_wait3A_60 = arith.constant 0 : i32
        %dma_wait3A_61 = tpu.memref_slice %arg11[%dma_wait3A_59, %dma_wait3A_60] : memref<10240x128xf32, #tpu.memory_space<vmem_shared>> -> memref<10240x128xf32, #tpu.memory_space<vmem_shared>>
        tpu.wait_indirect_dma semaphore(%run_scoped3A : memref<!tpu.dma_semaphore, #tpu.memory_space<semaphore_mem>>) src(%arg8 : memref<128x128xf32, #tpu.memory_space<vmem>>) dst(%dma_wait3A_61 : memref<10240x128xf32, #tpu.memory_space<vmem_shared>>)
        tpu.yield
      }) : () -> ()
    }
    %scan3A_17 = arith.constant 40 : i32
    %barrier3A_18 = arith.constant 0 : index
    tpu.barrier barrier_id(%barrier3A_18)
    "tpu.region"() ({
      %run_scoped3A = tpu.sem_alloc : memref<!tpu.dma_semaphore, #tpu.memory_space<semaphore_mem>>
      %dma_start3A_19 = arith.constant 0 : i32
      %dma_start3A_20 = arith.constant 0 : i32
      %dma_start3A_21 = tpu.memref_slice %arg5[%arg0, %dma_start3A_19, %dma_start3A_20] : memref<2x10240x128xf32, #tpu.memory_space<hbm>> -> memref<1x10240x128xf32, #tpu.memory_space<hbm>>
      %dma_start3A_22 = tpu.memref_squeeze %dma_start3A_21 : memref<1x10240x128xf32, #tpu.memory_space<hbm>> -> memref<10240x128xf32, #tpu.memory_space<hbm>>
      %dma_start3A_23 = arith.constant 0 : i32
      %dma_start3A_24 = tpu.memref_slice %dma_start3A_22[%mul3A_2, %dma_start3A_23] : memref<10240x128xf32, #tpu.memory_space<hbm>> -> memref<640x128xf32, #tpu.memory_space<hbm>>
      %dma_start3A_25 = arith.constant 0 : i32
      %dma_start3A_26 = tpu.memref_slice %arg11[%mul3A_2, %dma_start3A_25] : memref<10240x128xf32, #tpu.memory_space<vmem_shared>> -> memref<640x128xf32, #tpu.memory_space<vmem_shared>>
      tpu.enqueue_dma source(%dma_start3A_26 : memref<640x128xf32, #tpu.memory_space<vmem_shared>>) target(%dma_start3A_24 : memref<640x128xf32, #tpu.memory_space<hbm>>) target_semaphore(%run_scoped3A : memref<!tpu.dma_semaphore, #tpu.memory_space<semaphore_mem>>)
      %dma_wait3A = arith.constant 0 : i32
      %dma_wait3A_27 = arith.constant 0 : i32
      %dma_wait3A_28 = tpu.memref_slice %arg5[%arg0, %dma_wait3A, %dma_wait3A_27] : memref<2x10240x128xf32, #tpu.memory_space<hbm>> -> memref<1x10240x128xf32, #tpu.memory_space<hbm>>
      %dma_wait3A_29 = tpu.memref_squeeze %dma_wait3A_28 : memref<1x10240x128xf32, #tpu.memory_space<hbm>> -> memref<10240x128xf32, #tpu.memory_space<hbm>>
      %dma_wait3A_30 = arith.constant 0 : i32
      %dma_wait3A_31 = tpu.memref_slice %dma_wait3A_29[%mul3A_2, %dma_wait3A_30] : memref<10240x128xf32, #tpu.memory_space<hbm>> -> memref<640x128xf32, #tpu.memory_space<hbm>>
      %dma_wait3A_32 = arith.constant 0 : i32
      %dma_wait3A_33 = tpu.memref_slice %arg11[%mul3A_2, %dma_wait3A_32] : memref<10240x128xf32, #tpu.memory_space<vmem_shared>> -> memref<640x128xf32, #tpu.memory_space<vmem_shared>>
      tpu.wait_dma2 semaphore(%run_scoped3A : memref<!tpu.dma_semaphore, #tpu.memory_space<semaphore_mem>>) src(%dma_wait3A_33 : memref<640x128xf32, #tpu.memory_space<vmem_shared>>) dst(%dma_wait3A_31 : memref<640x128xf32, #tpu.memory_space<hbm>>)
      tpu.yield
    }) : () -> ()
    return
  }
}

#map = affine_map<(d0, d1) -> (0, 0)>
#map1 = affine_map<(d0, d1) -> (0)>
module attributes {stable_mosaic.version = 14 : i64} {
  func.func @_sc_gather_body(%arg0: i32, %arg1: i32, %arg2: memref<10000x128xf32, #tpu.memory_space<hbm>>, %arg3: memref<10000x128xf32, #tpu.memory_space<hbm>>, %arg4: memref<323584xi32, #tpu.memory_space<hbm>>, %arg5: memref<323584xi32, #tpu.memory_space<hbm>>, %arg6: memref<323584x128xf32, #tpu.memory_space<hbm>>, %arg7: memref<323584x128xf32, #tpu.memory_space<hbm>>, %arg8: memref<10112xi32, #tpu.memory_space<vmem>>, %arg9: memref<10112xi32, #tpu.memory_space<vmem>>, %arg10: memref<128x128xf32, #tpu.memory_space<vmem>>, %arg11: memref<128x128xf32, #tpu.memory_space<vmem>>, %arg12: memref<128x128xf32, #tpu.memory_space<vmem>>, %arg13: memref<128x128xf32, #tpu.memory_space<vmem>>, %arg14: memref<!tpu.dma_semaphore, #tpu.memory_space<semaphore_mem>>, %arg15: memref<!tpu.dma_semaphore, #tpu.memory_space<semaphore_mem>>, %arg16: memref<!tpu.dma_semaphore, #tpu.memory_space<semaphore_mem>>, %arg17: memref<!tpu.dma_semaphore, #tpu.memory_space<semaphore_mem>>) attributes {dimension_semantics = [#tpu.dimension_semantics<core_parallel>, #tpu.dimension_semantics<subcore_parallel>], iteration_bounds = array<i64: 2, 16>, scalar_prefetch = 0 : i64, scratch_operands = 10 : i64, tpu.core_type = #tpu.core_type<sc_vector_subcore>, window_params = [{transform_indices = #map}, {transform_indices = #map}, {transform_indices = #map1}, {transform_indices = #map1}, {transform_indices = #map}, {transform_indices = #map}]} {
    %mul3A = arith.constant 2 : i32
    %mul3A_0 = arith.muli %arg1, %mul3A : i32
    %add3A = arith.addi %mul3A_0, %arg0 : i32
    %mul3A_1 = arith.constant 10112 : i32
    %mul3A_2 = arith.muli %add3A, %mul3A_1 : i32
    "tpu.region"() ({
      %run_scoped3A = tpu.sem_alloc : memref<!tpu.dma_semaphore, #tpu.memory_space<semaphore_mem>>
      %dma_start3A_30 = tpu.memref_slice %arg4[%mul3A_2] : memref<323584xi32, #tpu.memory_space<hbm>> -> memref<10112xi32, #tpu.memory_space<hbm>>
      %dma_start3A_31 = tpu.memref_slice %arg4[%mul3A_2] : memref<323584xi32, #tpu.memory_space<hbm>> -> memref<10112xi32, #tpu.memory_space<hbm>>
      tpu.enqueue_dma source(%dma_start3A_31 : memref<10112xi32, #tpu.memory_space<hbm>>) target(%arg8 : memref<10112xi32, #tpu.memory_space<vmem>>) target_semaphore(%run_scoped3A : memref<!tpu.dma_semaphore, #tpu.memory_space<semaphore_mem>>)
      %dma_wait3A_32 = tpu.memref_slice %arg4[%mul3A_2] : memref<323584xi32, #tpu.memory_space<hbm>> -> memref<10112xi32, #tpu.memory_space<hbm>>
      %dma_wait3A_33 = tpu.memref_slice %arg4[%mul3A_2] : memref<323584xi32, #tpu.memory_space<hbm>> -> memref<10112xi32, #tpu.memory_space<hbm>>
      tpu.wait_dma2 semaphore(%run_scoped3A : memref<!tpu.dma_semaphore, #tpu.memory_space<semaphore_mem>>) src(%dma_wait3A_33 : memref<10112xi32, #tpu.memory_space<hbm>>) dst(%arg8 : memref<10112xi32, #tpu.memory_space<vmem>>)
      tpu.yield
    }) : () -> ()
    "tpu.region"() ({
      %run_scoped3A = tpu.sem_alloc : memref<!tpu.dma_semaphore, #tpu.memory_space<semaphore_mem>>
      %dma_start3A_30 = tpu.memref_slice %arg5[%mul3A_2] : memref<323584xi32, #tpu.memory_space<hbm>> -> memref<10112xi32, #tpu.memory_space<hbm>>
      %dma_start3A_31 = tpu.memref_slice %arg5[%mul3A_2] : memref<323584xi32, #tpu.memory_space<hbm>> -> memref<10112xi32, #tpu.memory_space<hbm>>
      tpu.enqueue_dma source(%dma_start3A_31 : memref<10112xi32, #tpu.memory_space<hbm>>) target(%arg9 : memref<10112xi32, #tpu.memory_space<vmem>>) target_semaphore(%run_scoped3A : memref<!tpu.dma_semaphore, #tpu.memory_space<semaphore_mem>>)
      %dma_wait3A_32 = tpu.memref_slice %arg5[%mul3A_2] : memref<323584xi32, #tpu.memory_space<hbm>> -> memref<10112xi32, #tpu.memory_space<hbm>>
      %dma_wait3A_33 = tpu.memref_slice %arg5[%mul3A_2] : memref<323584xi32, #tpu.memory_space<hbm>> -> memref<10112xi32, #tpu.memory_space<hbm>>
      tpu.wait_dma2 semaphore(%run_scoped3A : memref<!tpu.dma_semaphore, #tpu.memory_space<semaphore_mem>>) src(%dma_wait3A_33 : memref<10112xi32, #tpu.memory_space<hbm>>) dst(%arg9 : memref<10112xi32, #tpu.memory_space<vmem>>)
      tpu.yield
    }) : () -> ()
    %min3A = arith.constant 0 : i32
    %min3A_3 = arith.constant 78 : i32
    %min3A_4 = arith.minsi %min3A, %min3A_3 : i32
    %mul3A_5 = arith.constant 128 : i32
    %mul3A_6 = arith.muli %min3A_4, %mul3A_5 : i32
    %dma_start3A = tpu.memref_slice %arg8[%mul3A_6] : memref<10112xi32, #tpu.memory_space<vmem>> -> memref<128xi32, #tpu.memory_space<vmem>>
    %dma_start3A_7 = arith.constant 0 : i32
    %dma_start3A_8 = arith.constant 0 : i32
    %dma_start3A_9 = tpu.memref_slice %arg2[%dma_start3A_7, %dma_start3A_8] : memref<10000x128xf32, #tpu.memory_space<hbm>> -> memref<10000x128xf32, #tpu.memory_space<hbm>>
    tpu.enqueue_indirect_dma source(%dma_start3A_9 : memref<10000x128xf32, #tpu.memory_space<hbm>>) target(%arg10 : memref<128x128xf32, #tpu.memory_space<vmem>>) offsets(%dma_start3A : memref<128xi32, #tpu.memory_space<vmem>>) semaphore(%arg14 : memref<!tpu.dma_semaphore, #tpu.memory_space<semaphore_mem>>)
    %dma_start3A_10 = tpu.memref_slice %arg9[%mul3A_6] : memref<10112xi32, #tpu.memory_space<vmem>> -> memref<128xi32, #tpu.memory_space<vmem>>
    %dma_start3A_11 = arith.constant 0 : i32
    %dma_start3A_12 = arith.constant 0 : i32
    %dma_start3A_13 = tpu.memref_slice %arg3[%dma_start3A_11, %dma_start3A_12] : memref<10000x128xf32, #tpu.memory_space<hbm>> -> memref<10000x128xf32, #tpu.memory_space<hbm>>
    tpu.enqueue_indirect_dma source(%dma_start3A_13 : memref<10000x128xf32, #tpu.memory_space<hbm>>) target(%arg12 : memref<128x128xf32, #tpu.memory_space<vmem>>) offsets(%dma_start3A_10 : memref<128xi32, #tpu.memory_space<vmem>>) semaphore(%arg14 : memref<!tpu.dma_semaphore, #tpu.memory_space<semaphore_mem>>)
    %scan3A = arith.constant 0 : i32
    %scan3A_14 = arith.constant 0 : i32
    %scan3A_15 = arith.constant 40 : i32
    %scan3A_16 = arith.addi %scan3A_14, %scan3A_15 : i32
    %scan3A_17 = arith.constant 1 : i32
    scf.for %scan3A_30 = %scan3A_14 to %scan3A_16 step %scan3A_17  : i32 {
      %mul3A_31 = arith.constant 2 : i32
      %mul3A_32 = arith.muli %mul3A_31, %scan3A_30 : i32
      %add3A_33 = arith.constant 0 : i32
      %add3A_34 = arith.addi %mul3A_32, %add3A_33 : i32
      %gt3A = arith.constant 0 : i32
      %gt3A_35 = arith.cmpi sgt, %add3A_34, %gt3A : i32
      %convert_element_type3A = arith.extui %gt3A_35 : i1 to i32
      %cond3A = arith.constant 0 : i32
      %cond3A_36 = arith.cmpi ne, %convert_element_type3A, %cond3A : i32
      scf.if %cond3A_36 {
        %dma_wait3A_109 = arith.constant 0 : i32
        %dma_wait3A_110 = arith.constant 0 : i32
        %dma_wait3A_111 = tpu.memref_slice %arg2[%dma_wait3A_109, %dma_wait3A_110] : memref<10000x128xf32, #tpu.memory_space<hbm>> -> memref<128x128xf32, #tpu.memory_space<hbm>>
        %dma_wait3A_112 = arith.constant 0 : i32
        %dma_wait3A_113 = arith.constant 0 : i32
        %dma_wait3A_114 = tpu.memref_slice %arg2[%dma_wait3A_112, %dma_wait3A_113] : memref<10000x128xf32, #tpu.memory_space<hbm>> -> memref<128x128xf32, #tpu.memory_space<hbm>>
        tpu.wait_dma2 semaphore(%arg17 : memref<!tpu.dma_semaphore, #tpu.memory_space<semaphore_mem>>) src(%dma_wait3A_114 : memref<128x128xf32, #tpu.memory_space<hbm>>) dst(%arg11 : memref<128x128xf32, #tpu.memory_space<vmem>>)
        %dma_wait3A_115 = arith.constant 0 : i32
        %dma_wait3A_116 = arith.constant 0 : i32
        %dma_wait3A_117 = tpu.memref_slice %arg2[%dma_wait3A_115, %dma_wait3A_116] : memref<10000x128xf32, #tpu.memory_space<hbm>> -> memref<128x128xf32, #tpu.memory_space<hbm>>
        %dma_wait3A_118 = arith.constant 0 : i32
        %dma_wait3A_119 = arith.constant 0 : i32
        %dma_wait3A_120 = tpu.memref_slice %arg2[%dma_wait3A_118, %dma_wait3A_119] : memref<10000x128xf32, #tpu.memory_space<hbm>> -> memref<128x128xf32, #tpu.memory_space<hbm>>
        tpu.wait_dma2 semaphore(%arg17 : memref<!tpu.dma_semaphore, #tpu.memory_space<semaphore_mem>>) src(%dma_wait3A_120 : memref<128x128xf32, #tpu.memory_space<hbm>>) dst(%arg13 : memref<128x128xf32, #tpu.memory_space<vmem>>)
      } else {
      }
      %add3A_37 = arith.constant 1 : i32
      %add3A_38 = arith.addi %add3A_34, %add3A_37 : i32
      %lt3A = arith.constant 80 : i32
      %lt3A_39 = arith.cmpi slt, %add3A_38, %lt3A : i32
      %convert_element_type3A_40 = arith.extui %lt3A_39 : i1 to i32
      %cond3A_41 = arith.constant 0 : i32
      %cond3A_42 = arith.cmpi ne, %convert_element_type3A_40, %cond3A_41 : i32
      scf.if %cond3A_42 {
        %add3A_109 = arith.constant 1 : i32
        %add3A_110 = arith.addi %add3A_34, %add3A_109 : i32
        %min3A_111 = arith.constant 78 : i32
        %min3A_112 = arith.minsi %add3A_110, %min3A_111 : i32
        %mul3A_113 = arith.constant 128 : i32
        %mul3A_114 = arith.muli %min3A_112, %mul3A_113 : i32
        %dma_start3A_115 = tpu.memref_slice %arg8[%mul3A_114] : memref<10112xi32, #tpu.memory_space<vmem>> -> memref<128xi32, #tpu.memory_space<vmem>>
        %dma_start3A_116 = arith.constant 0 : i32
        %dma_start3A_117 = arith.constant 0 : i32
        %dma_start3A_118 = tpu.memref_slice %arg2[%dma_start3A_116, %dma_start3A_117] : memref<10000x128xf32, #tpu.memory_space<hbm>> -> memref<10000x128xf32, #tpu.memory_space<hbm>>
        tpu.enqueue_indirect_dma source(%dma_start3A_118 : memref<10000x128xf32, #tpu.memory_space<hbm>>) target(%arg11 : memref<128x128xf32, #tpu.memory_space<vmem>>) offsets(%dma_start3A_115 : memref<128xi32, #tpu.memory_space<vmem>>) semaphore(%arg15 : memref<!tpu.dma_semaphore, #tpu.memory_space<semaphore_mem>>)
        %dma_start3A_119 = tpu.memref_slice %arg9[%mul3A_114] : memref<10112xi32, #tpu.memory_space<vmem>> -> memref<128xi32, #tpu.memory_space<vmem>>
        %dma_start3A_120 = arith.constant 0 : i32
        %dma_start3A_121 = arith.constant 0 : i32
        %dma_start3A_122 = tpu.memref_slice %arg3[%dma_start3A_120, %dma_start3A_121] : memref<10000x128xf32, #tpu.memory_space<hbm>> -> memref<10000x128xf32, #tpu.memory_space<hbm>>
        tpu.enqueue_indirect_dma source(%dma_start3A_122 : memref<10000x128xf32, #tpu.memory_space<hbm>>) target(%arg13 : memref<128x128xf32, #tpu.memory_space<vmem>>) offsets(%dma_start3A_119 : memref<128xi32, #tpu.memory_space<vmem>>) semaphore(%arg15 : memref<!tpu.dma_semaphore, #tpu.memory_space<semaphore_mem>>)
      } else {
      }
      %dma_wait3A_43 = arith.constant 0 : i32
      %dma_wait3A_44 = arith.constant 0 : i32
      %dma_wait3A_45 = tpu.memref_slice %arg2[%dma_wait3A_43, %dma_wait3A_44] : memref<10000x128xf32, #tpu.memory_space<hbm>> -> memref<128x128xf32, #tpu.memory_space<hbm>>
      %dma_wait3A_46 = arith.constant 0 : i32
      %dma_wait3A_47 = arith.constant 0 : i32
      %dma_wait3A_48 = tpu.memref_slice %arg2[%dma_wait3A_46, %dma_wait3A_47] : memref<10000x128xf32, #tpu.memory_space<hbm>> -> memref<128x128xf32, #tpu.memory_space<hbm>>
      tpu.wait_dma2 semaphore(%arg14 : memref<!tpu.dma_semaphore, #tpu.memory_space<semaphore_mem>>) src(%dma_wait3A_48 : memref<128x128xf32, #tpu.memory_space<hbm>>) dst(%arg10 : memref<128x128xf32, #tpu.memory_space<vmem>>)
      %dma_wait3A_49 = arith.constant 0 : i32
      %dma_wait3A_50 = arith.constant 0 : i32
      %dma_wait3A_51 = tpu.memref_slice %arg2[%dma_wait3A_49, %dma_wait3A_50] : memref<10000x128xf32, #tpu.memory_space<hbm>> -> memref<128x128xf32, #tpu.memory_space<hbm>>
      %dma_wait3A_52 = arith.constant 0 : i32
      %dma_wait3A_53 = arith.constant 0 : i32
      %dma_wait3A_54 = tpu.memref_slice %arg2[%dma_wait3A_52, %dma_wait3A_53] : memref<10000x128xf32, #tpu.memory_space<hbm>> -> memref<128x128xf32, #tpu.memory_space<hbm>>
      tpu.wait_dma2 semaphore(%arg14 : memref<!tpu.dma_semaphore, #tpu.memory_space<semaphore_mem>>) src(%dma_wait3A_54 : memref<128x128xf32, #tpu.memory_space<hbm>>) dst(%arg12 : memref<128x128xf32, #tpu.memory_space<vmem>>)
      %min3A_55 = arith.constant 78 : i32
      %min3A_56 = arith.minsi %add3A_34, %min3A_55 : i32
      %mul3A_57 = arith.constant 128 : i32
      %mul3A_58 = arith.muli %min3A_56, %mul3A_57 : i32
      %add3A_59 = arith.addi %mul3A_2, %mul3A_58 : i32
      %dma_start3A_60 = arith.constant 0 : i32
      %dma_start3A_61 = tpu.memref_slice %arg6[%add3A_59, %dma_start3A_60] : memref<323584x128xf32, #tpu.memory_space<hbm>> -> memref<128x128xf32, #tpu.memory_space<hbm>>
      %dma_start3A_62 = arith.constant 0 : i32
      %dma_start3A_63 = tpu.memref_slice %arg6[%add3A_59, %dma_start3A_62] : memref<323584x128xf32, #tpu.memory_space<hbm>> -> memref<128x128xf32, #tpu.memory_space<hbm>>
      tpu.enqueue_dma source(%arg10 : memref<128x128xf32, #tpu.memory_space<vmem>>) target(%dma_start3A_63 : memref<128x128xf32, #tpu.memory_space<hbm>>) target_semaphore(%arg16 : memref<!tpu.dma_semaphore, #tpu.memory_space<semaphore_mem>>)
      %dma_start3A_64 = arith.constant 0 : i32
      %dma_start3A_65 = tpu.memref_slice %arg7[%add3A_59, %dma_start3A_64] : memref<323584x128xf32, #tpu.memory_space<hbm>> -> memref<128x128xf32, #tpu.memory_space<hbm>>
      %dma_start3A_66 = arith.constant 0 : i32
      %dma_start3A_67 = tpu.memref_slice %arg7[%add3A_59, %dma_start3A_66] : memref<323584x128xf32, #tpu.memory_space<hbm>> -> memref<128x128xf32, #tpu.memory_space<hbm>>
      tpu.enqueue_dma source(%arg12 : memref<128x128xf32, #tpu.memory_space<vmem>>) target(%dma_start3A_67 : memref<128x128xf32, #tpu.memory_space<hbm>>) target_semaphore(%arg16 : memref<!tpu.dma_semaphore, #tpu.memory_space<semaphore_mem>>)
      %mul3A_68 = arith.constant 2 : i32
      %mul3A_69 = arith.muli %mul3A_68, %scan3A_30 : i32
      %add3A_70 = arith.constant 1 : i32
      %add3A_71 = arith.addi %mul3A_69, %add3A_70 : i32
      %gt3A_72 = arith.constant 0 : i32
      %gt3A_73 = arith.cmpi sgt, %add3A_71, %gt3A_72 : i32
      %convert_element_type3A_74 = arith.extui %gt3A_73 : i1 to i32
      %cond3A_75 = arith.constant 0 : i32
      %cond3A_76 = arith.cmpi ne, %convert_element_type3A_74, %cond3A_75 : i32
      scf.if %cond3A_76 {
        %dma_wait3A_109 = arith.constant 0 : i32
        %dma_wait3A_110 = arith.constant 0 : i32
        %dma_wait3A_111 = tpu.memref_slice %arg2[%dma_wait3A_109, %dma_wait3A_110] : memref<10000x128xf32, #tpu.memory_space<hbm>> -> memref<128x128xf32, #tpu.memory_space<hbm>>
        %dma_wait3A_112 = arith.constant 0 : i32
        %dma_wait3A_113 = arith.constant 0 : i32
        %dma_wait3A_114 = tpu.memref_slice %arg2[%dma_wait3A_112, %dma_wait3A_113] : memref<10000x128xf32, #tpu.memory_space<hbm>> -> memref<128x128xf32, #tpu.memory_space<hbm>>
        tpu.wait_dma2 semaphore(%arg16 : memref<!tpu.dma_semaphore, #tpu.memory_space<semaphore_mem>>) src(%dma_wait3A_114 : memref<128x128xf32, #tpu.memory_space<hbm>>) dst(%arg10 : memref<128x128xf32, #tpu.memory_space<vmem>>)
        %dma_wait3A_115 = arith.constant 0 : i32
        %dma_wait3A_116 = arith.constant 0 : i32
        %dma_wait3A_117 = tpu.memref_slice %arg2[%dma_wait3A_115, %dma_wait3A_116] : memref<10000x128xf32, #tpu.memory_space<hbm>> -> memref<128x128xf32, #tpu.memory_space<hbm>>
        %dma_wait3A_118 = arith.constant 0 : i32
        %dma_wait3A_119 = arith.constant 0 : i32
        %dma_wait3A_120 = tpu.memref_slice %arg2[%dma_wait3A_118, %dma_wait3A_119] : memref<10000x128xf32, #tpu.memory_space<hbm>> -> memref<128x128xf32, #tpu.memory_space<hbm>>
        tpu.wait_dma2 semaphore(%arg16 : memref<!tpu.dma_semaphore, #tpu.memory_space<semaphore_mem>>) src(%dma_wait3A_120 : memref<128x128xf32, #tpu.memory_space<hbm>>) dst(%arg12 : memref<128x128xf32, #tpu.memory_space<vmem>>)
      } else {
      }
      %add3A_77 = arith.constant 1 : i32
      %add3A_78 = arith.addi %add3A_71, %add3A_77 : i32
      %lt3A_79 = arith.constant 80 : i32
      %lt3A_80 = arith.cmpi slt, %add3A_78, %lt3A_79 : i32
      %convert_element_type3A_81 = arith.extui %lt3A_80 : i1 to i32
      %cond3A_82 = arith.constant 0 : i32
      %cond3A_83 = arith.cmpi ne, %convert_element_type3A_81, %cond3A_82 : i32
      scf.if %cond3A_83 {
        %add3A_109 = arith.constant 1 : i32
        %add3A_110 = arith.addi %add3A_71, %add3A_109 : i32
        %min3A_111 = arith.constant 78 : i32
        %min3A_112 = arith.minsi %add3A_110, %min3A_111 : i32
        %mul3A_113 = arith.constant 128 : i32
        %mul3A_114 = arith.muli %min3A_112, %mul3A_113 : i32
        %dma_start3A_115 = tpu.memref_slice %arg8[%mul3A_114] : memref<10112xi32, #tpu.memory_space<vmem>> -> memref<128xi32, #tpu.memory_space<vmem>>
        %dma_start3A_116 = arith.constant 0 : i32
        %dma_start3A_117 = arith.constant 0 : i32
        %dma_start3A_118 = tpu.memref_slice %arg2[%dma_start3A_116, %dma_start3A_117] : memref<10000x128xf32, #tpu.memory_space<hbm>> -> memref<10000x128xf32, #tpu.memory_space<hbm>>
        tpu.enqueue_indirect_dma source(%dma_start3A_118 : memref<10000x128xf32, #tpu.memory_space<hbm>>) target(%arg10 : memref<128x128xf32, #tpu.memory_space<vmem>>) offsets(%dma_start3A_115 : memref<128xi32, #tpu.memory_space<vmem>>) semaphore(%arg14 : memref<!tpu.dma_semaphore, #tpu.memory_space<semaphore_mem>>)
        %dma_start3A_119 = tpu.memref_slice %arg9[%mul3A_114] : memref<10112xi32, #tpu.memory_space<vmem>> -> memref<128xi32, #tpu.memory_space<vmem>>
        %dma_start3A_120 = arith.constant 0 : i32
        %dma_start3A_121 = arith.constant 0 : i32
        %dma_start3A_122 = tpu.memref_slice %arg3[%dma_start3A_120, %dma_start3A_121] : memref<10000x128xf32, #tpu.memory_space<hbm>> -> memref<10000x128xf32, #tpu.memory_space<hbm>>
        tpu.enqueue_indirect_dma source(%dma_start3A_122 : memref<10000x128xf32, #tpu.memory_space<hbm>>) target(%arg12 : memref<128x128xf32, #tpu.memory_space<vmem>>) offsets(%dma_start3A_119 : memref<128xi32, #tpu.memory_space<vmem>>) semaphore(%arg14 : memref<!tpu.dma_semaphore, #tpu.memory_space<semaphore_mem>>)
      } else {
      }
      %dma_wait3A_84 = arith.constant 0 : i32
      %dma_wait3A_85 = arith.constant 0 : i32
      %dma_wait3A_86 = tpu.memref_slice %arg2[%dma_wait3A_84, %dma_wait3A_85] : memref<10000x128xf32, #tpu.memory_space<hbm>> -> memref<128x128xf32, #tpu.memory_space<hbm>>
      %dma_wait3A_87 = arith.constant 0 : i32
      %dma_wait3A_88 = arith.constant 0 : i32
      %dma_wait3A_89 = tpu.memref_slice %arg2[%dma_wait3A_87, %dma_wait3A_88] : memref<10000x128xf32, #tpu.memory_space<hbm>> -> memref<128x128xf32, #tpu.memory_space<hbm>>
      tpu.wait_dma2 semaphore(%arg15 : memref<!tpu.dma_semaphore, #tpu.memory_space<semaphore_mem>>) src(%dma_wait3A_89 : memref<128x128xf32, #tpu.memory_space<hbm>>) dst(%arg11 : memref<128x128xf32, #tpu.memory_space<vmem>>)
      %dma_wait3A_90 = arith.constant 0 : i32
      %dma_wait3A_91 = arith.constant 0 : i32
      %dma_wait3A_92 = tpu.memref_slice %arg2[%dma_wait3A_90, %dma_wait3A_91] : memref<10000x128xf32, #tpu.memory_space<hbm>> -> memref<128x128xf32, #tpu.memory_space<hbm>>
      %dma_wait3A_93 = arith.constant 0 : i32
      %dma_wait3A_94 = arith.constant 0 : i32
      %dma_wait3A_95 = tpu.memref_slice %arg2[%dma_wait3A_93, %dma_wait3A_94] : memref<10000x128xf32, #tpu.memory_space<hbm>> -> memref<128x128xf32, #tpu.memory_space<hbm>>
      tpu.wait_dma2 semaphore(%arg15 : memref<!tpu.dma_semaphore, #tpu.memory_space<semaphore_mem>>) src(%dma_wait3A_95 : memref<128x128xf32, #tpu.memory_space<hbm>>) dst(%arg13 : memref<128x128xf32, #tpu.memory_space<vmem>>)
      %min3A_96 = arith.constant 78 : i32
      %min3A_97 = arith.minsi %add3A_71, %min3A_96 : i32
      %mul3A_98 = arith.constant 128 : i32
      %mul3A_99 = arith.muli %min3A_97, %mul3A_98 : i32
      %add3A_100 = arith.addi %mul3A_2, %mul3A_99 : i32
      %dma_start3A_101 = arith.constant 0 : i32
      %dma_start3A_102 = tpu.memref_slice %arg6[%add3A_100, %dma_start3A_101] : memref<323584x128xf32, #tpu.memory_space<hbm>> -> memref<128x128xf32, #tpu.memory_space<hbm>>
      %dma_start3A_103 = arith.constant 0 : i32
      %dma_start3A_104 = tpu.memref_slice %arg6[%add3A_100, %dma_start3A_103] : memref<323584x128xf32, #tpu.memory_space<hbm>> -> memref<128x128xf32, #tpu.memory_space<hbm>>
      tpu.enqueue_dma source(%arg11 : memref<128x128xf32, #tpu.memory_space<vmem>>) target(%dma_start3A_104 : memref<128x128xf32, #tpu.memory_space<hbm>>) target_semaphore(%arg17 : memref<!tpu.dma_semaphore, #tpu.memory_space<semaphore_mem>>)
      %dma_start3A_105 = arith.constant 0 : i32
      %dma_start3A_106 = tpu.memref_slice %arg7[%add3A_100, %dma_start3A_105] : memref<323584x128xf32, #tpu.memory_space<hbm>> -> memref<128x128xf32, #tpu.memory_space<hbm>>
      %dma_start3A_107 = arith.constant 0 : i32
      %dma_start3A_108 = tpu.memref_slice %arg7[%add3A_100, %dma_start3A_107] : memref<323584x128xf32, #tpu.memory_space<hbm>> -> memref<128x128xf32, #tpu.memory_space<hbm>>
      tpu.enqueue_dma source(%arg13 : memref<128x128xf32, #tpu.memory_space<vmem>>) target(%dma_start3A_108 : memref<128x128xf32, #tpu.memory_space<hbm>>) target_semaphore(%arg17 : memref<!tpu.dma_semaphore, #tpu.memory_space<semaphore_mem>>)
    }
    %scan3A_18 = arith.constant 40 : i32
    %dma_wait3A = arith.constant 0 : i32
    %dma_wait3A_19 = arith.constant 0 : i32
    %dma_wait3A_20 = tpu.memref_slice %arg2[%dma_wait3A, %dma_wait3A_19] : memref<10000x128xf32, #tpu.memory_space<hbm>> -> memref<128x128xf32, #tpu.memory_space<hbm>>
    %dma_wait3A_21 = arith.constant 0 : i32
    %dma_wait3A_22 = arith.constant 0 : i32
    %dma_wait3A_23 = tpu.memref_slice %arg2[%dma_wait3A_21, %dma_wait3A_22] : memref<10000x128xf32, #tpu.memory_space<hbm>> -> memref<128x128xf32, #tpu.memory_space<hbm>>
    tpu.wait_dma2 semaphore(%arg17 : memref<!tpu.dma_semaphore, #tpu.memory_space<semaphore_mem>>) src(%dma_wait3A_23 : memref<128x128xf32, #tpu.memory_space<hbm>>) dst(%arg11 : memref<128x128xf32, #tpu.memory_space<vmem>>)
    %dma_wait3A_24 = arith.constant 0 : i32
    %dma_wait3A_25 = arith.constant 0 : i32
    %dma_wait3A_26 = tpu.memref_slice %arg2[%dma_wait3A_24, %dma_wait3A_25] : memref<10000x128xf32, #tpu.memory_space<hbm>> -> memref<128x128xf32, #tpu.memory_space<hbm>>
    %dma_wait3A_27 = arith.constant 0 : i32
    %dma_wait3A_28 = arith.constant 0 : i32
    %dma_wait3A_29 = tpu.memref_slice %arg2[%dma_wait3A_27, %dma_wait3A_28] : memref<10000x128xf32, #tpu.memory_space<hbm>> -> memref<128x128xf32, #tpu.memory_space<hbm>>
    tpu.wait_dma2 semaphore(%arg17 : memref<!tpu.dma_semaphore, #tpu.memory_space<semaphore_mem>>) src(%dma_wait3A_29 : memref<128x128xf32, #tpu.memory_space<hbm>>) dst(%arg13 : memref<128x128xf32, #tpu.memory_space<vmem>>)
    return
  }
}

#map = affine_map<(d0, d1) -> (0, 0)>
#map1 = affine_map<(d0, d1) -> (0, 0, 0)>
module attributes {stable_mosaic.version = 14 : i64} {
  func.func @_sc_scatter_body(%arg0: i32, %arg1: i32, %arg2: memref<323584x128xf32, #tpu.memory_space<hbm>>, %arg3: memref<32x80x128xi32, #tpu.memory_space<hbm>>, %arg4: memref<10240x128xf32, #tpu.memory_space<hbm>>, %arg5: memref<2x10240x128xf32, #tpu.memory_space<hbm>>, %arg6: memref<80x128xi32, #tpu.memory_space<vmem>>, %arg7: memref<128x128xf32, #tpu.memory_space<vmem>>, %arg8: memref<128x128xf32, #tpu.memory_space<vmem>>, %arg9: memref<!tpu.dma_semaphore, #tpu.memory_space<semaphore_mem>>, %arg10: memref<!tpu.dma_semaphore, #tpu.memory_space<semaphore_mem>>, %arg11: memref<10240x128xf32, #tpu.memory_space<vmem_shared>>) attributes {dimension_semantics = [#tpu.dimension_semantics<core_parallel>, #tpu.dimension_semantics<subcore_parallel>], iteration_bounds = array<i64: 2, 16>, scalar_prefetch = 0 : i64, scratch_operands = 6 : i64, tpu.core_type = #tpu.core_type<sc_vector_subcore>, window_params = [{transform_indices = #map}, {transform_indices = #map1}, {transform_indices = #map}, {transform_indices = #map1}]} {
    %mul3A = arith.constant 2 : i32
    %mul3A_0 = arith.muli %arg1, %mul3A : i32
    %add3A = arith.addi %mul3A_0, %arg0 : i32
    %mul3A_1 = arith.constant 640 : i32
    %mul3A_2 = arith.muli %arg1, %mul3A_1 : i32
    "tpu.region"() ({
      %run_scoped3A = tpu.sem_alloc : memref<!tpu.dma_semaphore, #tpu.memory_space<semaphore_mem>>
      %dma_start3A_19 = arith.constant 0 : i32
      %dma_start3A_20 = tpu.memref_slice %arg11[%mul3A_2, %dma_start3A_19] : memref<10240x128xf32, #tpu.memory_space<vmem_shared>> -> memref<640x128xf32, #tpu.memory_space<vmem_shared>>
      %dma_start3A_21 = arith.constant 0 : i32
      %dma_start3A_22 = tpu.memref_slice %arg4[%mul3A_2, %dma_start3A_21] : memref<10240x128xf32, #tpu.memory_space<hbm>> -> memref<640x128xf32, #tpu.memory_space<hbm>>
      tpu.enqueue_dma source(%dma_start3A_22 : memref<640x128xf32, #tpu.memory_space<hbm>>) target(%dma_start3A_20 : memref<640x128xf32, #tpu.memory_space<vmem_shared>>) target_semaphore(%run_scoped3A : memref<!tpu.dma_semaphore, #tpu.memory_space<semaphore_mem>>)
      %dma_wait3A = arith.constant 0 : i32
      %dma_wait3A_23 = tpu.memref_slice %arg11[%mul3A_2, %dma_wait3A] : memref<10240x128xf32, #tpu.memory_space<vmem_shared>> -> memref<640x128xf32, #tpu.memory_space<vmem_shared>>
      %dma_wait3A_24 = arith.constant 0 : i32
      %dma_wait3A_25 = tpu.memref_slice %arg4[%mul3A_2, %dma_wait3A_24] : memref<10240x128xf32, #tpu.memory_space<hbm>> -> memref<640x128xf32, #tpu.memory_space<hbm>>
      tpu.wait_dma2 semaphore(%run_scoped3A : memref<!tpu.dma_semaphore, #tpu.memory_space<semaphore_mem>>) src(%dma_wait3A_25 : memref<640x128xf32, #tpu.memory_space<hbm>>) dst(%dma_wait3A_23 : memref<640x128xf32, #tpu.memory_space<vmem_shared>>)
      tpu.yield
    }) : () -> ()
    "tpu.region"() ({
      %run_scoped3A = tpu.sem_alloc : memref<!tpu.dma_semaphore, #tpu.memory_space<semaphore_mem>>
      %dma_start3A_19 = arith.constant 0 : i32
      %dma_start3A_20 = arith.constant 0 : i32
      %dma_start3A_21 = tpu.memref_slice %arg3[%add3A, %dma_start3A_19, %dma_start3A_20] : memref<32x80x128xi32, #tpu.memory_space<hbm>> -> memref<1x80x128xi32, #tpu.memory_space<hbm>>
      %dma_start3A_22 = tpu.memref_squeeze %dma_start3A_21 : memref<1x80x128xi32, #tpu.memory_space<hbm>> -> memref<80x128xi32, #tpu.memory_space<hbm>>
      %dma_start3A_23 = arith.constant 0 : i32
      %dma_start3A_24 = arith.constant 0 : i32
      %dma_start3A_25 = tpu.memref_slice %arg3[%add3A, %dma_start3A_23, %dma_start3A_24] : memref<32x80x128xi32, #tpu.memory_space<hbm>> -> memref<1x80x128xi32, #tpu.memory_space<hbm>>
      %dma_start3A_26 = tpu.memref_squeeze %dma_start3A_25 : memref<1x80x128xi32, #tpu.memory_space<hbm>> -> memref<80x128xi32, #tpu.memory_space<hbm>>
      tpu.enqueue_dma source(%dma_start3A_26 : memref<80x128xi32, #tpu.memory_space<hbm>>) target(%arg6 : memref<80x128xi32, #tpu.memory_space<vmem>>) target_semaphore(%run_scoped3A : memref<!tpu.dma_semaphore, #tpu.memory_space<semaphore_mem>>)
      %dma_wait3A = arith.constant 0 : i32
      %dma_wait3A_27 = arith.constant 0 : i32
      %dma_wait3A_28 = tpu.memref_slice %arg3[%add3A, %dma_wait3A, %dma_wait3A_27] : memref<32x80x128xi32, #tpu.memory_space<hbm>> -> memref<1x80x128xi32, #tpu.memory_space<hbm>>
      %dma_wait3A_29 = tpu.memref_squeeze %dma_wait3A_28 : memref<1x80x128xi32, #tpu.memory_space<hbm>> -> memref<80x128xi32, #tpu.memory_space<hbm>>
      %dma_wait3A_30 = arith.constant 0 : i32
      %dma_wait3A_31 = arith.constant 0 : i32
      %dma_wait3A_32 = tpu.memref_slice %arg3[%add3A, %dma_wait3A_30, %dma_wait3A_31] : memref<32x80x128xi32, #tpu.memory_space<hbm>> -> memref<1x80x128xi32, #tpu.memory_space<hbm>>
      %dma_wait3A_33 = tpu.memref_squeeze %dma_wait3A_32 : memref<1x80x128xi32, #tpu.memory_space<hbm>> -> memref<80x128xi32, #tpu.memory_space<hbm>>
      tpu.wait_dma2 semaphore(%run_scoped3A : memref<!tpu.dma_semaphore, #tpu.memory_space<semaphore_mem>>) src(%dma_wait3A_33 : memref<80x128xi32, #tpu.memory_space<hbm>>) dst(%arg6 : memref<80x128xi32, #tpu.memory_space<vmem>>)
      tpu.yield
    }) : () -> ()
    %barrier3A = arith.constant 0 : index
    tpu.barrier barrier_id(%barrier3A)
    %mul3A_3 = arith.constant 10112 : i32
    %mul3A_4 = arith.muli %add3A, %mul3A_3 : i32
    %min3A = arith.constant 0 : i32
    %min3A_5 = arith.constant 78 : i32
    %min3A_6 = arith.minsi %min3A, %min3A_5 : i32
    %mul3A_7 = arith.constant 128 : i32
    %mul3A_8 = arith.muli %min3A_6, %mul3A_7 : i32
    %add3A_9 = arith.addi %mul3A_4, %mul3A_8 : i32
    %dma_start3A = arith.constant 0 : i32
    %dma_start3A_10 = tpu.memref_slice %arg2[%add3A_9, %dma_start3A] : memref<323584x128xf32, #tpu.memory_space<hbm>> -> memref<128x128xf32, #tpu.memory_space<hbm>>
    %dma_start3A_11 = arith.constant 0 : i32
    %dma_start3A_12 = tpu.memref_slice %arg2[%add3A_9, %dma_start3A_11] : memref<323584x128xf32, #tpu.memory_space<hbm>> -> memref<128x128xf32, #tpu.memory_space<hbm>>
    tpu.enqueue_dma source(%dma_start3A_12 : memref<128x128xf32, #tpu.memory_space<hbm>>) target(%arg7 : memref<128x128xf32, #tpu.memory_space<vmem>>) target_semaphore(%arg9 : memref<!tpu.dma_semaphore, #tpu.memory_space<semaphore_mem>>)
    %scan3A = arith.constant 0 : i32
    %scan3A_13 = arith.constant 0 : i32
    %scan3A_14 = arith.constant 40 : i32
    %scan3A_15 = arith.addi %scan3A_13, %scan3A_14 : i32
    %scan3A_16 = arith.constant 1 : i32
    scf.for %scan3A_19 = %scan3A_13 to %scan3A_15 step %scan3A_16  : i32 {
      %mul3A_20 = arith.constant 2 : i32
      %mul3A_21 = arith.muli %mul3A_20, %scan3A_19 : i32
      %add3A_22 = arith.constant 0 : i32
      %add3A_23 = arith.addi %mul3A_21, %add3A_22 : i32
      %add3A_24 = arith.constant 1 : i32
      %add3A_25 = arith.addi %add3A_23, %add3A_24 : i32
      %lt3A = arith.constant 80 : i32
      %lt3A_26 = arith.cmpi slt, %add3A_25, %lt3A : i32
      %convert_element_type3A = arith.extui %lt3A_26 : i1 to i32
      %cond3A = arith.constant 0 : i32
      %cond3A_27 = arith.cmpi ne, %convert_element_type3A, %cond3A : i32
      scf.if %cond3A_27 {
        %add3A_50 = arith.constant 1 : i32
        %add3A_51 = arith.addi %add3A_23, %add3A_50 : i32
        %min3A_52 = arith.constant 78 : i32
        %min3A_53 = arith.minsi %add3A_51, %min3A_52 : i32
        %mul3A_54 = arith.constant 128 : i32
        %mul3A_55 = arith.muli %min3A_53, %mul3A_54 : i32
        %add3A_56 = arith.addi %mul3A_4, %mul3A_55 : i32
        %dma_start3A_57 = arith.constant 0 : i32
        %dma_start3A_58 = tpu.memref_slice %arg2[%add3A_56, %dma_start3A_57] : memref<323584x128xf32, #tpu.memory_space<hbm>> -> memref<128x128xf32, #tpu.memory_space<hbm>>
        %dma_start3A_59 = arith.constant 0 : i32
        %dma_start3A_60 = tpu.memref_slice %arg2[%add3A_56, %dma_start3A_59] : memref<323584x128xf32, #tpu.memory_space<hbm>> -> memref<128x128xf32, #tpu.memory_space<hbm>>
        tpu.enqueue_dma source(%dma_start3A_60 : memref<128x128xf32, #tpu.memory_space<hbm>>) target(%arg8 : memref<128x128xf32, #tpu.memory_space<vmem>>) target_semaphore(%arg10 : memref<!tpu.dma_semaphore, #tpu.memory_space<semaphore_mem>>)
      } else {
      }
      %dma_wait3A = arith.constant 0 : i32
      %dma_wait3A_28 = arith.constant 0 : i32
      %dma_wait3A_29 = tpu.memref_slice %arg2[%dma_wait3A, %dma_wait3A_28] : memref<323584x128xf32, #tpu.memory_space<hbm>> -> memref<128x128xf32, #tpu.memory_space<hbm>>
      %dma_wait3A_30 = arith.constant 0 : i32
      %dma_wait3A_31 = arith.constant 0 : i32
      %dma_wait3A_32 = tpu.memref_slice %arg2[%dma_wait3A_30, %dma_wait3A_31] : memref<323584x128xf32, #tpu.memory_space<hbm>> -> memref<128x128xf32, #tpu.memory_space<hbm>>
      tpu.wait_dma2 semaphore(%arg9 : memref<!tpu.dma_semaphore, #tpu.memory_space<semaphore_mem>>) src(%dma_wait3A_32 : memref<128x128xf32, #tpu.memory_space<hbm>>) dst(%arg7 : memref<128x128xf32, #tpu.memory_space<vmem>>)
      "tpu.region"() ({
        %run_scoped3A = tpu.sem_alloc : memref<!tpu.dma_semaphore, #tpu.memory_space<semaphore_mem>>
        %dma_start3A_50 = arith.constant 0 : i32
        %dma_start3A_51 = tpu.memref_slice %arg6[%add3A_23, %dma_start3A_50] : memref<80x128xi32, #tpu.memory_space<vmem>> -> memref<1x128xi32, #tpu.memory_space<vmem>>
        %dma_start3A_52 = tpu.memref_squeeze %dma_start3A_51 : memref<1x128xi32, #tpu.memory_space<vmem>> -> memref<128xi32, #tpu.memory_space<vmem>>
        %dma_start3A_53 = arith.constant 0 : i32
        %dma_start3A_54 = arith.constant 0 : i32
        %dma_start3A_55 = tpu.memref_slice %arg11[%dma_start3A_53, %dma_start3A_54] : memref<10240x128xf32, #tpu.memory_space<vmem_shared>> -> memref<10240x128xf32, #tpu.memory_space<vmem_shared>>
        tpu.enqueue_indirect_dma source(%arg7 : memref<128x128xf32, #tpu.memory_space<vmem>>) target(%dma_start3A_55 : memref<10240x128xf32, #tpu.memory_space<vmem_shared>>) offsets(%dma_start3A_52 : memref<128xi32, #tpu.memory_space<vmem>>) semaphore(%run_scoped3A : memref<!tpu.dma_semaphore, #tpu.memory_space<semaphore_mem>>) {add = true}
        %dma_wait3A_56 = arith.constant 0 : i32
        %dma_wait3A_57 = tpu.memref_slice %arg6[%add3A_23, %dma_wait3A_56] : memref<80x128xi32, #tpu.memory_space<vmem>> -> memref<1x128xi32, #tpu.memory_space<vmem>>
        %dma_wait3A_58 = tpu.memref_squeeze %dma_wait3A_57 : memref<1x128xi32, #tpu.memory_space<vmem>> -> memref<128xi32, #tpu.memory_space<vmem>>
        %dma_wait3A_59 = arith.constant 0 : i32
        %dma_wait3A_60 = arith.constant 0 : i32
        %dma_wait3A_61 = tpu.memref_slice %arg11[%dma_wait3A_59, %dma_wait3A_60] : memref<10240x128xf32, #tpu.memory_space<vmem_shared>> -> memref<10240x128xf32, #tpu.memory_space<vmem_shared>>
        tpu.wait_indirect_dma semaphore(%run_scoped3A : memref<!tpu.dma_semaphore, #tpu.memory_space<semaphore_mem>>) src(%arg7 : memref<128x128xf32, #tpu.memory_space<vmem>>) dst(%dma_wait3A_61 : memref<10240x128xf32, #tpu.memory_space<vmem_shared>>)
        tpu.yield
      }) : () -> ()
      %mul3A_33 = arith.constant 2 : i32
      %mul3A_34 = arith.muli %mul3A_33, %scan3A_19 : i32
      %add3A_35 = arith.constant 1 : i32
      %add3A_36 = arith.addi %mul3A_34, %add3A_35 : i32
      %add3A_37 = arith.constant 1 : i32
      %add3A_38 = arith.addi %add3A_36, %add3A_37 : i32
      %lt3A_39 = arith.constant 80 : i32
      %lt3A_40 = arith.cmpi slt, %add3A_38, %lt3A_39 : i32
      %convert_element_type3A_41 = arith.extui %lt3A_40 : i1 to i32
      %cond3A_42 = arith.constant 0 : i32
      %cond3A_43 = arith.cmpi ne, %convert_element_type3A_41, %cond3A_42 : i32
      scf.if %cond3A_43 {
        %add3A_50 = arith.constant 1 : i32
        %add3A_51 = arith.addi %add3A_36, %add3A_50 : i32
        %min3A_52 = arith.constant 78 : i32
        %min3A_53 = arith.minsi %add3A_51, %min3A_52 : i32
        %mul3A_54 = arith.constant 128 : i32
        %mul3A_55 = arith.muli %min3A_53, %mul3A_54 : i32
        %add3A_56 = arith.addi %mul3A_4, %mul3A_55 : i32
        %dma_start3A_57 = arith.constant 0 : i32
        %dma_start3A_58 = tpu.memref_slice %arg2[%add3A_56, %dma_start3A_57] : memref<323584x128xf32, #tpu.memory_space<hbm>> -> memref<128x128xf32, #tpu.memory_space<hbm>>
        %dma_start3A_59 = arith.constant 0 : i32
        %dma_start3A_60 = tpu.memref_slice %arg2[%add3A_56, %dma_start3A_59] : memref<323584x128xf32, #tpu.memory_space<hbm>> -> memref<128x128xf32, #tpu.memory_space<hbm>>
        tpu.enqueue_dma source(%dma_start3A_60 : memref<128x128xf32, #tpu.memory_space<hbm>>) target(%arg7 : memref<128x128xf32, #tpu.memory_space<vmem>>) target_semaphore(%arg9 : memref<!tpu.dma_semaphore, #tpu.memory_space<semaphore_mem>>)
      } else {
      }
      %dma_wait3A_44 = arith.constant 0 : i32
      %dma_wait3A_45 = arith.constant 0 : i32
      %dma_wait3A_46 = tpu.memref_slice %arg2[%dma_wait3A_44, %dma_wait3A_45] : memref<323584x128xf32, #tpu.memory_space<hbm>> -> memref<128x128xf32, #tpu.memory_space<hbm>>
      %dma_wait3A_47 = arith.constant 0 : i32
      %dma_wait3A_48 = arith.constant 0 : i32
      %dma_wait3A_49 = tpu.memref_slice %arg2[%dma_wait3A_47, %dma_wait3A_48] : memref<323584x128xf32, #tpu.memory_space<hbm>> -> memref<128x128xf32, #tpu.memory_space<hbm>>
      tpu.wait_dma2 semaphore(%arg10 : memref<!tpu.dma_semaphore, #tpu.memory_space<semaphore_mem>>) src(%dma_wait3A_49 : memref<128x128xf32, #tpu.memory_space<hbm>>) dst(%arg8 : memref<128x128xf32, #tpu.memory_space<vmem>>)
      "tpu.region"() ({
        %run_scoped3A = tpu.sem_alloc : memref<!tpu.dma_semaphore, #tpu.memory_space<semaphore_mem>>
        %dma_start3A_50 = arith.constant 0 : i32
        %dma_start3A_51 = tpu.memref_slice %arg6[%add3A_36, %dma_start3A_50] : memref<80x128xi32, #tpu.memory_space<vmem>> -> memref<1x128xi32, #tpu.memory_space<vmem>>
        %dma_start3A_52 = tpu.memref_squeeze %dma_start3A_51 : memref<1x128xi32, #tpu.memory_space<vmem>> -> memref<128xi32, #tpu.memory_space<vmem>>
        %dma_start3A_53 = arith.constant 0 : i32
        %dma_start3A_54 = arith.constant 0 : i32
        %dma_start3A_55 = tpu.memref_slice %arg11[%dma_start3A_53, %dma_start3A_54] : memref<10240x128xf32, #tpu.memory_space<vmem_shared>> -> memref<10240x128xf32, #tpu.memory_space<vmem_shared>>
        tpu.enqueue_indirect_dma source(%arg8 : memref<128x128xf32, #tpu.memory_space<vmem>>) target(%dma_start3A_55 : memref<10240x128xf32, #tpu.memory_space<vmem_shared>>) offsets(%dma_start3A_52 : memref<128xi32, #tpu.memory_space<vmem>>) semaphore(%run_scoped3A : memref<!tpu.dma_semaphore, #tpu.memory_space<semaphore_mem>>) {add = true}
        %dma_wait3A_56 = arith.constant 0 : i32
        %dma_wait3A_57 = tpu.memref_slice %arg6[%add3A_36, %dma_wait3A_56] : memref<80x128xi32, #tpu.memory_space<vmem>> -> memref<1x128xi32, #tpu.memory_space<vmem>>
        %dma_wait3A_58 = tpu.memref_squeeze %dma_wait3A_57 : memref<1x128xi32, #tpu.memory_space<vmem>> -> memref<128xi32, #tpu.memory_space<vmem>>
        %dma_wait3A_59 = arith.constant 0 : i32
        %dma_wait3A_60 = arith.constant 0 : i32
        %dma_wait3A_61 = tpu.memref_slice %arg11[%dma_wait3A_59, %dma_wait3A_60] : memref<10240x128xf32, #tpu.memory_space<vmem_shared>> -> memref<10240x128xf32, #tpu.memory_space<vmem_shared>>
        tpu.wait_indirect_dma semaphore(%run_scoped3A : memref<!tpu.dma_semaphore, #tpu.memory_space<semaphore_mem>>) src(%arg8 : memref<128x128xf32, #tpu.memory_space<vmem>>) dst(%dma_wait3A_61 : memref<10240x128xf32, #tpu.memory_space<vmem_shared>>)
        tpu.yield
      }) : () -> ()
    }
    %scan3A_17 = arith.constant 40 : i32
    %barrier3A_18 = arith.constant 0 : index
    tpu.barrier barrier_id(%barrier3A_18)
    "tpu.region"() ({
      %run_scoped3A = tpu.sem_alloc : memref<!tpu.dma_semaphore, #tpu.memory_space<semaphore_mem>>
      %dma_start3A_19 = arith.constant 0 : i32
      %dma_start3A_20 = arith.constant 0 : i32
      %dma_start3A_21 = tpu.memref_slice %arg5[%arg0, %dma_start3A_19, %dma_start3A_20] : memref<2x10240x128xf32, #tpu.memory_space<hbm>> -> memref<1x10240x128xf32, #tpu.memory_space<hbm>>
      %dma_start3A_22 = tpu.memref_squeeze %dma_start3A_21 : memref<1x10240x128xf32, #tpu.memory_space<hbm>> -> memref<10240x128xf32, #tpu.memory_space<hbm>>
      %dma_start3A_23 = arith.constant 0 : i32
      %dma_start3A_24 = tpu.memref_slice %dma_start3A_22[%mul3A_2, %dma_start3A_23] : memref<10240x128xf32, #tpu.memory_space<hbm>> -> memref<640x128xf32, #tpu.memory_space<hbm>>
      %dma_start3A_25 = arith.constant 0 : i32
      %dma_start3A_26 = tpu.memref_slice %arg11[%mul3A_2, %dma_start3A_25] : memref<10240x128xf32, #tpu.memory_space<vmem_shared>> -> memref<640x128xf32, #tpu.memory_space<vmem_shared>>
      tpu.enqueue_dma source(%dma_start3A_26 : memref<640x128xf32, #tpu.memory_space<vmem_shared>>) target(%dma_start3A_24 : memref<640x128xf32, #tpu.memory_space<hbm>>) target_semaphore(%run_scoped3A : memref<!tpu.dma_semaphore, #tpu.memory_space<semaphore_mem>>)
      %dma_wait3A = arith.constant 0 : i32
      %dma_wait3A_27 = arith.constant 0 : i32
      %dma_wait3A_28 = tpu.memref_slice %arg5[%arg0, %dma_wait3A, %dma_wait3A_27] : memref<2x10240x128xf32, #tpu.memory_space<hbm>> -> memref<1x10240x128xf32, #tpu.memory_space<hbm>>
      %dma_wait3A_29 = tpu.memref_squeeze %dma_wait3A_28 : memref<1x10240x128xf32, #tpu.memory_space<hbm>> -> memref<10240x128xf32, #tpu.memory_space<hbm>>
      %dma_wait3A_30 = arith.constant 0 : i32
      %dma_wait3A_31 = tpu.memref_slice %dma_wait3A_29[%mul3A_2, %dma_wait3A_30] : memref<10240x128xf32, #tpu.memory_space<hbm>> -> memref<640x128xf32, #tpu.memory_space<hbm>>
      %dma_wait3A_32 = arith.constant 0 : i32
      %dma_wait3A_33 = tpu.memref_slice %arg11[%mul3A_2, %dma_wait3A_32] : memref<10240x128xf32, #tpu.memory_space<vmem_shared>> -> memref<640x128xf32, #tpu.memory_space<vmem_shared>>
      tpu.wait_dma2 semaphore(%run_scoped3A : memref<!tpu.dma_semaphore, #tpu.memory_space<semaphore_mem>>) src(%dma_wait3A_33 : memref<640x128xf32, #tpu.memory_space<vmem_shared>>) dst(%dma_wait3A_31 : memref<640x128xf32, #tpu.memory_space<hbm>>)
      tpu.yield
    }) : () -> ()
    return
  }
}

#map = affine_map<(d0, d1) -> (0, 0)>
#map1 = affine_map<(d0, d1) -> (0)>
module attributes {stable_mosaic.version = 14 : i64} {
  func.func @_sc_gather_body(%arg0: i32, %arg1: i32, %arg2: memref<10000x128xf32, #tpu.memory_space<hbm>>, %arg3: memref<10000x128xf32, #tpu.memory_space<hbm>>, %arg4: memref<323584xi32, #tpu.memory_space<hbm>>, %arg5: memref<323584xi32, #tpu.memory_space<hbm>>, %arg6: memref<323584x128xf32, #tpu.memory_space<hbm>>, %arg7: memref<323584x128xf32, #tpu.memory_space<hbm>>, %arg8: memref<10112xi32, #tpu.memory_space<vmem>>, %arg9: memref<10112xi32, #tpu.memory_space<vmem>>, %arg10: memref<128x128xf32, #tpu.memory_space<vmem>>, %arg11: memref<128x128xf32, #tpu.memory_space<vmem>>, %arg12: memref<128x128xf32, #tpu.memory_space<vmem>>, %arg13: memref<128x128xf32, #tpu.memory_space<vmem>>, %arg14: memref<!tpu.dma_semaphore, #tpu.memory_space<semaphore_mem>>, %arg15: memref<!tpu.dma_semaphore, #tpu.memory_space<semaphore_mem>>, %arg16: memref<!tpu.dma_semaphore, #tpu.memory_space<semaphore_mem>>, %arg17: memref<!tpu.dma_semaphore, #tpu.memory_space<semaphore_mem>>) attributes {dimension_semantics = [#tpu.dimension_semantics<core_parallel>, #tpu.dimension_semantics<subcore_parallel>], iteration_bounds = array<i64: 2, 16>, scalar_prefetch = 0 : i64, scratch_operands = 10 : i64, tpu.core_type = #tpu.core_type<sc_vector_subcore>, window_params = [{transform_indices = #map}, {transform_indices = #map}, {transform_indices = #map1}, {transform_indices = #map1}, {transform_indices = #map}, {transform_indices = #map}]} {
    %mul3A = arith.constant 2 : i32
    %mul3A_0 = arith.muli %arg1, %mul3A : i32
    %add3A = arith.addi %mul3A_0, %arg0 : i32
    %mul3A_1 = arith.constant 10112 : i32
    %mul3A_2 = arith.muli %add3A, %mul3A_1 : i32
    "tpu.region"() ({
      %run_scoped3A = tpu.sem_alloc : memref<!tpu.dma_semaphore, #tpu.memory_space<semaphore_mem>>
      %dma_start3A_30 = tpu.memref_slice %arg4[%mul3A_2] : memref<323584xi32, #tpu.memory_space<hbm>> -> memref<10112xi32, #tpu.memory_space<hbm>>
      %dma_start3A_31 = tpu.memref_slice %arg4[%mul3A_2] : memref<323584xi32, #tpu.memory_space<hbm>> -> memref<10112xi32, #tpu.memory_space<hbm>>
      tpu.enqueue_dma source(%dma_start3A_31 : memref<10112xi32, #tpu.memory_space<hbm>>) target(%arg8 : memref<10112xi32, #tpu.memory_space<vmem>>) target_semaphore(%run_scoped3A : memref<!tpu.dma_semaphore, #tpu.memory_space<semaphore_mem>>)
      %dma_wait3A_32 = tpu.memref_slice %arg4[%mul3A_2] : memref<323584xi32, #tpu.memory_space<hbm>> -> memref<10112xi32, #tpu.memory_space<hbm>>
      %dma_wait3A_33 = tpu.memref_slice %arg4[%mul3A_2] : memref<323584xi32, #tpu.memory_space<hbm>> -> memref<10112xi32, #tpu.memory_space<hbm>>
      tpu.wait_dma2 semaphore(%run_scoped3A : memref<!tpu.dma_semaphore, #tpu.memory_space<semaphore_mem>>) src(%dma_wait3A_33 : memref<10112xi32, #tpu.memory_space<hbm>>) dst(%arg8 : memref<10112xi32, #tpu.memory_space<vmem>>)
      tpu.yield
    }) : () -> ()
    "tpu.region"() ({
      %run_scoped3A = tpu.sem_alloc : memref<!tpu.dma_semaphore, #tpu.memory_space<semaphore_mem>>
      %dma_start3A_30 = tpu.memref_slice %arg5[%mul3A_2] : memref<323584xi32, #tpu.memory_space<hbm>> -> memref<10112xi32, #tpu.memory_space<hbm>>
      %dma_start3A_31 = tpu.memref_slice %arg5[%mul3A_2] : memref<323584xi32, #tpu.memory_space<hbm>> -> memref<10112xi32, #tpu.memory_space<hbm>>
      tpu.enqueue_dma source(%dma_start3A_31 : memref<10112xi32, #tpu.memory_space<hbm>>) target(%arg9 : memref<10112xi32, #tpu.memory_space<vmem>>) target_semaphore(%run_scoped3A : memref<!tpu.dma_semaphore, #tpu.memory_space<semaphore_mem>>)
      %dma_wait3A_32 = tpu.memref_slice %arg5[%mul3A_2] : memref<323584xi32, #tpu.memory_space<hbm>> -> memref<10112xi32, #tpu.memory_space<hbm>>
      %dma_wait3A_33 = tpu.memref_slice %arg5[%mul3A_2] : memref<323584xi32, #tpu.memory_space<hbm>> -> memref<10112xi32, #tpu.memory_space<hbm>>
      tpu.wait_dma2 semaphore(%run_scoped3A : memref<!tpu.dma_semaphore, #tpu.memory_space<semaphore_mem>>) src(%dma_wait3A_33 : memref<10112xi32, #tpu.memory_space<hbm>>) dst(%arg9 : memref<10112xi32, #tpu.memory_space<vmem>>)
      tpu.yield
    }) : () -> ()
    %min3A = arith.constant 0 : i32
    %min3A_3 = arith.constant 78 : i32
    %min3A_4 = arith.minsi %min3A, %min3A_3 : i32
    %mul3A_5 = arith.constant 128 : i32
    %mul3A_6 = arith.muli %min3A_4, %mul3A_5 : i32
    %dma_start3A = tpu.memref_slice %arg8[%mul3A_6] : memref<10112xi32, #tpu.memory_space<vmem>> -> memref<128xi32, #tpu.memory_space<vmem>>
    %dma_start3A_7 = arith.constant 0 : i32
    %dma_start3A_8 = arith.constant 0 : i32
    %dma_start3A_9 = tpu.memref_slice %arg2[%dma_start3A_7, %dma_start3A_8] : memref<10000x128xf32, #tpu.memory_space<hbm>> -> memref<10000x128xf32, #tpu.memory_space<hbm>>
    tpu.enqueue_indirect_dma source(%dma_start3A_9 : memref<10000x128xf32, #tpu.memory_space<hbm>>) target(%arg10 : memref<128x128xf32, #tpu.memory_space<vmem>>) offsets(%dma_start3A : memref<128xi32, #tpu.memory_space<vmem>>) semaphore(%arg14 : memref<!tpu.dma_semaphore, #tpu.memory_space<semaphore_mem>>)
    %dma_start3A_10 = tpu.memref_slice %arg9[%mul3A_6] : memref<10112xi32, #tpu.memory_space<vmem>> -> memref<128xi32, #tpu.memory_space<vmem>>
    %dma_start3A_11 = arith.constant 0 : i32
    %dma_start3A_12 = arith.constant 0 : i32
    %dma_start3A_13 = tpu.memref_slice %arg3[%dma_start3A_11, %dma_start3A_12] : memref<10000x128xf32, #tpu.memory_space<hbm>> -> memref<10000x128xf32, #tpu.memory_space<hbm>>
    tpu.enqueue_indirect_dma source(%dma_start3A_13 : memref<10000x128xf32, #tpu.memory_space<hbm>>) target(%arg12 : memref<128x128xf32, #tpu.memory_space<vmem>>) offsets(%dma_start3A_10 : memref<128xi32, #tpu.memory_space<vmem>>) semaphore(%arg14 : memref<!tpu.dma_semaphore, #tpu.memory_space<semaphore_mem>>)
    %scan3A = arith.constant 0 : i32
    %scan3A_14 = arith.constant 0 : i32
    %scan3A_15 = arith.constant 40 : i32
    %scan3A_16 = arith.addi %scan3A_14, %scan3A_15 : i32
    %scan3A_17 = arith.constant 1 : i32
    scf.for %scan3A_30 = %scan3A_14 to %scan3A_16 step %scan3A_17  : i32 {
      %mul3A_31 = arith.constant 2 : i32
      %mul3A_32 = arith.muli %mul3A_31, %scan3A_30 : i32
      %add3A_33 = arith.constant 0 : i32
      %add3A_34 = arith.addi %mul3A_32, %add3A_33 : i32
      %gt3A = arith.constant 0 : i32
      %gt3A_35 = arith.cmpi sgt, %add3A_34, %gt3A : i32
      %convert_element_type3A = arith.extui %gt3A_35 : i1 to i32
      %cond3A = arith.constant 0 : i32
      %cond3A_36 = arith.cmpi ne, %convert_element_type3A, %cond3A : i32
      scf.if %cond3A_36 {
        %dma_wait3A_109 = arith.constant 0 : i32
        %dma_wait3A_110 = arith.constant 0 : i32
        %dma_wait3A_111 = tpu.memref_slice %arg2[%dma_wait3A_109, %dma_wait3A_110] : memref<10000x128xf32, #tpu.memory_space<hbm>> -> memref<128x128xf32, #tpu.memory_space<hbm>>
        %dma_wait3A_112 = arith.constant 0 : i32
        %dma_wait3A_113 = arith.constant 0 : i32
        %dma_wait3A_114 = tpu.memref_slice %arg2[%dma_wait3A_112, %dma_wait3A_113] : memref<10000x128xf32, #tpu.memory_space<hbm>> -> memref<128x128xf32, #tpu.memory_space<hbm>>
        tpu.wait_dma2 semaphore(%arg17 : memref<!tpu.dma_semaphore, #tpu.memory_space<semaphore_mem>>) src(%dma_wait3A_114 : memref<128x128xf32, #tpu.memory_space<hbm>>) dst(%arg11 : memref<128x128xf32, #tpu.memory_space<vmem>>)
        %dma_wait3A_115 = arith.constant 0 : i32
        %dma_wait3A_116 = arith.constant 0 : i32
        %dma_wait3A_117 = tpu.memref_slice %arg2[%dma_wait3A_115, %dma_wait3A_116] : memref<10000x128xf32, #tpu.memory_space<hbm>> -> memref<128x128xf32, #tpu.memory_space<hbm>>
        %dma_wait3A_118 = arith.constant 0 : i32
        %dma_wait3A_119 = arith.constant 0 : i32
        %dma_wait3A_120 = tpu.memref_slice %arg2[%dma_wait3A_118, %dma_wait3A_119] : memref<10000x128xf32, #tpu.memory_space<hbm>> -> memref<128x128xf32, #tpu.memory_space<hbm>>
        tpu.wait_dma2 semaphore(%arg17 : memref<!tpu.dma_semaphore, #tpu.memory_space<semaphore_mem>>) src(%dma_wait3A_120 : memref<128x128xf32, #tpu.memory_space<hbm>>) dst(%arg13 : memref<128x128xf32, #tpu.memory_space<vmem>>)
      } else {
      }
      %add3A_37 = arith.constant 1 : i32
      %add3A_38 = arith.addi %add3A_34, %add3A_37 : i32
      %lt3A = arith.constant 80 : i32
      %lt3A_39 = arith.cmpi slt, %add3A_38, %lt3A : i32
      %convert_element_type3A_40 = arith.extui %lt3A_39 : i1 to i32
      %cond3A_41 = arith.constant 0 : i32
      %cond3A_42 = arith.cmpi ne, %convert_element_type3A_40, %cond3A_41 : i32
      scf.if %cond3A_42 {
        %add3A_109 = arith.constant 1 : i32
        %add3A_110 = arith.addi %add3A_34, %add3A_109 : i32
        %min3A_111 = arith.constant 78 : i32
        %min3A_112 = arith.minsi %add3A_110, %min3A_111 : i32
        %mul3A_113 = arith.constant 128 : i32
        %mul3A_114 = arith.muli %min3A_112, %mul3A_113 : i32
        %dma_start3A_115 = tpu.memref_slice %arg8[%mul3A_114] : memref<10112xi32, #tpu.memory_space<vmem>> -> memref<128xi32, #tpu.memory_space<vmem>>
        %dma_start3A_116 = arith.constant 0 : i32
        %dma_start3A_117 = arith.constant 0 : i32
        %dma_start3A_118 = tpu.memref_slice %arg2[%dma_start3A_116, %dma_start3A_117] : memref<10000x128xf32, #tpu.memory_space<hbm>> -> memref<10000x128xf32, #tpu.memory_space<hbm>>
        tpu.enqueue_indirect_dma source(%dma_start3A_118 : memref<10000x128xf32, #tpu.memory_space<hbm>>) target(%arg11 : memref<128x128xf32, #tpu.memory_space<vmem>>) offsets(%dma_start3A_115 : memref<128xi32, #tpu.memory_space<vmem>>) semaphore(%arg15 : memref<!tpu.dma_semaphore, #tpu.memory_space<semaphore_mem>>)
        %dma_start3A_119 = tpu.memref_slice %arg9[%mul3A_114] : memref<10112xi32, #tpu.memory_space<vmem>> -> memref<128xi32, #tpu.memory_space<vmem>>
        %dma_start3A_120 = arith.constant 0 : i32
        %dma_start3A_121 = arith.constant 0 : i32
        %dma_start3A_122 = tpu.memref_slice %arg3[%dma_start3A_120, %dma_start3A_121] : memref<10000x128xf32, #tpu.memory_space<hbm>> -> memref<10000x128xf32, #tpu.memory_space<hbm>>
        tpu.enqueue_indirect_dma source(%dma_start3A_122 : memref<10000x128xf32, #tpu.memory_space<hbm>>) target(%arg13 : memref<128x128xf32, #tpu.memory_space<vmem>>) offsets(%dma_start3A_119 : memref<128xi32, #tpu.memory_space<vmem>>) semaphore(%arg15 : memref<!tpu.dma_semaphore, #tpu.memory_space<semaphore_mem>>)
      } else {
      }
      %dma_wait3A_43 = arith.constant 0 : i32
      %dma_wait3A_44 = arith.constant 0 : i32
      %dma_wait3A_45 = tpu.memref_slice %arg2[%dma_wait3A_43, %dma_wait3A_44] : memref<10000x128xf32, #tpu.memory_space<hbm>> -> memref<128x128xf32, #tpu.memory_space<hbm>>
      %dma_wait3A_46 = arith.constant 0 : i32
      %dma_wait3A_47 = arith.constant 0 : i32
      %dma_wait3A_48 = tpu.memref_slice %arg2[%dma_wait3A_46, %dma_wait3A_47] : memref<10000x128xf32, #tpu.memory_space<hbm>> -> memref<128x128xf32, #tpu.memory_space<hbm>>
      tpu.wait_dma2 semaphore(%arg14 : memref<!tpu.dma_semaphore, #tpu.memory_space<semaphore_mem>>) src(%dma_wait3A_48 : memref<128x128xf32, #tpu.memory_space<hbm>>) dst(%arg10 : memref<128x128xf32, #tpu.memory_space<vmem>>)
      %dma_wait3A_49 = arith.constant 0 : i32
      %dma_wait3A_50 = arith.constant 0 : i32
      %dma_wait3A_51 = tpu.memref_slice %arg2[%dma_wait3A_49, %dma_wait3A_50] : memref<10000x128xf32, #tpu.memory_space<hbm>> -> memref<128x128xf32, #tpu.memory_space<hbm>>
      %dma_wait3A_52 = arith.constant 0 : i32
      %dma_wait3A_53 = arith.constant 0 : i32
      %dma_wait3A_54 = tpu.memref_slice %arg2[%dma_wait3A_52, %dma_wait3A_53] : memref<10000x128xf32, #tpu.memory_space<hbm>> -> memref<128x128xf32, #tpu.memory_space<hbm>>
      tpu.wait_dma2 semaphore(%arg14 : memref<!tpu.dma_semaphore, #tpu.memory_space<semaphore_mem>>) src(%dma_wait3A_54 : memref<128x128xf32, #tpu.memory_space<hbm>>) dst(%arg12 : memref<128x128xf32, #tpu.memory_space<vmem>>)
      %min3A_55 = arith.constant 78 : i32
      %min3A_56 = arith.minsi %add3A_34, %min3A_55 : i32
      %mul3A_57 = arith.constant 128 : i32
      %mul3A_58 = arith.muli %min3A_56, %mul3A_57 : i32
      %add3A_59 = arith.addi %mul3A_2, %mul3A_58 : i32
      %dma_start3A_60 = arith.constant 0 : i32
      %dma_start3A_61 = tpu.memref_slice %arg6[%add3A_59, %dma_start3A_60] : memref<323584x128xf32, #tpu.memory_space<hbm>> -> memref<128x128xf32, #tpu.memory_space<hbm>>
      %dma_start3A_62 = arith.constant 0 : i32
      %dma_start3A_63 = tpu.memref_slice %arg6[%add3A_59, %dma_start3A_62] : memref<323584x128xf32, #tpu.memory_space<hbm>> -> memref<128x128xf32, #tpu.memory_space<hbm>>
      tpu.enqueue_dma source(%arg10 : memref<128x128xf32, #tpu.memory_space<vmem>>) target(%dma_start3A_63 : memref<128x128xf32, #tpu.memory_space<hbm>>) target_semaphore(%arg16 : memref<!tpu.dma_semaphore, #tpu.memory_space<semaphore_mem>>)
      %dma_start3A_64 = arith.constant 0 : i32
      %dma_start3A_65 = tpu.memref_slice %arg7[%add3A_59, %dma_start3A_64] : memref<323584x128xf32, #tpu.memory_space<hbm>> -> memref<128x128xf32, #tpu.memory_space<hbm>>
      %dma_start3A_66 = arith.constant 0 : i32
      %dma_start3A_67 = tpu.memref_slice %arg7[%add3A_59, %dma_start3A_66] : memref<323584x128xf32, #tpu.memory_space<hbm>> -> memref<128x128xf32, #tpu.memory_space<hbm>>
      tpu.enqueue_dma source(%arg12 : memref<128x128xf32, #tpu.memory_space<vmem>>) target(%dma_start3A_67 : memref<128x128xf32, #tpu.memory_space<hbm>>) target_semaphore(%arg16 : memref<!tpu.dma_semaphore, #tpu.memory_space<semaphore_mem>>)
      %mul3A_68 = arith.constant 2 : i32
      %mul3A_69 = arith.muli %mul3A_68, %scan3A_30 : i32
      %add3A_70 = arith.constant 1 : i32
      %add3A_71 = arith.addi %mul3A_69, %add3A_70 : i32
      %gt3A_72 = arith.constant 0 : i32
      %gt3A_73 = arith.cmpi sgt, %add3A_71, %gt3A_72 : i32
      %convert_element_type3A_74 = arith.extui %gt3A_73 : i1 to i32
      %cond3A_75 = arith.constant 0 : i32
      %cond3A_76 = arith.cmpi ne, %convert_element_type3A_74, %cond3A_75 : i32
      scf.if %cond3A_76 {
        %dma_wait3A_109 = arith.constant 0 : i32
        %dma_wait3A_110 = arith.constant 0 : i32
        %dma_wait3A_111 = tpu.memref_slice %arg2[%dma_wait3A_109, %dma_wait3A_110] : memref<10000x128xf32, #tpu.memory_space<hbm>> -> memref<128x128xf32, #tpu.memory_space<hbm>>
        %dma_wait3A_112 = arith.constant 0 : i32
        %dma_wait3A_113 = arith.constant 0 : i32
        %dma_wait3A_114 = tpu.memref_slice %arg2[%dma_wait3A_112, %dma_wait3A_113] : memref<10000x128xf32, #tpu.memory_space<hbm>> -> memref<128x128xf32, #tpu.memory_space<hbm>>
        tpu.wait_dma2 semaphore(%arg16 : memref<!tpu.dma_semaphore, #tpu.memory_space<semaphore_mem>>) src(%dma_wait3A_114 : memref<128x128xf32, #tpu.memory_space<hbm>>) dst(%arg10 : memref<128x128xf32, #tpu.memory_space<vmem>>)
        %dma_wait3A_115 = arith.constant 0 : i32
        %dma_wait3A_116 = arith.constant 0 : i32
        %dma_wait3A_117 = tpu.memref_slice %arg2[%dma_wait3A_115, %dma_wait3A_116] : memref<10000x128xf32, #tpu.memory_space<hbm>> -> memref<128x128xf32, #tpu.memory_space<hbm>>
        %dma_wait3A_118 = arith.constant 0 : i32
        %dma_wait3A_119 = arith.constant 0 : i32
        %dma_wait3A_120 = tpu.memref_slice %arg2[%dma_wait3A_118, %dma_wait3A_119] : memref<10000x128xf32, #tpu.memory_space<hbm>> -> memref<128x128xf32, #tpu.memory_space<hbm>>
        tpu.wait_dma2 semaphore(%arg16 : memref<!tpu.dma_semaphore, #tpu.memory_space<semaphore_mem>>) src(%dma_wait3A_120 : memref<128x128xf32, #tpu.memory_space<hbm>>) dst(%arg12 : memref<128x128xf32, #tpu.memory_space<vmem>>)
      } else {
      }
      %add3A_77 = arith.constant 1 : i32
      %add3A_78 = arith.addi %add3A_71, %add3A_77 : i32
      %lt3A_79 = arith.constant 80 : i32
      %lt3A_80 = arith.cmpi slt, %add3A_78, %lt3A_79 : i32
      %convert_element_type3A_81 = arith.extui %lt3A_80 : i1 to i32
      %cond3A_82 = arith.constant 0 : i32
      %cond3A_83 = arith.cmpi ne, %convert_element_type3A_81, %cond3A_82 : i32
      scf.if %cond3A_83 {
        %add3A_109 = arith.constant 1 : i32
        %add3A_110 = arith.addi %add3A_71, %add3A_109 : i32
        %min3A_111 = arith.constant 78 : i32
        %min3A_112 = arith.minsi %add3A_110, %min3A_111 : i32
        %mul3A_113 = arith.constant 128 : i32
        %mul3A_114 = arith.muli %min3A_112, %mul3A_113 : i32
        %dma_start3A_115 = tpu.memref_slice %arg8[%mul3A_114] : memref<10112xi32, #tpu.memory_space<vmem>> -> memref<128xi32, #tpu.memory_space<vmem>>
        %dma_start3A_116 = arith.constant 0 : i32
        %dma_start3A_117 = arith.constant 0 : i32
        %dma_start3A_118 = tpu.memref_slice %arg2[%dma_start3A_116, %dma_start3A_117] : memref<10000x128xf32, #tpu.memory_space<hbm>> -> memref<10000x128xf32, #tpu.memory_space<hbm>>
        tpu.enqueue_indirect_dma source(%dma_start3A_118 : memref<10000x128xf32, #tpu.memory_space<hbm>>) target(%arg10 : memref<128x128xf32, #tpu.memory_space<vmem>>) offsets(%dma_start3A_115 : memref<128xi32, #tpu.memory_space<vmem>>) semaphore(%arg14 : memref<!tpu.dma_semaphore, #tpu.memory_space<semaphore_mem>>)
        %dma_start3A_119 = tpu.memref_slice %arg9[%mul3A_114] : memref<10112xi32, #tpu.memory_space<vmem>> -> memref<128xi32, #tpu.memory_space<vmem>>
        %dma_start3A_120 = arith.constant 0 : i32
        %dma_start3A_121 = arith.constant 0 : i32
        %dma_start3A_122 = tpu.memref_slice %arg3[%dma_start3A_120, %dma_start3A_121] : memref<10000x128xf32, #tpu.memory_space<hbm>> -> memref<10000x128xf32, #tpu.memory_space<hbm>>
        tpu.enqueue_indirect_dma source(%dma_start3A_122 : memref<10000x128xf32, #tpu.memory_space<hbm>>) target(%arg12 : memref<128x128xf32, #tpu.memory_space<vmem>>) offsets(%dma_start3A_119 : memref<128xi32, #tpu.memory_space<vmem>>) semaphore(%arg14 : memref<!tpu.dma_semaphore, #tpu.memory_space<semaphore_mem>>)
      } else {
      }
      %dma_wait3A_84 = arith.constant 0 : i32
      %dma_wait3A_85 = arith.constant 0 : i32
      %dma_wait3A_86 = tpu.memref_slice %arg2[%dma_wait3A_84, %dma_wait3A_85] : memref<10000x128xf32, #tpu.memory_space<hbm>> -> memref<128x128xf32, #tpu.memory_space<hbm>>
      %dma_wait3A_87 = arith.constant 0 : i32
      %dma_wait3A_88 = arith.constant 0 : i32
      %dma_wait3A_89 = tpu.memref_slice %arg2[%dma_wait3A_87, %dma_wait3A_88] : memref<10000x128xf32, #tpu.memory_space<hbm>> -> memref<128x128xf32, #tpu.memory_space<hbm>>
      tpu.wait_dma2 semaphore(%arg15 : memref<!tpu.dma_semaphore, #tpu.memory_space<semaphore_mem>>) src(%dma_wait3A_89 : memref<128x128xf32, #tpu.memory_space<hbm>>) dst(%arg11 : memref<128x128xf32, #tpu.memory_space<vmem>>)
      %dma_wait3A_90 = arith.constant 0 : i32
      %dma_wait3A_91 = arith.constant 0 : i32
      %dma_wait3A_92 = tpu.memref_slice %arg2[%dma_wait3A_90, %dma_wait3A_91] : memref<10000x128xf32, #tpu.memory_space<hbm>> -> memref<128x128xf32, #tpu.memory_space<hbm>>
      %dma_wait3A_93 = arith.constant 0 : i32
      %dma_wait3A_94 = arith.constant 0 : i32
      %dma_wait3A_95 = tpu.memref_slice %arg2[%dma_wait3A_93, %dma_wait3A_94] : memref<10000x128xf32, #tpu.memory_space<hbm>> -> memref<128x128xf32, #tpu.memory_space<hbm>>
      tpu.wait_dma2 semaphore(%arg15 : memref<!tpu.dma_semaphore, #tpu.memory_space<semaphore_mem>>) src(%dma_wait3A_95 : memref<128x128xf32, #tpu.memory_space<hbm>>) dst(%arg13 : memref<128x128xf32, #tpu.memory_space<vmem>>)
      %min3A_96 = arith.constant 78 : i32
      %min3A_97 = arith.minsi %add3A_71, %min3A_96 : i32
      %mul3A_98 = arith.constant 128 : i32
      %mul3A_99 = arith.muli %min3A_97, %mul3A_98 : i32
      %add3A_100 = arith.addi %mul3A_2, %mul3A_99 : i32
      %dma_start3A_101 = arith.constant 0 : i32
      %dma_start3A_102 = tpu.memref_slice %arg6[%add3A_100, %dma_start3A_101] : memref<323584x128xf32, #tpu.memory_space<hbm>> -> memref<128x128xf32, #tpu.memory_space<hbm>>
      %dma_start3A_103 = arith.constant 0 : i32
      %dma_start3A_104 = tpu.memref_slice %arg6[%add3A_100, %dma_start3A_103] : memref<323584x128xf32, #tpu.memory_space<hbm>> -> memref<128x128xf32, #tpu.memory_space<hbm>>
      tpu.enqueue_dma source(%arg11 : memref<128x128xf32, #tpu.memory_space<vmem>>) target(%dma_start3A_104 : memref<128x128xf32, #tpu.memory_space<hbm>>) target_semaphore(%arg17 : memref<!tpu.dma_semaphore, #tpu.memory_space<semaphore_mem>>)
      %dma_start3A_105 = arith.constant 0 : i32
      %dma_start3A_106 = tpu.memref_slice %arg7[%add3A_100, %dma_start3A_105] : memref<323584x128xf32, #tpu.memory_space<hbm>> -> memref<128x128xf32, #tpu.memory_space<hbm>>
      %dma_start3A_107 = arith.constant 0 : i32
      %dma_start3A_108 = tpu.memref_slice %arg7[%add3A_100, %dma_start3A_107] : memref<323584x128xf32, #tpu.memory_space<hbm>> -> memref<128x128xf32, #tpu.memory_space<hbm>>
      tpu.enqueue_dma source(%arg13 : memref<128x128xf32, #tpu.memory_space<vmem>>) target(%dma_start3A_108 : memref<128x128xf32, #tpu.memory_space<hbm>>) target_semaphore(%arg17 : memref<!tpu.dma_semaphore, #tpu.memory_space<semaphore_mem>>)
    }
    %scan3A_18 = arith.constant 40 : i32
    %dma_wait3A = arith.constant 0 : i32
    %dma_wait3A_19 = arith.constant 0 : i32
    %dma_wait3A_20 = tpu.memref_slice %arg2[%dma_wait3A, %dma_wait3A_19] : memref<10000x128xf32, #tpu.memory_space<hbm>> -> memref<128x128xf32, #tpu.memory_space<hbm>>
    %dma_wait3A_21 = arith.constant 0 : i32
    %dma_wait3A_22 = arith.constant 0 : i32
    %dma_wait3A_23 = tpu.memref_slice %arg2[%dma_wait3A_21, %dma_wait3A_22] : memref<10000x128xf32, #tpu.memory_space<hbm>> -> memref<128x128xf32, #tpu.memory_space<hbm>>
    tpu.wait_dma2 semaphore(%arg17 : memref<!tpu.dma_semaphore, #tpu.memory_space<semaphore_mem>>) src(%dma_wait3A_23 : memref<128x128xf32, #tpu.memory_space<hbm>>) dst(%arg11 : memref<128x128xf32, #tpu.memory_space<vmem>>)
    %dma_wait3A_24 = arith.constant 0 : i32
    %dma_wait3A_25 = arith.constant 0 : i32
    %dma_wait3A_26 = tpu.memref_slice %arg2[%dma_wait3A_24, %dma_wait3A_25] : memref<10000x128xf32, #tpu.memory_space<hbm>> -> memref<128x128xf32, #tpu.memory_space<hbm>>
    %dma_wait3A_27 = arith.constant 0 : i32
    %dma_wait3A_28 = arith.constant 0 : i32
    %dma_wait3A_29 = tpu.memref_slice %arg2[%dma_wait3A_27, %dma_wait3A_28] : memref<10000x128xf32, #tpu.memory_space<hbm>> -> memref<128x128xf32, #tpu.memory_space<hbm>>
    tpu.wait_dma2 semaphore(%arg17 : memref<!tpu.dma_semaphore, #tpu.memory_space<semaphore_mem>>) src(%dma_wait3A_29 : memref<128x128xf32, #tpu.memory_space<hbm>>) dst(%arg13 : memref<128x128xf32, #tpu.memory_space<vmem>>)
    return
  }
}

#map = affine_map<(d0, d1) -> (0, 0)>
#map1 = affine_map<(d0, d1) -> (0, 0, 0)>
module attributes {stable_mosaic.version = 14 : i64} {
  func.func @_sc_scatter_body(%arg0: i32, %arg1: i32, %arg2: memref<323584x128xf32, #tpu.memory_space<hbm>>, %arg3: memref<32x80x128xi32, #tpu.memory_space<hbm>>, %arg4: memref<10240x128xf32, #tpu.memory_space<hbm>>, %arg5: memref<2x10240x128xf32, #tpu.memory_space<hbm>>, %arg6: memref<80x128xi32, #tpu.memory_space<vmem>>, %arg7: memref<128x128xf32, #tpu.memory_space<vmem>>, %arg8: memref<128x128xf32, #tpu.memory_space<vmem>>, %arg9: memref<!tpu.dma_semaphore, #tpu.memory_space<semaphore_mem>>, %arg10: memref<!tpu.dma_semaphore, #tpu.memory_space<semaphore_mem>>, %arg11: memref<10240x128xf32, #tpu.memory_space<vmem_shared>>) attributes {dimension_semantics = [#tpu.dimension_semantics<core_parallel>, #tpu.dimension_semantics<subcore_parallel>], iteration_bounds = array<i64: 2, 16>, scalar_prefetch = 0 : i64, scratch_operands = 6 : i64, tpu.core_type = #tpu.core_type<sc_vector_subcore>, window_params = [{transform_indices = #map}, {transform_indices = #map1}, {transform_indices = #map}, {transform_indices = #map1}]} {
    %mul3A = arith.constant 2 : i32
    %mul3A_0 = arith.muli %arg1, %mul3A : i32
    %add3A = arith.addi %mul3A_0, %arg0 : i32
    %mul3A_1 = arith.constant 640 : i32
    %mul3A_2 = arith.muli %arg1, %mul3A_1 : i32
    "tpu.region"() ({
      %run_scoped3A = tpu.sem_alloc : memref<!tpu.dma_semaphore, #tpu.memory_space<semaphore_mem>>
      %dma_start3A_19 = arith.constant 0 : i32
      %dma_start3A_20 = tpu.memref_slice %arg11[%mul3A_2, %dma_start3A_19] : memref<10240x128xf32, #tpu.memory_space<vmem_shared>> -> memref<640x128xf32, #tpu.memory_space<vmem_shared>>
      %dma_start3A_21 = arith.constant 0 : i32
      %dma_start3A_22 = tpu.memref_slice %arg4[%mul3A_2, %dma_start3A_21] : memref<10240x128xf32, #tpu.memory_space<hbm>> -> memref<640x128xf32, #tpu.memory_space<hbm>>
      tpu.enqueue_dma source(%dma_start3A_22 : memref<640x128xf32, #tpu.memory_space<hbm>>) target(%dma_start3A_20 : memref<640x128xf32, #tpu.memory_space<vmem_shared>>) target_semaphore(%run_scoped3A : memref<!tpu.dma_semaphore, #tpu.memory_space<semaphore_mem>>)
      %dma_wait3A = arith.constant 0 : i32
      %dma_wait3A_23 = tpu.memref_slice %arg11[%mul3A_2, %dma_wait3A] : memref<10240x128xf32, #tpu.memory_space<vmem_shared>> -> memref<640x128xf32, #tpu.memory_space<vmem_shared>>
      %dma_wait3A_24 = arith.constant 0 : i32
      %dma_wait3A_25 = tpu.memref_slice %arg4[%mul3A_2, %dma_wait3A_24] : memref<10240x128xf32, #tpu.memory_space<hbm>> -> memref<640x128xf32, #tpu.memory_space<hbm>>
      tpu.wait_dma2 semaphore(%run_scoped3A : memref<!tpu.dma_semaphore, #tpu.memory_space<semaphore_mem>>) src(%dma_wait3A_25 : memref<640x128xf32, #tpu.memory_space<hbm>>) dst(%dma_wait3A_23 : memref<640x128xf32, #tpu.memory_space<vmem_shared>>)
      tpu.yield
    }) : () -> ()
    "tpu.region"() ({
      %run_scoped3A = tpu.sem_alloc : memref<!tpu.dma_semaphore, #tpu.memory_space<semaphore_mem>>
      %dma_start3A_19 = arith.constant 0 : i32
      %dma_start3A_20 = arith.constant 0 : i32
      %dma_start3A_21 = tpu.memref_slice %arg3[%add3A, %dma_start3A_19, %dma_start3A_20] : memref<32x80x128xi32, #tpu.memory_space<hbm>> -> memref<1x80x128xi32, #tpu.memory_space<hbm>>
      %dma_start3A_22 = tpu.memref_squeeze %dma_start3A_21 : memref<1x80x128xi32, #tpu.memory_space<hbm>> -> memref<80x128xi32, #tpu.memory_space<hbm>>
      %dma_start3A_23 = arith.constant 0 : i32
      %dma_start3A_24 = arith.constant 0 : i32
      %dma_start3A_25 = tpu.memref_slice %arg3[%add3A, %dma_start3A_23, %dma_start3A_24] : memref<32x80x128xi32, #tpu.memory_space<hbm>> -> memref<1x80x128xi32, #tpu.memory_space<hbm>>
      %dma_start3A_26 = tpu.memref_squeeze %dma_start3A_25 : memref<1x80x128xi32, #tpu.memory_space<hbm>> -> memref<80x128xi32, #tpu.memory_space<hbm>>
      tpu.enqueue_dma source(%dma_start3A_26 : memref<80x128xi32, #tpu.memory_space<hbm>>) target(%arg6 : memref<80x128xi32, #tpu.memory_space<vmem>>) target_semaphore(%run_scoped3A : memref<!tpu.dma_semaphore, #tpu.memory_space<semaphore_mem>>)
      %dma_wait3A = arith.constant 0 : i32
      %dma_wait3A_27 = arith.constant 0 : i32
      %dma_wait3A_28 = tpu.memref_slice %arg3[%add3A, %dma_wait3A, %dma_wait3A_27] : memref<32x80x128xi32, #tpu.memory_space<hbm>> -> memref<1x80x128xi32, #tpu.memory_space<hbm>>
      %dma_wait3A_29 = tpu.memref_squeeze %dma_wait3A_28 : memref<1x80x128xi32, #tpu.memory_space<hbm>> -> memref<80x128xi32, #tpu.memory_space<hbm>>
      %dma_wait3A_30 = arith.constant 0 : i32
      %dma_wait3A_31 = arith.constant 0 : i32
      %dma_wait3A_32 = tpu.memref_slice %arg3[%add3A, %dma_wait3A_30, %dma_wait3A_31] : memref<32x80x128xi32, #tpu.memory_space<hbm>> -> memref<1x80x128xi32, #tpu.memory_space<hbm>>
      %dma_wait3A_33 = tpu.memref_squeeze %dma_wait3A_32 : memref<1x80x128xi32, #tpu.memory_space<hbm>> -> memref<80x128xi32, #tpu.memory_space<hbm>>
      tpu.wait_dma2 semaphore(%run_scoped3A : memref<!tpu.dma_semaphore, #tpu.memory_space<semaphore_mem>>) src(%dma_wait3A_33 : memref<80x128xi32, #tpu.memory_space<hbm>>) dst(%arg6 : memref<80x128xi32, #tpu.memory_space<vmem>>)
      tpu.yield
    }) : () -> ()
    %barrier3A = arith.constant 0 : index
    tpu.barrier barrier_id(%barrier3A)
    %mul3A_3 = arith.constant 10112 : i32
    %mul3A_4 = arith.muli %add3A, %mul3A_3 : i32
    %min3A = arith.constant 0 : i32
    %min3A_5 = arith.constant 78 : i32
    %min3A_6 = arith.minsi %min3A, %min3A_5 : i32
    %mul3A_7 = arith.constant 128 : i32
    %mul3A_8 = arith.muli %min3A_6, %mul3A_7 : i32
    %add3A_9 = arith.addi %mul3A_4, %mul3A_8 : i32
    %dma_start3A = arith.constant 0 : i32
    %dma_start3A_10 = tpu.memref_slice %arg2[%add3A_9, %dma_start3A] : memref<323584x128xf32, #tpu.memory_space<hbm>> -> memref<128x128xf32, #tpu.memory_space<hbm>>
    %dma_start3A_11 = arith.constant 0 : i32
    %dma_start3A_12 = tpu.memref_slice %arg2[%add3A_9, %dma_start3A_11] : memref<323584x128xf32, #tpu.memory_space<hbm>> -> memref<128x128xf32, #tpu.memory_space<hbm>>
    tpu.enqueue_dma source(%dma_start3A_12 : memref<128x128xf32, #tpu.memory_space<hbm>>) target(%arg7 : memref<128x128xf32, #tpu.memory_space<vmem>>) target_semaphore(%arg9 : memref<!tpu.dma_semaphore, #tpu.memory_space<semaphore_mem>>)
    %scan3A = arith.constant 0 : i32
    %scan3A_13 = arith.constant 0 : i32
    %scan3A_14 = arith.constant 40 : i32
    %scan3A_15 = arith.addi %scan3A_13, %scan3A_14 : i32
    %scan3A_16 = arith.constant 1 : i32
    scf.for %scan3A_19 = %scan3A_13 to %scan3A_15 step %scan3A_16  : i32 {
      %mul3A_20 = arith.constant 2 : i32
      %mul3A_21 = arith.muli %mul3A_20, %scan3A_19 : i32
      %add3A_22 = arith.constant 0 : i32
      %add3A_23 = arith.addi %mul3A_21, %add3A_22 : i32
      %add3A_24 = arith.constant 1 : i32
      %add3A_25 = arith.addi %add3A_23, %add3A_24 : i32
      %lt3A = arith.constant 80 : i32
      %lt3A_26 = arith.cmpi slt, %add3A_25, %lt3A : i32
      %convert_element_type3A = arith.extui %lt3A_26 : i1 to i32
      %cond3A = arith.constant 0 : i32
      %cond3A_27 = arith.cmpi ne, %convert_element_type3A, %cond3A : i32
      scf.if %cond3A_27 {
        %add3A_50 = arith.constant 1 : i32
        %add3A_51 = arith.addi %add3A_23, %add3A_50 : i32
        %min3A_52 = arith.constant 78 : i32
        %min3A_53 = arith.minsi %add3A_51, %min3A_52 : i32
        %mul3A_54 = arith.constant 128 : i32
        %mul3A_55 = arith.muli %min3A_53, %mul3A_54 : i32
        %add3A_56 = arith.addi %mul3A_4, %mul3A_55 : i32
        %dma_start3A_57 = arith.constant 0 : i32
        %dma_start3A_58 = tpu.memref_slice %arg2[%add3A_56, %dma_start3A_57] : memref<323584x128xf32, #tpu.memory_space<hbm>> -> memref<128x128xf32, #tpu.memory_space<hbm>>
        %dma_start3A_59 = arith.constant 0 : i32
        %dma_start3A_60 = tpu.memref_slice %arg2[%add3A_56, %dma_start3A_59] : memref<323584x128xf32, #tpu.memory_space<hbm>> -> memref<128x128xf32, #tpu.memory_space<hbm>>
        tpu.enqueue_dma source(%dma_start3A_60 : memref<128x128xf32, #tpu.memory_space<hbm>>) target(%arg8 : memref<128x128xf32, #tpu.memory_space<vmem>>) target_semaphore(%arg10 : memref<!tpu.dma_semaphore, #tpu.memory_space<semaphore_mem>>)
      } else {
      }
      %dma_wait3A = arith.constant 0 : i32
      %dma_wait3A_28 = arith.constant 0 : i32
      %dma_wait3A_29 = tpu.memref_slice %arg2[%dma_wait3A, %dma_wait3A_28] : memref<323584x128xf32, #tpu.memory_space<hbm>> -> memref<128x128xf32, #tpu.memory_space<hbm>>
      %dma_wait3A_30 = arith.constant 0 : i32
      %dma_wait3A_31 = arith.constant 0 : i32
      %dma_wait3A_32 = tpu.memref_slice %arg2[%dma_wait3A_30, %dma_wait3A_31] : memref<323584x128xf32, #tpu.memory_space<hbm>> -> memref<128x128xf32, #tpu.memory_space<hbm>>
      tpu.wait_dma2 semaphore(%arg9 : memref<!tpu.dma_semaphore, #tpu.memory_space<semaphore_mem>>) src(%dma_wait3A_32 : memref<128x128xf32, #tpu.memory_space<hbm>>) dst(%arg7 : memref<128x128xf32, #tpu.memory_space<vmem>>)
      "tpu.region"() ({
        %run_scoped3A = tpu.sem_alloc : memref<!tpu.dma_semaphore, #tpu.memory_space<semaphore_mem>>
        %dma_start3A_50 = arith.constant 0 : i32
        %dma_start3A_51 = tpu.memref_slice %arg6[%add3A_23, %dma_start3A_50] : memref<80x128xi32, #tpu.memory_space<vmem>> -> memref<1x128xi32, #tpu.memory_space<vmem>>
        %dma_start3A_52 = tpu.memref_squeeze %dma_start3A_51 : memref<1x128xi32, #tpu.memory_space<vmem>> -> memref<128xi32, #tpu.memory_space<vmem>>
        %dma_start3A_53 = arith.constant 0 : i32
        %dma_start3A_54 = arith.constant 0 : i32
        %dma_start3A_55 = tpu.memref_slice %arg11[%dma_start3A_53, %dma_start3A_54] : memref<10240x128xf32, #tpu.memory_space<vmem_shared>> -> memref<10240x128xf32, #tpu.memory_space<vmem_shared>>
        tpu.enqueue_indirect_dma source(%arg7 : memref<128x128xf32, #tpu.memory_space<vmem>>) target(%dma_start3A_55 : memref<10240x128xf32, #tpu.memory_space<vmem_shared>>) offsets(%dma_start3A_52 : memref<128xi32, #tpu.memory_space<vmem>>) semaphore(%run_scoped3A : memref<!tpu.dma_semaphore, #tpu.memory_space<semaphore_mem>>) {add = true}
        %dma_wait3A_56 = arith.constant 0 : i32
        %dma_wait3A_57 = tpu.memref_slice %arg6[%add3A_23, %dma_wait3A_56] : memref<80x128xi32, #tpu.memory_space<vmem>> -> memref<1x128xi32, #tpu.memory_space<vmem>>
        %dma_wait3A_58 = tpu.memref_squeeze %dma_wait3A_57 : memref<1x128xi32, #tpu.memory_space<vmem>> -> memref<128xi32, #tpu.memory_space<vmem>>
        %dma_wait3A_59 = arith.constant 0 : i32
        %dma_wait3A_60 = arith.constant 0 : i32
        %dma_wait3A_61 = tpu.memref_slice %arg11[%dma_wait3A_59, %dma_wait3A_60] : memref<10240x128xf32, #tpu.memory_space<vmem_shared>> -> memref<10240x128xf32, #tpu.memory_space<vmem_shared>>
        tpu.wait_indirect_dma semaphore(%run_scoped3A : memref<!tpu.dma_semaphore, #tpu.memory_space<semaphore_mem>>) src(%arg7 : memref<128x128xf32, #tpu.memory_space<vmem>>) dst(%dma_wait3A_61 : memref<10240x128xf32, #tpu.memory_space<vmem_shared>>)
        tpu.yield
      }) : () -> ()
      %mul3A_33 = arith.constant 2 : i32
      %mul3A_34 = arith.muli %mul3A_33, %scan3A_19 : i32
      %add3A_35 = arith.constant 1 : i32
      %add3A_36 = arith.addi %mul3A_34, %add3A_35 : i32
      %add3A_37 = arith.constant 1 : i32
      %add3A_38 = arith.addi %add3A_36, %add3A_37 : i32
      %lt3A_39 = arith.constant 80 : i32
      %lt3A_40 = arith.cmpi slt, %add3A_38, %lt3A_39 : i32
      %convert_element_type3A_41 = arith.extui %lt3A_40 : i1 to i32
      %cond3A_42 = arith.constant 0 : i32
      %cond3A_43 = arith.cmpi ne, %convert_element_type3A_41, %cond3A_42 : i32
      scf.if %cond3A_43 {
        %add3A_50 = arith.constant 1 : i32
        %add3A_51 = arith.addi %add3A_36, %add3A_50 : i32
        %min3A_52 = arith.constant 78 : i32
        %min3A_53 = arith.minsi %add3A_51, %min3A_52 : i32
        %mul3A_54 = arith.constant 128 : i32
        %mul3A_55 = arith.muli %min3A_53, %mul3A_54 : i32
        %add3A_56 = arith.addi %mul3A_4, %mul3A_55 : i32
        %dma_start3A_57 = arith.constant 0 : i32
        %dma_start3A_58 = tpu.memref_slice %arg2[%add3A_56, %dma_start3A_57] : memref<323584x128xf32, #tpu.memory_space<hbm>> -> memref<128x128xf32, #tpu.memory_space<hbm>>
        %dma_start3A_59 = arith.constant 0 : i32
        %dma_start3A_60 = tpu.memref_slice %arg2[%add3A_56, %dma_start3A_59] : memref<323584x128xf32, #tpu.memory_space<hbm>> -> memref<128x128xf32, #tpu.memory_space<hbm>>
        tpu.enqueue_dma source(%dma_start3A_60 : memref<128x128xf32, #tpu.memory_space<hbm>>) target(%arg7 : memref<128x128xf32, #tpu.memory_space<vmem>>) target_semaphore(%arg9 : memref<!tpu.dma_semaphore, #tpu.memory_space<semaphore_mem>>)
      } else {
      }
      %dma_wait3A_44 = arith.constant 0 : i32
      %dma_wait3A_45 = arith.constant 0 : i32
      %dma_wait3A_46 = tpu.memref_slice %arg2[%dma_wait3A_44, %dma_wait3A_45] : memref<323584x128xf32, #tpu.memory_space<hbm>> -> memref<128x128xf32, #tpu.memory_space<hbm>>
      %dma_wait3A_47 = arith.constant 0 : i32
      %dma_wait3A_48 = arith.constant 0 : i32
      %dma_wait3A_49 = tpu.memref_slice %arg2[%dma_wait3A_47, %dma_wait3A_48] : memref<323584x128xf32, #tpu.memory_space<hbm>> -> memref<128x128xf32, #tpu.memory_space<hbm>>
      tpu.wait_dma2 semaphore(%arg10 : memref<!tpu.dma_semaphore, #tpu.memory_space<semaphore_mem>>) src(%dma_wait3A_49 : memref<128x128xf32, #tpu.memory_space<hbm>>) dst(%arg8 : memref<128x128xf32, #tpu.memory_space<vmem>>)
      "tpu.region"() ({
        %run_scoped3A = tpu.sem_alloc : memref<!tpu.dma_semaphore, #tpu.memory_space<semaphore_mem>>
        %dma_start3A_50 = arith.constant 0 : i32
        %dma_start3A_51 = tpu.memref_slice %arg6[%add3A_36, %dma_start3A_50] : memref<80x128xi32, #tpu.memory_space<vmem>> -> memref<1x128xi32, #tpu.memory_space<vmem>>
        %dma_start3A_52 = tpu.memref_squeeze %dma_start3A_51 : memref<1x128xi32, #tpu.memory_space<vmem>> -> memref<128xi32, #tpu.memory_space<vmem>>
        %dma_start3A_53 = arith.constant 0 : i32
        %dma_start3A_54 = arith.constant 0 : i32
        %dma_start3A_55 = tpu.memref_slice %arg11[%dma_start3A_53, %dma_start3A_54] : memref<10240x128xf32, #tpu.memory_space<vmem_shared>> -> memref<10240x128xf32, #tpu.memory_space<vmem_shared>>
        tpu.enqueue_indirect_dma source(%arg8 : memref<128x128xf32, #tpu.memory_space<vmem>>) target(%dma_start3A_55 : memref<10240x128xf32, #tpu.memory_space<vmem_shared>>) offsets(%dma_start3A_52 : memref<128xi32, #tpu.memory_space<vmem>>) semaphore(%run_scoped3A : memref<!tpu.dma_semaphore, #tpu.memory_space<semaphore_mem>>) {add = true}
        %dma_wait3A_56 = arith.constant 0 : i32
        %dma_wait3A_57 = tpu.memref_slice %arg6[%add3A_36, %dma_wait3A_56] : memref<80x128xi32, #tpu.memory_space<vmem>> -> memref<1x128xi32, #tpu.memory_space<vmem>>
        %dma_wait3A_58 = tpu.memref_squeeze %dma_wait3A_57 : memref<1x128xi32, #tpu.memory_space<vmem>> -> memref<128xi32, #tpu.memory_space<vmem>>
        %dma_wait3A_59 = arith.constant 0 : i32
        %dma_wait3A_60 = arith.constant 0 : i32
        %dma_wait3A_61 = tpu.memref_slice %arg11[%dma_wait3A_59, %dma_wait3A_60] : memref<10240x128xf32, #tpu.memory_space<vmem_shared>> -> memref<10240x128xf32, #tpu.memory_space<vmem_shared>>
        tpu.wait_indirect_dma semaphore(%run_scoped3A : memref<!tpu.dma_semaphore, #tpu.memory_space<semaphore_mem>>) src(%arg8 : memref<128x128xf32, #tpu.memory_space<vmem>>) dst(%dma_wait3A_61 : memref<10240x128xf32, #tpu.memory_space<vmem_shared>>)
        tpu.yield
      }) : () -> ()
    }
    %scan3A_17 = arith.constant 40 : i32
    %barrier3A_18 = arith.constant 0 : index
    tpu.barrier barrier_id(%barrier3A_18)
    "tpu.region"() ({
      %run_scoped3A = tpu.sem_alloc : memref<!tpu.dma_semaphore, #tpu.memory_space<semaphore_mem>>
      %dma_start3A_19 = arith.constant 0 : i32
      %dma_start3A_20 = arith.constant 0 : i32
      %dma_start3A_21 = tpu.memref_slice %arg5[%arg0, %dma_start3A_19, %dma_start3A_20] : memref<2x10240x128xf32, #tpu.memory_space<hbm>> -> memref<1x10240x128xf32, #tpu.memory_space<hbm>>
      %dma_start3A_22 = tpu.memref_squeeze %dma_start3A_21 : memref<1x10240x128xf32, #tpu.memory_space<hbm>> -> memref<10240x128xf32, #tpu.memory_space<hbm>>
      %dma_start3A_23 = arith.constant 0 : i32
      %dma_start3A_24 = tpu.memref_slice %dma_start3A_22[%mul3A_2, %dma_start3A_23] : memref<10240x128xf32, #tpu.memory_space<hbm>> -> memref<640x128xf32, #tpu.memory_space<hbm>>
      %dma_start3A_25 = arith.constant 0 : i32
      %dma_start3A_26 = tpu.memref_slice %arg11[%mul3A_2, %dma_start3A_25] : memref<10240x128xf32, #tpu.memory_space<vmem_shared>> -> memref<640x128xf32, #tpu.memory_space<vmem_shared>>
      tpu.enqueue_dma source(%dma_start3A_26 : memref<640x128xf32, #tpu.memory_space<vmem_shared>>) target(%dma_start3A_24 : memref<640x128xf32, #tpu.memory_space<hbm>>) target_semaphore(%run_scoped3A : memref<!tpu.dma_semaphore, #tpu.memory_space<semaphore_mem>>)
      %dma_wait3A = arith.constant 0 : i32
      %dma_wait3A_27 = arith.constant 0 : i32
      %dma_wait3A_28 = tpu.memref_slice %arg5[%arg0, %dma_wait3A, %dma_wait3A_27] : memref<2x10240x128xf32, #tpu.memory_space<hbm>> -> memref<1x10240x128xf32, #tpu.memory_space<hbm>>
      %dma_wait3A_29 = tpu.memref_squeeze %dma_wait3A_28 : memref<1x10240x128xf32, #tpu.memory_space<hbm>> -> memref<10240x128xf32, #tpu.memory_space<hbm>>
      %dma_wait3A_30 = arith.constant 0 : i32
      %dma_wait3A_31 = tpu.memref_slice %dma_wait3A_29[%mul3A_2, %dma_wait3A_30] : memref<10240x128xf32, #tpu.memory_space<hbm>> -> memref<640x128xf32, #tpu.memory_space<hbm>>
      %dma_wait3A_32 = arith.constant 0 : i32
      %dma_wait3A_33 = tpu.memref_slice %arg11[%mul3A_2, %dma_wait3A_32] : memref<10240x128xf32, #tpu.memory_space<vmem_shared>> -> memref<640x128xf32, #tpu.memory_space<vmem_shared>>
      tpu.wait_dma2 semaphore(%run_scoped3A : memref<!tpu.dma_semaphore, #tpu.memory_space<semaphore_mem>>) src(%dma_wait3A_33 : memref<640x128xf32, #tpu.memory_space<vmem_shared>>) dst(%dma_wait3A_31 : memref<640x128xf32, #tpu.memory_space<hbm>>)
      tpu.yield
    }) : () -> ()
    return
  }
}

module attributes {stable_mosaic.version = 14 : i64} {
  func.func @_encoder_body(%arg0: i32, %arg1: memref<2000x4xf32, #tpu.memory_space<vmem>>, %arg2: memref<4x128xf32, #tpu.memory_space<vmem>>, %arg3: memref<1x128xf32, #tpu.memory_space<vmem>>, %arg4: memref<128x128xf32, #tpu.memory_space<vmem>>, %arg5: memref<1x128xf32, #tpu.memory_space<vmem>>, %arg6: memref<2000x128xf32, #tpu.memory_space<vmem>>) attributes {dimension_semantics = [#tpu.dimension_semantics<arbitrary>], iteration_bounds = array<i64: 5>, scalar_prefetch = 0 : i64, scratch_operands = 0 : i64, tpu.core_type = #tpu.core_type<tc>, window_params = [{transform_indices = @transform_0, window_bounds = array<i64: 2000, 4>}, {pipeline_mode = #tpu.pipeline_mode<synchronous>, transform_indices = @transform_1, window_bounds = array<i64: 4, 128>}, {pipeline_mode = #tpu.pipeline_mode<synchronous>, transform_indices = @transform_2, window_bounds = array<i64: 1, 128>}, {pipeline_mode = #tpu.pipeline_mode<synchronous>, transform_indices = @transform_3, window_bounds = array<i64: 128, 128>}, {pipeline_mode = #tpu.pipeline_mode<synchronous>, transform_indices = @transform_4, window_bounds = array<i64: 1, 128>}, {transform_indices = @transform_5, window_bounds = array<i64: 2000, 128>}]} {
    %get3A = arith.constant 0 : index
    %get3A_0 = arith.constant 0 : index
    %get3A_1 = vector.load %arg3[%get3A, %get3A_0] : memref<1x128xf32, #tpu.memory_space<vmem>>, vector<1x128xf32>
    %broadcast_in_dim3A = arith.constant 1.000000e+00 : f32
    %broadcast_in_dim3A_2 = vector.broadcast %broadcast_in_dim3A : f32 to vector<2000x1xf32>
    %mul3A = vector.broadcast %get3A_1 : vector<1x128xf32> to vector<2000x128xf32>
    %mul3A_3 = vector.broadcast %broadcast_in_dim3A_2 : vector<2000x1xf32> to vector<2000x128xf32>
    %mul3A_4 = arith.mulf %mul3A, %mul3A_3 : vector<2000x128xf32>
    %get3A_5 = arith.constant 0 : index
    %get3A_6 = arith.constant 0 : index
    %get3A_7 = vector.load %arg1[%get3A_5, %get3A_6] : memref<2000x4xf32, #tpu.memory_space<vmem>>, vector<2000x1xf32>
    %convert_element_type3A = arith.truncf %get3A_7 : vector<2000x1xf32> to vector<2000x1xbf16>
    %get3A_8 = arith.constant 0 : index
    %get3A_9 = arith.constant 0 : index
    %get3A_10 = vector.load %arg2[%get3A_8, %get3A_9] : memref<4x128xf32, #tpu.memory_space<vmem>>, vector<1x128xf32>
    %convert_element_type3A_11 = arith.truncf %get3A_10 : vector<1x128xf32> to vector<1x128xbf16>
    %mul3A_12 = vector.broadcast %convert_element_type3A : vector<2000x1xbf16> to vector<2000x128xbf16>
    %mul3A_13 = vector.broadcast %convert_element_type3A_11 : vector<1x128xbf16> to vector<2000x128xbf16>
    %mul3A_14 = arith.mulf %mul3A_12, %mul3A_13 : vector<2000x128xbf16>
    %convert_element_type3A_15 = arith.extf %mul3A_14 : vector<2000x128xbf16> to vector<2000x128xf32>
    %add3A = arith.addf %mul3A_4, %convert_element_type3A_15 : vector<2000x128xf32>
    %get3A_16 = arith.constant 0 : index
    %get3A_17 = arith.constant 1 : index
    %get3A_18 = vector.load %arg1[%get3A_16, %get3A_17] : memref<2000x4xf32, #tpu.memory_space<vmem>>, vector<2000x1xf32>
    %convert_element_type3A_19 = arith.truncf %get3A_18 : vector<2000x1xf32> to vector<2000x1xbf16>
    %get3A_20 = arith.constant 1 : index
    %get3A_21 = arith.constant 0 : index
    %get3A_22 = vector.load %arg2[%get3A_20, %get3A_21] : memref<4x128xf32, #tpu.memory_space<vmem>>, vector<1x128xf32>
    %convert_element_type3A_23 = arith.truncf %get3A_22 : vector<1x128xf32> to vector<1x128xbf16>
    %mul3A_24 = vector.broadcast %convert_element_type3A_19 : vector<2000x1xbf16> to vector<2000x128xbf16>
    %mul3A_25 = vector.broadcast %convert_element_type3A_23 : vector<1x128xbf16> to vector<2000x128xbf16>
    %mul3A_26 = arith.mulf %mul3A_24, %mul3A_25 : vector<2000x128xbf16>
    %convert_element_type3A_27 = arith.extf %mul3A_26 : vector<2000x128xbf16> to vector<2000x128xf32>
    %add3A_28 = arith.addf %add3A, %convert_element_type3A_27 : vector<2000x128xf32>
    %get3A_29 = arith.constant 0 : index
    %get3A_30 = arith.constant 2 : index
    %get3A_31 = vector.load %arg1[%get3A_29, %get3A_30] : memref<2000x4xf32, #tpu.memory_space<vmem>>, vector<2000x1xf32>
    %convert_element_type3A_32 = arith.truncf %get3A_31 : vector<2000x1xf32> to vector<2000x1xbf16>
    %get3A_33 = arith.constant 2 : index
    %get3A_34 = arith.constant 0 : index
    %get3A_35 = vector.load %arg2[%get3A_33, %get3A_34] : memref<4x128xf32, #tpu.memory_space<vmem>>, vector<1x128xf32>
    %convert_element_type3A_36 = arith.truncf %get3A_35 : vector<1x128xf32> to vector<1x128xbf16>
    %mul3A_37 = vector.broadcast %convert_element_type3A_32 : vector<2000x1xbf16> to vector<2000x128xbf16>
    %mul3A_38 = vector.broadcast %convert_element_type3A_36 : vector<1x128xbf16> to vector<2000x128xbf16>
    %mul3A_39 = arith.mulf %mul3A_37, %mul3A_38 : vector<2000x128xbf16>
    %convert_element_type3A_40 = arith.extf %mul3A_39 : vector<2000x128xbf16> to vector<2000x128xf32>
    %add3A_41 = arith.addf %add3A_28, %convert_element_type3A_40 : vector<2000x128xf32>
    %get3A_42 = arith.constant 0 : index
    %get3A_43 = arith.constant 3 : index
    %get3A_44 = vector.load %arg1[%get3A_42, %get3A_43] : memref<2000x4xf32, #tpu.memory_space<vmem>>, vector<2000x1xf32>
    %convert_element_type3A_45 = arith.truncf %get3A_44 : vector<2000x1xf32> to vector<2000x1xbf16>
    %get3A_46 = arith.constant 3 : index
    %get3A_47 = arith.constant 0 : index
    %get3A_48 = vector.load %arg2[%get3A_46, %get3A_47] : memref<4x128xf32, #tpu.memory_space<vmem>>, vector<1x128xf32>
    %convert_element_type3A_49 = arith.truncf %get3A_48 : vector<1x128xf32> to vector<1x128xbf16>
    %mul3A_50 = vector.broadcast %convert_element_type3A_45 : vector<2000x1xbf16> to vector<2000x128xbf16>
    %mul3A_51 = vector.broadcast %convert_element_type3A_49 : vector<1x128xbf16> to vector<2000x128xbf16>
    %mul3A_52 = arith.mulf %mul3A_50, %mul3A_51 : vector<2000x128xbf16>
    %convert_element_type3A_53 = arith.extf %mul3A_52 : vector<2000x128xbf16> to vector<2000x128xf32>
    %add3A_54 = arith.addf %add3A_41, %convert_element_type3A_53 : vector<2000x128xf32>
    %max3A = arith.constant 0.000000e+00 : f32
    %max3A_55 = vector.broadcast %max3A : f32 to vector<2000x128xf32>
    %max3A_56 = arith.maximumf %add3A_54, %max3A_55 : vector<2000x128xf32>
    %get3A_57 = arith.constant 0 : index
    %get3A_58 = arith.constant 0 : index
    %get3A_59 = vector.load %arg4[%get3A_57, %get3A_58] : memref<128x128xf32, #tpu.memory_space<vmem>>, vector<128x128xf32>
    %convert_element_type3A_60 = arith.truncf %max3A_56 : vector<2000x128xf32> to vector<2000x128xbf16>
    %convert_element_type3A_61 = arith.truncf %get3A_59 : vector<128x128xf32> to vector<128x128xbf16>
    %dot_general3A = arith.constant dense<0.000000e+00> : vector<2000x128xf32>
    %dot_general3A_62 = tpu.matmul %convert_element_type3A_60, %convert_element_type3A_61, %dot_general3A {dimension_numbers = #tpu.dot_dimension_numbers<[1], [0], [0], [1], [0, 0, 1, 1], [], []>, transpose_lhs_hint = false} : vector<2000x128xbf16>, vector<128x128xbf16>, vector<2000x128xf32> -> vector<2000x128xf32>
    %get3A_63 = arith.constant 0 : index
    %get3A_64 = arith.constant 0 : index
    %get3A_65 = vector.load %arg5[%get3A_63, %get3A_64] : memref<1x128xf32, #tpu.memory_space<vmem>>, vector<1x128xf32>
    %add3A_66 = vector.broadcast %get3A_65 : vector<1x128xf32> to vector<2000x128xf32>
    %add3A_67 = arith.addf %dot_general3A_62, %add3A_66 : vector<2000x128xf32>
    %swap3A = arith.constant 0 : index
    %swap3A_68 = arith.constant 0 : index
    %swap3A_69 = vector.load %arg6[%swap3A, %swap3A_68] : memref<2000x128xf32, #tpu.memory_space<vmem>>, vector<2000x128xf32>
    tpu.vector_store %arg6[%swap3A, %swap3A_68], %add3A_67 {strides = array<i32>} : memref<2000x128xf32, #tpu.memory_space<vmem>>, vector<2000x128xf32>,
    return
  }
  func.func @transform_0(%arg0: i32) -> (i32, i32) {
    %c0_i32 = arith.constant 0 : i32
    %c0_i32_0 = arith.constant 0 : i32
    return %arg0, %c0_i32 : i32, i32
  }
  func.func @transform_1(%arg0: i32) -> (i32, i32) {
    %c0_i32 = arith.constant 0 : i32
    %c0_i32_0 = arith.constant 0 : i32
    %c0_i32_1 = arith.constant 0 : i32
    return %c0_i32, %c0_i32_0 : i32, i32
  }
  func.func @transform_2(%arg0: i32) -> (i32, i32) {
    %c0_i32 = arith.constant 0 : i32
    %c0_i32_0 = arith.constant 0 : i32
    %c0_i32_1 = arith.constant 0 : i32
    return %c0_i32, %c0_i32_0 : i32, i32
  }
  func.func @transform_3(%arg0: i32) -> (i32, i32) {
    %c0_i32 = arith.constant 0 : i32
    %c0_i32_0 = arith.constant 0 : i32
    %c0_i32_1 = arith.constant 0 : i32
    return %c0_i32, %c0_i32_0 : i32, i32
  }
  func.func @transform_4(%arg0: i32) -> (i32, i32) {
    %c0_i32 = arith.constant 0 : i32
    %c0_i32_0 = arith.constant 0 : i32
    %c0_i32_1 = arith.constant 0 : i32
    return %c0_i32, %c0_i32_0 : i32, i32
  }
  func.func @transform_5(%arg0: i32) -> (i32, i32) {
    %c0_i32 = arith.constant 0 : i32
    %c0_i32_0 = arith.constant 0 : i32
    return %arg0, %c0_i32 : i32, i32
  }
}

module attributes {stable_mosaic.version = 14 : i64} {
  func.func @_node_prep_body(%arg0: i32, %arg1: memref<2000x128xf32, #tpu.memory_space<vmem>>, %arg2: memref<128x128xf32, #tpu.memory_space<vmem>>, %arg3: memref<128x128xf32, #tpu.memory_space<vmem>>, %arg4: memref<1x128xf32, #tpu.memory_space<vmem>>, %arg5: memref<2000x128xf32, #tpu.memory_space<vmem>>, %arg6: memref<2000x128xf32, #tpu.memory_space<vmem>>) attributes {dimension_semantics = [#tpu.dimension_semantics<arbitrary>], iteration_bounds = array<i64: 5>, scalar_prefetch = 0 : i64, scratch_operands = 0 : i64, tpu.core_type = #tpu.core_type<tc>, window_params = [{transform_indices = @transform_0, window_bounds = array<i64: 2000, 128>}, {pipeline_mode = #tpu.pipeline_mode<synchronous>, transform_indices = @transform_1, window_bounds = array<i64: 128, 128>}, {pipeline_mode = #tpu.pipeline_mode<synchronous>, transform_indices = @transform_2, window_bounds = array<i64: 128, 128>}, {pipeline_mode = #tpu.pipeline_mode<synchronous>, transform_indices = @transform_3, window_bounds = array<i64: 1, 128>}, {transform_indices = @transform_4, window_bounds = array<i64: 2000, 128>}, {transform_indices = @transform_5, window_bounds = array<i64: 2000, 128>}]} {
    %get3A = arith.constant 0 : index
    %get3A_0 = arith.constant 0 : index
    %get3A_1 = vector.load %arg1[%get3A, %get3A_0] : memref<2000x128xf32, #tpu.memory_space<vmem>>, vector<2000x128xf32>
    %get3A_2 = arith.constant 0 : index
    %get3A_3 = arith.constant 0 : index
    %get3A_4 = vector.load %arg2[%get3A_2, %get3A_3] : memref<128x128xf32, #tpu.memory_space<vmem>>, vector<128x128xf32>
    %convert_element_type3A = arith.truncf %get3A_1 : vector<2000x128xf32> to vector<2000x128xbf16>
    %convert_element_type3A_5 = arith.truncf %get3A_4 : vector<128x128xf32> to vector<128x128xbf16>
    %dot_general3A = arith.constant dense<0.000000e+00> : vector<2000x128xf32>
    %dot_general3A_6 = tpu.matmul %convert_element_type3A, %convert_element_type3A_5, %dot_general3A {dimension_numbers = #tpu.dot_dimension_numbers<[1], [0], [0], [1], [0, 0, 1, 1], [], []>, transpose_lhs_hint = false} : vector<2000x128xbf16>, vector<128x128xbf16>, vector<2000x128xf32> -> vector<2000x128xf32>
    %get3A_7 = arith.constant 0 : index
    %get3A_8 = arith.constant 0 : index
    %get3A_9 = vector.load %arg4[%get3A_7, %get3A_8] : memref<1x128xf32, #tpu.memory_space<vmem>>, vector<1x128xf32>
    %add3A = vector.broadcast %get3A_9 : vector<1x128xf32> to vector<2000x128xf32>
    %add3A_10 = arith.addf %dot_general3A_6, %add3A : vector<2000x128xf32>
    %swap3A = arith.constant 0 : index
    %swap3A_11 = arith.constant 0 : index
    %swap3A_12 = vector.load %arg5[%swap3A, %swap3A_11] : memref<2000x128xf32, #tpu.memory_space<vmem>>, vector<2000x128xf32>
    tpu.vector_store %arg5[%swap3A, %swap3A_11], %add3A_10 {strides = array<i32>} : memref<2000x128xf32, #tpu.memory_space<vmem>>, vector<2000x128xf32>,
    %get3A_13 = arith.constant 0 : index
    %get3A_14 = arith.constant 0 : index
    %get3A_15 = vector.load %arg3[%get3A_13, %get3A_14] : memref<128x128xf32, #tpu.memory_space<vmem>>, vector<128x128xf32>
    %convert_element_type3A_16 = arith.truncf %get3A_1 : vector<2000x128xf32> to vector<2000x128xbf16>
    %convert_element_type3A_17 = arith.truncf %get3A_15 : vector<128x128xf32> to vector<128x128xbf16>
    %dot_general3A_18 = arith.constant dense<0.000000e+00> : vector<2000x128xf32>
    %dot_general3A_19 = tpu.matmul %convert_element_type3A_16, %convert_element_type3A_17, %dot_general3A_18 {dimension_numbers = #tpu.dot_dimension_numbers<[1], [0], [0], [1], [0, 0, 1, 1], [], []>, transpose_lhs_hint = false} : vector<2000x128xbf16>, vector<128x128xbf16>, vector<2000x128xf32> -> vector<2000x128xf32>
    %swap3A_20 = arith.constant 0 : index
    %swap3A_21 = arith.constant 0 : index
    %swap3A_22 = vector.load %arg6[%swap3A_20, %swap3A_21] : memref<2000x128xf32, #tpu.memory_space<vmem>>, vector<2000x128xf32>
    tpu.vector_store %arg6[%swap3A_20, %swap3A_21], %dot_general3A_19 {strides = array<i32>} : memref<2000x128xf32, #tpu.memory_space<vmem>>, vector<2000x128xf32>,
    return
  }
  func.func @transform_0(%arg0: i32) -> (i32, i32) {
    %c0_i32 = arith.constant 0 : i32
    %c0_i32_0 = arith.constant 0 : i32
    return %arg0, %c0_i32 : i32, i32
  }
  func.func @transform_1(%arg0: i32) -> (i32, i32) {
    %c0_i32 = arith.constant 0 : i32
    %c0_i32_0 = arith.constant 0 : i32
    %c0_i32_1 = arith.constant 0 : i32
    return %c0_i32, %c0_i32_0 : i32, i32
  }
  func.func @transform_2(%arg0: i32) -> (i32, i32) {
    %c0_i32 = arith.constant 0 : i32
    %c0_i32_0 = arith.constant 0 : i32
    %c0_i32_1 = arith.constant 0 : i32
    return %c0_i32, %c0_i32_0 : i32, i32
  }
  func.func @transform_3(%arg0: i32) -> (i32, i32) {
    %c0_i32 = arith.constant 0 : i32
    %c0_i32_0 = arith.constant 0 : i32
    %c0_i32_1 = arith.constant 0 : i32
    return %c0_i32, %c0_i32_0 : i32, i32
  }
  func.func @transform_4(%arg0: i32) -> (i32, i32) {
    %c0_i32 = arith.constant 0 : i32
    %c0_i32_0 = arith.constant 0 : i32
    return %arg0, %c0_i32 : i32, i32
  }
  func.func @transform_5(%arg0: i32) -> (i32, i32) {
    %c0_i32 = arith.constant 0 : i32
    %c0_i32_0 = arith.constant 0 : i32
    return %arg0, %c0_i32 : i32, i32
  }
}

module attributes {stable_mosaic.version = 14 : i64} {
  func.func @_edge_mm_body(%arg0: i32, %arg1: memref<2048x128xf32, #tpu.memory_space<vmem>>, %arg2: memref<2048x128xf32, #tpu.memory_space<vmem>>, %arg3: memref<2048x3xf32, #tpu.memory_space<vmem>>, %arg4: memref<3x128xf32, #tpu.memory_space<vmem>>, %arg5: memref<128x128xf32, #tpu.memory_space<vmem>>, %arg6: memref<1x128xf32, #tpu.memory_space<vmem>>, %arg7: memref<128x128xf32, #tpu.memory_space<vmem>>, %arg8: memref<1x128xf32, #tpu.memory_space<vmem>>, %arg9: memref<2048x128xf32, #tpu.memory_space<vmem>>) attributes {dimension_semantics = [#tpu.dimension_semantics<arbitrary>], iteration_bounds = array<i64: 158>, scalar_prefetch = 0 : i64, scratch_operands = 0 : i64, tpu.core_type = #tpu.core_type<tc>, window_params = [{transform_indices = @transform_0, window_bounds = array<i64: 2048, 128>}, {transform_indices = @transform_1, window_bounds = array<i64: 2048, 128>}, {transform_indices = @transform_2, window_bounds = array<i64: 2048, 3>}, {pipeline_mode = #tpu.pipeline_mode<synchronous>, transform_indices = @transform_3, window_bounds = array<i64: 3, 128>}, {pipeline_mode = #tpu.pipeline_mode<synchronous>, transform_indices = @transform_4, window_bounds = array<i64: 128, 128>}, {pipeline_mode = #tpu.pipeline_mode<synchronous>, transform_indices = @transform_5, window_bounds = array<i64: 1, 128>}, {pipeline_mode = #tpu.pipeline_mode<synchronous>, transform_indices = @transform_6, window_bounds = array<i64: 128, 128>}, {pipeline_mode = #tpu.pipeline_mode<synchronous>, transform_indices = @transform_7, window_bounds = array<i64: 1, 128>}, {transform_indices = @transform_8, window_bounds = array<i64: 2048, 128>}]} {
    %get3A = arith.constant 0 : index
    %get3A_0 = arith.constant 0 : index
    %get3A_1 = vector.load %arg1[%get3A, %get3A_0] : memref<2048x128xf32, #tpu.memory_space<vmem>>, vector<2048x128xf32>
    %get3A_2 = arith.constant 0 : index
    %get3A_3 = arith.constant 0 : index
    %get3A_4 = vector.load %arg2[%get3A_2, %get3A_3] : memref<2048x128xf32, #tpu.memory_space<vmem>>, vector<2048x128xf32>
    %add3A = arith.addf %get3A_1, %get3A_4 : vector<2048x128xf32>
    %get3A_5 = arith.constant 0 : index
    %get3A_6 = arith.constant 0 : index
    %get3A_7 = vector.load %arg3[%get3A_5, %get3A_6] : memref<2048x3xf32, #tpu.memory_space<vmem>>, vector<2048x1xf32>
    %convert_element_type3A = arith.truncf %get3A_7 : vector<2048x1xf32> to vector<2048x1xbf16>
    %get3A_8 = arith.constant 0 : index
    %get3A_9 = arith.constant 0 : index
    %get3A_10 = vector.load %arg4[%get3A_8, %get3A_9] : memref<3x128xf32, #tpu.memory_space<vmem>>, vector<1x128xf32>
    %convert_element_type3A_11 = arith.truncf %get3A_10 : vector<1x128xf32> to vector<1x128xbf16>
    %mul3A = vector.broadcast %convert_element_type3A : vector<2048x1xbf16> to vector<2048x128xbf16>
    %mul3A_12 = vector.broadcast %convert_element_type3A_11 : vector<1x128xbf16> to vector<2048x128xbf16>
    %mul3A_13 = arith.mulf %mul3A, %mul3A_12 : vector<2048x128xbf16>
    %convert_element_type3A_14 = arith.extf %mul3A_13 : vector<2048x128xbf16> to vector<2048x128xf32>
    %add3A_15 = arith.addf %add3A, %convert_element_type3A_14 : vector<2048x128xf32>
    %get3A_16 = arith.constant 0 : index
    %get3A_17 = arith.constant 1 : index
    %get3A_18 = vector.load %arg3[%get3A_16, %get3A_17] : memref<2048x3xf32, #tpu.memory_space<vmem>>, vector<2048x1xf32>
    %convert_element_type3A_19 = arith.truncf %get3A_18 : vector<2048x1xf32> to vector<2048x1xbf16>
    %get3A_20 = arith.constant 1 : index
    %get3A_21 = arith.constant 0 : index
    %get3A_22 = vector.load %arg4[%get3A_20, %get3A_21] : memref<3x128xf32, #tpu.memory_space<vmem>>, vector<1x128xf32>
    %convert_element_type3A_23 = arith.truncf %get3A_22 : vector<1x128xf32> to vector<1x128xbf16>
    %mul3A_24 = vector.broadcast %convert_element_type3A_19 : vector<2048x1xbf16> to vector<2048x128xbf16>
    %mul3A_25 = vector.broadcast %convert_element_type3A_23 : vector<1x128xbf16> to vector<2048x128xbf16>
    %mul3A_26 = arith.mulf %mul3A_24, %mul3A_25 : vector<2048x128xbf16>
    %convert_element_type3A_27 = arith.extf %mul3A_26 : vector<2048x128xbf16> to vector<2048x128xf32>
    %add3A_28 = arith.addf %add3A_15, %convert_element_type3A_27 : vector<2048x128xf32>
    %get3A_29 = arith.constant 0 : index
    %get3A_30 = arith.constant 2 : index
    %get3A_31 = vector.load %arg3[%get3A_29, %get3A_30] : memref<2048x3xf32, #tpu.memory_space<vmem>>, vector<2048x1xf32>
    %convert_element_type3A_32 = arith.truncf %get3A_31 : vector<2048x1xf32> to vector<2048x1xbf16>
    %get3A_33 = arith.constant 2 : index
    %get3A_34 = arith.constant 0 : index
    %get3A_35 = vector.load %arg4[%get3A_33, %get3A_34] : memref<3x128xf32, #tpu.memory_space<vmem>>, vector<1x128xf32>
    %convert_element_type3A_36 = arith.truncf %get3A_35 : vector<1x128xf32> to vector<1x128xbf16>
    %mul3A_37 = vector.broadcast %convert_element_type3A_32 : vector<2048x1xbf16> to vector<2048x128xbf16>
    %mul3A_38 = vector.broadcast %convert_element_type3A_36 : vector<1x128xbf16> to vector<2048x128xbf16>
    %mul3A_39 = arith.mulf %mul3A_37, %mul3A_38 : vector<2048x128xbf16>
    %convert_element_type3A_40 = arith.extf %mul3A_39 : vector<2048x128xbf16> to vector<2048x128xf32>
    %add3A_41 = arith.addf %add3A_28, %convert_element_type3A_40 : vector<2048x128xf32>
    %max3A = arith.constant 0.000000e+00 : f32
    %max3A_42 = vector.broadcast %max3A : f32 to vector<2048x128xf32>
    %max3A_43 = arith.maximumf %add3A_41, %max3A_42 : vector<2048x128xf32>
    %get3A_44 = arith.constant 0 : index
    %get3A_45 = arith.constant 0 : index
    %get3A_46 = vector.load %arg5[%get3A_44, %get3A_45] : memref<128x128xf32, #tpu.memory_space<vmem>>, vector<128x128xf32>
    %convert_element_type3A_47 = arith.truncf %max3A_43 : vector<2048x128xf32> to vector<2048x128xbf16>
    %convert_element_type3A_48 = arith.truncf %get3A_46 : vector<128x128xf32> to vector<128x128xbf16>
    %dot_general3A = arith.constant dense<0.000000e+00> : vector<2048x128xf32>
    %dot_general3A_49 = tpu.matmul %convert_element_type3A_47, %convert_element_type3A_48, %dot_general3A {dimension_numbers = #tpu.dot_dimension_numbers<[1], [0], [0], [1], [0, 0, 1, 1], [], []>, transpose_lhs_hint = false} : vector<2048x128xbf16>, vector<128x128xbf16>, vector<2048x128xf32> -> vector<2048x128xf32>
    %get3A_50 = arith.constant 0 : index
    %get3A_51 = arith.constant 0 : index
    %get3A_52 = vector.load %arg6[%get3A_50, %get3A_51] : memref<1x128xf32, #tpu.memory_space<vmem>>, vector<1x128xf32>
    %add3A_53 = vector.broadcast %get3A_52 : vector<1x128xf32> to vector<2048x128xf32>
    %add3A_54 = arith.addf %dot_general3A_49, %add3A_53 : vector<2048x128xf32>
    %get3A_55 = arith.constant 0 : index
    %get3A_56 = arith.constant 0 : index
    %get3A_57 = vector.load %arg7[%get3A_55, %get3A_56] : memref<128x128xf32, #tpu.memory_space<vmem>>, vector<128x128xf32>
    %convert_element_type3A_58 = arith.truncf %add3A_54 : vector<2048x128xf32> to vector<2048x128xbf16>
    %convert_element_type3A_59 = arith.truncf %get3A_57 : vector<128x128xf32> to vector<128x128xbf16>
    %dot_general3A_60 = arith.constant dense<0.000000e+00> : vector<2048x128xf32>
    %dot_general3A_61 = tpu.matmul %convert_element_type3A_58, %convert_element_type3A_59, %dot_general3A_60 {dimension_numbers = #tpu.dot_dimension_numbers<[1], [0], [0], [1], [0, 0, 1, 1], [], []>, transpose_lhs_hint = false} : vector<2048x128xbf16>, vector<128x128xbf16>, vector<2048x128xf32> -> vector<2048x128xf32>
    %get3A_62 = arith.constant 0 : index
    %get3A_63 = arith.constant 0 : index
    %get3A_64 = vector.load %arg8[%get3A_62, %get3A_63] : memref<1x128xf32, #tpu.memory_space<vmem>>, vector<1x128xf32>
    %add3A_65 = vector.broadcast %get3A_64 : vector<1x128xf32> to vector<2048x128xf32>
    %add3A_66 = arith.addf %dot_general3A_61, %add3A_65 : vector<2048x128xf32>
    %max3A_67 = arith.constant 0.000000e+00 : f32
    %max3A_68 = vector.broadcast %max3A_67 : f32 to vector<2048x128xf32>
    %max3A_69 = arith.maximumf %add3A_66, %max3A_68 : vector<2048x128xf32>
    %convert_element_type3A_70 = arith.truncf %max3A_69 : vector<2048x128xf32> to vector<2048x128xbf16>
    %convert_element_type3A_71 = arith.extf %convert_element_type3A_70 : vector<2048x128xbf16> to vector<2048x128xf32>
    %swap3A = arith.constant 0 : index
    %swap3A_72 = arith.constant 0 : index
    %swap3A_73 = vector.load %arg9[%swap3A, %swap3A_72] : memref<2048x128xf32, #tpu.memory_space<vmem>>, vector<2048x128xf32>
    tpu.vector_store %arg9[%swap3A, %swap3A_72], %convert_element_type3A_71 {strides = array<i32>} : memref<2048x128xf32, #tpu.memory_space<vmem>>, vector<2048x128xf32>,
    return
  }
  func.func @transform_0(%arg0: i32) -> (i32, i32) {
    %c0_i32 = arith.constant 0 : i32
    %c0_i32_0 = arith.constant 0 : i32
    return %arg0, %c0_i32 : i32, i32
  }
  func.func @transform_1(%arg0: i32) -> (i32, i32) {
    %c0_i32 = arith.constant 0 : i32
    %c0_i32_0 = arith.constant 0 : i32
    return %arg0, %c0_i32 : i32, i32
  }
  func.func @transform_2(%arg0: i32) -> (i32, i32) {
    %c0_i32 = arith.constant 0 : i32
    %c0_i32_0 = arith.constant 0 : i32
    return %arg0, %c0_i32 : i32, i32
  }
  func.func @transform_3(%arg0: i32) -> (i32, i32) {
    %c0_i32 = arith.constant 0 : i32
    %c0_i32_0 = arith.constant 0 : i32
    %c0_i32_1 = arith.constant 0 : i32
    return %c0_i32, %c0_i32_0 : i32, i32
  }
  func.func @transform_4(%arg0: i32) -> (i32, i32) {
    %c0_i32 = arith.constant 0 : i32
    %c0_i32_0 = arith.constant 0 : i32
    %c0_i32_1 = arith.constant 0 : i32
    return %c0_i32, %c0_i32_0 : i32, i32
  }
  func.func @transform_5(%arg0: i32) -> (i32, i32) {
    %c0_i32 = arith.constant 0 : i32
    %c0_i32_0 = arith.constant 0 : i32
    %c0_i32_1 = arith.constant 0 : i32
    return %c0_i32, %c0_i32_0 : i32, i32
  }
  func.func @transform_6(%arg0: i32) -> (i32, i32) {
    %c0_i32 = arith.constant 0 : i32
    %c0_i32_0 = arith.constant 0 : i32
    %c0_i32_1 = arith.constant 0 : i32
    return %c0_i32, %c0_i32_0 : i32, i32
  }
  func.func @transform_7(%arg0: i32) -> (i32, i32) {
    %c0_i32 = arith.constant 0 : i32
    %c0_i32_0 = arith.constant 0 : i32
    %c0_i32_1 = arith.constant 0 : i32
    return %c0_i32, %c0_i32_0 : i32, i32
  }
  func.func @transform_8(%arg0: i32) -> (i32, i32) {
    %c0_i32 = arith.constant 0 : i32
    %c0_i32_0 = arith.constant 0 : i32
    return %arg0, %c0_i32 : i32, i32
  }
}

module attributes {stable_mosaic.version = 14 : i64} {
  func.func @_node_update_body(%arg0: i32, %arg1: memref<2000x128xf32, #tpu.memory_space<vmem>>, %arg2: memref<2x2000x128xf32, #tpu.memory_space<vmem>>, %arg3: memref<2x2000x128xf32, #tpu.memory_space<vmem>>, %arg4: memref<128x128xf32, #tpu.memory_space<vmem>>, %arg5: memref<128x128xf32, #tpu.memory_space<vmem>>, %arg6: memref<128x128xf32, #tpu.memory_space<vmem>>, %arg7: memref<1x128xf32, #tpu.memory_space<vmem>>, %arg8: memref<1x128xf32, #tpu.memory_space<vmem>>, %arg9: memref<128x128xf32, #tpu.memory_space<vmem>>, %arg10: memref<1x128xf32, #tpu.memory_space<vmem>>, %arg11: memref<1x128xf32, #tpu.memory_space<vmem>>, %arg12: memref<1x128xf32, #tpu.memory_space<vmem>>, %arg13: memref<2000x128xf32, #tpu.memory_space<vmem>>) attributes {dimension_semantics = [#tpu.dimension_semantics<arbitrary>], iteration_bounds = array<i64: 5>, scalar_prefetch = 0 : i64, scratch_operands = 0 : i64, tpu.core_type = #tpu.core_type<tc>, window_params = [{transform_indices = @transform_0, window_bounds = array<i64: 2000, 128>}, {transform_indices = @transform_1, window_bounds = array<i64: 2, 2000, 128>}, {transform_indices = @transform_2, window_bounds = array<i64: 2, 2000, 128>}, {pipeline_mode = #tpu.pipeline_mode<synchronous>, transform_indices = @transform_3, window_bounds = array<i64: 128, 128>}, {pipeline_mode = #tpu.pipeline_mode<synchronous>, transform_indices = @transform_4, window_bounds = array<i64: 128, 128>}, {pipeline_mode = #tpu.pipeline_mode<synchronous>, transform_indices = @transform_5, window_bounds = array<i64: 128, 128>}, {pipeline_mode = #tpu.pipeline_mode<synchronous>, transform_indices = @transform_6, window_bounds = array<i64: 1, 128>}, {pipeline_mode = #tpu.pipeline_mode<synchronous>, transform_indices = @transform_7, window_bounds = array<i64: 1, 128>}, {pipeline_mode = #tpu.pipeline_mode<synchronous>, transform_indices = @transform_8, window_bounds = array<i64: 128, 128>}, {pipeline_mode = #tpu.pipeline_mode<synchronous>, transform_indices = @transform_9, window_bounds = array<i64: 1, 128>}, {pipeline_mode = #tpu.pipeline_mode<synchronous>, transform_indices = @transform_10, window_bounds = array<i64: 1, 128>}, {pipeline_mode = #tpu.pipeline_mode<synchronous>, transform_indices = @transform_11, window_bounds = array<i64: 1, 128>}, {transform_indices = @transform_12, window_bounds = array<i64: 2000, 128>}]} {
    %get3A = arith.constant 0 : index
    %get3A_0 = arith.constant 0 : index
    %get3A_1 = vector.load %arg1[%get3A, %get3A_0] : memref<2000x128xf32, #tpu.memory_space<vmem>>, vector<2000x128xf32>
    %get3A_2 = arith.constant 0 : index
    %get3A_3 = arith.constant 0 : index
    %get3A_4 = arith.constant 0 : index
    %get3A_5 = vector.load %arg2[%get3A_2, %get3A_3, %get3A_4] : memref<2x2000x128xf32, #tpu.memory_space<vmem>>, vector<1x2000x128xf32>
    %get3A_6 = vector.shape_cast %get3A_5 : vector<1x2000x128xf32> to vector<2000x128xf32>
    %get3A_7 = arith.constant 1 : index
    %get3A_8 = arith.constant 0 : index
    %get3A_9 = arith.constant 0 : index
    %get3A_10 = vector.load %arg2[%get3A_7, %get3A_8, %get3A_9] : memref<2x2000x128xf32, #tpu.memory_space<vmem>>, vector<1x2000x128xf32>
    %get3A_11 = vector.shape_cast %get3A_10 : vector<1x2000x128xf32> to vector<2000x128xf32>
    %add3A = arith.addf %get3A_6, %get3A_11 : vector<2000x128xf32>
    %get3A_12 = arith.constant 0 : index
    %get3A_13 = arith.constant 0 : index
    %get3A_14 = arith.constant 0 : index
    %get3A_15 = vector.load %arg3[%get3A_12, %get3A_13, %get3A_14] : memref<2x2000x128xf32, #tpu.memory_space<vmem>>, vector<1x2000x1xf32>
    %get3A_16 = vector.shape_cast %get3A_15 : vector<1x2000x1xf32> to vector<2000x1xf32>
    %get3A_17 = arith.constant 1 : index
    %get3A_18 = arith.constant 0 : index
    %get3A_19 = arith.constant 0 : index
    %get3A_20 = vector.load %arg3[%get3A_17, %get3A_18, %get3A_19] : memref<2x2000x128xf32, #tpu.memory_space<vmem>>, vector<1x2000x1xf32>
    %get3A_21 = vector.shape_cast %get3A_20 : vector<1x2000x1xf32> to vector<2000x1xf32>
    %add3A_22 = arith.addf %get3A_16, %get3A_21 : vector<2000x1xf32>
    %get3A_23 = arith.constant 0 : index
    %get3A_24 = arith.constant 0 : index
    %get3A_25 = vector.load %arg6[%get3A_23, %get3A_24] : memref<128x128xf32, #tpu.memory_space<vmem>>, vector<128x128xf32>
    %convert_element_type3A = arith.truncf %get3A_25 : vector<128x128xf32> to vector<128x128xbf16>
    %convert_element_type3A_26 = arith.extf %convert_element_type3A : vector<128x128xbf16> to vector<128x128xf32>
    %dot_general3A = arith.constant dense<0.000000e+00> : vector<2000x128xf32>
    %dot_general3A_27 = tpu.matmul %add3A, %convert_element_type3A_26, %dot_general3A {dimension_numbers = #tpu.dot_dimension_numbers<[1], [0], [0], [1], [0, 0, 1, 1], [], []>, precision = #tpu.contract_precision<fp32>, transpose_lhs_hint = false} : vector<2000x128xf32>, vector<128x128xf32>, vector<2000x128xf32> -> vector<2000x128xf32>
    %get3A_28 = arith.constant 0 : index
    %get3A_29 = arith.constant 0 : index
    %get3A_30 = vector.load %arg7[%get3A_28, %get3A_29] : memref<1x128xf32, #tpu.memory_space<vmem>>, vector<1x128xf32>
    %mul3A = vector.broadcast %add3A_22 : vector<2000x1xf32> to vector<2000x128xf32>
    %mul3A_31 = vector.broadcast %get3A_30 : vector<1x128xf32> to vector<2000x128xf32>
    %mul3A_32 = arith.mulf %mul3A, %mul3A_31 : vector<2000x128xf32>
    %add3A_33 = arith.addf %dot_general3A_27, %mul3A_32 : vector<2000x128xf32>
    %get3A_34 = arith.constant 0 : index
    %get3A_35 = arith.constant 0 : index
    %get3A_36 = vector.load %arg4[%get3A_34, %get3A_35] : memref<128x128xf32, #tpu.memory_space<vmem>>, vector<128x128xf32>
    %convert_element_type3A_37 = arith.truncf %get3A_1 : vector<2000x128xf32> to vector<2000x128xbf16>
    %convert_element_type3A_38 = arith.truncf %get3A_36 : vector<128x128xf32> to vector<128x128xbf16>
    %dot_general3A_39 = arith.constant dense<0.000000e+00> : vector<2000x128xf32>
    %dot_general3A_40 = tpu.matmul %convert_element_type3A_37, %convert_element_type3A_38, %dot_general3A_39 {dimension_numbers = #tpu.dot_dimension_numbers<[1], [0], [0], [1], [0, 0, 1, 1], [], []>, transpose_lhs_hint = false} : vector<2000x128xbf16>, vector<128x128xbf16>, vector<2000x128xf32> -> vector<2000x128xf32>
    %get3A_41 = arith.constant 0 : index
    %get3A_42 = arith.constant 0 : index
    %get3A_43 = vector.load %arg5[%get3A_41, %get3A_42] : memref<128x128xf32, #tpu.memory_space<vmem>>, vector<128x128xf32>
    %convert_element_type3A_44 = arith.truncf %add3A_33 : vector<2000x128xf32> to vector<2000x128xbf16>
    %convert_element_type3A_45 = arith.truncf %get3A_43 : vector<128x128xf32> to vector<128x128xbf16>
    %dot_general3A_46 = arith.constant dense<0.000000e+00> : vector<2000x128xf32>
    %dot_general3A_47 = tpu.matmul %convert_element_type3A_44, %convert_element_type3A_45, %dot_general3A_46 {dimension_numbers = #tpu.dot_dimension_numbers<[1], [0], [0], [1], [0, 0, 1, 1], [], []>, transpose_lhs_hint = false} : vector<2000x128xbf16>, vector<128x128xbf16>, vector<2000x128xf32> -> vector<2000x128xf32>
    %add3A_48 = arith.addf %dot_general3A_40, %dot_general3A_47 : vector<2000x128xf32>
    %get3A_49 = arith.constant 0 : index
    %get3A_50 = arith.constant 0 : index
    %get3A_51 = vector.load %arg8[%get3A_49, %get3A_50] : memref<1x128xf32, #tpu.memory_space<vmem>>, vector<1x128xf32>
    %add3A_52 = vector.broadcast %get3A_51 : vector<1x128xf32> to vector<2000x128xf32>
    %add3A_53 = arith.addf %add3A_48, %add3A_52 : vector<2000x128xf32>
    %max3A = arith.constant 0.000000e+00 : f32
    %max3A_54 = vector.broadcast %max3A : f32 to vector<2000x128xf32>
    %max3A_55 = arith.maximumf %add3A_53, %max3A_54 : vector<2000x128xf32>
    %get3A_56 = arith.constant 0 : index
    %get3A_57 = arith.constant 0 : index
    %get3A_58 = vector.load %arg9[%get3A_56, %get3A_57] : memref<128x128xf32, #tpu.memory_space<vmem>>, vector<128x128xf32>
    %convert_element_type3A_59 = arith.truncf %max3A_55 : vector<2000x128xf32> to vector<2000x128xbf16>
    %convert_element_type3A_60 = arith.truncf %get3A_58 : vector<128x128xf32> to vector<128x128xbf16>
    %dot_general3A_61 = arith.constant dense<0.000000e+00> : vector<2000x128xf32>
    %dot_general3A_62 = tpu.matmul %convert_element_type3A_59, %convert_element_type3A_60, %dot_general3A_61 {dimension_numbers = #tpu.dot_dimension_numbers<[1], [0], [0], [1], [0, 0, 1, 1], [], []>, transpose_lhs_hint = false} : vector<2000x128xbf16>, vector<128x128xbf16>, vector<2000x128xf32> -> vector<2000x128xf32>
    %get3A_63 = arith.constant 0 : index
    %get3A_64 = arith.constant 0 : index
    %get3A_65 = vector.load %arg10[%get3A_63, %get3A_64] : memref<1x128xf32, #tpu.memory_space<vmem>>, vector<1x128xf32>
    %add3A_66 = vector.broadcast %get3A_65 : vector<1x128xf32> to vector<2000x128xf32>
    %add3A_67 = arith.addf %dot_general3A_62, %add3A_66 : vector<2000x128xf32>
    %add3A_68 = arith.addf %get3A_1, %add3A_67 : vector<2000x128xf32>
    %reduce_sum3A = arith.constant dense<0.000000e+00> : vector<2000xf32>
    %reduce_sum3A_69 = vector.multi_reduction <add>, %add3A_68, %reduce_sum3A [1] : vector<2000x128xf32> to vector<2000xf32>
    %broadcast_in_dim3A = vector.shape_cast %reduce_sum3A_69 : vector<2000xf32> to vector<2000x1xf32>
    %div3A = arith.constant 1.280000e+02 : f32
    %div3A_70 = vector.broadcast %div3A : f32 to vector<2000x1xf32>
    %div3A_71 = arith.divf %broadcast_in_dim3A, %div3A_70 : vector<2000x1xf32>
    %sub3A = vector.broadcast %div3A_71 : vector<2000x1xf32> to vector<2000x128xf32>
    %sub3A_72 = arith.subf %add3A_68, %sub3A : vector<2000x128xf32>
    %mul3A_73 = arith.mulf %sub3A_72, %sub3A_72 : vector<2000x128xf32>
    %reduce_sum3A_74 = arith.constant dense<0.000000e+00> : vector<2000xf32>
    %reduce_sum3A_75 = vector.multi_reduction <add>, %mul3A_73, %reduce_sum3A_74 [1] : vector<2000x128xf32> to vector<2000xf32>
    %broadcast_in_dim3A_76 = vector.shape_cast %reduce_sum3A_75 : vector<2000xf32> to vector<2000x1xf32>
    %div3A_77 = arith.constant 1.280000e+02 : f32
    %div3A_78 = vector.broadcast %div3A_77 : f32 to vector<2000x1xf32>
    %div3A_79 = arith.divf %broadcast_in_dim3A_76, %div3A_78 : vector<2000x1xf32>
    %add3A_80 = arith.constant 9.99999974E-6 : f32
    %add3A_81 = vector.broadcast %add3A_80 : f32 to vector<2000x1xf32>
    %add3A_82 = arith.addf %div3A_79, %add3A_81 : vector<2000x1xf32>
    %rsqrt3A = math.rsqrt %add3A_82 : vector<2000x1xf32>
    %mul3A_83 = vector.broadcast %rsqrt3A : vector<2000x1xf32> to vector<2000x128xf32>
    %mul3A_84 = arith.mulf %sub3A_72, %mul3A_83 : vector<2000x128xf32>
    %get3A_85 = arith.constant 0 : index
    %get3A_86 = arith.constant 0 : index
    %get3A_87 = vector.load %arg11[%get3A_85, %get3A_86] : memref<1x128xf32, #tpu.memory_space<vmem>>, vector<1x128xf32>
    %mul3A_88 = vector.broadcast %get3A_87 : vector<1x128xf32> to vector<2000x128xf32>
    %mul3A_89 = arith.mulf %mul3A_84, %mul3A_88 : vector<2000x128xf32>
    %get3A_90 = arith.constant 0 : index
    %get3A_91 = arith.constant 0 : index
    %get3A_92 = vector.load %arg12[%get3A_90, %get3A_91] : memref<1x128xf32, #tpu.memory_space<vmem>>, vector<1x128xf32>
    %add3A_93 = vector.broadcast %get3A_92 : vector<1x128xf32> to vector<2000x128xf32>
    %add3A_94 = arith.addf %mul3A_89, %add3A_93 : vector<2000x128xf32>
    %swap3A = arith.constant 0 : index
    %swap3A_95 = arith.constant 0 : index
    %swap3A_96 = vector.load %arg13[%swap3A, %swap3A_95] : memref<2000x128xf32, #tpu.memory_space<vmem>>, vector<2000x128xf32>
    tpu.vector_store %arg13[%swap3A, %swap3A_95], %add3A_94 {strides = array<i32>} : memref<2000x128xf32, #tpu.memory_space<vmem>>, vector<2000x128xf32>,
    return
  }
  func.func @transform_0(%arg0: i32) -> (i32, i32) {
    %c0_i32 = arith.constant 0 : i32
    %c0_i32_0 = arith.constant 0 : i32
    return %arg0, %c0_i32 : i32, i32
  }
  func.func @transform_1(%arg0: i32) -> (i32, i32, i32) {
    %c0_i32 = arith.constant 0 : i32
    %c0_i32_0 = arith.constant 0 : i32
    %c0_i32_1 = arith.constant 0 : i32
    return %c0_i32, %arg0, %c0_i32_0 : i32, i32, i32
  }
  func.func @transform_2(%arg0: i32) -> (i32, i32, i32) {
    %c0_i32 = arith.constant 0 : i32
    %c0_i32_0 = arith.constant 0 : i32
    %c0_i32_1 = arith.constant 0 : i32
    return %c0_i32, %arg0, %c0_i32_0 : i32, i32, i32
  }
  func.func @transform_3(%arg0: i32) -> (i32, i32) {
    %c0_i32 = arith.constant 0 : i32
    %c0_i32_0 = arith.constant 0 : i32
    %c0_i32_1 = arith.constant 0 : i32
    return %c0_i32, %c0_i32_0 : i32, i32
  }
  func.func @transform_4(%arg0: i32) -> (i32, i32) {
    %c0_i32 = arith.constant 0 : i32
    %c0_i32_0 = arith.constant 0 : i32
    %c0_i32_1 = arith.constant 0 : i32
    return %c0_i32, %c0_i32_0 : i32, i32
  }
  func.func @transform_5(%arg0: i32) -> (i32, i32) {
    %c0_i32 = arith.constant 0 : i32
    %c0_i32_0 = arith.constant 0 : i32
    %c0_i32_1 = arith.constant 0 : i32
    return %c0_i32, %c0_i32_0 : i32, i32
  }
  func.func @transform_6(%arg0: i32) -> (i32, i32) {
    %c0_i32 = arith.constant 0 : i32
    %c0_i32_0 = arith.constant 0 : i32
    %c0_i32_1 = arith.constant 0 : i32
    return %c0_i32, %c0_i32_0 : i32, i32
  }
  func.func @transform_7(%arg0: i32) -> (i32, i32) {
    %c0_i32 = arith.constant 0 : i32
    %c0_i32_0 = arith.constant 0 : i32
    %c0_i32_1 = arith.constant 0 : i32
    return %c0_i32, %c0_i32_0 : i32, i32
  }
  func.func @transform_8(%arg0: i32) -> (i32, i32) {
    %c0_i32 = arith.constant 0 : i32
    %c0_i32_0 = arith.constant 0 : i32
    %c0_i32_1 = arith.constant 0 : i32
    return %c0_i32, %c0_i32_0 : i32, i32
  }
  func.func @transform_9(%arg0: i32) -> (i32, i32) {
    %c0_i32 = arith.constant 0 : i32
    %c0_i32_0 = arith.constant 0 : i32
    %c0_i32_1 = arith.constant 0 : i32
    return %c0_i32, %c0_i32_0 : i32, i32
  }
  func.func @transform_10(%arg0: i32) -> (i32, i32) {
    %c0_i32 = arith.constant 0 : i32
    %c0_i32_0 = arith.constant 0 : i32
    %c0_i32_1 = arith.constant 0 : i32
    return %c0_i32, %c0_i32_0 : i32, i32
  }
  func.func @transform_11(%arg0: i32) -> (i32, i32) {
    %c0_i32 = arith.constant 0 : i32
    %c0_i32_0 = arith.constant 0 : i32
    %c0_i32_1 = arith.constant 0 : i32
    return %c0_i32, %c0_i32_0 : i32, i32
  }
  func.func @transform_12(%arg0: i32) -> (i32, i32) {
    %c0_i32 = arith.constant 0 : i32
    %c0_i32_0 = arith.constant 0 : i32
    return %arg0, %c0_i32 : i32, i32
  }
}

module attributes {stable_mosaic.version = 14 : i64} {
  func.func @_pool_body(%arg0: i32, %arg1: memref<10000x128xf32, #tpu.memory_space<vmem>>, %arg2: memref<128x128xf32, #tpu.memory_space<vmem>>, %arg3: memref<1x128xf32, #tpu.memory_space<vmem>>, %arg4: memref<1x128xf32, #tpu.memory_space<vmem>>, %arg5: memref<3x128x128xf32, #tpu.memory_space<vmem>>, %arg6: memref<3x128xf32, #tpu.memory_space<vmem>>, %arg7: memref<3x128x128xf32, #tpu.memory_space<vmem>>, %arg8: memref<3x128xf32, #tpu.memory_space<vmem>>, %arg9: memref<1x128xf32, #tpu.memory_space<vmem>>, %arg10: memref<1x128xf32, #tpu.memory_space<vmem>>, %arg11: memref<128x128xf32, #tpu.memory_space<vmem>>, %arg12: memref<1x128xf32, #tpu.memory_space<vmem>>, %arg13: memref<128x128xf32, #tpu.memory_space<vmem>>, %arg14: memref<1x128xf32, #tpu.memory_space<vmem>>, %arg15: memref<1x128xf32, #tpu.memory_space<vmem>>, %arg16: memref<1x128xf32, #tpu.memory_space<vmem>>) attributes {dimension_semantics = [#tpu.dimension_semantics<arbitrary>], iteration_bounds = array<i64: 1>, scalar_prefetch = 0 : i64, scratch_operands = 0 : i64, tpu.core_type = #tpu.core_type<tc>, window_params = [{pipeline_mode = #tpu.pipeline_mode<synchronous>, transform_indices = @transform_0, window_bounds = array<i64: 10000, 128>}, {pipeline_mode = #tpu.pipeline_mode<synchronous>, transform_indices = @transform_1, window_bounds = array<i64: 128, 128>}, {pipeline_mode = #tpu.pipeline_mode<synchronous>, transform_indices = @transform_2, window_bounds = array<i64: 1, 128>}, {pipeline_mode = #tpu.pipeline_mode<synchronous>, transform_indices = @transform_3, window_bounds = array<i64: 1, 128>}, {pipeline_mode = #tpu.pipeline_mode<synchronous>, transform_indices = @transform_4, window_bounds = array<i64: 3, 128, 128>}, {pipeline_mode = #tpu.pipeline_mode<synchronous>, transform_indices = @transform_5, window_bounds = array<i64: 3, 128>}, {pipeline_mode = #tpu.pipeline_mode<synchronous>, transform_indices = @transform_6, window_bounds = array<i64: 3, 128, 128>}, {pipeline_mode = #tpu.pipeline_mode<synchronous>, transform_indices = @transform_7, window_bounds = array<i64: 3, 128>}, {pipeline_mode = #tpu.pipeline_mode<synchronous>, transform_indices = @transform_8, window_bounds = array<i64: 1, 128>}, {pipeline_mode = #tpu.pipeline_mode<synchronous>, transform_indices = @transform_9, window_bounds = array<i64: 1, 128>}, {pipeline_mode = #tpu.pipeline_mode<synchronous>, transform_indices = @transform_10, window_bounds = array<i64: 128, 128>}, {pipeline_mode = #tpu.pipeline_mode<synchronous>, transform_indices = @transform_11, window_bounds = array<i64: 1, 128>}, {pipeline_mode = #tpu.pipeline_mode<synchronous>, transform_indices = @transform_12, window_bounds = array<i64: 128, 128>}, {pipeline_mode = #tpu.pipeline_mode<synchronous>, transform_indices = @transform_13, window_bounds = array<i64: 1, 128>}, {pipeline_mode = #tpu.pipeline_mode<synchronous>, transform_indices = @transform_14, window_bounds = array<i64: 1, 128>}, {pipeline_mode = #tpu.pipeline_mode<synchronous>, transform_indices = @transform_15, window_bounds = array<i64: 1, 128>}]} {
    %get3A = arith.constant 0 : index
    %get3A_0 = arith.constant 0 : index
    %get3A_1 = vector.load %arg1[%get3A, %get3A_0] : memref<10000x128xf32, #tpu.memory_space<vmem>>, vector<10000x128xf32>
    %get3A_2 = arith.constant 0 : index
    %get3A_3 = arith.constant 0 : index
    %get3A_4 = vector.load %arg2[%get3A_2, %get3A_3] : memref<128x128xf32, #tpu.memory_space<vmem>>, vector<128x128xf32>
    %convert_element_type3A = arith.truncf %get3A_1 : vector<10000x128xf32> to vector<10000x128xbf16>
    %convert_element_type3A_5 = arith.truncf %get3A_4 : vector<128x128xf32> to vector<128x128xbf16>
    %dot_general3A = arith.constant dense<0.000000e+00> : vector<10000x128xf32>
    %dot_general3A_6 = tpu.matmul %convert_element_type3A, %convert_element_type3A_5, %dot_general3A {dimension_numbers = #tpu.dot_dimension_numbers<[1], [0], [0], [1], [0, 0, 1, 1], [], []>, transpose_lhs_hint = false} : vector<10000x128xbf16>, vector<128x128xbf16>, vector<10000x128xf32> -> vector<10000x128xf32>
    %get3A_7 = arith.constant 0 : index
    %get3A_8 = arith.constant 0 : index
    %get3A_9 = vector.load %arg3[%get3A_7, %get3A_8] : memref<1x128xf32, #tpu.memory_space<vmem>>, vector<1x128xf32>
    %add3A = vector.broadcast %get3A_9 : vector<1x128xf32> to vector<10000x128xf32>
    %add3A_10 = arith.addf %dot_general3A_6, %add3A : vector<10000x128xf32>
    %tanh3A = math.tanh %add3A_10 : vector<10000x128xf32>
    %convert_element_type3A_11 = arith.truncf %tanh3A : vector<10000x128xf32> to vector<10000x128xbf16>
    %get3A_12 = arith.constant 0 : index
    %get3A_13 = arith.constant 0 : index
    %get3A_14 = vector.load %arg4[%get3A_12, %get3A_13] : memref<1x128xf32, #tpu.memory_space<vmem>>, vector<1x128xf32>
    %convert_element_type3A_15 = arith.truncf %get3A_14 : vector<1x128xf32> to vector<1x128xbf16>
    %mul3A = vector.broadcast %convert_element_type3A_15 : vector<1x128xbf16> to vector<10000x128xbf16>
    %mul3A_16 = arith.mulf %convert_element_type3A_11, %mul3A : vector<10000x128xbf16>
    %convert_element_type3A_17 = arith.extf %mul3A_16 : vector<10000x128xbf16> to vector<10000x128xf32>
    %reduce_sum3A = arith.constant dense<0.000000e+00> : vector<10000xf32>
    %reduce_sum3A_18 = vector.multi_reduction <add>, %convert_element_type3A_17, %reduce_sum3A [1] : vector<10000x128xf32> to vector<10000xf32>
    %broadcast_in_dim3A = vector.shape_cast %reduce_sum3A_18 : vector<10000xf32> to vector<10000x1xf32>
    %reduce_max3A = vector.shape_cast %broadcast_in_dim3A : vector<10000x1xf32> to vector<1x10000x1xf32>
    %reduce_max3A_19 = arith.constant dense<0xFF800000> : vector<1xf32>
    %reduce_max3A_20 = vector.multi_reduction <maximumf>, %reduce_max3A, %reduce_max3A_19 [1, 2] : vector<1x10000x1xf32> to vector<1xf32>
    %reduce_max3A_21 = vector.shape_cast %reduce_max3A_20 : vector<1xf32> to vector<1x1x1xf32>
    %reduce_max3A_22 = vector.extract %reduce_max3A_21[0, 0, 0] : f32 from vector<1x1x1xf32>
    %sub3A = vector.broadcast %reduce_max3A_22 : f32 to vector<10000x1xf32>
    %sub3A_23 = arith.subf %broadcast_in_dim3A, %sub3A : vector<10000x1xf32>
    %exp3A = math.exp %sub3A_23 : vector<10000x1xf32>
    %reduce_sum3A_24 = vector.shape_cast %exp3A : vector<10000x1xf32> to vector<1x10000x1xf32>
    %reduce_sum3A_25 = arith.constant dense<0.000000e+00> : vector<1xf32>
    %reduce_sum3A_26 = vector.multi_reduction <add>, %reduce_sum3A_24, %reduce_sum3A_25 [1, 2] : vector<1x10000x1xf32> to vector<1xf32>
    %reduce_sum3A_27 = vector.shape_cast %reduce_sum3A_26 : vector<1xf32> to vector<1x1x1xf32>
    %reduce_sum3A_28 = vector.extract %reduce_sum3A_27[0, 0, 0] : f32 from vector<1x1x1xf32>
    %div3A = vector.broadcast %reduce_sum3A_28 : f32 to vector<10000x1xf32>
    %div3A_29 = arith.divf %exp3A, %div3A : vector<10000x1xf32>
    %mul3A_30 = vector.broadcast %div3A_29 : vector<10000x1xf32> to vector<10000x128xf32>
    %mul3A_31 = arith.mulf %get3A_1, %mul3A_30 : vector<10000x128xf32>
    %reduce_sum3A_32 = arith.constant dense<0.000000e+00> : vector<128xf32>
    %reduce_sum3A_33 = vector.multi_reduction <add>, %mul3A_31, %reduce_sum3A_32 [0] : vector<10000x128xf32> to vector<128xf32>
    %broadcast_in_dim3A_34 = vector.shape_cast %reduce_sum3A_33 : vector<128xf32> to vector<1x128xf32>
    %get3A_35 = arith.constant 0 : index
    %get3A_36 = arith.constant 0 : index
    %get3A_37 = arith.constant 0 : index
    %get3A_38 = vector.load %arg5[%get3A_35, %get3A_36, %get3A_37] : memref<3x128x128xf32, #tpu.memory_space<vmem>>, vector<1x128x128xf32>
    %get3A_39 = vector.shape_cast %get3A_38 : vector<1x128x128xf32> to vector<128x128xf32>
    %convert_element_type3A_40 = arith.truncf %broadcast_in_dim3A_34 : vector<1x128xf32> to vector<1x128xbf16>
    %convert_element_type3A_41 = arith.truncf %get3A_39 : vector<128x128xf32> to vector<128x128xbf16>
    %dot_general3A_42 = arith.constant dense<0.000000e+00> : vector<1x128xf32>
    %dot_general3A_43 = tpu.matmul %convert_element_type3A_40, %convert_element_type3A_41, %dot_general3A_42 {dimension_numbers = #tpu.dot_dimension_numbers<[1], [0], [0], [1], [0, 0, 1, 1], [], []>, transpose_lhs_hint = false} : vector<1x128xbf16>, vector<128x128xbf16>, vector<1x128xf32> -> vector<1x128xf32>
    %get3A_44 = arith.constant 0 : index
    %get3A_45 = arith.constant 0 : index
    %get3A_46 = vector.load %arg6[%get3A_44, %get3A_45] : memref<3x128xf32, #tpu.memory_space<vmem>>, vector<1x128xf32>
    %add3A_47 = arith.addf %dot_general3A_43, %get3A_46 : vector<1x128xf32>
    %max3A = arith.constant 0.000000e+00 : f32
    %max3A_48 = vector.broadcast %max3A : f32 to vector<1x128xf32>
    %max3A_49 = arith.maximumf %add3A_47, %max3A_48 : vector<1x128xf32>
    %get3A_50 = arith.constant 0 : index
    %get3A_51 = arith.constant 0 : index
    %get3A_52 = arith.constant 0 : index
    %get3A_53 = vector.load %arg7[%get3A_50, %get3A_51, %get3A_52] : memref<3x128x128xf32, #tpu.memory_space<vmem>>, vector<1x128x128xf32>
    %get3A_54 = vector.shape_cast %get3A_53 : vector<1x128x128xf32> to vector<128x128xf32>
    %convert_element_type3A_55 = arith.truncf %max3A_49 : vector<1x128xf32> to vector<1x128xbf16>
    %convert_element_type3A_56 = arith.truncf %get3A_54 : vector<128x128xf32> to vector<128x128xbf16>
    %dot_general3A_57 = arith.constant dense<0.000000e+00> : vector<1x128xf32>
    %dot_general3A_58 = tpu.matmul %convert_element_type3A_55, %convert_element_type3A_56, %dot_general3A_57 {dimension_numbers = #tpu.dot_dimension_numbers<[1], [0], [0], [1], [0, 0, 1, 1], [], []>, transpose_lhs_hint = false} : vector<1x128xbf16>, vector<128x128xbf16>, vector<1x128xf32> -> vector<1x128xf32>
    %get3A_59 = arith.constant 0 : index
    %get3A_60 = arith.constant 0 : index
    %get3A_61 = vector.load %arg8[%get3A_59, %get3A_60] : memref<3x128xf32, #tpu.memory_space<vmem>>, vector<1x128xf32>
    %add3A_62 = arith.addf %dot_general3A_58, %get3A_61 : vector<1x128xf32>
    %add3A_63 = arith.addf %broadcast_in_dim3A_34, %add3A_62 : vector<1x128xf32>
    %reduce_sum3A_64 = arith.constant dense<0.000000e+00> : vector<1xf32>
    %reduce_sum3A_65 = vector.multi_reduction <add>, %add3A_63, %reduce_sum3A_64 [1] : vector<1x128xf32> to vector<1xf32>
    %broadcast_in_dim3A_66 = vector.shape_cast %reduce_sum3A_65 : vector<1xf32> to vector<1x1xf32>
    %div3A_67 = arith.constant 1.280000e+02 : f32
    %div3A_68 = vector.broadcast %div3A_67 : f32 to vector<1x1xf32>
    %div3A_69 = arith.divf %broadcast_in_dim3A_66, %div3A_68 : vector<1x1xf32>
    %sub3A_70 = vector.broadcast %div3A_69 : vector<1x1xf32> to vector<1x128xf32>
    %sub3A_71 = arith.subf %add3A_63, %sub3A_70 : vector<1x128xf32>
    %mul3A_72 = arith.mulf %sub3A_71, %sub3A_71 : vector<1x128xf32>
    %reduce_sum3A_73 = arith.constant dense<0.000000e+00> : vector<1xf32>
    %reduce_sum3A_74 = vector.multi_reduction <add>, %mul3A_72, %reduce_sum3A_73 [1] : vector<1x128xf32> to vector<1xf32>
    %broadcast_in_dim3A_75 = vector.shape_cast %reduce_sum3A_74 : vector<1xf32> to vector<1x1xf32>
    %div3A_76 = arith.constant 1.280000e+02 : f32
    %div3A_77 = vector.broadcast %div3A_76 : f32 to vector<1x1xf32>
    %div3A_78 = arith.divf %broadcast_in_dim3A_75, %div3A_77 : vector<1x1xf32>
    %add3A_79 = arith.constant 9.99999974E-6 : f32
    %add3A_80 = vector.broadcast %add3A_79 : f32 to vector<1x1xf32>
    %add3A_81 = arith.addf %div3A_78, %add3A_80 : vector<1x1xf32>
    %rsqrt3A = math.rsqrt %add3A_81 : vector<1x1xf32>
    %mul3A_82 = vector.broadcast %rsqrt3A : vector<1x1xf32> to vector<1x128xf32>
    %mul3A_83 = arith.mulf %sub3A_71, %mul3A_82 : vector<1x128xf32>
    %get3A_84 = arith.constant 0 : index
    %get3A_85 = arith.constant 0 : index
    %get3A_86 = vector.load %arg9[%get3A_84, %get3A_85] : memref<1x128xf32, #tpu.memory_space<vmem>>, vector<1x128xf32>
    %mul3A_87 = arith.mulf %mul3A_83, %get3A_86 : vector<1x128xf32>
    %get3A_88 = arith.constant 0 : index
    %get3A_89 = arith.constant 0 : index
    %get3A_90 = vector.load %arg10[%get3A_88, %get3A_89] : memref<1x128xf32, #tpu.memory_space<vmem>>, vector<1x128xf32>
    %add3A_91 = arith.addf %mul3A_87, %get3A_90 : vector<1x128xf32>
    %get3A_92 = arith.constant 1 : index
    %get3A_93 = arith.constant 0 : index
    %get3A_94 = arith.constant 0 : index
    %get3A_95 = vector.load %arg5[%get3A_92, %get3A_93, %get3A_94] : memref<3x128x128xf32, #tpu.memory_space<vmem>>, vector<1x128x128xf32>
    %get3A_96 = vector.shape_cast %get3A_95 : vector<1x128x128xf32> to vector<128x128xf32>
    %convert_element_type3A_97 = arith.truncf %add3A_91 : vector<1x128xf32> to vector<1x128xbf16>
    %convert_element_type3A_98 = arith.truncf %get3A_96 : vector<128x128xf32> to vector<128x128xbf16>
    %dot_general3A_99 = arith.constant dense<0.000000e+00> : vector<1x128xf32>
    %dot_general3A_100 = tpu.matmul %convert_element_type3A_97, %convert_element_type3A_98, %dot_general3A_99 {dimension_numbers = #tpu.dot_dimension_numbers<[1], [0], [0], [1], [0, 0, 1, 1], [], []>, transpose_lhs_hint = false} : vector<1x128xbf16>, vector<128x128xbf16>, vector<1x128xf32> -> vector<1x128xf32>
    %get3A_101 = arith.constant 1 : index
    %get3A_102 = arith.constant 0 : index
    %get3A_103 = vector.load %arg6[%get3A_101, %get3A_102] : memref<3x128xf32, #tpu.memory_space<vmem>>, vector<1x128xf32>
    %add3A_104 = arith.addf %dot_general3A_100, %get3A_103 : vector<1x128xf32>
    %max3A_105 = arith.constant 0.000000e+00 : f32
    %max3A_106 = vector.broadcast %max3A_105 : f32 to vector<1x128xf32>
    %max3A_107 = arith.maximumf %add3A_104, %max3A_106 : vector<1x128xf32>
    %get3A_108 = arith.constant 1 : index
    %get3A_109 = arith.constant 0 : index
    %get3A_110 = arith.constant 0 : index
    %get3A_111 = vector.load %arg7[%get3A_108, %get3A_109, %get3A_110] : memref<3x128x128xf32, #tpu.memory_space<vmem>>, vector<1x128x128xf32>
    %get3A_112 = vector.shape_cast %get3A_111 : vector<1x128x128xf32> to vector<128x128xf32>
    %convert_element_type3A_113 = arith.truncf %max3A_107 : vector<1x128xf32> to vector<1x128xbf16>
    %convert_element_type3A_114 = arith.truncf %get3A_112 : vector<128x128xf32> to vector<128x128xbf16>
    %dot_general3A_115 = arith.constant dense<0.000000e+00> : vector<1x128xf32>
    %dot_general3A_116 = tpu.matmul %convert_element_type3A_113, %convert_element_type3A_114, %dot_general3A_115 {dimension_numbers = #tpu.dot_dimension_numbers<[1], [0], [0], [1], [0, 0, 1, 1], [], []>, transpose_lhs_hint = false} : vector<1x128xbf16>, vector<128x128xbf16>, vector<1x128xf32> -> vector<1x128xf32>
    %get3A_117 = arith.constant 1 : index
    %get3A_118 = arith.constant 0 : index
    %get3A_119 = vector.load %arg8[%get3A_117, %get3A_118] : memref<3x128xf32, #tpu.memory_space<vmem>>, vector<1x128xf32>
    %add3A_120 = arith.addf %dot_general3A_116, %get3A_119 : vector<1x128xf32>
    %add3A_121 = arith.addf %add3A_91, %add3A_120 : vector<1x128xf32>
    %reduce_sum3A_122 = arith.constant dense<0.000000e+00> : vector<1xf32>
    %reduce_sum3A_123 = vector.multi_reduction <add>, %add3A_121, %reduce_sum3A_122 [1] : vector<1x128xf32> to vector<1xf32>
    %broadcast_in_dim3A_124 = vector.shape_cast %reduce_sum3A_123 : vector<1xf32> to vector<1x1xf32>
    %div3A_125 = arith.constant 1.280000e+02 : f32
    %div3A_126 = vector.broadcast %div3A_125 : f32 to vector<1x1xf32>
    %div3A_127 = arith.divf %broadcast_in_dim3A_124, %div3A_126 : vector<1x1xf32>
    %sub3A_128 = vector.broadcast %div3A_127 : vector<1x1xf32> to vector<1x128xf32>
    %sub3A_129 = arith.subf %add3A_121, %sub3A_128 : vector<1x128xf32>
    %mul3A_130 = arith.mulf %sub3A_129, %sub3A_129 : vector<1x128xf32>
    %reduce_sum3A_131 = arith.constant dense<0.000000e+00> : vector<1xf32>
    %reduce_sum3A_132 = vector.multi_reduction <add>, %mul3A_130, %reduce_sum3A_131 [1] : vector<1x128xf32> to vector<1xf32>
    %broadcast_in_dim3A_133 = vector.shape_cast %reduce_sum3A_132 : vector<1xf32> to vector<1x1xf32>
    %div3A_134 = arith.constant 1.280000e+02 : f32
    %div3A_135 = vector.broadcast %div3A_134 : f32 to vector<1x1xf32>
    %div3A_136 = arith.divf %broadcast_in_dim3A_133, %div3A_135 : vector<1x1xf32>
    %add3A_137 = arith.constant 9.99999974E-6 : f32
    %add3A_138 = vector.broadcast %add3A_137 : f32 to vector<1x1xf32>
    %add3A_139 = arith.addf %div3A_136, %add3A_138 : vector<1x1xf32>
    %rsqrt3A_140 = math.rsqrt %add3A_139 : vector<1x1xf32>
    %mul3A_141 = vector.broadcast %rsqrt3A_140 : vector<1x1xf32> to vector<1x128xf32>
    %mul3A_142 = arith.mulf %sub3A_129, %mul3A_141 : vector<1x128xf32>
    %get3A_143 = arith.constant 0 : index
    %get3A_144 = arith.constant 0 : index
    %get3A_145 = vector.load %arg9[%get3A_143, %get3A_144] : memref<1x128xf32, #tpu.memory_space<vmem>>, vector<1x128xf32>
    %mul3A_146 = arith.mulf %mul3A_142, %get3A_145 : vector<1x128xf32>
    %get3A_147 = arith.constant 0 : index
    %get3A_148 = arith.constant 0 : index
    %get3A_149 = vector.load %arg10[%get3A_147, %get3A_148] : memref<1x128xf32, #tpu.memory_space<vmem>>, vector<1x128xf32>
    %add3A_150 = arith.addf %mul3A_146, %get3A_149 : vector<1x128xf32>
    %get3A_151 = arith.constant 2 : index
    %get3A_152 = arith.constant 0 : index
    %get3A_153 = arith.constant 0 : index
    %get3A_154 = vector.load %arg5[%get3A_151, %get3A_152, %get3A_153] : memref<3x128x128xf32, #tpu.memory_space<vmem>>, vector<1x128x128xf32>
    %get3A_155 = vector.shape_cast %get3A_154 : vector<1x128x128xf32> to vector<128x128xf32>
    %convert_element_type3A_156 = arith.truncf %add3A_150 : vector<1x128xf32> to vector<1x128xbf16>
    %convert_element_type3A_157 = arith.truncf %get3A_155 : vector<128x128xf32> to vector<128x128xbf16>
    %dot_general3A_158 = arith.constant dense<0.000000e+00> : vector<1x128xf32>
    %dot_general3A_159 = tpu.matmul %convert_element_type3A_156, %convert_element_type3A_157, %dot_general3A_158 {dimension_numbers = #tpu.dot_dimension_numbers<[1], [0], [0], [1], [0, 0, 1, 1], [], []>, transpose_lhs_hint = false} : vector<1x128xbf16>, vector<128x128xbf16>, vector<1x128xf32> -> vector<1x128xf32>
    %get3A_160 = arith.constant 2 : index
    %get3A_161 = arith.constant 0 : index
    %get3A_162 = vector.load %arg6[%get3A_160, %get3A_161] : memref<3x128xf32, #tpu.memory_space<vmem>>, vector<1x128xf32>
    %add3A_163 = arith.addf %dot_general3A_159, %get3A_162 : vector<1x128xf32>
    %max3A_164 = arith.constant 0.000000e+00 : f32
    %max3A_165 = vector.broadcast %max3A_164 : f32 to vector<1x128xf32>
    %max3A_166 = arith.maximumf %add3A_163, %max3A_165 : vector<1x128xf32>
    %get3A_167 = arith.constant 2 : index
    %get3A_168 = arith.constant 0 : index
    %get3A_169 = arith.constant 0 : index
    %get3A_170 = vector.load %arg7[%get3A_167, %get3A_168, %get3A_169] : memref<3x128x128xf32, #tpu.memory_space<vmem>>, vector<1x128x128xf32>
    %get3A_171 = vector.shape_cast %get3A_170 : vector<1x128x128xf32> to vector<128x128xf32>
    %convert_element_type3A_172 = arith.truncf %max3A_166 : vector<1x128xf32> to vector<1x128xbf16>
    %convert_element_type3A_173 = arith.truncf %get3A_171 : vector<128x128xf32> to vector<128x128xbf16>
    %dot_general3A_174 = arith.constant dense<0.000000e+00> : vector<1x128xf32>
    %dot_general3A_175 = tpu.matmul %convert_element_type3A_172, %convert_element_type3A_173, %dot_general3A_174 {dimension_numbers = #tpu.dot_dimension_numbers<[1], [0], [0], [1], [0, 0, 1, 1], [], []>, transpose_lhs_hint = false} : vector<1x128xbf16>, vector<128x128xbf16>, vector<1x128xf32> -> vector<1x128xf32>
    %get3A_176 = arith.constant 2 : index
    %get3A_177 = arith.constant 0 : index
    %get3A_178 = vector.load %arg8[%get3A_176, %get3A_177] : memref<3x128xf32, #tpu.memory_space<vmem>>, vector<1x128xf32>
    %add3A_179 = arith.addf %dot_general3A_175, %get3A_178 : vector<1x128xf32>
    %add3A_180 = arith.addf %add3A_150, %add3A_179 : vector<1x128xf32>
    %reduce_sum3A_181 = arith.constant dense<0.000000e+00> : vector<1xf32>
    %reduce_sum3A_182 = vector.multi_reduction <add>, %add3A_180, %reduce_sum3A_181 [1] : vector<1x128xf32> to vector<1xf32>
    %broadcast_in_dim3A_183 = vector.shape_cast %reduce_sum3A_182 : vector<1xf32> to vector<1x1xf32>
    %div3A_184 = arith.constant 1.280000e+02 : f32
    %div3A_185 = vector.broadcast %div3A_184 : f32 to vector<1x1xf32>
    %div3A_186 = arith.divf %broadcast_in_dim3A_183, %div3A_185 : vector<1x1xf32>
    %sub3A_187 = vector.broadcast %div3A_186 : vector<1x1xf32> to vector<1x128xf32>
    %sub3A_188 = arith.subf %add3A_180, %sub3A_187 : vector<1x128xf32>
    %mul3A_189 = arith.mulf %sub3A_188, %sub3A_188 : vector<1x128xf32>
    %reduce_sum3A_190 = arith.constant dense<0.000000e+00> : vector<1xf32>
    %reduce_sum3A_191 = vector.multi_reduction <add>, %mul3A_189, %reduce_sum3A_190 [1] : vector<1x128xf32> to vector<1xf32>
    %broadcast_in_dim3A_192 = vector.shape_cast %reduce_sum3A_191 : vector<1xf32> to vector<1x1xf32>
    %div3A_193 = arith.constant 1.280000e+02 : f32
    %div3A_194 = vector.broadcast %div3A_193 : f32 to vector<1x1xf32>
    %div3A_195 = arith.divf %broadcast_in_dim3A_192, %div3A_194 : vector<1x1xf32>
    %add3A_196 = arith.constant 9.99999974E-6 : f32
    %add3A_197 = vector.broadcast %add3A_196 : f32 to vector<1x1xf32>
    %add3A_198 = arith.addf %div3A_195, %add3A_197 : vector<1x1xf32>
    %rsqrt3A_199 = math.rsqrt %add3A_198 : vector<1x1xf32>
    %mul3A_200 = vector.broadcast %rsqrt3A_199 : vector<1x1xf32> to vector<1x128xf32>
    %mul3A_201 = arith.mulf %sub3A_188, %mul3A_200 : vector<1x128xf32>
    %get3A_202 = arith.constant 0 : index
    %get3A_203 = arith.constant 0 : index
    %get3A_204 = vector.load %arg9[%get3A_202, %get3A_203] : memref<1x128xf32, #tpu.memory_space<vmem>>, vector<1x128xf32>
    %mul3A_205 = arith.mulf %mul3A_201, %get3A_204 : vector<1x128xf32>
    %get3A_206 = arith.constant 0 : index
    %get3A_207 = arith.constant 0 : index
    %get3A_208 = vector.load %arg10[%get3A_206, %get3A_207] : memref<1x128xf32, #tpu.memory_space<vmem>>, vector<1x128xf32>
    %add3A_209 = arith.addf %mul3A_205, %get3A_208 : vector<1x128xf32>
    %get3A_210 = arith.constant 0 : index
    %get3A_211 = arith.constant 0 : index
    %get3A_212 = vector.load %arg11[%get3A_210, %get3A_211] : memref<128x128xf32, #tpu.memory_space<vmem>>, vector<128x128xf32>
    %convert_element_type3A_213 = arith.truncf %add3A_209 : vector<1x128xf32> to vector<1x128xbf16>
    %convert_element_type3A_214 = arith.truncf %get3A_212 : vector<128x128xf32> to vector<128x128xbf16>
    %dot_general3A_215 = arith.constant dense<0.000000e+00> : vector<1x128xf32>
    %dot_general3A_216 = tpu.matmul %convert_element_type3A_213, %convert_element_type3A_214, %dot_general3A_215 {dimension_numbers = #tpu.dot_dimension_numbers<[1], [0], [0], [1], [0, 0, 1, 1], [], []>, transpose_lhs_hint = false} : vector<1x128xbf16>, vector<128x128xbf16>, vector<1x128xf32> -> vector<1x128xf32>
    %get3A_217 = arith.constant 0 : index
    %get3A_218 = arith.constant 0 : index
    %get3A_219 = vector.load %arg12[%get3A_217, %get3A_218] : memref<1x128xf32, #tpu.memory_space<vmem>>, vector<1x128xf32>
    %add3A_220 = arith.addf %dot_general3A_216, %get3A_219 : vector<1x128xf32>
    %swap3A = arith.constant 0 : index
    %swap3A_221 = arith.constant 0 : index
    %swap3A_222 = vector.load %arg15[%swap3A, %swap3A_221] : memref<1x128xf32, #tpu.memory_space<vmem>>, vector<1x128xf32>
    tpu.vector_store %arg15[%swap3A, %swap3A_221], %add3A_220 {strides = array<i32>} : memref<1x128xf32, #tpu.memory_space<vmem>>, vector<1x128xf32>,
    %get3A_223 = arith.constant 0 : index
    %get3A_224 = arith.constant 0 : index
    %get3A_225 = vector.load %arg13[%get3A_223, %get3A_224] : memref<128x128xf32, #tpu.memory_space<vmem>>, vector<128x128xf32>
    %convert_element_type3A_226 = arith.truncf %add3A_209 : vector<1x128xf32> to vector<1x128xbf16>
    %convert_element_type3A_227 = arith.truncf %get3A_225 : vector<128x128xf32> to vector<128x128xbf16>
    %dot_general3A_228 = arith.constant dense<0.000000e+00> : vector<1x128xf32>
    %dot_general3A_229 = tpu.matmul %convert_element_type3A_226, %convert_element_type3A_227, %dot_general3A_228 {dimension_numbers = #tpu.dot_dimension_numbers<[1], [0], [0], [1], [0, 0, 1, 1], [], []>, transpose_lhs_hint = false} : vector<1x128xbf16>, vector<128x128xbf16>, vector<1x128xf32> -> vector<1x128xf32>
    %get3A_230 = arith.constant 0 : index
    %get3A_231 = arith.constant 0 : index
    %get3A_232 = vector.load %arg14[%get3A_230, %get3A_231] : memref<1x128xf32, #tpu.memory_space<vmem>>, vector<1x128xf32>
    %add3A_233 = arith.addf %dot_general3A_229, %get3A_232 : vector<1x128xf32>
    %swap3A_234 = arith.constant 0 : index
    %swap3A_235 = arith.constant 0 : index
    %swap3A_236 = vector.load %arg16[%swap3A_234, %swap3A_235] : memref<1x128xf32, #tpu.memory_space<vmem>>, vector<1x128xf32>
    tpu.vector_store %arg16[%swap3A_234, %swap3A_235], %add3A_233 {strides = array<i32>} : memref<1x128xf32, #tpu.memory_space<vmem>>, vector<1x128xf32>,
    return
  }
  func.func @transform_0(%arg0: i32) -> (i32, i32) {
    %c0_i32 = arith.constant 0 : i32
    %c0_i32_0 = arith.constant 0 : i32
    %c0_i32_1 = arith.constant 0 : i32
    return %c0_i32, %c0_i32_0 : i32, i32
  }
  func.func @transform_1(%arg0: i32) -> (i32, i32) {
    %c0_i32 = arith.constant 0 : i32
    %c0_i32_0 = arith.constant 0 : i32
    %c0_i32_1 = arith.constant 0 : i32
    return %c0_i32, %c0_i32_0 : i32, i32
  }
  func.func @transform_2(%arg0: i32) -> (i32, i32) {
    %c0_i32 = arith.constant 0 : i32
    %c0_i32_0 = arith.constant 0 : i32
    %c0_i32_1 = arith.constant 0 : i32
    return %c0_i32, %c0_i32_0 : i32, i32
  }
  func.func @transform_3(%arg0: i32) -> (i32, i32) {
    %c0_i32 = arith.constant 0 : i32
    %c0_i32_0 = arith.constant 0 : i32
    %c0_i32_1 = arith.constant 0 : i32
    return %c0_i32, %c0_i32_0 : i32, i32
  }
  func.func @transform_4(%arg0: i32) -> (i32, i32, i32) {
    %c0_i32 = arith.constant 0 : i32
    %c0_i32_0 = arith.constant 0 : i32
    %c0_i32_1 = arith.constant 0 : i32
    %c0_i32_2 = arith.constant 0 : i32
    return %c0_i32, %c0_i32_0, %c0_i32_1 : i32, i32, i32
  }
  func.func @transform_5(%arg0: i32) -> (i32, i32) {
    %c0_i32 = arith.constant 0 : i32
    %c0_i32_0 = arith.constant 0 : i32
    %c0_i32_1 = arith.constant 0 : i32
    return %c0_i32, %c0_i32_0 : i32, i32
  }
  func.func @transform_6(%arg0: i32) -> (i32, i32, i32) {
    %c0_i32 = arith.constant 0 : i32
    %c0_i32_0 = arith.constant 0 : i32
    %c0_i32_1 = arith.constant 0 : i32
    %c0_i32_2 = arith.constant 0 : i32
    return %c0_i32, %c0_i32_0, %c0_i32_1 : i32, i32, i32
  }
  func.func @transform_7(%arg0: i32) -> (i32, i32) {
    %c0_i32 = arith.constant 0 : i32
    %c0_i32_0 = arith.constant 0 : i32
    %c0_i32_1 = arith.constant 0 : i32
    return %c0_i32, %c0_i32_0 : i32, i32
  }
  func.func @transform_8(%arg0: i32) -> (i32, i32) {
    %c0_i32 = arith.constant 0 : i32
    %c0_i32_0 = arith.constant 0 : i32
    %c0_i32_1 = arith.constant 0 : i32
    return %c0_i32, %c0_i32_0 : i32, i32
  }
  func.func @transform_9(%arg0: i32) -> (i32, i32) {
    %c0_i32 = arith.constant 0 : i32
    %c0_i32_0 = arith.constant 0 : i32
    %c0_i32_1 = arith.constant 0 : i32
    return %c0_i32, %c0_i32_0 : i32, i32
  }
  func.func @transform_10(%arg0: i32) -> (i32, i32) {
    %c0_i32 = arith.constant 0 : i32
    %c0_i32_0 = arith.constant 0 : i32
    %c0_i32_1 = arith.constant 0 : i32
    return %c0_i32, %c0_i32_0 : i32, i32
  }
  func.func @transform_11(%arg0: i32) -> (i32, i32) {
    %c0_i32 = arith.constant 0 : i32
    %c0_i32_0 = arith.constant 0 : i32
    %c0_i32_1 = arith.constant 0 : i32
    return %c0_i32, %c0_i32_0 : i32, i32
  }
  func.func @transform_12(%arg0: i32) -> (i32, i32) {
    %c0_i32 = arith.constant 0 : i32
    %c0_i32_0 = arith.constant 0 : i32
    %c0_i32_1 = arith.constant 0 : i32
    return %c0_i32, %c0_i32_0 : i32, i32
  }
  func.func @transform_13(%arg0: i32) -> (i32, i32) {
    %c0_i32 = arith.constant 0 : i32
    %c0_i32_0 = arith.constant 0 : i32
    %c0_i32_1 = arith.constant 0 : i32
    return %c0_i32, %c0_i32_0 : i32, i32
  }
  func.func @transform_14(%arg0: i32) -> (i32, i32) {
    %c0_i32 = arith.constant 0 : i32
    %c0_i32_0 = arith.constant 0 : i32
    %c0_i32_1 = arith.constant 0 : i32
    return %c0_i32, %c0_i32_0 : i32, i32
  }
  func.func @transform_15(%arg0: i32) -> (i32, i32) {
    %c0_i32 = arith.constant 0 : i32
    %c0_i32_0 = arith.constant 0 : i32
    %c0_i32_1 = arith.constant 0 : i32
    return %c0_i32, %c0_i32_0 : i32, i32
  }
}

module attributes {stable_mosaic.version = 14 : i64} {
  func.func @_fuse_body(%arg0: i32, %arg1: memref<2000x128xf32, #tpu.memory_space<vmem>>, %arg2: memref<1x128xf32, #tpu.memory_space<vmem>>, %arg3: memref<1x128xf32, #tpu.memory_space<vmem>>, %arg4: memref<128x128xf32, #tpu.memory_space<vmem>>, %arg5: memref<1x128xf32, #tpu.memory_space<vmem>>, %arg6: memref<128x128xf32, #tpu.memory_space<vmem>>, %arg7: memref<1x128xf32, #tpu.memory_space<vmem>>, %arg8: memref<128x128xf32, #tpu.memory_space<vmem>>, %arg9: memref<1x128xf32, #tpu.memory_space<vmem>>, %arg10: memref<3x128x64xf32, #tpu.memory_space<vmem>>, %arg11: memref<3x64xf32, #tpu.memory_space<vmem>>, %arg12: memref<3x64xf32, #tpu.memory_space<vmem>>, %arg13: memref<3x1xf32, #tpu.memory_space<vmem>>, %arg14: memref<2000x1xf32, #tpu.memory_space<vmem>>, %arg15: memref<2000x1xf32, #tpu.memory_space<vmem>>, %arg16: memref<2000x1xf32, #tpu.memory_space<vmem>>) attributes {dimension_semantics = [#tpu.dimension_semantics<arbitrary>], iteration_bounds = array<i64: 5>, scalar_prefetch = 0 : i64, scratch_operands = 0 : i64, tpu.core_type = #tpu.core_type<tc>, window_params = [{transform_indices = @transform_0, window_bounds = array<i64: 2000, 128>}, {pipeline_mode = #tpu.pipeline_mode<synchronous>, transform_indices = @transform_1, window_bounds = array<i64: 1, 128>}, {pipeline_mode = #tpu.pipeline_mode<synchronous>, transform_indices = @transform_2, window_bounds = array<i64: 1, 128>}, {pipeline_mode = #tpu.pipeline_mode<synchronous>, transform_indices = @transform_3, window_bounds = array<i64: 128, 128>}, {pipeline_mode = #tpu.pipeline_mode<synchronous>, transform_indices = @transform_4, window_bounds = array<i64: 1, 128>}, {pipeline_mode = #tpu.pipeline_mode<synchronous>, transform_indices = @transform_5, window_bounds = array<i64: 128, 128>}, {pipeline_mode = #tpu.pipeline_mode<synchronous>, transform_indices = @transform_6, window_bounds = array<i64: 1, 128>}, {pipeline_mode = #tpu.pipeline_mode<synchronous>, transform_indices = @transform_7, window_bounds = array<i64: 128, 128>}, {pipeline_mode = #tpu.pipeline_mode<synchronous>, transform_indices = @transform_8, window_bounds = array<i64: 1, 128>}, {pipeline_mode = #tpu.pipeline_mode<synchronous>, transform_indices = @transform_9, window_bounds = array<i64: 3, 128, 64>}, {pipeline_mode = #tpu.pipeline_mode<synchronous>, transform_indices = @transform_10, window_bounds = array<i64: 3, 64>}, {pipeline_mode = #tpu.pipeline_mode<synchronous>, transform_indices = @transform_11, window_bounds = array<i64: 3, 64>}, {pipeline_mode = #tpu.pipeline_mode<synchronous>, transform_indices = @transform_12, window_bounds = array<i64: 3, 1>}, {transform_indices = @transform_13, window_bounds = array<i64: 2000, 1>}, {transform_indices = @transform_14, window_bounds = array<i64: 2000, 1>}, {transform_indices = @transform_15, window_bounds = array<i64: 2000, 1>}]} {
    %get3A = arith.constant 0 : index
    %get3A_0 = arith.constant 0 : index
    %get3A_1 = vector.load %arg1[%get3A, %get3A_0] : memref<2000x128xf32, #tpu.memory_space<vmem>>, vector<2000x128xf32>
    %get3A_2 = arith.constant 0 : index
    %get3A_3 = arith.constant 0 : index
    %get3A_4 = vector.load %arg4[%get3A_2, %get3A_3] : memref<128x128xf32, #tpu.memory_space<vmem>>, vector<128x128xf32>
    %convert_element_type3A = arith.truncf %get3A_1 : vector<2000x128xf32> to vector<2000x128xbf16>
    %convert_element_type3A_5 = arith.truncf %get3A_4 : vector<128x128xf32> to vector<128x128xbf16>
    %dot_general3A = arith.constant dense<0.000000e+00> : vector<2000x128xf32>
    %dot_general3A_6 = tpu.matmul %convert_element_type3A, %convert_element_type3A_5, %dot_general3A {dimension_numbers = #tpu.dot_dimension_numbers<[1], [0], [0], [1], [0, 0, 1, 1], [], []>, transpose_lhs_hint = false} : vector<2000x128xbf16>, vector<128x128xbf16>, vector<2000x128xf32> -> vector<2000x128xf32>
    %get3A_7 = arith.constant 0 : index
    %get3A_8 = arith.constant 0 : index
    %get3A_9 = vector.load %arg5[%get3A_7, %get3A_8] : memref<1x128xf32, #tpu.memory_space<vmem>>, vector<1x128xf32>
    %add3A = vector.broadcast %get3A_9 : vector<1x128xf32> to vector<2000x128xf32>
    %add3A_10 = arith.addf %dot_general3A_6, %add3A : vector<2000x128xf32>
    %get3A_11 = arith.constant 0 : index
    %get3A_12 = arith.constant 0 : index
    %get3A_13 = vector.load %arg2[%get3A_11, %get3A_12] : memref<1x128xf32, #tpu.memory_space<vmem>>, vector<1x128xf32>
    %mul3A = vector.broadcast %get3A_13 : vector<1x128xf32> to vector<2000x128xf32>
    %mul3A_14 = arith.mulf %add3A_10, %mul3A : vector<2000x128xf32>
    %reduce_sum3A = arith.constant dense<0.000000e+00> : vector<2000xf32>
    %reduce_sum3A_15 = vector.multi_reduction <add>, %mul3A_14, %reduce_sum3A [1] : vector<2000x128xf32> to vector<2000xf32>
    %broadcast_in_dim3A = vector.shape_cast %reduce_sum3A_15 : vector<2000xf32> to vector<2000x1xf32>
    %mul3A_16 = arith.constant 0.0883883461 : f32
    %mul3A_17 = vector.broadcast %mul3A_16 : f32 to vector<2000x1xf32>
    %mul3A_18 = arith.mulf %broadcast_in_dim3A, %mul3A_17 : vector<2000x1xf32>
    %logistic3A = arith.negf %mul3A_18 : vector<2000x1xf32>
    %logistic3A_19 = math.exp %logistic3A : vector<2000x1xf32>
    %logistic3A_20 = arith.constant 1.000000e+00 : f32
    %logistic3A_21 = vector.broadcast %logistic3A_20 : f32 to vector<2000x1xf32>
    %logistic3A_22 = arith.addf %logistic3A_21, %logistic3A_19 : vector<2000x1xf32>
    %logistic3A_23 = arith.divf %logistic3A_21, %logistic3A_22 : vector<2000x1xf32>
    %get3A_24 = arith.constant 0 : index
    %get3A_25 = arith.constant 0 : index
    %get3A_26 = vector.load %arg3[%get3A_24, %get3A_25] : memref<1x128xf32, #tpu.memory_space<vmem>>, vector<1x128xf32>
    %mul3A_27 = vector.broadcast %logistic3A_23 : vector<2000x1xf32> to vector<2000x128xf32>
    %mul3A_28 = vector.broadcast %get3A_26 : vector<1x128xf32> to vector<2000x128xf32>
    %mul3A_29 = arith.mulf %mul3A_27, %mul3A_28 : vector<2000x128xf32>
    %add3A_30 = arith.addf %get3A_1, %mul3A_29 : vector<2000x128xf32>
    %get3A_31 = arith.constant 0 : index
    %get3A_32 = arith.constant 0 : index
    %get3A_33 = vector.load %arg6[%get3A_31, %get3A_32] : memref<128x128xf32, #tpu.memory_space<vmem>>, vector<128x128xf32>
    %convert_element_type3A_34 = arith.truncf %add3A_30 : vector<2000x128xf32> to vector<2000x128xbf16>
    %convert_element_type3A_35 = arith.truncf %get3A_33 : vector<128x128xf32> to vector<128x128xbf16>
    %dot_general3A_36 = arith.constant dense<0.000000e+00> : vector<2000x128xf32>
    %dot_general3A_37 = tpu.matmul %convert_element_type3A_34, %convert_element_type3A_35, %dot_general3A_36 {dimension_numbers = #tpu.dot_dimension_numbers<[1], [0], [0], [1], [0, 0, 1, 1], [], []>, transpose_lhs_hint = false} : vector<2000x128xbf16>, vector<128x128xbf16>, vector<2000x128xf32> -> vector<2000x128xf32>
    %get3A_38 = arith.constant 0 : index
    %get3A_39 = arith.constant 0 : index
    %get3A_40 = vector.load %arg7[%get3A_38, %get3A_39] : memref<1x128xf32, #tpu.memory_space<vmem>>, vector<1x128xf32>
    %add3A_41 = vector.broadcast %get3A_40 : vector<1x128xf32> to vector<2000x128xf32>
    %add3A_42 = arith.addf %dot_general3A_37, %add3A_41 : vector<2000x128xf32>
    %max3A = arith.constant 0.000000e+00 : f32
    %max3A_43 = vector.broadcast %max3A : f32 to vector<2000x128xf32>
    %max3A_44 = arith.maximumf %add3A_42, %max3A_43 : vector<2000x128xf32>
    %get3A_45 = arith.constant 0 : index
    %get3A_46 = arith.constant 0 : index
    %get3A_47 = vector.load %arg8[%get3A_45, %get3A_46] : memref<128x128xf32, #tpu.memory_space<vmem>>, vector<128x128xf32>
    %convert_element_type3A_48 = arith.truncf %max3A_44 : vector<2000x128xf32> to vector<2000x128xbf16>
    %convert_element_type3A_49 = arith.truncf %get3A_47 : vector<128x128xf32> to vector<128x128xbf16>
    %dot_general3A_50 = arith.constant dense<0.000000e+00> : vector<2000x128xf32>
    %dot_general3A_51 = tpu.matmul %convert_element_type3A_48, %convert_element_type3A_49, %dot_general3A_50 {dimension_numbers = #tpu.dot_dimension_numbers<[1], [0], [0], [1], [0, 0, 1, 1], [], []>, transpose_lhs_hint = false} : vector<2000x128xbf16>, vector<128x128xbf16>, vector<2000x128xf32> -> vector<2000x128xf32>
    %get3A_52 = arith.constant 0 : index
    %get3A_53 = arith.constant 0 : index
    %get3A_54 = vector.load %arg9[%get3A_52, %get3A_53] : memref<1x128xf32, #tpu.memory_space<vmem>>, vector<1x128xf32>
    %add3A_55 = vector.broadcast %get3A_54 : vector<1x128xf32> to vector<2000x128xf32>
    %add3A_56 = arith.addf %dot_general3A_51, %add3A_55 : vector<2000x128xf32>
    %get3A_57 = arith.constant 0 : index
    %get3A_58 = arith.constant 0 : index
    %get3A_59 = arith.constant 0 : index
    %get3A_60 = vector.load %arg10[%get3A_57, %get3A_58, %get3A_59] : memref<3x128x64xf32, #tpu.memory_space<vmem>>, vector<1x128x64xf32>
    %get3A_61 = vector.shape_cast %get3A_60 : vector<1x128x64xf32> to vector<128x64xf32>
    %convert_element_type3A_62 = arith.truncf %add3A_56 : vector<2000x128xf32> to vector<2000x128xbf16>
    %convert_element_type3A_63 = arith.truncf %get3A_61 : vector<128x64xf32> to vector<128x64xbf16>
    %dot_general3A_64 = arith.constant dense<0.000000e+00> : vector<2000x64xf32>
    %dot_general3A_65 = tpu.matmul %convert_element_type3A_62, %convert_element_type3A_63, %dot_general3A_64 {dimension_numbers = #tpu.dot_dimension_numbers<[1], [0], [0], [1], [0, 0, 1, 1], [], []>, transpose_lhs_hint = false} : vector<2000x128xbf16>, vector<128x64xbf16>, vector<2000x64xf32> -> vector<2000x64xf32>
    %get3A_66 = arith.constant 0 : index
    %get3A_67 = arith.constant 0 : index
    %get3A_68 = vector.load %arg11[%get3A_66, %get3A_67] : memref<3x64xf32, #tpu.memory_space<vmem>>, vector<1x64xf32>
    %add3A_69 = vector.broadcast %get3A_68 : vector<1x64xf32> to vector<2000x64xf32>
    %add3A_70 = arith.addf %dot_general3A_65, %add3A_69 : vector<2000x64xf32>
    %max3A_71 = arith.constant 0.000000e+00 : f32
    %max3A_72 = vector.broadcast %max3A_71 : f32 to vector<2000x64xf32>
    %max3A_73 = arith.maximumf %add3A_70, %max3A_72 : vector<2000x64xf32>
    %convert_element_type3A_74 = arith.truncf %max3A_73 : vector<2000x64xf32> to vector<2000x64xbf16>
    %get3A_75 = arith.constant 0 : index
    %get3A_76 = arith.constant 0 : index
    %get3A_77 = vector.load %arg12[%get3A_75, %get3A_76] : memref<3x64xf32, #tpu.memory_space<vmem>>, vector<1x64xf32>
    %convert_element_type3A_78 = arith.truncf %get3A_77 : vector<1x64xf32> to vector<1x64xbf16>
    %mul3A_79 = vector.broadcast %convert_element_type3A_78 : vector<1x64xbf16> to vector<2000x64xbf16>
    %mul3A_80 = arith.mulf %convert_element_type3A_74, %mul3A_79 : vector<2000x64xbf16>
    %convert_element_type3A_81 = arith.extf %mul3A_80 : vector<2000x64xbf16> to vector<2000x64xf32>
    %reduce_sum3A_82 = arith.constant dense<0.000000e+00> : vector<2000xf32>
    %reduce_sum3A_83 = vector.multi_reduction <add>, %convert_element_type3A_81, %reduce_sum3A_82 [1] : vector<2000x64xf32> to vector<2000xf32>
    %broadcast_in_dim3A_84 = vector.shape_cast %reduce_sum3A_83 : vector<2000xf32> to vector<2000x1xf32>
    %get3A_85 = arith.constant 0 : index
    %get3A_86 = arith.constant 0 : index
    %get3A_87 = vector.load %arg13[%get3A_85, %get3A_86] : memref<3x1xf32, #tpu.memory_space<vmem>>, vector<1x1xf32>
    %add3A_88 = vector.broadcast %get3A_87 : vector<1x1xf32> to vector<2000x1xf32>
    %add3A_89 = arith.addf %broadcast_in_dim3A_84, %add3A_88 : vector<2000x1xf32>
    %swap3A = arith.constant 0 : index
    %swap3A_90 = arith.constant 0 : index
    %swap3A_91 = vector.load %arg14[%swap3A, %swap3A_90] : memref<2000x1xf32, #tpu.memory_space<vmem>>, vector<2000x1xf32>
    tpu.vector_store %arg14[%swap3A, %swap3A_90], %add3A_89 {strides = array<i32>} : memref<2000x1xf32, #tpu.memory_space<vmem>>, vector<2000x1xf32>,
    %get3A_92 = arith.constant 1 : index
    %get3A_93 = arith.constant 0 : index
    %get3A_94 = arith.constant 0 : index
    %get3A_95 = vector.load %arg10[%get3A_92, %get3A_93, %get3A_94] : memref<3x128x64xf32, #tpu.memory_space<vmem>>, vector<1x128x64xf32>
    %get3A_96 = vector.shape_cast %get3A_95 : vector<1x128x64xf32> to vector<128x64xf32>
    %convert_element_type3A_97 = arith.truncf %add3A_56 : vector<2000x128xf32> to vector<2000x128xbf16>
    %convert_element_type3A_98 = arith.truncf %get3A_96 : vector<128x64xf32> to vector<128x64xbf16>
    %dot_general3A_99 = arith.constant dense<0.000000e+00> : vector<2000x64xf32>
    %dot_general3A_100 = tpu.matmul %convert_element_type3A_97, %convert_element_type3A_98, %dot_general3A_99 {dimension_numbers = #tpu.dot_dimension_numbers<[1], [0], [0], [1], [0, 0, 1, 1], [], []>, transpose_lhs_hint = false} : vector<2000x128xbf16>, vector<128x64xbf16>, vector<2000x64xf32> -> vector<2000x64xf32>
    %get3A_101 = arith.constant 1 : index
    %get3A_102 = arith.constant 0 : index
    %get3A_103 = vector.load %arg11[%get3A_101, %get3A_102] : memref<3x64xf32, #tpu.memory_space<vmem>>, vector<1x64xf32>
    %add3A_104 = vector.broadcast %get3A_103 : vector<1x64xf32> to vector<2000x64xf32>
    %add3A_105 = arith.addf %dot_general3A_100, %add3A_104 : vector<2000x64xf32>
    %max3A_106 = arith.constant 0.000000e+00 : f32
    %max3A_107 = vector.broadcast %max3A_106 : f32 to vector<2000x64xf32>
    %max3A_108 = arith.maximumf %add3A_105, %max3A_107 : vector<2000x64xf32>
    %convert_element_type3A_109 = arith.truncf %max3A_108 : vector<2000x64xf32> to vector<2000x64xbf16>
    %get3A_110 = arith.constant 1 : index
    %get3A_111 = arith.constant 0 : index
    %get3A_112 = vector.load %arg12[%get3A_110, %get3A_111] : memref<3x64xf32, #tpu.memory_space<vmem>>, vector<1x64xf32>
    %convert_element_type3A_113 = arith.truncf %get3A_112 : vector<1x64xf32> to vector<1x64xbf16>
    %mul3A_114 = vector.broadcast %convert_element_type3A_113 : vector<1x64xbf16> to vector<2000x64xbf16>
    %mul3A_115 = arith.mulf %convert_element_type3A_109, %mul3A_114 : vector<2000x64xbf16>
    %convert_element_type3A_116 = arith.extf %mul3A_115 : vector<2000x64xbf16> to vector<2000x64xf32>
    %reduce_sum3A_117 = arith.constant dense<0.000000e+00> : vector<2000xf32>
    %reduce_sum3A_118 = vector.multi_reduction <add>, %convert_element_type3A_116, %reduce_sum3A_117 [1] : vector<2000x64xf32> to vector<2000xf32>
    %broadcast_in_dim3A_119 = vector.shape_cast %reduce_sum3A_118 : vector<2000xf32> to vector<2000x1xf32>
    %get3A_120 = arith.constant 1 : index
    %get3A_121 = arith.constant 0 : index
    %get3A_122 = vector.load %arg13[%get3A_120, %get3A_121] : memref<3x1xf32, #tpu.memory_space<vmem>>, vector<1x1xf32>
    %add3A_123 = vector.broadcast %get3A_122 : vector<1x1xf32> to vector<2000x1xf32>
    %add3A_124 = arith.addf %broadcast_in_dim3A_119, %add3A_123 : vector<2000x1xf32>
    %swap3A_125 = arith.constant 0 : index
    %swap3A_126 = arith.constant 0 : index
    %swap3A_127 = vector.load %arg15[%swap3A_125, %swap3A_126] : memref<2000x1xf32, #tpu.memory_space<vmem>>, vector<2000x1xf32>
    tpu.vector_store %arg15[%swap3A_125, %swap3A_126], %add3A_124 {strides = array<i32>} : memref<2000x1xf32, #tpu.memory_space<vmem>>, vector<2000x1xf32>,
    %get3A_128 = arith.constant 2 : index
    %get3A_129 = arith.constant 0 : index
    %get3A_130 = arith.constant 0 : index
    %get3A_131 = vector.load %arg10[%get3A_128, %get3A_129, %get3A_130] : memref<3x128x64xf32, #tpu.memory_space<vmem>>, vector<1x128x64xf32>
    %get3A_132 = vector.shape_cast %get3A_131 : vector<1x128x64xf32> to vector<128x64xf32>
    %convert_element_type3A_133 = arith.truncf %add3A_56 : vector<2000x128xf32> to vector<2000x128xbf16>
    %convert_element_type3A_134 = arith.truncf %get3A_132 : vector<128x64xf32> to vector<128x64xbf16>
    %dot_general3A_135 = arith.constant dense<0.000000e+00> : vector<2000x64xf32>
    %dot_general3A_136 = tpu.matmul %convert_element_type3A_133, %convert_element_type3A_134, %dot_general3A_135 {dimension_numbers = #tpu.dot_dimension_numbers<[1], [0], [0], [1], [0, 0, 1, 1], [], []>, transpose_lhs_hint = false} : vector<2000x128xbf16>, vector<128x64xbf16>, vector<2000x64xf32> -> vector<2000x64xf32>
    %get3A_137 = arith.constant 2 : index
    %get3A_138 = arith.constant 0 : index
    %get3A_139 = vector.load %arg11[%get3A_137, %get3A_138] : memref<3x64xf32, #tpu.memory_space<vmem>>, vector<1x64xf32>
    %add3A_140 = vector.broadcast %get3A_139 : vector<1x64xf32> to vector<2000x64xf32>
    %add3A_141 = arith.addf %dot_general3A_136, %add3A_140 : vector<2000x64xf32>
    %max3A_142 = arith.constant 0.000000e+00 : f32
    %max3A_143 = vector.broadcast %max3A_142 : f32 to vector<2000x64xf32>
    %max3A_144 = arith.maximumf %add3A_141, %max3A_143 : vector<2000x64xf32>
    %convert_element_type3A_145 = arith.truncf %max3A_144 : vector<2000x64xf32> to vector<2000x64xbf16>
    %get3A_146 = arith.constant 2 : index
    %get3A_147 = arith.constant 0 : index
    %get3A_148 = vector.load %arg12[%get3A_146, %get3A_147] : memref<3x64xf32, #tpu.memory_space<vmem>>, vector<1x64xf32>
    %convert_element_type3A_149 = arith.truncf %get3A_148 : vector<1x64xf32> to vector<1x64xbf16>
    %mul3A_150 = vector.broadcast %convert_element_type3A_149 : vector<1x64xbf16> to vector<2000x64xbf16>
    %mul3A_151 = arith.mulf %convert_element_type3A_145, %mul3A_150 : vector<2000x64xbf16>
    %convert_element_type3A_152 = arith.extf %mul3A_151 : vector<2000x64xbf16> to vector<2000x64xf32>
    %reduce_sum3A_153 = arith.constant dense<0.000000e+00> : vector<2000xf32>
    %reduce_sum3A_154 = vector.multi_reduction <add>, %convert_element_type3A_152, %reduce_sum3A_153 [1] : vector<2000x64xf32> to vector<2000xf32>
    %broadcast_in_dim3A_155 = vector.shape_cast %reduce_sum3A_154 : vector<2000xf32> to vector<2000x1xf32>
    %get3A_156 = arith.constant 2 : index
    %get3A_157 = arith.constant 0 : index
    %get3A_158 = vector.load %arg13[%get3A_156, %get3A_157] : memref<3x1xf32, #tpu.memory_space<vmem>>, vector<1x1xf32>
    %add3A_159 = vector.broadcast %get3A_158 : vector<1x1xf32> to vector<2000x1xf32>
    %add3A_160 = arith.addf %broadcast_in_dim3A_155, %add3A_159 : vector<2000x1xf32>
    %swap3A_161 = arith.constant 0 : index
    %swap3A_162 = arith.constant 0 : index
    %swap3A_163 = vector.load %arg16[%swap3A_161, %swap3A_162] : memref<2000x1xf32, #tpu.memory_space<vmem>>, vector<2000x1xf32>
    tpu.vector_store %arg16[%swap3A_161, %swap3A_162], %add3A_160 {strides = array<i32>} : memref<2000x1xf32, #tpu.memory_space<vmem>>, vector<2000x1xf32>,
    return
  }
  func.func @transform_0(%arg0: i32) -> (i32, i32) {
    %c0_i32 = arith.constant 0 : i32
    %c0_i32_0 = arith.constant 0 : i32
    return %arg0, %c0_i32 : i32, i32
  }
  func.func @transform_1(%arg0: i32) -> (i32, i32) {
    %c0_i32 = arith.constant 0 : i32
    %c0_i32_0 = arith.constant 0 : i32
    %c0_i32_1 = arith.constant 0 : i32
    return %c0_i32, %c0_i32_0 : i32, i32
  }
  func.func @transform_2(%arg0: i32) -> (i32, i32) {
    %c0_i32 = arith.constant 0 : i32
    %c0_i32_0 = arith.constant 0 : i32
    %c0_i32_1 = arith.constant 0 : i32
    return %c0_i32, %c0_i32_0 : i32, i32
  }
  func.func @transform_3(%arg0: i32) -> (i32, i32) {
    %c0_i32 = arith.constant 0 : i32
    %c0_i32_0 = arith.constant 0 : i32
    %c0_i32_1 = arith.constant 0 : i32
    return %c0_i32, %c0_i32_0 : i32, i32
  }
  func.func @transform_4(%arg0: i32) -> (i32, i32) {
    %c0_i32 = arith.constant 0 : i32
    %c0_i32_0 = arith.constant 0 : i32
    %c0_i32_1 = arith.constant 0 : i32
    return %c0_i32, %c0_i32_0 : i32, i32
  }
  func.func @transform_5(%arg0: i32) -> (i32, i32) {
    %c0_i32 = arith.constant 0 : i32
    %c0_i32_0 = arith.constant 0 : i32
    %c0_i32_1 = arith.constant 0 : i32
    return %c0_i32, %c0_i32_0 : i32, i32
  }
  func.func @transform_6(%arg0: i32) -> (i32, i32) {
    %c0_i32 = arith.constant 0 : i32
    %c0_i32_0 = arith.constant 0 : i32
    %c0_i32_1 = arith.constant 0 : i32
    return %c0_i32, %c0_i32_0 : i32, i32
  }
  func.func @transform_7(%arg0: i32) -> (i32, i32) {
    %c0_i32 = arith.constant 0 : i32
    %c0_i32_0 = arith.constant 0 : i32
    %c0_i32_1 = arith.constant 0 : i32
    return %c0_i32, %c0_i32_0 : i32, i32
  }
  func.func @transform_8(%arg0: i32) -> (i32, i32) {
    %c0_i32 = arith.constant 0 : i32
    %c0_i32_0 = arith.constant 0 : i32
    %c0_i32_1 = arith.constant 0 : i32
    return %c0_i32, %c0_i32_0 : i32, i32
  }
  func.func @transform_9(%arg0: i32) -> (i32, i32, i32) {
    %c0_i32 = arith.constant 0 : i32
    %c0_i32_0 = arith.constant 0 : i32
    %c0_i32_1 = arith.constant 0 : i32
    %c0_i32_2 = arith.constant 0 : i32
    return %c0_i32, %c0_i32_0, %c0_i32_1 : i32, i32, i32
  }
  func.func @transform_10(%arg0: i32) -> (i32, i32) {
    %c0_i32 = arith.constant 0 : i32
    %c0_i32_0 = arith.constant 0 : i32
    %c0_i32_1 = arith.constant 0 : i32
    return %c0_i32, %c0_i32_0 : i32, i32
  }
  func.func @transform_11(%arg0: i32) -> (i32, i32) {
    %c0_i32 = arith.constant 0 : i32
    %c0_i32_0 = arith.constant 0 : i32
    %c0_i32_1 = arith.constant 0 : i32
    return %c0_i32, %c0_i32_0 : i32, i32
  }
  func.func @transform_12(%arg0: i32) -> (i32, i32) {
    %c0_i32 = arith.constant 0 : i32
    %c0_i32_0 = arith.constant 0 : i32
    %c0_i32_1 = arith.constant 0 : i32
    return %c0_i32, %c0_i32_0 : i32, i32
  }
  func.func @transform_13(%arg0: i32) -> (i32, i32) {
    %c0_i32 = arith.constant 0 : i32
    %c0_i32_0 = arith.constant 0 : i32
    return %arg0, %c0_i32 : i32, i32
  }
  func.func @transform_14(%arg0: i32) -> (i32, i32) {
    %c0_i32 = arith.constant 0 : i32
    %c0_i32_0 = arith.constant 0 : i32
    return %arg0, %c0_i32 : i32, i32
  }
  func.func @transform_15(%arg0: i32) -> (i32, i32) {
    %c0_i32 = arith.constant 0 : i32
    %c0_i32_0 = arith.constant 0 : i32
    return %arg0, %c0_i32 : i32, i32
  }
}

</mosaic_0001>

<sc_bundles>
// kernel: kernel.26.cloned.1.call-start
scs
__scs_entry_jumppad:
0x0: {  	(pc) =	sbr.rel $0x88, $3  }
0x1: {  	(tag) =	ssettag $0x0;
	lr =	simm.s32 $0x1  }
0x2: {  	[smem:$0x3F41] =	sst lr;
	_ =	strace $0xD0000000  }
0x3: {  	_ = 	snop  }
0x4: {  	_ = 	snop  }
0x5: {  	_ = 	snop  }
0x6: {  	_ = 	snop  }
0x7: {  	_ = 	snop  }
__scs_overlays_trampoline_lowered:
0x8: {  	[smem:$0x3F50] =	sst s0  }
0x9: {  	[smem:$0x3F51] =	sst s1  }
0xa: {  	[smem:$0x3F52] =	sst s2  }
0xb: {  	[smem:$0x3F53] =	sst s3  }
0xc: {  	[smem:$0x3F54] =	sst s4  }
0xd: {  	[smem:$0x3F55] =	sst s5  }
0xe: {  	[smem:$0x3F56] =	sst s6  }
0xf: {  	[smem:$0x3F57] =	sst s7  }
0x10: {  	[smem:$0x3F58] =	sst s8  }
0x11: {  	[smem:$0x3F59] =	sst s9;
	s0 =	simm.s32 @!p0 $0x0  }
0x12: {  	s1 =	sld [smem:$0x3F3F];
	s0 =	simm.s32 @p0 $0x1  }
0x13: {  	[smem:$0x3F5A] =	sst s0;
	s0 =	simm.s32 @!p1 $0x0  }
0x14: {  	s2 =	sld [smem:$0x3F3E];
	s0 =	simm.s32 @p1 $0x1  }
0x15: {  	[smem:$0x3F5B] =	sst s0;
	s0 =	simm.s32 @!p2 $0x0  }
0x16: {  	s3 =	sld [smem:$0x3FDB];
	s0 =	simm.s32 @p2 $0x1  }
0x17: {  	s4 =	simm.s32 $0x1BF5;
	[smem:$0x3F5D] =	sst s0  }
0x18: {  	s0 =	sld [smem:$0x3F40];
	_ =	swait.ge [sflag:s4], $0x0  }
0x19: {  	s7 =	sld [smem:$0x3F41]  }
0x1a: {  	s8 =	sadd.s32 $0xFFFFE003, lr  }
0x1b: {  	s9 =	sadd.s32 $0xFFFFFEF7, lr;
	s5 =	simm.s32 $0xFFFFFFFF;
	p2 =	slt.u32 s8, $0xFFFFF086  }
0x1c: {  	p1 =	slt.u32 s9, $0xF7A;
	s5 =	simm.s32 @!p2 $0x0  }
0x1d: {  	s5 =	simm.s32 @p1 $0x1;
	p0 =	seq.s32 s7, s2  }
0x1e: {  	s7 =	smul.u32 @!p0 $0xF7A, s2;
	p2 =	seq.s32 @!p0 s5, $0x0  }
0x1f: {  	s9 =	smul.u32 $0xF7A, s1;
	s8 =	simm.s32 @!p0 $0x1BF5;
	p2 =	por !p2, p0  }
0x20: {  	[sflag:s8] =	ssyncset.s32 @!p0 $0xFFFFF086;
	s6 =	sadd.s32 @!p0 s3, s7;
	s7 =	simm.s32 @!p0 $0x108  }
0x21: {  	s3 =	sadd.s32 s3, s9;
	s6 =	sadd.s32 @!p0 $0x88, s6;
	s7 =	simm.s32 @p2 $0x1082  }
0x22: {  	[simem:s7], [sflag:s8] =	dma.local @!p0 [hbm:s6], $0xF7A  }
0x23: {  	s9 =	sor.u32 $0xD0000000, s2;
	s6 =	simm.s32 $0x108;
	_ =	swait.ge @!p0 [sflag:s8], $0x0  }
0x24: {  	s3 =	sadd.s32 $0x88, s3;
	s6 =	simm.s32 @!p1 $0x1082;
	[sflag:s4] =	ssyncset.s32 $0xFFFFF086  }
0x25: {  	[simem:s6], [sflag:s4] =	dma.local [hbm:s3], $0xF7A  }
0x26: {  	[smem:$0x3F41] =	sst s1;
	(tag) =	ssettag s2;
	_ =	strace s9  }
0x27: {  	s1 =	sld [smem:$0x3F51]  }
0x28: {  	s2 =	sld [smem:$0x3F52]  }
0x29: {  	s4 =	sld [smem:$0x3F54]  }
0x2a: {  	p0 =	seq.s32 s5, $0x0;
	s5 =	sld [smem:$0x3F55]  }
0x2b: {  	s6 =	sld [smem:$0x3F56]  }
0x2c: {  	s7 =	sld [smem:$0x3F57]  }
0x2d: {  	s3 =	simm.s32 $0x108;
	s8 =	sld [smem:$0x3F58]  }
0x2e: {  	s3 =	simm.s32 @!p0 $0x1082;
	s9 =	sld [smem:$0x3F59]  }
0x2f: {  	lr =	sadd.s32 s0, s3;
	s0 =	sld [smem:$0x3F50]  }
0x30: {  	s3 =	sld [smem:$0x3F53]  }
0x31: {  	[smem:$0x3F5C] =	sst s10  }
0x32: {  	s10 =	sld [smem:$0x3F5A];
	_ =	sdelay $0x3  }
0x33: {  	p0 =	seq.s32 s10, $0x1;
	s10 =	sld [smem:$0x3F5C];
	_ =	sdelay $0x3  }
0x34: {  	[smem:$0x3F5C] =	sst s10  }
0x35: {  	s10 =	sld [smem:$0x3F5B];
	_ =	sdelay $0x3  }
0x36: {  	p1 =	seq.s32 s10, $0x1;
	s10 =	sld [smem:$0x3F5C];
	_ =	sdelay $0x3  }
0x37: {  	[smem:$0x3F5C] =	sst s10  }
0x38: {  	s10 =	sld [smem:$0x3F5D]  }
0x39: {  	_ = 	snop;
	(pc) =	sbr.ind lr, $3  }
0x3a: {  	_ = 	snop  }
0x3b: {  	_ = 	snop  }
0x3c: {  	p2 =	seq.s32 s10, $0x1;
	s10 =	sld [smem:$0x3F5C]  }
0x3d: {  	_ =	shalt  }
0x3e: {  	_ =	shalt  }
0x3f: {  	_ =	shalt  }
0x40: {  	_ =	shalt  }
0x41: {  	_ =	shalt  }
0x42: {  	_ =	shalt  }
0x43: {  	_ =	shalt  }
0x44: {  	_ =	shalt  }
0x45: {  	_ =	shalt  }
0x46: {  	_ =	shalt  }
0x47: {  	_ =	shalt  }
0x48: {  	_ =	shalt  }
0x49: {  	_ =	shalt  }
0x4a: {  	_ =	shalt  }
0x4b: {  	_ =	shalt  }
0x4c: {  	_ =	shalt  }
0x4d: {  	_ =	shalt  }
0x4e: {  	_ =	shalt  }
0x4f: {  	_ =	shalt  }
0x50: {  	_ =	shalt  }
0x51: {  	_ =	shalt  }
0x52: {  	_ =	shalt  }
0x53: {  	_ =	shalt  }
0x54: {  	_ =	shalt  }
0x55: {  	_ =	shalt  }
0x56: {  	_ =	shalt  }
0x57: {  	_ =	shalt  }
0x58: {  	_ =	shalt  }
0x59: {  	_ =	shalt  }
0x5a: {  	_ =	shalt  }
0x5b: {  	_ =	shalt  }
0x5c: {  	_ =	shalt  }
0x5d: {  	_ =	shalt  }
0x5e: {  	_ =	shalt  }
0x5f: {  	_ =	shalt  }
0x60: {  	_ =	shalt  }
0x61: {  	_ =	shalt  }
0x62: {  	_ =	shalt  }
0x63: {  	_ =	shalt  }
0x64: {  	_ =	shalt  }
0x65: {  	_ =	shalt  }
0x66: {  	_ =	shalt  }
0x67: {  	_ =	shalt  }
0x68: {  	_ =	shalt  }
0x69: {  	_ =	shalt  }
0x6a: {  	_ =	shalt  }
0x6b: {  	_ =	shalt  }
0x6c: {  	_ =	shalt  }
0x6d: {  	_ =	shalt  }
0x6e: {  	_ =	shalt  }
0x6f: {  	_ =	shalt  }
0x70: {  	_ =	shalt  }
0x71: {  	_ =	shalt  }
0x72: {  	_ =	shalt  }
0x73: {  	_ =	shalt  }
0x74: {  	_ =	shalt  }
0x75: {  	_ =	shalt  }
0x76: {  	_ =	shalt  }
0x77: {  	_ =	shalt  }
0x78: {  	_ =	shalt  }
0x79: {  	_ =	shalt  }
0x7a: {  	_ =	shalt  }
0x7b: {  	_ =	shalt  }
0x7c: {  	_ =	shalt  }
0x7d: {  	_ =	shalt  }
0x7e: {  	_ =	shalt  }
0x7f: {  	_ =	shalt  }
0x80: {  	_ =	shalt  }
0x81: {  	_ =	shalt  }
0x82: {  	_ =	shalt  }
0x83: {  	_ =	shalt  }
0x84: {  	_ =	shalt  }
0x85: {  	_ =	shalt  }
0x86: {  	_ =	shalt  }
0x87: {  	_ =	shalt  }
.Lfunc_end0:
.L_simem_size_0:
called_computation_lowered:
.L_overlay_start_0:
0x88: {  	s2 =	sld [smem:$0x3FD9]  }
0x89: {  	s3 =	sld [smem:$0x3FFE];
	_ =	sdelay $0x1  }
0x8a: {  	s1 =	srdreg.scid  }
0x8b: {  	s0 =	sand.u32 $0x1, s1  }
0x8c: {  	s17 =	sshll.u32 s0, $0xA;
	s2 =	sadd.s32 s3, s2  }
0x8d: {  	s2 =	sadd.s32 s2, s17  }
0x8e: {  	[smem:$0x3F68] =	sst s2  }
0x8f: {  	_ = 	snop  }
0x90: {  	s18 =	sld [smem:$0x3FD0];
	(tm) =	ssettm $0x1  }
0x91: {  	s19 =	sld [smem:$0x3FFB];
	_ =	sdelay $0x3  }
0x92: {  	_ =	strace s19  }
0x93: {  	s2 =	sld [smem:$0x3FFC];
	_ =	sdelay $0x3  }
0x94: {  	_ =	strace s2  }
0x95: {  	s2 =	sld [smem:$0x3FFD];
	_ =	sdelay $0x3  }
0x96: {  	_ =	strace s2  }
0x97: {  	_ =	strace $0x8FFFFFFF  }
0x98: {  	s20 =	sld [smem:$0x3FDB];
	_ =	sdelay $0x1  }
0x99: {  	s4 =	simm.s32 $_scs_section_size  }
0x9a: {  	s5 =	simm.s32 $_size__tile_overlayer_lowered;
	s6 =	simm.s32 $_tile_overlayer_lowered  }
0x9b: {  	s7 =	simm.s32 $0x1BFF;
	s21 =	sshll.u32 s6, $0x1;
	s4 =	sadd.s32 s4, s20  }
0x9c: {  	s22 =	simm.s32 $0x0;
	s5 =	sshll.u32 s5, $0x1;
	s6 =	sadd.s32 s21, s4  }
0x9d: {  	[timem:s22], [sflag:s7] =	dma.local [hbm:s6], s5  }
0x9e: {  	_ =	swait.ge [sflag:s7], s5  }
0x9f: {  	s5 =	ssub.s32 $0x0, s5;
	[sflag:s7] =	ssyncset.done $0x0  }
0xa0: {  	[sflag:s7] =	ssyncadd.s32 s5;
	_ =	sdelay $0x1  }
0xa1: {  	s23 =	simm.s32 $0x1B8B  }
0xa2: {  	_ =	swait.ge [sflag:s23], $0x1  }
0xa3: {  	[sflag:s23] =	ssyncset.done $0x0  }
0xa4: {  	[sflag:s23] =	ssyncadd.s32 $0xFFFFFFFF  }
0xa5: {  	s5 =	sld [smem:$0x0]  }
0xa6: {  	s6 =	sand.u32 $0xFFFFFFFE, s1  }
0xa7: {  	p0 =	sne.s32 s1, s6  }
0xa8: {  	s6 =	sshll.u32 @p0 s6, $0xE  }
0xa9: {  	s6 =	sadd.s32 @p0 $0x11B8D, s6;
	s7 =	sshll.u32 @p0 s5, $0x11  }
0xaa: {  	s6 =	sor.u32 @p0 s7, s6  }
0xab: {  	[sflag:s6] =	ssyncadd.remote.s32 @p0 $0x1;
	_ =	sdelay $0x1  }
0xac: {  	s6 =	simm.s32 @p0 $0x1B8D  }
0xad: {  	_ =	swait.eq @p0 [sflag:s6], $0x1  }
0xae: {  	[sflag:s6] =	ssyncadd.s32 @p0 $0xFFFFFFFF  }
0xaf: {  	s7 =	sshll.u32 @!p0 s1, $0xE  }
0xb0: {  	s7 =	sor.u32 @!p0 $0x4000, s7;
	s6 =	simm.s32 @!p0 $0x1B8D  }
0xb1: {  	s5 =	sshll.u32 @!p0 s5, $0x11;
	s7 =	sadd.s32 @!p0 $0x11B8D, s7;
	_ =	swait.eq @!p0 [sflag:s6], $0x1  }
0xb2: {  	s5 =	sor.u32 @!p0 s5, s7;
	[sflag:s6] =	ssyncadd.s32 @!p0 $0xFFFFFFFF  }
0xb3: {  	s25 =	simm.s32 $0x1B8E;
	s24 =	sld [smem:$0x3FFE];
	[sflag:s5] =	ssyncadd.remote.s32 @!p0 $0x1  }
0xb4: {  	s26 =	simm.s32 $execute0_lowered;
	[smem:$0x3FD2] =	sst s25  }
0xb5: {  	s6 =	sshll.u32 s26, $0x1;
	_ =	strace $0x80000049;
	[dreg:$0x1] =	wrdreg $0xFFFFFFFF  }
0xb6: {  	s28 =	simm.s32 $_size_execute0_lowered;
	s4 =	sadd.s32 s4, s6;
	[dreg:$0x0] =	wrdreg $0x0  }
0xb7: {  	s6 =	sshll.u32 s28, $0x1;
	[dreg:$0x2] =	wrdreg s4  }
0xb8: {  	[dreg:$0x3] =	wrdreg s6  }
0xb9: {  	[dreg:$0x4] =	wrdreg $0xC0  }
0xba: {  	_ =	task [dreg:s22], $0x5FFFF  }
0xbb: {  	[dreg:$0x1] =	wrdreg $0xFFFFFFFF  }
0xbc: {  	[dreg:$0x0] =	wrdreg $0x60  }
0xbd: {  	[dreg:$0x2] =	wrdreg s24  }
0xbe: {  	[dreg:$0x3] =	wrdreg s18  }
0xbf: {  	[dreg:$0x4] =	wrdreg $0x40800  }
0xc0: {  	[dreg:$0x5] =	wrdreg $0x9  }
0xc1: {  	_ =	task.clear_ibuf [dreg:s22], $0x6FFFF;
	_ =	strace $0x90000049  }
0xc2: {  	s29 =	simm.s32 $0x9;
	_ =	strace $0x8000004B  }
0xc3: {  	_ =	swait.ge [sflag:s29], $0x1  }
0xc4: {  	[sflag:s29] =	ssyncadd.s32 $0xFFFFFFFF  }
0xc5: {  	_ =	strace $0x9000004B  }
0xc6: {  	_ =	sfence  }
0xc7: {  	s30 =	sld [smem:$0x0];
	_ =	sdelay $0x2  }
0xc8: {  	s31 =	sshll.u32 s1, $0xD;
	s1 =	sshrl.u32 s1, $0x2  }
0xc9: {  	s4 =	sand.u32 $0x4000, s31;
	s1 =	sadd.s32 s1, s30  }
0xca: {  	s0 =	sor.u32 s4, s0;
	s1 =	sshll.u32 s1, $0x11  }
0xcb: {  	s0 =	sor.u32 s1, s0  }
0xcc: {  	s0 =	sadd.s32 $0x8F2B, s0  }
0xcd: {  	[sflag:s0] =	ssyncadd.remote.s32 $0x1  }
0xce: {  	_ =	sfence.sel $0xFFFF  }
0xcf: {  	[dreg:$0x0] =	wrdreg $0xFFFFFFFF;
	(pc) =	sbr.abs _section_cstart, $3  }
0xd0: {  	[dreg:$0x1] =	wrdreg $0xFFFFFFFF  }
0xd1: {  	_ =	task.clear_ibuf [dreg:s22], $0x2FFFF;
	_ =	strace $0x9FFFFFFF  }
0xd2: {  	(tm) =	ssettm $0x7FFFFFFF  }
0xd3: {  	_ =	shalt  }
tec
execute0_lowered:
.L_overlay_start_1:
0x0: {  	(tag) =	ssettag $0x1  }
0x1: {  	s5 =	rddreg [dreg:$0x0]  }
0x2: {  	s2 =	rddreg [dreg:$0x1]  }
0x3: {  	s3 =	rddreg [dreg:$0x2];
	s1 =	stileid.u32  }
0x4: {  	s0 =	rddreg [dreg:$0x3];
	s6 =	smul.u32 $0x9E0, s1  }
0x5: {  	s7 =	srdreg.scid;
	s12 =	smul.u32 $0x2800, s1  }
0x6: {  	s4 =	simm.s32 $0x0;
	s7 =	sand.u32 $0x1, s7;
	s11 =	smul.u32 $0x50000, s1  }
0x7: {  	[smem:$0x7FF] =	sst s4;
	s28 =	sshll.u32 s1, $0x6;
	s8 =	smul.u32 $0x28000, s7  }
0x8: {  	_ =	strace $0x8000004A;
	s9 =	ssub.s32 $0x2, s7;
	s29 =	smul.u32 $0x4F0, s7  }
0x9: {  	s10 =	sadd.s32 s6, s5;
	s25 =	sshrl.u32 s9, $0x1;
	s13 =	sadd.s32 s12, s5  }
0xa: {  	s26 =	sshrl.u32 s11, $0x2;
	s6 =	sor.u32 $0x1C01, s28;
	s11 =	simm.s32 $0x80  }
0xb: {  	s8 =	sadd.s32 s8, s5;
	s9 =	ssub.s32 s9, s25;
	s14 =	sadd.s32 s26, s3  }
0xc: {  	s5 =	sadd.s32 $0xA87200, s13;
	s31 =	sadd.s32 s29, s10;
	s10 =	simm.s32 $0x1  }
0xd: {  	s13 =	simm.s32 $0x0;
	s30 =	sadd.s32 $0xAAF200, s8;
	s7 =	smax.u32 s9, $0x1  }
0xe: {  	s8 =	sadd.s32 $0x14200, s31;
	s9 =	sshrl.u32 s14, $0x3;
	s12 =	sadd.s32 s12, s30  }
.LBB2_1:
0xf: {  	[spmem:s9], [sflag:s6] =	dma.local [hbm:s5], $0x2800  }
0x10: {  	_ =	swait.ge [sflag:s10], $0x2800  }
0x11: {  	[sflag:s10] =	ssyncset.done $0x0  }
0x12: {  	[sflag:s10] =	ssyncadd.s32 $0xFFFFD800  }
0x13: {  	[tilespmem:s11], [sflag:$0x1] =	stream.linear.gather [hbm4b:s2+s4], $0x4000, $0x38;
	[tilespmem:$0x18080] =	vst v63  }
0x14: {  	_ =	swait.ge [sflag:s10], $0x4000  }
0x15: {  	[sflag:s10] =	ssyncset.done $0x0  }
0x16: {  	[sflag:s10] =	ssyncadd.s32 $0xFFFFC000  }
0x17: {  	s14 =	sadd.s32 $0x0, s8;
	[bflag:$0x0] =	sbarrier.arrive $0xFFFF  }
0x18: {  	[tilespmem:s4], [sflag:$0x1] =	stream.linear.gather [hbm4b:s14+s4], $0x80, $0x38;
	[tilespmem:$0x18080] =	vst v63  }
0x19: {  	_ =	swait.ge [sflag:s10], $0x80  }
0x1a: {  	[sflag:s10] =	ssyncset.done $0x0  }
0x1b: {  	[sflag:s10] =	ssyncadd.s32 $0xFFFFFF80  }
0x1c: {  	[spmem:s3] =	stream.indirect.scatter.add.f32 [tilespmem:s11], [sflag:$0x1], $0x80, s4, s11, $0xb8;
	[tilespmem:$0x18080] =	vst v63  }
0x1d: {  	_ =	swait.ge [sflag:s10], $0x4000  }
0x1e: {  	s15 =	simm.s32 $0x20;
	s14 =	simm.s32 $0x10;
	[sflag:s10] =	ssyncset.done $0x0  }
.LBB2_2:
0x1f: {  	s16 =	sadd.s32 s14, s8  }
0x20: {  	[sflag:s10] =	ssyncadd.s32 $0xFFFFC000;
	s14 =	smov.u32 s15;
	s17 =	sadd.s32 $0x10, s15  }
0x21: {  	[tilespmem:s4], [sflag:$0x1] =	stream.linear.gather [hbm4b:s16+s4], $0x80, $0x38;
	[tilespmem:$0x18080] =	vst v63  }
0x22: {  	p0 =	sne.s32 s15, $0x4E0;
	_ =	swait.ge [sflag:s10], $0x80  }
.Ltmp0:
0x23: {  	[sflag:s10] =	ssyncset.done $0x0;
	(pc) =	sbr.rel @p0 .LBB2_2-.Ltmp0, $4  }
0x24: {  	[sflag:s10] =	ssyncadd.s32 $0xFFFFFF80  }
0x25: {  	[spmem:s3] =	stream.indirect.scatter.add.f32 [tilespmem:s11], [sflag:$0x1], $0x80, s4, s11, $0xb8;
	[tilespmem:$0x18080] =	vst v63  }
0x26: {  	_ =	swait.ge [sflag:s10], $0x4000  }
0x27: {  	s15 =	smov.u32 s17;
	[sflag:s10] =	ssyncset.done $0x0  }
0x28: {  	s14 =	sadd.s32 s14, s8;
	[sflag:s10] =	ssyncadd.s32 $0xFFFFC000  }
0x29: {  	[tilespmem:s4], [sflag:$0x1] =	stream.linear.gather [hbm4b:s14+s4], $0x80, $0x38;
	[tilespmem:$0x18080] =	vst v63  }
0x2a: {  	_ =	swait.ge [sflag:s10], $0x80  }
0x2b: {  	[sflag:s10] =	ssyncset.done $0x0  }
0x2c: {  	[sflag:s10] =	ssyncadd.s32 $0xFFFFFF80  }
0x2d: {  	[spmem:s3] =	stream.indirect.scatter.add.f32 [tilespmem:s11], [sflag:$0x1], $0x80, s4, s11, $0xb8;
	[tilespmem:$0x18080] =	vst v63  }
0x2e: {  	_ =	swait.ge [sflag:s10], $0x4000  }
0x2f: {  	s13 =	sadd.s32 $0x1, s13;
	[sflag:s10] =	ssyncset.done $0x0  }
0x30: {  	p0 =	sne.s32 s13, s7;
	[sflag:s10] =	ssyncadd.s32 $0xFFFFC000  }
.Ltmp1:
0x31: {  	[bflag:$0x0] =	sbarrier.arrive $0xFFFF;
	(pc) =	sbr.rel @p0 .LBB2_1-.Ltmp1, $4  }
0x32: {  	[hbm:s12], [sflag:s6] =	dma.local [spmem:s9], $0x2800  }
0x33: {  	_ =	swait.ge [sflag:s10], $0x2800  }
0x34: {  	[sflag:s10] =	ssyncset.done $0x0  }
0x35: {  	[sflag:s10] =	ssyncadd.s32 $0xFFFFD800  }
0x36: {  	_ =	sfence.sel $0x180000  }
0x37: {  	[bflag:$0x0] =	sbarrier.arrive $0xFFFF  }
0x38: {  	p0 =	sne.s32 s1, $0x0;
	_ =	strace $0x9000004A  }
0x39: {  	s0 =	sadd.s32 @!p0 $0x100000, s0;
	[bflag:$0x2] =	sbarrier.arrive $0xFFFF  }
0x3a: {  	[sflag:s0] =	ssyncadd.tile.s32 @!p0 $0x1;
	_ =	shalt  }
.Lfunc_end2:
_tile_overlayer_lowered:
.L_overlay_start_2:
0x3b: {  	(tag) =	ssettag $0x2  }
0x3c: {  	s0 =	rddreg [dreg:$0x0];
	s2 =	stileid.u32  }
0x3d: {  	s1 =	rddreg [dreg:$0x1];
	p0 =	sne.s32 s2, $0x0  }
0x3e: {  	s3 =	rddreg [dreg:$0x2];
	[bflag:$0x3] =	sbarrier.arrive $0xFFFF;
	s2 =	simm.s32 @!p0 $0x1C01  }
0x3f: {  	[timem:s3], [sflag:s2] =	dma.local @!p0 [hbm:s0], s1  }
0x40: {  	s0 =	simm.s32 @!p0 $0x1  }
0x41: {  	_ =	swait.ge @!p0 [sflag:s0], s1  }
0x42: {  	s1 =	ssub.s32 @!p0 $0x0, s1;
	[sflag:s0] =	ssyncset.done @!p0 $0x0  }
0x43: {  	[sflag:s0] =	ssyncadd.s32 @!p0 s1  }
0x44: {  	[bflag:$0x3] =	sbarrier.arrive $0xFFFF  }
0x45: {  	_ =	shalt  }

// kernel: kernel.29.cloned.1.call-start
scs
__scs_entry_jumppad:
0x0: {  	(pc) =	sbr.rel $0x88, $3  }
0x1: {  	(tag) =	ssettag $0x0;
	lr =	simm.s32 $0x1  }
0x2: {  	[smem:$0x3F41] =	sst lr;
	_ =	strace $0xD0000000  }
0x3: {  	_ = 	snop  }
0x4: {  	_ = 	snop  }
0x5: {  	_ = 	snop  }
0x6: {  	_ = 	snop  }
0x7: {  	_ = 	snop  }
__scs_overlays_trampoline_lowered:
0x8: {  	[smem:$0x3F50] =	sst s0  }
0x9: {  	[smem:$0x3F51] =	sst s1  }
0xa: {  	[smem:$0x3F52] =	sst s2  }
0xb: {  	[smem:$0x3F53] =	sst s3  }
0xc: {  	[smem:$0x3F54] =	sst s4  }
0xd: {  	[smem:$0x3F55] =	sst s5  }
0xe: {  	[smem:$0x3F56] =	sst s6  }
0xf: {  	[smem:$0x3F57] =	sst s7  }
0x10: {  	[smem:$0x3F58] =	sst s8  }
0x11: {  	[smem:$0x3F59] =	sst s9;
	s0 =	simm.s32 @!p0 $0x0  }
0x12: {  	s1 =	sld [smem:$0x3F3F];
	s0 =	simm.s32 @p0 $0x1  }
0x13: {  	[smem:$0x3F5A] =	sst s0;
	s0 =	simm.s32 @!p1 $0x0  }
0x14: {  	s2 =	sld [smem:$0x3F3E];
	s0 =	simm.s32 @p1 $0x1  }
0x15: {  	[smem:$0x3F5B] =	sst s0;
	s0 =	simm.s32 @!p2 $0x0  }
0x16: {  	s3 =	sld [smem:$0x3FDB];
	s0 =	simm.s32 @p2 $0x1  }
0x17: {  	s4 =	simm.s32 $0x1BF5;
	[smem:$0x3F5D] =	sst s0  }
0x18: {  	s0 =	sld [smem:$0x3F40];
	_ =	swait.ge [sflag:s4], $0x0  }
0x19: {  	s7 =	sld [smem:$0x3F41]  }
0x1a: {  	s8 =	sadd.s32 $0xFFFFE003, lr  }
0x1b: {  	s9 =	sadd.s32 $0xFFFFFEF7, lr;
	s5 =	simm.s32 $0xFFFFFFFF;
	p2 =	slt.u32 s8, $0xFFFFF086  }
0x1c: {  	p1 =	slt.u32 s9, $0xF7A;
	s5 =	simm.s32 @!p2 $0x0  }
0x1d: {  	s5 =	simm.s32 @p1 $0x1;
	p0 =	seq.s32 s7, s2  }
0x1e: {  	s7 =	smul.u32 @!p0 $0xF7A, s2;
	p2 =	seq.s32 @!p0 s5, $0x0  }
0x1f: {  	s9 =	smul.u32 $0xF7A, s1;
	s8 =	simm.s32 @!p0 $0x1BF5;
	p2 =	por !p2, p0  }
0x20: {  	[sflag:s8] =	ssyncset.s32 @!p0 $0xFFFFF086;
	s6 =	sadd.s32 @!p0 s3, s7;
	s7 =	simm.s32 @!p0 $0x108  }
0x21: {  	s3 =	sadd.s32 s3, s9;
	s6 =	sadd.s32 @!p0 $0x88, s6;
	s7 =	simm.s32 @p2 $0x1082  }
0x22: {  	[simem:s7], [sflag:s8] =	dma.local @!p0 [hbm:s6], $0xF7A  }
0x23: {  	s9 =	sor.u32 $0xD0000000, s2;
	s6 =	simm.s32 $0x108;
	_ =	swait.ge @!p0 [sflag:s8], $0x0  }
0x24: {  	s3 =	sadd.s32 $0x88, s3;
	s6 =	simm.s32 @!p1 $0x1082;
	[sflag:s4] =	ssyncset.s32 $0xFFFFF086  }
0x25: {  	[simem:s6], [sflag:s4] =	dma.local [hbm:s3], $0xF7A  }
0x26: {  	[smem:$0x3F41] =	sst s1;
	(tag) =	ssettag s2;
	_ =	strace s9  }
0x27: {  	s1 =	sld [smem:$0x3F51]  }
0x28: {  	s2 =	sld [smem:$0x3F52]  }
0x29: {  	s4 =	sld [smem:$0x3F54]  }
0x2a: {  	p0 =	seq.s32 s5, $0x0;
	s5 =	sld [smem:$0x3F55]  }
0x2b: {  	s6 =	sld [smem:$0x3F56]  }
0x2c: {  	s7 =	sld [smem:$0x3F57]  }
0x2d: {  	s3 =	simm.s32 $0x108;
	s8 =	sld [smem:$0x3F58]  }
0x2e: {  	s3 =	simm.s32 @!p0 $0x1082;
	s9 =	sld [smem:$0x3F59]  }
0x2f: {  	lr =	sadd.s32 s0, s3;
	s0 =	sld [smem:$0x3F50]  }
0x30: {  	s3 =	sld [smem:$0x3F53]  }
0x31: {  	[smem:$0x3F5C] =	sst s10  }
0x32: {  	s10 =	sld [smem:$0x3F5A];
	_ =	sdelay $0x3  }
0x33: {  	p0 =	seq.s32 s10, $0x1;
	s10 =	sld [smem:$0x3F5C];
	_ =	sdelay $0x3  }
0x34: {  	[smem:$0x3F5C] =	sst s10  }
0x35: {  	s10 =	sld [smem:$0x3F5B];
	_ =	sdelay $0x3  }
0x36: {  	p1 =	seq.s32 s10, $0x1;
	s10 =	sld [smem:$0x3F5C];
	_ =	sdelay $0x3  }
0x37: {  	[smem:$0x3F5C] =	sst s10  }
0x38: {  	s10 =	sld [smem:$0x3F5D]  }
0x39: {  	_ = 	snop;
	(pc) =	sbr.ind lr, $3  }
0x3a: {  	_ = 	snop  }
0x3b: {  	_ = 	snop  }
0x3c: {  	p2 =	seq.s32 s10, $0x1;
	s10 =	sld [smem:$0x3F5C]  }
0x3d: {  	_ =	shalt  }
0x3e: {  	_ =	shalt  }
0x3f: {  	_ =	shalt  }
0x40: {  	_ =	shalt  }
0x41: {  	_ =	shalt  }
0x42: {  	_ =	shalt  }
0x43: {  	_ =	shalt  }
0x44: {  	_ =	shalt  }
0x45: {  	_ =	shalt  }
0x46: {  	_ =	shalt  }
0x47: {  	_ =	shalt  }
0x48: {  	_ =	shalt  }
0x49: {  	_ =	shalt  }
0x4a: {  	_ =	shalt  }
0x4b: {  	_ =	shalt  }
0x4c: {  	_ =	shalt  }
0x4d: {  	_ =	shalt  }
0x4e: {  	_ =	shalt  }
0x4f: {  	_ =	shalt  }
0x50: {  	_ =	shalt  }
0x51: {  	_ =	shalt  }
0x52: {  	_ =	shalt  }
0x53: {  	_ =	shalt  }
0x54: {  	_ =	shalt  }
0x55: {  	_ =	shalt  }
0x56: {  	_ =	shalt  }
0x57: {  	_ =	shalt  }
0x58: {  	_ =	shalt  }
0x59: {  	_ =	shalt  }
0x5a: {  	_ =	shalt  }
0x5b: {  	_ =	shalt  }
0x5c: {  	_ =	shalt  }
0x5d: {  	_ =	shalt  }
0x5e: {  	_ =	shalt  }
0x5f: {  	_ =	shalt  }
0x60: {  	_ =	shalt  }
0x61: {  	_ =	shalt  }
0x62: {  	_ =	shalt  }
0x63: {  	_ =	shalt  }
0x64: {  	_ =	shalt  }
0x65: {  	_ =	shalt  }
0x66: {  	_ =	shalt  }
0x67: {  	_ =	shalt  }
0x68: {  	_ =	shalt  }
0x69: {  	_ =	shalt  }
0x6a: {  	_ =	shalt  }
0x6b: {  	_ =	shalt  }
0x6c: {  	_ =	shalt  }
0x6d: {  	_ =	shalt  }
0x6e: {  	_ =	shalt  }
0x6f: {  	_ =	shalt  }
0x70: {  	_ =	shalt  }
0x71: {  	_ =	shalt  }
0x72: {  	_ =	shalt  }
0x73: {  	_ =	shalt  }
0x74: {  	_ =	shalt  }
0x75: {  	_ =	shalt  }
0x76: {  	_ =	shalt  }
0x77: {  	_ =	shalt  }
0x78: {  	_ =	shalt  }
0x79: {  	_ =	shalt  }
0x7a: {  	_ =	shalt  }
0x7b: {  	_ =	shalt  }
0x7c: {  	_ =	shalt  }
0x7d: {  	_ =	shalt  }
0x7e: {  	_ =	shalt  }
0x7f: {  	_ =	shalt  }
0x80: {  	_ =	shalt  }
0x81: {  	_ =	shalt  }
0x82: {  	_ =	shalt  }
0x83: {  	_ =	shalt  }
0x84: {  	_ =	shalt  }
0x85: {  	_ =	shalt  }
0x86: {  	_ =	shalt  }
0x87: {  	_ =	shalt  }
.Lfunc_end0:
.L_simem_size_0:
called_computation.1_lowered:
.L_overlay_start_0:
0x88: {  	s2 =	sld [smem:$0x3FD9]  }
0x89: {  	s3 =	sld [smem:$0x3FFE];
	_ =	sdelay $0x1  }
0x8a: {  	s1 =	srdreg.scid  }
0x8b: {  	s0 =	sand.u32 $0x1, s1  }
0x8c: {  	s16 =	sshll.u32 s0, $0xA;
	s2 =	sadd.s32 s3, s2  }
0x8d: {  	s2 =	sadd.s32 s2, s16  }
0x8e: {  	[smem:$0x3F68] =	sst s2  }
0x8f: {  	_ = 	snop  }
0x90: {  	(tm) =	ssettm $0x1  }
0x91: {  	s17 =	sld [smem:$0x3FFB];
	_ =	sdelay $0x3  }
0x92: {  	_ =	strace s17  }
0x93: {  	s2 =	sld [smem:$0x3FFC];
	_ =	sdelay $0x3  }
0x94: {  	_ =	strace s2  }
0x95: {  	s2 =	sld [smem:$0x3FFD];
	_ =	sdelay $0x3  }
0x96: {  	_ =	strace s2  }
0x97: {  	_ =	strace $0x8FFFFFFF  }
0x98: {  	s18 =	sld [smem:$0x3FDB];
	_ =	sdelay $0x1  }
0x99: {  	s19 =	simm.s32 $_scs_section_size  }
0x9a: {  	s4 =	simm.s32 $_size__tile_overlayer_lowered;
	s5 =	simm.s32 $_tile_overlayer_lowered  }
0x9b: {  	s22 =	simm.s32 $0x1BFF;
	s21 =	sshll.u32 s5, $0x1;
	s2 =	sadd.s32 s19, s18  }
0x9c: {  	s6 =	simm.s32 $0x0;
	s20 =	sshll.u32 s4, $0x1;
	s4 =	sadd.s32 s21, s2  }
0x9d: {  	[timem:s6], [sflag:s22] =	dma.local [hbm:s4], s20  }
0x9e: {  	_ =	swait.ge [sflag:s22], s20  }
0x9f: {  	s3 =	ssub.s32 $0x0, s20;
	[sflag:s22] =	ssyncset.done $0x0  }
0xa0: {  	[sflag:s22] =	ssyncadd.s32 s3;
	_ =	sdelay $0x1  }
0xa1: {  	s23 =	simm.s32 $0x1B8B  }
0xa2: {  	_ =	swait.ge [sflag:s23], $0x1  }
0xa3: {  	[sflag:s23] =	ssyncset.done $0x0  }
0xa4: {  	s25 =	simm.s32 $0x1B8E;
	s24 =	sld [smem:$0x3FFE];
	[sflag:s23] =	ssyncadd.s32 $0xFFFFFFFF  }
0xa5: {  	s26 =	simm.s32 $execute0_lowered;
	[smem:$0x3FD2] =	sst s25  }
0xa6: {  	s4 =	sshll.u32 s26, $0x1;
	_ =	strace $0x80000046;
	[dreg:$0x1] =	wrdreg $0xFFFFFFFF  }
0xa7: {  	s28 =	simm.s32 $_size_execute0_lowered;
	s2 =	sadd.s32 s2, s4;
	[dreg:$0x0] =	wrdreg $0x0  }
0xa8: {  	s4 =	sshll.u32 s28, $0x1;
	[dreg:$0x2] =	wrdreg s2  }
0xa9: {  	[dreg:$0x3] =	wrdreg s4  }
0xaa: {  	[dreg:$0x4] =	wrdreg $0xC0  }
0xab: {  	_ =	task [dreg:s6], $0x5FFFF  }
0xac: {  	[dreg:$0x1] =	wrdreg $0xFFFFFFFF  }
0xad: {  	[dreg:$0x0] =	wrdreg $0x60  }
0xae: {  	[dreg:$0x2] =	wrdreg s24  }
0xaf: {  	[dreg:$0x3] =	wrdreg $0xA  }
0xb0: {  	_ =	task.clear_ibuf [dreg:s6], $0x4FFFF;
	_ =	strace $0x90000046  }
0xb1: {  	s29 =	simm.s32 $0xA;
	_ =	strace $0x80000048  }
0xb2: {  	_ =	swait.ge [sflag:s29], $0x1  }
0xb3: {  	[sflag:s29] =	ssyncadd.s32 $0xFFFFFFFF  }
0xb4: {  	_ =	strace $0x90000048  }
0xb5: {  	_ =	sfence  }
0xb6: {  	s30 =	sld [smem:$0x0];
	_ =	sdelay $0x2  }
0xb7: {  	s31 =	sshll.u32 s1, $0xD;
	s1 =	sshrl.u32 s1, $0x2  }
0xb8: {  	s3 =	sand.u32 $0x4000, s31;
	s1 =	sadd.s32 s1, s30  }
0xb9: {  	s0 =	sor.u32 s3, s0;
	s1 =	sshll.u32 s1, $0x11  }
0xba: {  	s0 =	sor.u32 s1, s0  }
0xbb: {  	s0 =	sadd.s32 $0x8F2B, s0  }
0xbc: {  	[sflag:s0] =	ssyncadd.remote.s32 $0x1  }
0xbd: {  	_ =	sfence.sel $0xFFFF  }
0xbe: {  	[dreg:$0x0] =	wrdreg $0xFFFFFFFF;
	(pc) =	sbr.abs _section_cstart, $3  }
0xbf: {  	[dreg:$0x1] =	wrdreg $0xFFFFFFFF  }
0xc0: {  	_ =	task.clear_ibuf [dreg:s6], $0x2FFFF;
	_ =	strace $0x9FFFFFFF  }
0xc1: {  	(tm) =	ssettm $0x7FFFFFFF  }
tec
execute0_lowered:
.L_overlay_start_1:
0x0: {  	(tag) =	ssettag $0x1  }
0x1: {  	s0 =	srdreg.scid  }
0x2: {  	s11 =	stileid.u32;
	s1 =	rddreg [dreg:$0x0]  }
0x3: {  	s2 =	simm.s32 $0x0;
	s28 =	simm.s32 $0x1;
	s29 =	simm.s32 $0x3  }
0x4: {  	s31 =	simm.s32 $0x0;
	s0 =	sand.u32 $0x1, s0;
	s3 =	sshll.u32 s11, $0x1  }
0x5: {  	[smem:$0x7FF] =	sst s2;
	s4 =	sadd.s32 $0x80000, s1;
	s19 =	smul.u32 $0x278000, s11  }
0x6: {  	s6 =	sor.u32 s0, s3;
	s8 =	ssub.s32 $0x2, s0;
	s0 =	smul.u32 $0x13C000, s0  }
0x7: {  	_ =	strace $0x80000047;
	s3 =	sadd.s32 $0x58E00, s1;
	s5 =	smul.u32 $0x4F0, s6  }
0x8: {  	s9 =	sshrl.u32 s8, $0x1;
	s10 =	smul.u32 $0x13C000, s6;
	s6 =	sadd.s32 $0x597200, s1  }
0x9: {  	s18 =	ssub.s32 s8, s9;
	s0 =	sadd.s32 s0, s19;
	s19 =	simm.s32 $0x5  }
0xa: {  	s7 =	sadd.s32 s5, s1;
	s5 =	sadd.s32 $0xA7200, s1;
	s21 =	sshrl.u32 s10, $0x3  }
0xb: {  	s1 =	smax.u32 s18, $0x1;
	s8 =	sadd.s32 $0xC000, s0;
	s16 =	sadd.s32 $0x8000, s0  }
0xc: {  	s0 =	simm.s32 $0x4;
	s20 =	sadd.s32 $0x1E000, s7;
	[dreg:$0x4] =	wrdreg s1  }
0xd: {  	s7 =	sadd.s32 $0x27E00, s7;
	s22 =	sadd.s32 s5, s21;
	[dreg:$0x2] =	wrdreg s20  }
0xe: {  	s23 =	sadd.s32 s6, s21;
	s24 =	sadd.s32 $0x800, s21;
	[dreg:$0x3] =	wrdreg s7  }
0xf: {  	s26 =	sadd.s32 $0x27000, s21;
	s30 =	sshrl.u32 s8, $0x3;
	[dreg:$0x5] =	wrdreg s22  }
0x10: {  	s21 =	simm.s32 $0x80;
	s1 =	simm.s32 $0x2;
	[dreg:$0x6] =	wrdreg s23  }
0x11: {  	s25 =	sadd.s32 s5, s24;
	s13 =	sadd.s32 s6, s24;
	s14 =	sadd.s32 s5, s26  }
0x12: {  	s15 =	sadd.s32 s6, s26;
	s9 =	sadd.s32 s30, s6;
	s18 =	sadd.s32 s30, s5  }
0x13: {  	s20 =	simm.s32 $0x2780;
	s22 =	simm.s32 $0x4F00;
	s23 =	simm.s32 $0xCF00  }
0x14: {  	s24 =	simm.s32 $0x8F00;
	s26 =	simm.s32 $0x10F00;
	[dreg:$0x7] =	wrdreg s25  }
.LBB2_1:
0x15: {  	s7 =	rddreg [dreg:$0x2]  }
0x16: {  	[tilespmem:s2], [sflag:$0x5] =	stream.linear.gather [hbm4b:s7+s2], $0x2780, $0x38;
	[tilespmem:$0x14F00] =	vst v63  }
0x17: {  	_ =	swait.ge [sflag:s19], $0x2780  }
0x18: {  	[sflag:s19] =	ssyncset.done $0x0  }
0x19: {  	s8 =	rddreg [dreg:$0x3];
	[sflag:s19] =	ssyncadd.s32 $0xFFFFD880  }
0x1a: {  	[tilespmem:s20], [sflag:$0x5] =	stream.linear.gather [hbm4b:s8+s2], $0x2780, $0x38;
	[tilespmem:$0x14F00] =	vst v63  }
0x1b: {  	_ =	swait.ge [sflag:s19], $0x2780  }
0x1c: {  	[sflag:s19] =	ssyncset.done $0x0  }
0x1d: {  	[sflag:s19] =	ssyncadd.s32 $0xFFFFD880  }
0x1e: {  	[tilespmem:s22], [sflag:$0x1] =	stream.indirect.gather [hbm4b:s3+s21], $0x80, s2, s21, $0xb8;
	[tilespmem:$0x14F00] =	vst v63  }
0x1f: {  	_ = 	snop  }
0x20: {  	[tilespmem:s23], [sflag:$0x1] =	stream.indirect.gather [hbm4b:s4+s21], $0x80, s20, s21, $0xb8;
	[tilespmem:$0x14F00] =	vst v63  }
0x21: {  	_ = 	snop  }
0x22: {  	[tilespmem:s24], [sflag:$0x2] =	stream.indirect.gather [hbm4b:s3+s21], $0x80, s21, s21, $0xb8;
	[tilespmem:$0x14F00] =	vst v63  }
0x23: {  	s10 =	simm.s32 $0x2800  }
0x24: {  	[tilespmem:s26], [sflag:$0x2] =	stream.indirect.gather [hbm4b:s4+s21], $0x80, s10, s21, $0xb8;
	[tilespmem:$0x14F00] =	vst v63  }
0x25: {  	_ =	swait.ge [sflag:s28], $0x4000  }
0x26: {  	[sflag:s28] =	ssyncset.done $0x0  }
0x27: {  	[sflag:s28] =	ssyncadd.s32 $0xFFFFC000  }
0x28: {  	_ =	swait.ge [sflag:s28], $0x4000  }
0x29: {  	[sflag:s28] =	ssyncset.done $0x0  }
0x2a: {  	s11 =	rddreg [dreg:$0x5];
	[sflag:s28] =	ssyncadd.s32 $0xFFFFC000  }
0x2b: {  	[hbm4b:s11+s2] =	stream.linear.scatter [tilespmem:s22], [sflag:$0x3], $0x4000, $0x38;
	[tilespmem:$0x14F00] =	vst v63  }
0x2c: {  	s12 =	rddreg [dreg:$0x6]  }
0x2d: {  	[hbm4b:s12+s2] =	stream.linear.scatter [tilespmem:s23], [sflag:$0x3], $0x4000, $0x38;
	[tilespmem:$0x14F00] =	vst v63  }
0x2e: {  	_ =	swait.ge [sflag:s29], $0x4000  }
0x2f: {  	[sflag:s29] =	ssyncset.done $0x0  }
0x30: {  	[sflag:s29] =	ssyncadd.s32 $0xFFFFC000  }
0x31: {  	_ =	swait.ge [sflag:s29], $0x4000  }
0x32: {  	[sflag:s29] =	ssyncset.done $0x0  }
0x33: {  	s17 =	simm.s32 $0x100;
	[sflag:s29] =	ssyncadd.s32 $0xFFFFC000  }
0x34: {  	[tilespmem:s22], [sflag:$0x1] =	stream.indirect.gather [hbm4b:s3+s21], $0x80, s17, s21, $0xb8;
	[tilespmem:$0x14F00] =	vst v63  }
0x35: {  	s25 =	simm.s32 $0x2880  }
0x36: {  	[tilespmem:s23], [sflag:$0x1] =	stream.indirect.gather [hbm4b:s4+s21], $0x80, s25, s21, $0xb8;
	[tilespmem:$0x14F00] =	vst v63  }
0x37: {  	_ =	swait.ge [sflag:s1], $0x4000  }
0x38: {  	[sflag:s1] =	ssyncset.done $0x0  }
0x39: {  	[sflag:s1] =	ssyncadd.s32 $0xFFFFC000  }
0x3a: {  	_ =	swait.ge [sflag:s1], $0x4000  }
0x3b: {  	[sflag:s1] =	ssyncset.done $0x0  }
0x3c: {  	s8 =	rddreg [dreg:$0x7];
	[sflag:s1] =	ssyncadd.s32 $0xFFFFC000  }
0x3d: {  	[hbm4b:s8+s2] =	stream.linear.scatter [tilespmem:s24], [sflag:$0x4], $0x4000, $0x38;
	[tilespmem:$0x14F00] =	vst v63  }
0x3e: {  	_ = 	snop  }
0x3f: {  	[hbm4b:s13+s2] =	stream.linear.scatter [tilespmem:s26], [sflag:$0x4], $0x4000, $0x38;
	[tilespmem:$0x14F00] =	vst v63  }
0x40: {  	_ =	swait.ge [sflag:s0], $0x4000  }
0x41: {  	[sflag:s0] =	ssyncset.done $0x0  }
0x42: {  	[sflag:s0] =	ssyncadd.s32 $0xFFFFC000  }
0x43: {  	_ =	swait.ge [sflag:s0], $0x4000  }
0x44: {  	[sflag:s0] =	ssyncset.done $0x0  }
0x45: {  	s10 =	simm.s32 $0x180;
	[sflag:s0] =	ssyncadd.s32 $0xFFFFC000  }
0x46: {  	[tilespmem:s24], [sflag:$0x2] =	stream.indirect.gather [hbm4b:s3+s21], $0x80, s10, s21, $0xb8;
	[tilespmem:$0x14F00] =	vst v63  }
0x47: {  	s11 =	simm.s32 $0x2900  }
0x48: {  	[tilespmem:s26], [sflag:$0x2] =	stream.indirect.gather [hbm4b:s4+s21], $0x80, s11, s21, $0xb8;
	[tilespmem:$0x14F00] =	vst v63  }
0x49: {  	_ =	swait.ge [sflag:s28], $0x4000  }
0x4a: {  	[sflag:s28] =	ssyncset.done $0x0  }
0x4b: {  	[sflag:s28] =	ssyncadd.s32 $0xFFFFC000  }
0x4c: {  	_ =	swait.ge [sflag:s28], $0x4000  }
0x4d: {  	s12 =	sshrl.u32 s16, $0x3;
	[sflag:s28] =	ssyncset.done $0x0  }
0x4e: {  	s8 =	sadd.s32 s5, s12;
	[sflag:s28] =	ssyncadd.s32 $0xFFFFC000  }
0x4f: {  	[hbm4b:s8+s2] =	stream.linear.scatter [tilespmem:s22], [sflag:$0x3], $0x4000, $0x38;
	[tilespmem:$0x14F00] =	vst v63  }
0x50: {  	s7 =	sadd.s32 s6, s12  }
0x51: {  	[hbm4b:s7+s2] =	stream.linear.scatter [tilespmem:s23], [sflag:$0x3], $0x4000, $0x38;
	[tilespmem:$0x14F00] =	vst v63  }
0x52: {  	_ =	swait.ge [sflag:s29], $0x4000  }
0x53: {  	[sflag:s29] =	ssyncset.done $0x0  }
0x54: {  	[sflag:s29] =	ssyncadd.s32 $0xFFFFC000  }
0x55: {  	_ =	swait.ge [sflag:s29], $0x4000  }
0x56: {  	[sflag:s29] =	ssyncset.done $0x0  }
0x57: {  	s17 =	simm.s32 $0x200;
	[sflag:s29] =	ssyncadd.s32 $0xFFFFC000  }
0x58: {  	[tilespmem:s22], [sflag:$0x1] =	stream.indirect.gather [hbm4b:s3+s21], $0x80, s17, s21, $0xb8;
	[tilespmem:$0x14F00] =	vst v63  }
0x59: {  	s25 =	simm.s32 $0x2980  }
0x5a: {  	[tilespmem:s23], [sflag:$0x1] =	stream.indirect.gather [hbm4b:s4+s21], $0x80, s25, s21, $0xb8;
	[tilespmem:$0x14F00] =	vst v63  }
0x5b: {  	_ =	swait.ge [sflag:s1], $0x4000  }
0x5c: {  	[sflag:s1] =	ssyncset.done $0x0  }
0x5d: {  	[sflag:s1] =	ssyncadd.s32 $0xFFFFC000  }
0x5e: {  	s30 =	sadd.s32 $0x8000, s16;
	_ =	swait.ge [sflag:s1], $0x4000  }
0x5f: {  	s8 =	sadd.s32 $0x1000, s18;
	s7 =	sadd.s32 $0x1000, s9;
	[sflag:s1] =	ssyncset.done $0x0  }
0x60: {  	s17 =	smov.u32 s9;
	s25 =	simm.s32 $0x400;
	[sflag:s1] =	ssyncadd.s32 $0xFFFFC000  }
0x61: {  	[hbm4b:s18+s2] =	stream.linear.scatter [tilespmem:s24], [sflag:$0x4], $0x4000, $0x38;
	[tilespmem:$0x14F00] =	vst v63  }
.LBB2_2:
0x62: {  	[hbm4b:s17+s2] =	stream.linear.scatter [tilespmem:s26], [sflag:$0x4], $0x4000, $0x38;
	[tilespmem:$0x14F00] =	vst v63  }
0x63: {  	s10 =	smov.u32 s25;
	s17 =	smov.u32 s7  }
0x64: {  	p0 =	sne.s32 s25, $0x9400;
	s25 =	sadd.s32 $0x400, s25;
	_ =	swait.ge [sflag:s0], $0x4000  }
0x65: {  	[sflag:s0] =	ssyncset.done $0x0  }
0x66: {  	[sflag:s0] =	ssyncadd.s32 $0xFFFFC000  }
0x67: {  	_ =	swait.ge [sflag:s0], $0x4000  }
0x68: {  	s10 =	sshra.s32 s10, $0x2;
	[sflag:s0] =	ssyncset.done $0x0  }
0x69: {  	s11 =	sadd.s32 $0x180, s10;
	[sflag:s0] =	ssyncadd.s32 $0xFFFFC000  }
0x6a: {  	[tilespmem:s24], [sflag:$0x2] =	stream.indirect.gather [hbm4b:s3+s21], $0x80, s11, s21, $0xb8;
	[tilespmem:$0x14F00] =	vst v63  }
0x6b: {  	s11 =	sadd.s32 $0x2900, s10  }
0x6c: {  	[tilespmem:s26], [sflag:$0x2] =	stream.indirect.gather [hbm4b:s4+s21], $0x80, s11, s21, $0xb8;
	[tilespmem:$0x14F00] =	vst v63  }
0x6d: {  	_ =	swait.ge [sflag:s28], $0x4000  }
0x6e: {  	[sflag:s28] =	ssyncset.done $0x0  }
0x6f: {  	[sflag:s28] =	ssyncadd.s32 $0xFFFFC000  }
0x70: {  	_ =	swait.ge [sflag:s28], $0x4000  }
0x71: {  	s11 =	sshrl.u32 s30, $0x3;
	[sflag:s28] =	ssyncset.done $0x0  }
0x72: {  	s12 =	sadd.s32 s5, s11;
	[sflag:s28] =	ssyncadd.s32 $0xFFFFC000  }
0x73: {  	[hbm4b:s12+s2] =	stream.linear.scatter [tilespmem:s22], [sflag:$0x3], $0x4000, $0x38;
	[tilespmem:$0x14F00] =	vst v63  }
0x74: {  	s11 =	sadd.s32 s6, s11  }
0x75: {  	[hbm4b:s11+s2] =	stream.linear.scatter [tilespmem:s23], [sflag:$0x3], $0x4000, $0x38;
	[tilespmem:$0x14F00] =	vst v63  }
0x76: {  	_ =	swait.ge [sflag:s29], $0x4000  }
0x77: {  	[sflag:s29] =	ssyncset.done $0x0  }
0x78: {  	[sflag:s29] =	ssyncadd.s32 $0xFFFFC000  }
0x79: {  	_ =	swait.ge [sflag:s29], $0x4000  }
0x7a: {  	[sflag:s29] =	ssyncset.done $0x0  }
0x7b: {  	s11 =	sadd.s32 $0x200, s10;
	[sflag:s29] =	ssyncadd.s32 $0xFFFFC000  }
0x7c: {  	[tilespmem:s22], [sflag:$0x1] =	stream.indirect.gather [hbm4b:s3+s21], $0x80, s11, s21, $0xb8;
	[tilespmem:$0x14F00] =	vst v63  }
0x7d: {  	s10 =	sadd.s32 $0x2980, s10  }
0x7e: {  	[tilespmem:s23], [sflag:$0x1] =	stream.indirect.gather [hbm4b:s4+s21], $0x80, s10, s21, $0xb8;
	[tilespmem:$0x14F00] =	vst v63  }
0x7f: {  	_ =	swait.ge [sflag:s1], $0x4000  }
0x80: {  	[sflag:s1] =	ssyncset.done $0x0  }
0x81: {  	[sflag:s1] =	ssyncadd.s32 $0xFFFFC000  }
.Ltmp0:
0x82: {  	_ =	swait.ge [sflag:s1], $0x4000;
	(pc) =	sbr.rel @p0 .LBB2_2-.Ltmp0, $4  }
0x83: {  	[sflag:s1] =	ssyncset.done $0x0  }
0x84: {  	[sflag:s1] =	ssyncadd.s32 $0xFFFFC000  }
0x85: {  	[hbm4b:s8+s2] =	stream.linear.scatter [tilespmem:s24], [sflag:$0x4], $0x4000, $0x38;
	[tilespmem:$0x14F00] =	vst v63  }
0x86: {  	s7 =	sadd.s32 $0x1000, s7;
	s30 =	sadd.s32 $0x8000, s30;
	s8 =	sadd.s32 $0x1000, s8  }
0x87: {  	[hbm4b:s17+s2] =	stream.linear.scatter [tilespmem:s26], [sflag:$0x4], $0x4000, $0x38;
	[tilespmem:$0x14F00] =	vst v63  }
0x88: {  	_ =	swait.ge [sflag:s0], $0x4000  }
0x89: {  	[sflag:s0] =	ssyncset.done $0x0  }
0x8a: {  	[sflag:s0] =	ssyncadd.s32 $0xFFFFC000  }
0x8b: {  	_ =	swait.ge [sflag:s0], $0x4000  }
0x8c: {  	[sflag:s0] =	ssyncset.done $0x0  }
0x8d: {  	s7 =	simm.s32 $0x2700;
	[sflag:s0] =	ssyncadd.s32 $0xFFFFC000  }
0x8e: {  	[tilespmem:s24], [sflag:$0x2] =	stream.indirect.gather [hbm4b:s3+s21], $0x80, s7, s21, $0xb8;
	[tilespmem:$0x14F00] =	vst v63  }
0x8f: {  	s25 =	simm.s32 $0x4E80  }
0x90: {  	[tilespmem:s26], [sflag:$0x2] =	stream.indirect.gather [hbm4b:s4+s21], $0x80, s25, s21, $0xb8;
	[tilespmem:$0x14F00] =	vst v63  }
0x91: {  	_ =	swait.ge [sflag:s28], $0x4000  }
0x92: {  	[sflag:s28] =	ssyncset.done $0x0  }
0x93: {  	[sflag:s28] =	ssyncadd.s32 $0xFFFFC000  }
0x94: {  	_ =	swait.ge [sflag:s28], $0x4000  }
0x95: {  	[sflag:s28] =	ssyncset.done $0x0  }
0x96: {  	[sflag:s28] =	ssyncadd.s32 $0xFFFFC000  }
0x97: {  	[hbm4b:s14+s2] =	stream.linear.scatter [tilespmem:s22], [sflag:$0x3], $0x4000, $0x38;
	[tilespmem:$0x14F00] =	vst v63  }
0x98: {  	_ = 	snop  }
0x99: {  	[hbm4b:s15+s2] =	stream.linear.scatter [tilespmem:s23], [sflag:$0x3], $0x4000, $0x38;
	[tilespmem:$0x14F00] =	vst v63  }
0x9a: {  	_ =	swait.ge [sflag:s29], $0x4000  }
0x9b: {  	[sflag:s29] =	ssyncset.done $0x0  }
0x9c: {  	[sflag:s29] =	ssyncadd.s32 $0xFFFFC000  }
0x9d: {  	_ =	swait.ge [sflag:s29], $0x4000  }
0x9e: {  	[sflag:s29] =	ssyncset.done $0x0  }
0x9f: {  	[sflag:s29] =	ssyncadd.s32 $0xFFFFC000  }
0xa0: {  	_ =	swait.ge [sflag:s1], $0x4000  }
0xa1: {  	[sflag:s1] =	ssyncset.done $0x0  }
0xa2: {  	[sflag:s1] =	ssyncadd.s32 $0xFFFFC000  }
0xa3: {  	_ =	swait.ge [sflag:s1], $0x4000  }
0xa4: {  	[sflag:s1] =	ssyncset.done $0x0  }
0xa5: {  	[sflag:s1] =	ssyncadd.s32 $0xFFFFC000  }
0xa6: {  	[hbm4b:s14+s2] =	stream.linear.scatter [tilespmem:s24], [sflag:$0x4], $0x4000, $0x38;
	[tilespmem:$0x14F00] =	vst v63  }
0xa7: {  	_ = 	snop  }
0xa8: {  	[hbm4b:s15+s2] =	stream.linear.scatter [tilespmem:s26], [sflag:$0x4], $0x4000, $0x38;
	[tilespmem:$0x14F00] =	vst v63  }
0xa9: {  	_ =	swait.ge [sflag:s0], $0x4000  }
0xaa: {  	[sflag:s0] =	ssyncset.done $0x0  }
0xab: {  	[sflag:s0] =	ssyncadd.s32 $0xFFFFC000  }
0xac: {  	_ =	swait.ge [sflag:s0], $0x4000  }
0xad: {  	s31 =	sadd.s32 $0x1, s31;
	s30 =	rddreg [dreg:$0x4]  }
0xae: {  	p0 =	sne.s32 s31, s30  }
.Ltmp1:
0xaf: {  	_ = 	snop;
	(pc) =	sbr.rel @p0 .LBB2_1-.Ltmp1, $3  }
0xb0: {  	_ =	sdelay $0x1  }
0xb1: {  	[sflag:s0] =	ssyncset.done $0x0  }
0xb2: {  	[sflag:s0] =	ssyncadd.s32 $0xFFFFC000  }
0xb3: {  	_ =	sfence.sel $0x180000  }
0xb4: {  	[bflag:$0x0] =	sbarrier.arrive $0xFFFF  }
0xb5: {  	_ =	strace $0x90000047  }
0xb6: {  	s0 =	stileid.u32;
	[bflag:$0x2] =	sbarrier.arrive $0xFFFF  }
0xb7: {  	p0 =	sne.s32 s0, $0x0;
	s0 =	rddreg [dreg:$0x1]  }
0xb8: {  	s0 =	sadd.s32 @!p0 $0x100000, s0  }
0xb9: {  	[sflag:s0] =	ssyncadd.tile.s32 @!p0 $0x1;
	_ =	shalt  }
.Lfunc_end2:
_tile_overlayer_lowered:
.L_overlay_start_2:
0xba: {  	(tag) =	ssettag $0x2  }
0xbb: {  	s0 =	rddreg [dreg:$0x0];
	s2 =	stileid.u32  }
0xbc: {  	s1 =	rddreg [dreg:$0x1];
	p0 =	sne.s32 s2, $0x0  }
0xbd: {  	s3 =	rddreg [dreg:$0x2];
	[bflag:$0x3] =	sbarrier.arrive $0xFFFF;
	s2 =	simm.s32 @!p0 $0x1C05  }
0xbe: {  	[timem:s3], [sflag:s2] =	dma.local @!p0 [hbm:s0], s1  }
0xbf: {  	s0 =	simm.s32 @!p0 $0x5  }
0xc0: {  	_ =	swait.ge @!p0 [sflag:s0], s1  }
0xc1: {  	s1 =	ssub.s32 @!p0 $0x0, s1;
	[sflag:s0] =	ssyncset.done @!p0 $0x0  }
0xc2: {  	[sflag:s0] =	ssyncadd.s32 @!p0 s1  }
0xc3: {  	[bflag:$0x3] =	sbarrier.arrive $0xFFFF  }
0xc4: {  	_ =	shalt  }

// kernel: kernel.32.cloned.1.call-start
scs
__scs_entry_jumppad:
0x0: {  	(pc) =	sbr.rel $0x88, $3  }
0x1: {  	(tag) =	ssettag $0x0;
	lr =	simm.s32 $0x1  }
0x2: {  	[smem:$0x3F41] =	sst lr;
	_ =	strace $0xD0000000  }
0x3: {  	_ = 	snop  }
0x4: {  	_ = 	snop  }
0x5: {  	_ = 	snop  }
0x6: {  	_ = 	snop  }
0x7: {  	_ = 	snop  }
__scs_overlays_trampoline_lowered:
0x8: {  	[smem:$0x3F50] =	sst s0  }
0x9: {  	[smem:$0x3F51] =	sst s1  }
0xa: {  	[smem:$0x3F52] =	sst s2  }
0xb: {  	[smem:$0x3F53] =	sst s3  }
0xc: {  	[smem:$0x3F54] =	sst s4  }
0xd: {  	[smem:$0x3F55] =	sst s5  }
0xe: {  	[smem:$0x3F56] =	sst s6  }
0xf: {  	[smem:$0x3F57] =	sst s7  }
0x10: {  	[smem:$0x3F58] =	sst s8  }
0x11: {  	[smem:$0x3F59] =	sst s9;
	s0 =	simm.s32 @!p0 $0x0  }
0x12: {  	s1 =	sld [smem:$0x3F3F];
	s0 =	simm.s32 @p0 $0x1  }
0x13: {  	[smem:$0x3F5A] =	sst s0;
	s0 =	simm.s32 @!p1 $0x0  }
0x14: {  	s2 =	sld [smem:$0x3F3E];
	s0 =	simm.s32 @p1 $0x1  }
0x15: {  	[smem:$0x3F5B] =	sst s0;
	s0 =	simm.s32 @!p2 $0x0  }
0x16: {  	s3 =	sld [smem:$0x3FDB];
	s0 =	simm.s32 @p2 $0x1  }
0x17: {  	s4 =	simm.s32 $0x1BF5;
	[smem:$0x3F5D] =	sst s0  }
0x18: {  	s0 =	sld [smem:$0x3F40];
	_ =	swait.ge [sflag:s4], $0x0  }
0x19: {  	s7 =	sld [smem:$0x3F41]  }
0x1a: {  	s8 =	sadd.s32 $0xFFFFE003, lr  }
0x1b: {  	s9 =	sadd.s32 $0xFFFFFEF7, lr;
	s5 =	simm.s32 $0xFFFFFFFF;
	p2 =	slt.u32 s8, $0xFFFFF086  }
0x1c: {  	p1 =	slt.u32 s9, $0xF7A;
	s5 =	simm.s32 @!p2 $0x0  }
0x1d: {  	s5 =	simm.s32 @p1 $0x1;
	p0 =	seq.s32 s7, s2  }
0x1e: {  	s7 =	smul.u32 @!p0 $0xF7A, s2;
	p2 =	seq.s32 @!p0 s5, $0x0  }
0x1f: {  	s9 =	smul.u32 $0xF7A, s1;
	s8 =	simm.s32 @!p0 $0x1BF5;
	p2 =	por !p2, p0  }
0x20: {  	[sflag:s8] =	ssyncset.s32 @!p0 $0xFFFFF086;
	s6 =	sadd.s32 @!p0 s3, s7;
	s7 =	simm.s32 @!p0 $0x108  }
0x21: {  	s3 =	sadd.s32 s3, s9;
	s6 =	sadd.s32 @!p0 $0x88, s6;
	s7 =	simm.s32 @p2 $0x1082  }
0x22: {  	[simem:s7], [sflag:s8] =	dma.local @!p0 [hbm:s6], $0xF7A  }
0x23: {  	s9 =	sor.u32 $0xD0000000, s2;
	s6 =	simm.s32 $0x108;
	_ =	swait.ge @!p0 [sflag:s8], $0x0  }
0x24: {  	s3 =	sadd.s32 $0x88, s3;
	s6 =	simm.s32 @!p1 $0x1082;
	[sflag:s4] =	ssyncset.s32 $0xFFFFF086  }
0x25: {  	[simem:s6], [sflag:s4] =	dma.local [hbm:s3], $0xF7A  }
0x26: {  	[smem:$0x3F41] =	sst s1;
	(tag) =	ssettag s2;
	_ =	strace s9  }
0x27: {  	s1 =	sld [smem:$0x3F51]  }
0x28: {  	s2 =	sld [smem:$0x3F52]  }
0x29: {  	s4 =	sld [smem:$0x3F54]  }
0x2a: {  	p0 =	seq.s32 s5, $0x0;
	s5 =	sld [smem:$0x3F55]  }
0x2b: {  	s6 =	sld [smem:$0x3F56]  }
0x2c: {  	s7 =	sld [smem:$0x3F57]  }
0x2d: {  	s3 =	simm.s32 $0x108;
	s8 =	sld [smem:$0x3F58]  }
0x2e: {  	s3 =	simm.s32 @!p0 $0x1082;
	s9 =	sld [smem:$0x3F59]  }
0x2f: {  	lr =	sadd.s32 s0, s3;
	s0 =	sld [smem:$0x3F50]  }
0x30: {  	s3 =	sld [smem:$0x3F53]  }
0x31: {  	[smem:$0x3F5C] =	sst s10  }
0x32: {  	s10 =	sld [smem:$0x3F5A];
	_ =	sdelay $0x3  }
0x33: {  	p0 =	seq.s32 s10, $0x1;
	s10 =	sld [smem:$0x3F5C];
	_ =	sdelay $0x3  }
0x34: {  	[smem:$0x3F5C] =	sst s10  }
0x35: {  	s10 =	sld [smem:$0x3F5B];
	_ =	sdelay $0x3  }
0x36: {  	p1 =	seq.s32 s10, $0x1;
	s10 =	sld [smem:$0x3F5C];
	_ =	sdelay $0x3  }
0x37: {  	[smem:$0x3F5C] =	sst s10  }
0x38: {  	s10 =	sld [smem:$0x3F5D]  }
0x39: {  	_ = 	snop;
	(pc) =	sbr.ind lr, $3  }
0x3a: {  	_ = 	snop  }
0x3b: {  	_ = 	snop  }
0x3c: {  	p2 =	seq.s32 s10, $0x1;
	s10 =	sld [smem:$0x3F5C]  }
0x3d: {  	_ =	shalt  }
0x3e: {  	_ =	shalt  }
0x3f: {  	_ =	shalt  }
0x40: {  	_ =	shalt  }
0x41: {  	_ =	shalt  }
0x42: {  	_ =	shalt  }
0x43: {  	_ =	shalt  }
0x44: {  	_ =	shalt  }
0x45: {  	_ =	shalt  }
0x46: {  	_ =	shalt  }
0x47: {  	_ =	shalt  }
0x48: {  	_ =	shalt  }
0x49: {  	_ =	shalt  }
0x4a: {  	_ =	shalt  }
0x4b: {  	_ =	shalt  }
0x4c: {  	_ =	shalt  }
0x4d: {  	_ =	shalt  }
0x4e: {  	_ =	shalt  }
0x4f: {  	_ =	shalt  }
0x50: {  	_ =	shalt  }
0x51: {  	_ =	shalt  }
0x52: {  	_ =	shalt  }
0x53: {  	_ =	shalt  }
0x54: {  	_ =	shalt  }
0x55: {  	_ =	shalt  }
0x56: {  	_ =	shalt  }
0x57: {  	_ =	shalt  }
0x58: {  	_ =	shalt  }
0x59: {  	_ =	shalt  }
0x5a: {  	_ =	shalt  }
0x5b: {  	_ =	shalt  }
0x5c: {  	_ =	shalt  }
0x5d: {  	_ =	shalt  }
0x5e: {  	_ =	shalt  }
0x5f: {  	_ =	shalt  }
0x60: {  	_ =	shalt  }
0x61: {  	_ =	shalt  }
0x62: {  	_ =	shalt  }
0x63: {  	_ =	shalt  }
0x64: {  	_ =	shalt  }
0x65: {  	_ =	shalt  }
0x66: {  	_ =	shalt  }
0x67: {  	_ =	shalt  }
0x68: {  	_ =	shalt  }
0x69: {  	_ =	shalt  }
0x6a: {  	_ =	shalt  }
0x6b: {  	_ =	shalt  }
0x6c: {  	_ =	shalt  }
0x6d: {  	_ =	shalt  }
0x6e: {  	_ =	shalt  }
0x6f: {  	_ =	shalt  }
0x70: {  	_ =	shalt  }
0x71: {  	_ =	shalt  }
0x72: {  	_ =	shalt  }
0x73: {  	_ =	shalt  }
0x74: {  	_ =	shalt  }
0x75: {  	_ =	shalt  }
0x76: {  	_ =	shalt  }
0x77: {  	_ =	shalt  }
0x78: {  	_ =	shalt  }
0x79: {  	_ =	shalt  }
0x7a: {  	_ =	shalt  }
0x7b: {  	_ =	shalt  }
0x7c: {  	_ =	shalt  }
0x7d: {  	_ =	shalt  }
0x7e: {  	_ =	shalt  }
0x7f: {  	_ =	shalt  }
0x80: {  	_ =	shalt  }
0x81: {  	_ =	shalt  }
0x82: {  	_ =	shalt  }
0x83: {  	_ =	shalt  }
0x84: {  	_ =	shalt  }
0x85: {  	_ =	shalt  }
0x86: {  	_ =	shalt  }
0x87: {  	_ =	shalt  }
.Lfunc_end0:
.L_simem_size_0:
called_computation.2_lowered:
.L_overlay_start_0:
0x88: {  	s2 =	sld [smem:$0x3FD9]  }
0x89: {  	s3 =	sld [smem:$0x3FFE];
	_ =	sdelay $0x1  }
0x8a: {  	s1 =	srdreg.scid  }
0x8b: {  	s0 =	sand.u32 $0x1, s1  }
0x8c: {  	s17 =	sshll.u32 s0, $0xA;
	s2 =	sadd.s32 s3, s2  }
0x8d: {  	s2 =	sadd.s32 s2, s17  }
0x8e: {  	[smem:$0x3F68] =	sst s2  }
0x8f: {  	_ = 	snop  }
0x90: {  	(tm) =	ssettm $0x1  }
0x91: {  	s18 =	sld [smem:$0x3FFB];
	_ =	sdelay $0x3  }
0x92: {  	_ =	strace s18  }
0x93: {  	s2 =	sld [smem:$0x3FFC];
	_ =	sdelay $0x3  }
0x94: {  	_ =	strace s2  }
0x95: {  	s2 =	sld [smem:$0x3FFD];
	_ =	sdelay $0x3  }
0x96: {  	_ =	strace s2  }
0x97: {  	_ =	strace $0x8FFFFFFF  }
0x98: {  	s19 =	sld [smem:$0x3FDB];
	_ =	sdelay $0x1  }
0x99: {  	s20 =	simm.s32 $_scs_section_size  }
0x9a: {  	s4 =	simm.s32 $_size__tile_overlayer_lowered;
	s5 =	simm.s32 $_tile_overlayer_lowered  }
0x9b: {  	s6 =	simm.s32 $0x1BFF;
	s21 =	sshll.u32 s5, $0x1;
	s3 =	sadd.s32 s20, s19  }
0x9c: {  	s22 =	simm.s32 $0x0;
	s4 =	sshll.u32 s4, $0x1;
	s5 =	sadd.s32 s21, s3  }
0x9d: {  	[timem:s22], [sflag:s6] =	dma.local [hbm:s5], s4  }
0x9e: {  	_ =	swait.ge [sflag:s6], s4  }
0x9f: {  	s4 =	ssub.s32 $0x0, s4;
	[sflag:s6] =	ssyncset.done $0x0  }
0xa0: {  	[sflag:s6] =	ssyncadd.s32 s4;
	_ =	sdelay $0x1  }
0xa1: {  	s23 =	simm.s32 $0x1B8B  }
0xa2: {  	_ =	swait.ge [sflag:s23], $0x1  }
0xa3: {  	[sflag:s23] =	ssyncset.done $0x0  }
0xa4: {  	[sflag:s23] =	ssyncadd.s32 $0xFFFFFFFF  }
0xa5: {  	s4 =	sld [smem:$0x0]  }
0xa6: {  	s5 =	sand.u32 $0xFFFFFFFE, s1  }
0xa7: {  	p0 =	sne.s32 s1, s5  }
0xa8: {  	s5 =	sshll.u32 @p0 s5, $0xE  }
0xa9: {  	s5 =	sadd.s32 @p0 $0x11B8D, s5;
	s6 =	sshll.u32 @p0 s4, $0x11  }
0xaa: {  	s5 =	sor.u32 @p0 s6, s5  }
0xab: {  	[sflag:s5] =	ssyncadd.remote.s32 @p0 $0x1;
	_ =	sdelay $0x1  }
0xac: {  	s5 =	simm.s32 @p0 $0x1B8D  }
0xad: {  	_ =	swait.eq @p0 [sflag:s5], $0x1  }
0xae: {  	[sflag:s5] =	ssyncadd.s32 @p0 $0xFFFFFFFF  }
0xaf: {  	s6 =	sshll.u32 @!p0 s1, $0xE  }
0xb0: {  	s6 =	sor.u32 @!p0 $0x4000, s6;
	s5 =	simm.s32 @!p0 $0x1B8D  }
0xb1: {  	s4 =	sshll.u32 @!p0 s4, $0x11;
	s6 =	sadd.s32 @!p0 $0x11B8D, s6;
	_ =	swait.eq @!p0 [sflag:s5], $0x1  }
0xb2: {  	s4 =	sor.u32 @!p0 s4, s6;
	[sflag:s5] =	ssyncadd.s32 @!p0 $0xFFFFFFFF  }
0xb3: {  	s25 =	simm.s32 $0x1B8E;
	s24 =	sld [smem:$0x3FFE];
	[sflag:s4] =	ssyncadd.remote.s32 @!p0 $0x1  }
0xb4: {  	s26 =	simm.s32 $execute0_lowered;
	[smem:$0x3FD2] =	sst s25  }
0xb5: {  	s5 =	sshll.u32 s26, $0x1;
	_ =	strace $0x8000004C;
	[dreg:$0x1] =	wrdreg $0xFFFFFFFF  }
0xb6: {  	s28 =	simm.s32 $_size_execute0_lowered;
	s3 =	sadd.s32 s3, s5;
	[dreg:$0x0] =	wrdreg $0x0  }
0xb7: {  	s5 =	sshll.u32 s28, $0x1;
	[dreg:$0x2] =	wrdreg s3  }
0xb8: {  	[dreg:$0x3] =	wrdreg s5  }
0xb9: {  	[dreg:$0x4] =	wrdreg $0xC0  }
0xba: {  	_ =	task [dreg:s22], $0x5FFFF  }
0xbb: {  	[dreg:$0x1] =	wrdreg $0xFFFFFFFF  }
0xbc: {  	[dreg:$0x0] =	wrdreg $0x60  }
0xbd: {  	[dreg:$0x2] =	wrdreg s24  }
0xbe: {  	[dreg:$0x3] =	wrdreg $0xA8000  }
0xbf: {  	[dreg:$0x4] =	wrdreg $0xA  }
0xc0: {  	_ =	task.clear_ibuf [dreg:s22], $0x5FFFF;
	_ =	strace $0x9000004C  }
0xc1: {  	s29 =	simm.s32 $0xA;
	_ =	strace $0x8000004E  }
0xc2: {  	_ =	swait.ge [sflag:s29], $0x1  }
0xc3: {  	[sflag:s29] =	ssyncadd.s32 $0xFFFFFFFF  }
0xc4: {  	_ =	strace $0x9000004E  }
0xc5: {  	_ =	sfence  }
0xc6: {  	s30 =	sld [smem:$0x0];
	_ =	sdelay $0x2  }
0xc7: {  	s31 =	sshll.u32 s1, $0xD;
	s1 =	sshrl.u32 s1, $0x2  }
0xc8: {  	s4 =	sand.u32 $0x4000, s31;
	s1 =	sadd.s32 s1, s30  }
0xc9: {  	s0 =	sor.u32 s4, s0;
	s1 =	sshll.u32 s1, $0x11  }
0xca: {  	s0 =	sor.u32 s1, s0  }
0xcb: {  	s0 =	sadd.s32 $0x8F2B, s0  }
0xcc: {  	[sflag:s0] =	ssyncadd.remote.s32 $0x1  }
0xcd: {  	_ =	sfence.sel $0xFFFF  }
0xce: {  	[dreg:$0x0] =	wrdreg $0xFFFFFFFF;
	(pc) =	sbr.abs _section_cstart, $3  }
0xcf: {  	[dreg:$0x1] =	wrdreg $0xFFFFFFFF  }
0xd0: {  	_ =	task.clear_ibuf [dreg:s22], $0x2FFFF;
	_ =	strace $0x9FFFFFFF  }
0xd1: {  	(tm) =	ssettm $0x7FFFFFFF  }
tec
execute0_lowered:
.L_overlay_start_1:
0x0: {  	(tag) =	ssettag $0x1  }
0x1: {  	s5 =	rddreg [dreg:$0x0];
	s1 =	srdreg.scid  }
0x2: {  	s0 =	stileid.u32;
	s2 =	rddreg [dreg:$0x1];
	s3 =	simm.s32 $0x0  }
0x3: {  	s16 =	simm.s32 $0x2800;
	s17 =	simm.s32 $0x6800;
	s18 =	simm.s32 $0x1  }
0x4: {  	s19 =	simm.s32 $0x80;
	s6 =	sand.u32 $0x1, s1;
	s24 =	smul.u32 $0x2800, s0  }
0x5: {  	s4 =	sshll.u32 s0, $0x1;
	[smem:$0x7FF] =	sst s3;
	s11 =	smul.u32 $0x50000, s0  }
0x6: {  	s21 =	smul.u32 $0x278000, s0;
	s22 =	sshll.u32 s0, $0x6;
	_ =	strace $0x8000004D  }
0x7: {  	s7 =	sor.u32 s6, s4;
	s4 =	sadd.s32 $0x14D1200, s5;
	s9 =	smul.u32 $0x28000, s6  }
0x8: {  	s20 =	ssub.s32 $0x2, s6;
	s23 =	smul.u32 $0x13C000, s6;
	s6 =	sor.u32 $0x1C03, s22  }
0x9: {  	s22 =	simm.s32 $0x2680;
	s8 =	smul.u32 $0x500, s7;
	s10 =	sadd.s32 s24, s5  }
0xa: {  	s12 =	smul.u32 $0x27800, s7;
	s13 =	sshrl.u32 s20, $0x1;
	s11 =	sshrl.u32 s11, $0x2  }
0xb: {  	s14 =	smul.u32 $0x13C000, s7;
	s9 =	sadd.s32 s9, s5;
	s13 =	ssub.s32 s20, s13  }
0xc: {  	s15 =	sadd.s32 s11, s2;
	s28 =	sadd.s32 s23, s21;
	s20 =	simm.s32 $0x2  }
0xd: {  	s21 =	simm.s32 $0x2600;
	s23 =	simm.s32 $0x2700;
	s8 =	sadd.s32 s8, s5  }
0xe: {  	s5 =	sadd.s32 $0xA87200, s10;
	s25 =	sadd.s32 $0xB09200, s9;
	s26 =	sshrl.u32 s14, $0x3  }
0xf: {  	s9 =	smax.u32 s13, $0x1;
	s30 =	sadd.s32 $0x4000, s28;
	s14 =	sshrl.u32 s15, $0x3  }
0x10: {  	s15 =	simm.s32 $0x3;
	s7 =	sadd.s32 $0xAFF200, s8;
	s8 =	sadd.s32 s4, s12  }
0x11: {  	s29 =	sadd.s32 s4, s26;
	s31 =	sshrl.u32 s30, $0x3;
	s12 =	sadd.s32 $0x8000, s28  }
0x12: {  	s24 =	sadd.s32 s24, s25;
	s25 =	simm.s32 $0x2780;
	s26 =	simm.s32 $0x0  }
0x13: {  	s10 =	sadd.s32 $0x27000, s29;
	s11 =	sadd.s32 $0x26800, s29;
	s13 =	sadd.s32 s31, s4  }
.LBB2_1:
0x14: {  	[spmem:s14], [sflag:s6] =	dma.local [hbm:s5], $0x2800  }
0x15: {  	_ =	swait.ge [sflag:s15], $0x2800  }
0x16: {  	[sflag:s15] =	ssyncset.done $0x0  }
0x17: {  	[sflag:s15] =	ssyncadd.s32 $0xFFFFD800  }
0x18: {  	[tilespmem:s3], [sflag:$0x3] =	stream.linear.gather [hbm4b:s7+s3], $0x2800, $0x38;
	[tilespmem:$0x1E800] =	vst v63  }
0x19: {  	_ =	swait.ge [sflag:s15], $0x2800  }
0x1a: {  	[sflag:s15] =	ssyncset.done $0x0  }
0x1b: {  	[sflag:s15] =	ssyncadd.s32 $0xFFFFD800  }
0x1c: {  	[bflag:$0x0] =	sbarrier.arrive $0xFFFF  }
0x1d: {  	[tilespmem:s16], [sflag:$0x1] =	stream.linear.gather [hbm4b:s8+s3], $0x4000, $0x38;
	[tilespmem:$0x1E800] =	vst v63  }
0x1e: {  	s28 =	sadd.s32 $0x0, s13  }
0x1f: {  	[tilespmem:s17], [sflag:$0x2] =	stream.linear.gather [hbm4b:s28+s3], $0x4000, $0x38;
	[tilespmem:$0x1E800] =	vst v63  }
0x20: {  	_ =	swait.ge [sflag:s18], $0x4000  }
0x21: {  	[sflag:s18] =	ssyncset.done $0x0  }
0x22: {  	[sflag:s18] =	ssyncadd.s32 $0xFFFFC000  }
0x23: {  	[spmem:s2] =	stream.indirect.scatter.add.f32 [tilespmem:s16], [sflag:$0x3], $0x80, s3, s19, $0xb8;
	[tilespmem:$0x1E800] =	vst v63  }
0x24: {  	_ =	swait.ge [sflag:s15], $0x4000  }
0x25: {  	s28 =	sshrl.u32 s12, $0x3;
	[sflag:s15] =	ssyncset.done $0x0  }
0x26: {  	s28 =	sadd.s32 s4, s28;
	[sflag:s15] =	ssyncadd.s32 $0xFFFFC000  }
0x27: {  	[tilespmem:s16], [sflag:$0x1] =	stream.linear.gather [hbm4b:s28+s3], $0x4000, $0x38;
	[tilespmem:$0x1E800] =	vst v63  }
0x28: {  	_ =	swait.ge [sflag:s20], $0x4000  }
0x29: {  	[sflag:s20] =	ssyncset.done $0x0  }
0x2a: {  	s28 =	simm.s32 $0x80;
	[sflag:s20] =	ssyncadd.s32 $0xFFFFC000  }
0x2b: {  	[spmem:s2] =	stream.indirect.scatter.add.f32 [tilespmem:s17], [sflag:$0x3], $0x80, s28, s19, $0xb8;
	[tilespmem:$0x1E800] =	vst v63  }
0x2c: {  	s30 =	simm.s32 $0x1000;
	s31 =	simm.s32 $0x2000;
	_ =	swait.ge [sflag:s15], $0x4000  }
0x2d: {  	s29 =	sadd.s32 $0x8000, s12;
	s28 =	simm.s32 $0x100;
	[sflag:s15] =	ssyncset.done $0x0  }
.LBB2_2:
0x2e: {  	s1 =	sadd.s32 s30, s13  }
0x2f: {  	[sflag:s15] =	ssyncadd.s32 $0xFFFFC000;
	s30 =	smov.u32 s31;
	s0 =	sadd.s32 $0x1000, s31  }
0x30: {  	[tilespmem:s17], [sflag:$0x2] =	stream.linear.gather [hbm4b:s1+s3], $0x4000, $0x38;
	[tilespmem:$0x1E800] =	vst v63  }
0x31: {  	p0 =	sne.s32 s31, $0x25000;
	_ =	swait.ge [sflag:s18], $0x4000  }
0x32: {  	[sflag:s18] =	ssyncset.done $0x0  }
0x33: {  	[sflag:s18] =	ssyncadd.s32 $0xFFFFC000  }
0x34: {  	[spmem:s2] =	stream.indirect.scatter.add.f32 [tilespmem:s16], [sflag:$0x3], $0x80, s28, s19, $0xb8;
	[tilespmem:$0x1E800] =	vst v63  }
0x35: {  	_ =	swait.ge [sflag:s15], $0x4000  }
0x36: {  	s1 =	sshrl.u32 s29, $0x3;
	[sflag:s15] =	ssyncset.done $0x0  }
0x37: {  	s1 =	sadd.s32 s4, s1;
	[sflag:s15] =	ssyncadd.s32 $0xFFFFC000  }
0x38: {  	[tilespmem:s16], [sflag:$0x1] =	stream.linear.gather [hbm4b:s1+s3], $0x4000, $0x38;
	[tilespmem:$0x1E800] =	vst v63  }
0x39: {  	_ =	swait.ge [sflag:s20], $0x4000  }
.Ltmp0:
0x3a: {  	[sflag:s20] =	ssyncset.done $0x0;
	(pc) =	sbr.rel @p0 .LBB2_2-.Ltmp0, $4  }
0x3b: {  	s1 =	sadd.s32 $0x80, s28;
	[sflag:s20] =	ssyncadd.s32 $0xFFFFC000  }
0x3c: {  	[spmem:s2] =	stream.indirect.scatter.add.f32 [tilespmem:s17], [sflag:$0x3], $0x80, s1, s19, $0xb8;
	[tilespmem:$0x1E800] =	vst v63  }
0x3d: {  	s29 =	sadd.s32 $0x8000, s29;
	_ =	swait.ge [sflag:s15], $0x4000  }
0x3e: {  	s31 =	smov.u32 s0;
	s28 =	sadd.s32 $0x100, s28;
	[sflag:s15] =	ssyncset.done $0x0  }
0x3f: {  	s0 =	sadd.s32 s30, s13;
	[sflag:s15] =	ssyncadd.s32 $0xFFFFC000  }
0x40: {  	[tilespmem:s17], [sflag:$0x2] =	stream.linear.gather [hbm4b:s0+s3], $0x4000, $0x38;
	[tilespmem:$0x1E800] =	vst v63  }
0x41: {  	_ =	swait.ge [sflag:s18], $0x4000  }
0x42: {  	[sflag:s18] =	ssyncset.done $0x0  }
0x43: {  	[sflag:s18] =	ssyncadd.s32 $0xFFFFC000  }
0x44: {  	[spmem:s2] =	stream.indirect.scatter.add.f32 [tilespmem:s16], [sflag:$0x3], $0x80, s28, s19, $0xb8;
	[tilespmem:$0x1E800] =	vst v63  }
0x45: {  	_ =	swait.ge [sflag:s15], $0x4000  }
0x46: {  	s30 =	sshrl.u32 s29, $0x3;
	[sflag:s15] =	ssyncset.done $0x0  }
0x47: {  	s0 =	sadd.s32 s4, s30;
	[sflag:s15] =	ssyncadd.s32 $0xFFFFC000  }
0x48: {  	[tilespmem:s16], [sflag:$0x1] =	stream.linear.gather [hbm4b:s0+s3], $0x4000, $0x38;
	[tilespmem:$0x1E800] =	vst v63  }
0x49: {  	_ =	swait.ge [sflag:s20], $0x4000  }
0x4a: {  	[sflag:s20] =	ssyncset.done $0x0  }
0x4b: {  	s31 =	sadd.s32 $0x80, s28;
	[sflag:s20] =	ssyncadd.s32 $0xFFFFC000  }
0x4c: {  	[spmem:s2] =	stream.indirect.scatter.add.f32 [tilespmem:s17], [sflag:$0x3], $0x80, s31, s19, $0xb8;
	[tilespmem:$0x1E800] =	vst v63  }
0x4d: {  	_ =	swait.ge [sflag:s15], $0x4000  }
0x4e: {  	[sflag:s15] =	ssyncset.done $0x0  }
0x4f: {  	[sflag:s15] =	ssyncadd.s32 $0xFFFFC000  }
0x50: {  	[tilespmem:s17], [sflag:$0x2] =	stream.linear.gather [hbm4b:s11+s3], $0x4000, $0x38;
	[tilespmem:$0x1E800] =	vst v63  }
0x51: {  	_ =	swait.ge [sflag:s18], $0x4000  }
0x52: {  	[sflag:s18] =	ssyncset.done $0x0  }
0x53: {  	[sflag:s18] =	ssyncadd.s32 $0xFFFFC000  }
0x54: {  	[spmem:s2] =	stream.indirect.scatter.add.f32 [tilespmem:s16], [sflag:$0x3], $0x80, s21, s19, $0xb8;
	[tilespmem:$0x1E800] =	vst v63  }
0x55: {  	_ =	swait.ge [sflag:s15], $0x4000  }
0x56: {  	[sflag:s15] =	ssyncset.done $0x0  }
0x57: {  	[sflag:s15] =	ssyncadd.s32 $0xFFFFC000  }
0x58: {  	[tilespmem:s16], [sflag:$0x1] =	stream.linear.gather [hbm4b:s10+s3], $0x4000, $0x38;
	[tilespmem:$0x1E800] =	vst v63  }
0x59: {  	_ =	swait.ge [sflag:s20], $0x4000  }
0x5a: {  	[sflag:s20] =	ssyncset.done $0x0  }
0x5b: {  	[sflag:s20] =	ssyncadd.s32 $0xFFFFC000  }
0x5c: {  	[spmem:s2] =	stream.indirect.scatter.add.f32 [tilespmem:s17], [sflag:$0x3], $0x80, s22, s19, $0xb8;
	[tilespmem:$0x1E800] =	vst v63  }
0x5d: {  	_ =	swait.ge [sflag:s15], $0x4000  }
0x5e: {  	[sflag:s15] =	ssyncset.done $0x0  }
0x5f: {  	[sflag:s15] =	ssyncadd.s32 $0xFFFFC000  }
0x60: {  	[tilespmem:s17], [sflag:$0x2] =	stream.linear.gather [hbm4b:s10+s3], $0x4000, $0x38;
	[tilespmem:$0x1E800] =	vst v63  }
0x61: {  	_ =	swait.ge [sflag:s18], $0x4000  }
0x62: {  	[sflag:s18] =	ssyncset.done $0x0  }
0x63: {  	[sflag:s18] =	ssyncadd.s32 $0xFFFFC000  }
0x64: {  	[spmem:s2] =	stream.indirect.scatter.add.f32 [tilespmem:s16], [sflag:$0x3], $0x80, s23, s19, $0xb8;
	[tilespmem:$0x1E800] =	vst v63  }
0x65: {  	_ =	swait.ge [sflag:s15], $0x4000  }
0x66: {  	[sflag:s15] =	ssyncset.done $0x0  }
0x67: {  	[sflag:s15] =	ssyncadd.s32 $0xFFFFC000  }
0x68: {  	_ =	swait.ge [sflag:s20], $0x4000  }
0x69: {  	[sflag:s20] =	ssyncset.done $0x0  }
0x6a: {  	[sflag:s20] =	ssyncadd.s32 $0xFFFFC000  }
0x6b: {  	[spmem:s2] =	stream.indirect.scatter.add.f32 [tilespmem:s17], [sflag:$0x3], $0x80, s25, s19, $0xb8;
	[tilespmem:$0x1E800] =	vst v63  }
0x6c: {  	_ =	swait.ge [sflag:s15], $0x4000  }
0x6d: {  	s26 =	sadd.s32 $0x1, s26;
	[sflag:s15] =	ssyncset.done $0x0  }
0x6e: {  	p0 =	sne.s32 s26, s9;
	[sflag:s15] =	ssyncadd.s32 $0xFFFFC000  }
.Ltmp1:
0x6f: {  	[bflag:$0x0] =	sbarrier.arrive $0xFFFF;
	(pc) =	sbr.rel @p0 .LBB2_1-.Ltmp1, $4  }
0x70: {  	[hbm:s24], [sflag:s6] =	dma.local [spmem:s14], $0x2800  }
0x71: {  	_ =	swait.ge [sflag:s15], $0x2800  }
0x72: {  	[sflag:s15] =	ssyncset.done $0x0  }
0x73: {  	[sflag:s15] =	ssyncadd.s32 $0xFFFFD800  }
0x74: {  	_ =	sfence.sel $0x180000  }
0x75: {  	[bflag:$0x0] =	sbarrier.arrive $0xFFFF  }
0x76: {  	_ =	strace $0x9000004D  }
0x77: {  	s0 =	stileid.u32;
	[bflag:$0x2] =	sbarrier.arrive $0xFFFF  }
0x78: {  	p0 =	sne.s32 s0, $0x0;
	s0 =	rddreg [dreg:$0x2]  }
0x79: {  	s0 =	sadd.s32 @!p0 $0x100000, s0  }
0x7a: {  	[sflag:s0] =	ssyncadd.tile.s32 @!p0 $0x1;
	_ =	shalt  }
.Lfunc_end2:
_tile_overlayer_lowered:
.L_overlay_start_2:
0x7b: {  	(tag) =	ssettag $0x2  }
0x7c: {  	s0 =	rddreg [dreg:$0x0];
	s2 =	stileid.u32  }
0x7d: {  	s1 =	rddreg [dreg:$0x1];
	p0 =	sne.s32 s2, $0x0  }
0x7e: {  	s3 =	rddreg [dreg:$0x2];
	[bflag:$0x3] =	sbarrier.arrive $0xFFFF;
	s2 =	simm.s32 @!p0 $0x1C03  }
0x7f: {  	[timem:s3], [sflag:s2] =	dma.local @!p0 [hbm:s0], s1  }
0x80: {  	s0 =	simm.s32 @!p0 $0x3  }
0x81: {  	_ =	swait.ge @!p0 [sflag:s0], s1  }
0x82: {  	s1 =	ssub.s32 @!p0 $0x0, s1;
	[sflag:s0] =	ssyncset.done @!p0 $0x0  }
0x83: {  	[sflag:s0] =	ssyncadd.s32 @!p0 s1  }
0x84: {  	[bflag:$0x3] =	sbarrier.arrive $0xFFFF  }
0x85: {  	_ =	shalt  }

// kernel: kernel.35.cloned.1.call-start
scs
__scs_entry_jumppad:
0x0: {  	(pc) =	sbr.rel $0x88, $3  }
0x1: {  	(tag) =	ssettag $0x0;
	lr =	simm.s32 $0x1  }
0x2: {  	[smem:$0x3F41] =	sst lr;
	_ =	strace $0xD0000000  }
0x3: {  	_ = 	snop  }
0x4: {  	_ = 	snop  }
0x5: {  	_ = 	snop  }
0x6: {  	_ = 	snop  }
0x7: {  	_ = 	snop  }
__scs_overlays_trampoline_lowered:
0x8: {  	[smem:$0x3F50] =	sst s0  }
0x9: {  	[smem:$0x3F51] =	sst s1  }
0xa: {  	[smem:$0x3F52] =	sst s2  }
0xb: {  	[smem:$0x3F53] =	sst s3  }
0xc: {  	[smem:$0x3F54] =	sst s4  }
0xd: {  	[smem:$0x3F55] =	sst s5  }
0xe: {  	[smem:$0x3F56] =	sst s6  }
0xf: {  	[smem:$0x3F57] =	sst s7  }
0x10: {  	[smem:$0x3F58] =	sst s8  }
0x11: {  	[smem:$0x3F59] =	sst s9;
	s0 =	simm.s32 @!p0 $0x0  }
0x12: {  	s1 =	sld [smem:$0x3F3F];
	s0 =	simm.s32 @p0 $0x1  }
0x13: {  	[smem:$0x3F5A] =	sst s0;
	s0 =	simm.s32 @!p1 $0x0  }
0x14: {  	s2 =	sld [smem:$0x3F3E];
	s0 =	simm.s32 @p1 $0x1  }
0x15: {  	[smem:$0x3F5B] =	sst s0;
	s0 =	simm.s32 @!p2 $0x0  }
0x16: {  	s3 =	sld [smem:$0x3FDB];
	s0 =	simm.s32 @p2 $0x1  }
0x17: {  	s4 =	simm.s32 $0x1BF5;
	[smem:$0x3F5D] =	sst s0  }
0x18: {  	s0 =	sld [smem:$0x3F40];
	_ =	swait.ge [sflag:s4], $0x0  }
0x19: {  	s7 =	sld [smem:$0x3F41]  }
0x1a: {  	s8 =	sadd.s32 $0xFFFFE003, lr  }
0x1b: {  	s9 =	sadd.s32 $0xFFFFFEF7, lr;
	s5 =	simm.s32 $0xFFFFFFFF;
	p2 =	slt.u32 s8, $0xFFFFF086  }
0x1c: {  	p1 =	slt.u32 s9, $0xF7A;
	s5 =	simm.s32 @!p2 $0x0  }
0x1d: {  	s5 =	simm.s32 @p1 $0x1;
	p0 =	seq.s32 s7, s2  }
0x1e: {  	s7 =	smul.u32 @!p0 $0xF7A, s2;
	p2 =	seq.s32 @!p0 s5, $0x0  }
0x1f: {  	s9 =	smul.u32 $0xF7A, s1;
	s8 =	simm.s32 @!p0 $0x1BF5;
	p2 =	por !p2, p0  }
0x20: {  	[sflag:s8] =	ssyncset.s32 @!p0 $0xFFFFF086;
	s6 =	sadd.s32 @!p0 s3, s7;
	s7 =	simm.s32 @!p0 $0x108  }
0x21: {  	s3 =	sadd.s32 s3, s9;
	s6 =	sadd.s32 @!p0 $0x88, s6;
	s7 =	simm.s32 @p2 $0x1082  }
0x22: {  	[simem:s7], [sflag:s8] =	dma.local @!p0 [hbm:s6], $0xF7A  }
0x23: {  	s9 =	sor.u32 $0xD0000000, s2;
	s6 =	simm.s32 $0x108;
	_ =	swait.ge @!p0 [sflag:s8], $0x0  }
0x24: {  	s3 =	sadd.s32 $0x88, s3;
	s6 =	simm.s32 @!p1 $0x1082;
	[sflag:s4] =	ssyncset.s32 $0xFFFFF086  }
0x25: {  	[simem:s6], [sflag:s4] =	dma.local [hbm:s3], $0xF7A  }
0x26: {  	[smem:$0x3F41] =	sst s1;
	(tag) =	ssettag s2;
	_ =	strace s9  }
0x27: {  	s1 =	sld [smem:$0x3F51]  }
0x28: {  	s2 =	sld [smem:$0x3F52]  }
0x29: {  	s4 =	sld [smem:$0x3F54]  }
0x2a: {  	p0 =	seq.s32 s5, $0x0;
	s5 =	sld [smem:$0x3F55]  }
0x2b: {  	s6 =	sld [smem:$0x3F56]  }
0x2c: {  	s7 =	sld [smem:$0x3F57]  }
0x2d: {  	s3 =	simm.s32 $0x108;
	s8 =	sld [smem:$0x3F58]  }
0x2e: {  	s3 =	simm.s32 @!p0 $0x1082;
	s9 =	sld [smem:$0x3F59]  }
0x2f: {  	lr =	sadd.s32 s0, s3;
	s0 =	sld [smem:$0x3F50]  }
0x30: {  	s3 =	sld [smem:$0x3F53]  }
0x31: {  	[smem:$0x3F5C] =	sst s10  }
0x32: {  	s10 =	sld [smem:$0x3F5A];
	_ =	sdelay $0x3  }
0x33: {  	p0 =	seq.s32 s10, $0x1;
	s10 =	sld [smem:$0x3F5C];
	_ =	sdelay $0x3  }
0x34: {  	[smem:$0x3F5C] =	sst s10  }
0x35: {  	s10 =	sld [smem:$0x3F5B];
	_ =	sdelay $0x3  }
0x36: {  	p1 =	seq.s32 s10, $0x1;
	s10 =	sld [smem:$0x3F5C];
	_ =	sdelay $0x3  }
0x37: {  	[smem:$0x3F5C] =	sst s10  }
0x38: {  	s10 =	sld [smem:$0x3F5D]  }
0x39: {  	_ = 	snop;
	(pc) =	sbr.ind lr, $3  }
0x3a: {  	_ = 	snop  }
0x3b: {  	_ = 	snop  }
0x3c: {  	p2 =	seq.s32 s10, $0x1;
	s10 =	sld [smem:$0x3F5C]  }
0x3d: {  	_ =	shalt  }
0x3e: {  	_ =	shalt  }
0x3f: {  	_ =	shalt  }
0x40: {  	_ =	shalt  }
0x41: {  	_ =	shalt  }
0x42: {  	_ =	shalt  }
0x43: {  	_ =	shalt  }
0x44: {  	_ =	shalt  }
0x45: {  	_ =	shalt  }
0x46: {  	_ =	shalt  }
0x47: {  	_ =	shalt  }
0x48: {  	_ =	shalt  }
0x49: {  	_ =	shalt  }
0x4a: {  	_ =	shalt  }
0x4b: {  	_ =	shalt  }
0x4c: {  	_ =	shalt  }
0x4d: {  	_ =	shalt  }
0x4e: {  	_ =	shalt  }
0x4f: {  	_ =	shalt  }
0x50: {  	_ =	shalt  }
0x51: {  	_ =	shalt  }
0x52: {  	_ =	shalt  }
0x53: {  	_ =	shalt  }
0x54: {  	_ =	shalt  }
0x55: {  	_ =	shalt  }
0x56: {  	_ =	shalt  }
0x57: {  	_ =	shalt  }
0x58: {  	_ =	shalt  }
0x59: {  	_ =	shalt  }
0x5a: {  	_ =	shalt  }
0x5b: {  	_ =	shalt  }
0x5c: {  	_ =	shalt  }
0x5d: {  	_ =	shalt  }
0x5e: {  	_ =	shalt  }
0x5f: {  	_ =	shalt  }
0x60: {  	_ =	shalt  }
0x61: {  	_ =	shalt  }
0x62: {  	_ =	shalt  }
0x63: {  	_ =	shalt  }
0x64: {  	_ =	shalt  }
0x65: {  	_ =	shalt  }
0x66: {  	_ =	shalt  }
0x67: {  	_ =	shalt  }
0x68: {  	_ =	shalt  }
0x69: {  	_ =	shalt  }
0x6a: {  	_ =	shalt  }
0x6b: {  	_ =	shalt  }
0x6c: {  	_ =	shalt  }
0x6d: {  	_ =	shalt  }
0x6e: {  	_ =	shalt  }
0x6f: {  	_ =	shalt  }
0x70: {  	_ =	shalt  }
0x71: {  	_ =	shalt  }
0x72: {  	_ =	shalt  }
0x73: {  	_ =	shalt  }
0x74: {  	_ =	shalt  }
0x75: {  	_ =	shalt  }
0x76: {  	_ =	shalt  }
0x77: {  	_ =	shalt  }
0x78: {  	_ =	shalt  }
0x79: {  	_ =	shalt  }
0x7a: {  	_ =	shalt  }
0x7b: {  	_ =	shalt  }
0x7c: {  	_ =	shalt  }
0x7d: {  	_ =	shalt  }
0x7e: {  	_ =	shalt  }
0x7f: {  	_ =	shalt  }
0x80: {  	_ =	shalt  }
0x81: {  	_ =	shalt  }
0x82: {  	_ =	shalt  }
0x83: {  	_ =	shalt  }
0x84: {  	_ =	shalt  }
0x85: {  	_ =	shalt  }
0x86: {  	_ =	shalt  }
0x87: {  	_ =	shalt  }
.Lfunc_end0:
.L_simem_size_0:
called_computation.3_lowered:
.L_overlay_start_0:
0x88: {  	s2 =	sld [smem:$0x3FD9]  }
0x89: {  	s3 =	sld [smem:$0x3FFE];
	_ =	sdelay $0x1  }
0x8a: {  	s1 =	srdreg.scid  }
0x8b: {  	s0 =	sand.u32 $0x1, s1  }
0x8c: {  	s16 =	sshll.u32 s0, $0xA;
	s2 =	sadd.s32 s3, s2  }
0x8d: {  	s2 =	sadd.s32 s2, s16  }
0x8e: {  	[smem:$0x3F68] =	sst s2  }
0x8f: {  	_ = 	snop  }
0x90: {  	(tm) =	ssettm $0x1  }
0x91: {  	s17 =	sld [smem:$0x3FFB];
	_ =	sdelay $0x3  }
0x92: {  	_ =	strace s17  }
0x93: {  	s2 =	sld [smem:$0x3FFC];
	_ =	sdelay $0x3  }
0x94: {  	_ =	strace s2  }
0x95: {  	s2 =	sld [smem:$0x3FFD];
	_ =	sdelay $0x3  }
0x96: {  	_ =	strace s2  }
0x97: {  	_ =	strace $0x8FFFFFFF  }
0x98: {  	s18 =	sld [smem:$0x3FDB];
	_ =	sdelay $0x1  }
0x99: {  	s19 =	simm.s32 $_scs_section_size  }
0x9a: {  	s4 =	simm.s32 $_size__tile_overlayer_lowered;
	s5 =	simm.s32 $_tile_overlayer_lowered  }
0x9b: {  	s22 =	simm.s32 $0x1BFF;
	s21 =	sshll.u32 s5, $0x1;
	s2 =	sadd.s32 s19, s18  }
0x9c: {  	s6 =	simm.s32 $0x0;
	s20 =	sshll.u32 s4, $0x1;
	s4 =	sadd.s32 s21, s2  }
0x9d: {  	[timem:s6], [sflag:s22] =	dma.local [hbm:s4], s20  }
0x9e: {  	_ =	swait.ge [sflag:s22], s20  }
0x9f: {  	s3 =	ssub.s32 $0x0, s20;
	[sflag:s22] =	ssyncset.done $0x0  }
0xa0: {  	[sflag:s22] =	ssyncadd.s32 s3;
	_ =	sdelay $0x1  }
0xa1: {  	s23 =	simm.s32 $0x1B8B  }
0xa2: {  	_ =	swait.ge [sflag:s23], $0x1  }
0xa3: {  	[sflag:s23] =	ssyncset.done $0x0  }
0xa4: {  	s25 =	simm.s32 $0x1B8E;
	s24 =	sld [smem:$0x3FFE];
	[sflag:s23] =	ssyncadd.s32 $0xFFFFFFFF  }
0xa5: {  	s26 =	simm.s32 $execute0_lowered;
	[smem:$0x3FD2] =	sst s25  }
0xa6: {  	s4 =	sshll.u32 s26, $0x1;
	_ =	strace $0x8000004F;
	[dreg:$0x1] =	wrdreg $0xFFFFFFFF  }
0xa7: {  	s28 =	simm.s32 $_size_execute0_lowered;
	s2 =	sadd.s32 s2, s4;
	[dreg:$0x0] =	wrdreg $0x0  }
0xa8: {  	s4 =	sshll.u32 s28, $0x1;
	[dreg:$0x2] =	wrdreg s2  }
0xa9: {  	[dreg:$0x3] =	wrdreg s4  }
0xaa: {  	[dreg:$0x4] =	wrdreg $0xC0  }
0xab: {  	_ =	task [dreg:s6], $0x5FFFF  }
0xac: {  	[dreg:$0x1] =	wrdreg $0xFFFFFFFF  }
0xad: {  	[dreg:$0x0] =	wrdreg $0x60  }
0xae: {  	[dreg:$0x2] =	wrdreg s24  }
0xaf: {  	[dreg:$0x3] =	wrdreg $0x9  }
0xb0: {  	_ =	task.clear_ibuf [dreg:s6], $0x4FFFF;
	_ =	strace $0x9000004F  }
0xb1: {  	s29 =	simm.s32 $0x9;
	_ =	strace $0x80000051  }
0xb2: {  	_ =	swait.ge [sflag:s29], $0x1  }
0xb3: {  	[sflag:s29] =	ssyncadd.s32 $0xFFFFFFFF  }
0xb4: {  	_ =	strace $0x90000051  }
0xb5: {  	_ =	sfence  }
0xb6: {  	s30 =	sld [smem:$0x0];
	_ =	sdelay $0x2  }
0xb7: {  	s31 =	sshll.u32 s1, $0xD;
	s1 =	sshrl.u32 s1, $0x2  }
0xb8: {  	s3 =	sand.u32 $0x4000, s31;
	s1 =	sadd.s32 s1, s30  }
0xb9: {  	s0 =	sor.u32 s3, s0;
	s1 =	sshll.u32 s1, $0x11  }
0xba: {  	s0 =	sor.u32 s1, s0  }
0xbb: {  	s0 =	sadd.s32 $0x8F2B, s0  }
0xbc: {  	[sflag:s0] =	ssyncadd.remote.s32 $0x1  }
0xbd: {  	_ =	sfence.sel $0xFFFF  }
0xbe: {  	[dreg:$0x0] =	wrdreg $0xFFFFFFFF;
	(pc) =	sbr.abs _section_cstart, $3  }
0xbf: {  	[dreg:$0x1] =	wrdreg $0xFFFFFFFF  }
0xc0: {  	_ =	task.clear_ibuf [dreg:s6], $0x2FFFF;
	_ =	strace $0x9FFFFFFF  }
0xc1: {  	(tm) =	ssettm $0x7FFFFFFF  }
tec
execute0_lowered:
.L_overlay_start_1:
0x0: {  	(tag) =	ssettag $0x1  }
0x1: {  	s0 =	srdreg.scid  }
0x2: {  	s11 =	stileid.u32;
	s1 =	rddreg [dreg:$0x0]  }
0x3: {  	s2 =	simm.s32 $0x0;
	s28 =	simm.s32 $0x1;
	s29 =	simm.s32 $0x3  }
0x4: {  	s0 =	sand.u32 $0x1, s0;
	s3 =	sshll.u32 s11, $0x1;
	[smem:$0x7FF] =	sst s2  }
0x5: {  	s4 =	sadd.s32 $0xB57600, s1;
	s19 =	smul.u32 $0x278000, s11;
	s6 =	sor.u32 s0, s3  }
0x6: {  	_ =	strace $0x80000050;
	s8 =	ssub.s32 $0x2, s0;
	s0 =	smul.u32 $0x13C000, s0  }
0x7: {  	s31 =	simm.s32 $0x0;
	s3 =	sadd.s32 $0xB30400, s1;
	s5 =	smul.u32 $0x4F0, s6  }
0x8: {  	s9 =	sshrl.u32 s8, $0x1;
	s10 =	smul.u32 $0x13C000, s6;
	s6 =	sadd.s32 $0x521C00, s1  }
0x9: {  	s18 =	ssub.s32 s8, s9;
	s0 =	sadd.s32 s0, s19;
	s19 =	simm.s32 $0x5  }
0xa: {  	s7 =	sadd.s32 s5, s1;
	s5 =	sadd.s32 $0x31C00, s1;
	s21 =	sshrl.u32 s10, $0x3  }
0xb: {  	s1 =	smax.u32 s18, $0x1;
	s8 =	sadd.s32 $0xC000, s0;
	s16 =	sadd.s32 $0x8000, s0  }
0xc: {  	s0 =	simm.s32 $0x4;
	s20 =	sadd.s32 $0x1E000, s7;
	[dreg:$0x4] =	wrdreg s1  }
0xd: {  	s7 =	sadd.s32 $0x27E00, s7;
	s22 =	sadd.s32 s5, s21;
	[dreg:$0x2] =	wrdreg s20  }
0xe: {  	s23 =	sadd.s32 s6, s21;
	s24 =	sadd.s32 $0x800, s21;
	[dreg:$0x3] =	wrdreg s7  }
0xf: {  	s26 =	sadd.s32 $0x27000, s21;
	s30 =	sshrl.u32 s8, $0x3;
	[dreg:$0x5] =	wrdreg s22  }
0x10: {  	s21 =	simm.s32 $0x80;
	s1 =	simm.s32 $0x2;
	[dreg:$0x6] =	wrdreg s23  }
0x11: {  	s25 =	sadd.s32 s5, s24;
	s13 =	sadd.s32 s6, s24;
	s14 =	sadd.s32 s5, s26  }
0x12: {  	s15 =	sadd.s32 s6, s26;
	s9 =	sadd.s32 s30, s6;
	s18 =	sadd.s32 s30, s5  }
0x13: {  	s20 =	simm.s32 $0x2780;
	s22 =	simm.s32 $0x4F00;
	s23 =	simm.s32 $0xCF00  }
0x14: {  	s24 =	simm.s32 $0x8F00;
	s26 =	simm.s32 $0x10F00;
	[dreg:$0x7] =	wrdreg s25  }
.LBB2_1:
0x15: {  	s7 =	rddreg [dreg:$0x2]  }
0x16: {  	[tilespmem:s2], [sflag:$0x5] =	stream.linear.gather [hbm4b:s7+s2], $0x2780, $0x38;
	[tilespmem:$0x14F00] =	vst v63  }
0x17: {  	_ =	swait.ge [sflag:s19], $0x2780  }
0x18: {  	[sflag:s19] =	ssyncset.done $0x0  }
0x19: {  	s8 =	rddreg [dreg:$0x3];
	[sflag:s19] =	ssyncadd.s32 $0xFFFFD880  }
0x1a: {  	[tilespmem:s20], [sflag:$0x5] =	stream.linear.gather [hbm4b:s8+s2], $0x2780, $0x38;
	[tilespmem:$0x14F00] =	vst v63  }
0x1b: {  	_ =	swait.ge [sflag:s19], $0x2780  }
0x1c: {  	[sflag:s19] =	ssyncset.done $0x0  }
0x1d: {  	[sflag:s19] =	ssyncadd.s32 $0xFFFFD880  }
0x1e: {  	[tilespmem:s22], [sflag:$0x1] =	stream.indirect.gather [hbm4b:s3+s21], $0x80, s2, s21, $0xb8;
	[tilespmem:$0x14F00] =	vst v63  }
0x1f: {  	_ = 	snop  }
0x20: {  	[tilespmem:s23], [sflag:$0x1] =	stream.indirect.gather [hbm4b:s4+s21], $0x80, s20, s21, $0xb8;
	[tilespmem:$0x14F00] =	vst v63  }
0x21: {  	_ = 	snop  }
0x22: {  	[tilespmem:s24], [sflag:$0x2] =	stream.indirect.gather [hbm4b:s3+s21], $0x80, s21, s21, $0xb8;
	[tilespmem:$0x14F00] =	vst v63  }
0x23: {  	s10 =	simm.s32 $0x2800  }
0x24: {  	[tilespmem:s26], [sflag:$0x2] =	stream.indirect.gather [hbm4b:s4+s21], $0x80, s10, s21, $0xb8;
	[tilespmem:$0x14F00] =	vst v63  }
0x25: {  	_ =	swait.ge [sflag:s28], $0x4000  }
0x26: {  	[sflag:s28] =	ssyncset.done $0x0  }
0x27: {  	[sflag:s28] =	ssyncadd.s32 $0xFFFFC000  }
0x28: {  	_ =	swait.ge [sflag:s28], $0x4000  }
0x29: {  	[sflag:s28] =	ssyncset.done $0x0  }
0x2a: {  	s11 =	rddreg [dreg:$0x5];
	[sflag:s28] =	ssyncadd.s32 $0xFFFFC000  }
0x2b: {  	[hbm4b:s11+s2] =	stream.linear.scatter [tilespmem:s22], [sflag:$0x3], $0x4000, $0x38;
	[tilespmem:$0x14F00] =	vst v63  }
0x2c: {  	s12 =	rddreg [dreg:$0x6]  }
0x2d: {  	[hbm4b:s12+s2] =	stream.linear.scatter [tilespmem:s23], [sflag:$0x3], $0x4000, $0x38;
	[tilespmem:$0x14F00] =	vst v63  }
0x2e: {  	_ =	swait.ge [sflag:s29], $0x4000  }
0x2f: {  	[sflag:s29] =	ssyncset.done $0x0  }
0x30: {  	[sflag:s29] =	ssyncadd.s32 $0xFFFFC000  }
0x31: {  	_ =	swait.ge [sflag:s29], $0x4000  }
0x32: {  	[sflag:s29] =	ssyncset.done $0x0  }
0x33: {  	s17 =	simm.s32 $0x100;
	[sflag:s29] =	ssyncadd.s32 $0xFFFFC000  }
0x34: {  	[tilespmem:s22], [sflag:$0x1] =	stream.indirect.gather [hbm4b:s3+s21], $0x80, s17, s21, $0xb8;
	[tilespmem:$0x14F00] =	vst v63  }
0x35: {  	s25 =	simm.s32 $0x2880  }
0x36: {  	[tilespmem:s23], [sflag:$0x1] =	stream.indirect.gather [hbm4b:s4+s21], $0x80, s25, s21, $0xb8;
	[tilespmem:$0x14F00] =	vst v63  }
0x37: {  	_ =	swait.ge [sflag:s1], $0x4000  }
0x38: {  	[sflag:s1] =	ssyncset.done $0x0  }
0x39: {  	[sflag:s1] =	ssyncadd.s32 $0xFFFFC000  }
0x3a: {  	_ =	swait.ge [sflag:s1], $0x4000  }
0x3b: {  	[sflag:s1] =	ssyncset.done $0x0  }
0x3c: {  	s8 =	rddreg [dreg:$0x7];
	[sflag:s1] =	ssyncadd.s32 $0xFFFFC000  }
0x3d: {  	[hbm4b:s8+s2] =	stream.linear.scatter [tilespmem:s24], [sflag:$0x4], $0x4000, $0x38;
	[tilespmem:$0x14F00] =	vst v63  }
0x3e: {  	_ = 	snop  }
0x3f: {  	[hbm4b:s13+s2] =	stream.linear.scatter [tilespmem:s26], [sflag:$0x4], $0x4000, $0x38;
	[tilespmem:$0x14F00] =	vst v63  }
0x40: {  	_ =	swait.ge [sflag:s0], $0x4000  }
0x41: {  	[sflag:s0] =	ssyncset.done $0x0  }
0x42: {  	[sflag:s0] =	ssyncadd.s32 $0xFFFFC000  }
0x43: {  	_ =	swait.ge [sflag:s0], $0x4000  }
0x44: {  	[sflag:s0] =	ssyncset.done $0x0  }
0x45: {  	s10 =	simm.s32 $0x180;
	[sflag:s0] =	ssyncadd.s32 $0xFFFFC000  }
0x46: {  	[tilespmem:s24], [sflag:$0x2] =	stream.indirect.gather [hbm4b:s3+s21], $0x80, s10, s21, $0xb8;
	[tilespmem:$0x14F00] =	vst v63  }
0x47: {  	s11 =	simm.s32 $0x2900  }
0x48: {  	[tilespmem:s26], [sflag:$0x2] =	stream.indirect.gather [hbm4b:s4+s21], $0x80, s11, s21, $0xb8;
	[tilespmem:$0x14F00] =	vst v63  }
0x49: {  	_ =	swait.ge [sflag:s28], $0x4000  }
0x4a: {  	[sflag:s28] =	ssyncset.done $0x0  }
0x4b: {  	[sflag:s28] =	ssyncadd.s32 $0xFFFFC000  }
0x4c: {  	_ =	swait.ge [sflag:s28], $0x4000  }
0x4d: {  	s12 =	sshrl.u32 s16, $0x3;
	[sflag:s28] =	ssyncset.done $0x0  }
0x4e: {  	s8 =	sadd.s32 s5, s12;
	[sflag:s28] =	ssyncadd.s32 $0xFFFFC000  }
0x4f: {  	[hbm4b:s8+s2] =	stream.linear.scatter [tilespmem:s22], [sflag:$0x3], $0x4000, $0x38;
	[tilespmem:$0x14F00] =	vst v63  }
0x50: {  	s7 =	sadd.s32 s6, s12  }
0x51: {  	[hbm4b:s7+s2] =	stream.linear.scatter [tilespmem:s23], [sflag:$0x3], $0x4000, $0x38;
	[tilespmem:$0x14F00] =	vst v63  }
0x52: {  	_ =	swait.ge [sflag:s29], $0x4000  }
0x53: {  	[sflag:s29] =	ssyncset.done $0x0  }
0x54: {  	[sflag:s29] =	ssyncadd.s32 $0xFFFFC000  }
0x55: {  	_ =	swait.ge [sflag:s29], $0x4000  }
0x56: {  	[sflag:s29] =	ssyncset.done $0x0  }
0x57: {  	s17 =	simm.s32 $0x200;
	[sflag:s29] =	ssyncadd.s32 $0xFFFFC000  }
0x58: {  	[tilespmem:s22], [sflag:$0x1] =	stream.indirect.gather [hbm4b:s3+s21], $0x80, s17, s21, $0xb8;
	[tilespmem:$0x14F00] =	vst v63  }
0x59: {  	s25 =	simm.s32 $0x2980  }
0x5a: {  	[tilespmem:s23], [sflag:$0x1] =	stream.indirect.gather [hbm4b:s4+s21], $0x80, s25, s21, $0xb8;
	[tilespmem:$0x14F00] =	vst v63  }
0x5b: {  	_ =	swait.ge [sflag:s1], $0x4000  }
0x5c: {  	[sflag:s1] =	ssyncset.done $0x0  }
0x5d: {  	[sflag:s1] =	ssyncadd.s32 $0xFFFFC000  }
0x5e: {  	s30 =	sadd.s32 $0x8000, s16;
	_ =	swait.ge [sflag:s1], $0x4000  }
0x5f: {  	s8 =	sadd.s32 $0x1000, s18;
	s7 =	sadd.s32 $0x1000, s9;
	[sflag:s1] =	ssyncset.done $0x0  }
0x60: {  	s17 =	smov.u32 s9;
	s25 =	simm.s32 $0x400;
	[sflag:s1] =	ssyncadd.s32 $0xFFFFC000  }
0x61: {  	[hbm4b:s18+s2] =	stream.linear.scatter [tilespmem:s24], [sflag:$0x4], $0x4000, $0x38;
	[tilespmem:$0x14F00] =	vst v63  }
.LBB2_2:
0x62: {  	[hbm4b:s17+s2] =	stream.linear.scatter [tilespmem:s26], [sflag:$0x4], $0x4000, $0x38;
	[tilespmem:$0x14F00] =	vst v63  }
0x63: {  	s10 =	smov.u32 s25;
	s17 =	smov.u32 s7  }
0x64: {  	p0 =	sne.s32 s25, $0x9400;
	s25 =	sadd.s32 $0x400, s25;
	_ =	swait.ge [sflag:s0], $0x4000  }
0x65: {  	[sflag:s0] =	ssyncset.done $0x0  }
0x66: {  	[sflag:s0] =	ssyncadd.s32 $0xFFFFC000  }
0x67: {  	_ =	swait.ge [sflag:s0], $0x4000  }
0x68: {  	s10 =	sshra.s32 s10, $0x2;
	[sflag:s0] =	ssyncset.done $0x0  }
0x69: {  	s11 =	sadd.s32 $0x180, s10;
	[sflag:s0] =	ssyncadd.s32 $0xFFFFC000  }
0x6a: {  	[tilespmem:s24], [sflag:$0x2] =	stream.indirect.gather [hbm4b:s3+s21], $0x80, s11, s21, $0xb8;
	[tilespmem:$0x14F00] =	vst v63  }
0x6b: {  	s11 =	sadd.s32 $0x2900, s10  }
0x6c: {  	[tilespmem:s26], [sflag:$0x2] =	stream.indirect.gather [hbm4b:s4+s21], $0x80, s11, s21, $0xb8;
	[tilespmem:$0x14F00] =	vst v63  }
0x6d: {  	_ =	swait.ge [sflag:s28], $0x4000  }
0x6e: {  	[sflag:s28] =	ssyncset.done $0x0  }
0x6f: {  	[sflag:s28] =	ssyncadd.s32 $0xFFFFC000  }
0x70: {  	_ =	swait.ge [sflag:s28], $0x4000  }
0x71: {  	s11 =	sshrl.u32 s30, $0x3;
	[sflag:s28] =	ssyncset.done $0x0  }
0x72: {  	s12 =	sadd.s32 s5, s11;
	[sflag:s28] =	ssyncadd.s32 $0xFFFFC000  }
0x73: {  	[hbm4b:s12+s2] =	stream.linear.scatter [tilespmem:s22], [sflag:$0x3], $0x4000, $0x38;
	[tilespmem:$0x14F00] =	vst v63  }
0x74: {  	s11 =	sadd.s32 s6, s11  }
0x75: {  	[hbm4b:s11+s2] =	stream.linear.scatter [tilespmem:s23], [sflag:$0x3], $0x4000, $0x38;
	[tilespmem:$0x14F00] =	vst v63  }
0x76: {  	_ =	swait.ge [sflag:s29], $0x4000  }
0x77: {  	[sflag:s29] =	ssyncset.done $0x0  }
0x78: {  	[sflag:s29] =	ssyncadd.s32 $0xFFFFC000  }
0x79: {  	_ =	swait.ge [sflag:s29], $0x4000  }
0x7a: {  	[sflag:s29] =	ssyncset.done $0x0  }
0x7b: {  	s11 =	sadd.s32 $0x200, s10;
	[sflag:s29] =	ssyncadd.s32 $0xFFFFC000  }
0x7c: {  	[tilespmem:s22], [sflag:$0x1] =	stream.indirect.gather [hbm4b:s3+s21], $0x80, s11, s21, $0xb8;
	[tilespmem:$0x14F00] =	vst v63  }
0x7d: {  	s10 =	sadd.s32 $0x2980, s10  }
0x7e: {  	[tilespmem:s23], [sflag:$0x1] =	stream.indirect.gather [hbm4b:s4+s21], $0x80, s10, s21, $0xb8;
	[tilespmem:$0x14F00] =	vst v63  }
0x7f: {  	_ =	swait.ge [sflag:s1], $0x4000  }
0x80: {  	[sflag:s1] =	ssyncset.done $0x0  }
0x81: {  	[sflag:s1] =	ssyncadd.s32 $0xFFFFC000  }
.Ltmp0:
0x82: {  	_ =	swait.ge [sflag:s1], $0x4000;
	(pc) =	sbr.rel @p0 .LBB2_2-.Ltmp0, $4  }
0x83: {  	[sflag:s1] =	ssyncset.done $0x0  }
0x84: {  	[sflag:s1] =	ssyncadd.s32 $0xFFFFC000  }
0x85: {  	[hbm4b:s8+s2] =	stream.linear.scatter [tilespmem:s24], [sflag:$0x4], $0x4000, $0x38;
	[tilespmem:$0x14F00] =	vst v63  }
0x86: {  	s7 =	sadd.s32 $0x1000, s7;
	s30 =	sadd.s32 $0x8000, s30;
	s8 =	sadd.s32 $0x1000, s8  }
0x87: {  	[hbm4b:s17+s2] =	stream.linear.scatter [tilespmem:s26], [sflag:$0x4], $0x4000, $0x38;
	[tilespmem:$0x14F00] =	vst v63  }
0x88: {  	_ =	swait.ge [sflag:s0], $0x4000  }
0x89: {  	[sflag:s0] =	ssyncset.done $0x0  }
0x8a: {  	[sflag:s0] =	ssyncadd.s32 $0xFFFFC000  }
0x8b: {  	_ =	swait.ge [sflag:s0], $0x4000  }
0x8c: {  	[sflag:s0] =	ssyncset.done $0x0  }
0x8d: {  	s7 =	simm.s32 $0x2700;
	[sflag:s0] =	ssyncadd.s32 $0xFFFFC000  }
0x8e: {  	[tilespmem:s24], [sflag:$0x2] =	stream.indirect.gather [hbm4b:s3+s21], $0x80, s7, s21, $0xb8;
	[tilespmem:$0x14F00] =	vst v63  }
0x8f: {  	s25 =	simm.s32 $0x4E80  }
0x90: {  	[tilespmem:s26], [sflag:$0x2] =	stream.indirect.gather [hbm4b:s4+s21], $0x80, s25, s21, $0xb8;
	[tilespmem:$0x14F00] =	vst v63  }
0x91: {  	_ =	swait.ge [sflag:s28], $0x4000  }
0x92: {  	[sflag:s28] =	ssyncset.done $0x0  }
0x93: {  	[sflag:s28] =	ssyncadd.s32 $0xFFFFC000  }
0x94: {  	_ =	swait.ge [sflag:s28], $0x4000  }
0x95: {  	[sflag:s28] =	ssyncset.done $0x0  }
0x96: {  	[sflag:s28] =	ssyncadd.s32 $0xFFFFC000  }
0x97: {  	[hbm4b:s14+s2] =	stream.linear.scatter [tilespmem:s22], [sflag:$0x3], $0x4000, $0x38;
	[tilespmem:$0x14F00] =	vst v63  }
0x98: {  	_ = 	snop  }
0x99: {  	[hbm4b:s15+s2] =	stream.linear.scatter [tilespmem:s23], [sflag:$0x3], $0x4000, $0x38;
	[tilespmem:$0x14F00] =	vst v63  }
0x9a: {  	_ =	swait.ge [sflag:s29], $0x4000  }
0x9b: {  	[sflag:s29] =	ssyncset.done $0x0  }
0x9c: {  	[sflag:s29] =	ssyncadd.s32 $0xFFFFC000  }
0x9d: {  	_ =	swait.ge [sflag:s29], $0x4000  }
0x9e: {  	[sflag:s29] =	ssyncset.done $0x0  }
0x9f: {  	[sflag:s29] =	ssyncadd.s32 $0xFFFFC000  }
0xa0: {  	_ =	swait.ge [sflag:s1], $0x4000  }
0xa1: {  	[sflag:s1] =	ssyncset.done $0x0  }
0xa2: {  	[sflag:s1] =	ssyncadd.s32 $0xFFFFC000  }
0xa3: {  	_ =	swait.ge [sflag:s1], $0x4000  }
0xa4: {  	[sflag:s1] =	ssyncset.done $0x0  }
0xa5: {  	[sflag:s1] =	ssyncadd.s32 $0xFFFFC000  }
0xa6: {  	[hbm4b:s14+s2] =	stream.linear.scatter [tilespmem:s24], [sflag:$0x4], $0x4000, $0x38;
	[tilespmem:$0x14F00] =	vst v63  }
0xa7: {  	_ = 	snop  }
0xa8: {  	[hbm4b:s15+s2] =	stream.linear.scatter [tilespmem:s26], [sflag:$0x4], $0x4000, $0x38;
	[tilespmem:$0x14F00] =	vst v63  }
0xa9: {  	_ =	swait.ge [sflag:s0], $0x4000  }
0xaa: {  	[sflag:s0] =	ssyncset.done $0x0  }
0xab: {  	[sflag:s0] =	ssyncadd.s32 $0xFFFFC000  }
0xac: {  	_ =	swait.ge [sflag:s0], $0x4000  }
0xad: {  	s31 =	sadd.s32 $0x1, s31;
	s30 =	rddreg [dreg:$0x4]  }
0xae: {  	p0 =	sne.s32 s31, s30  }
.Ltmp1:
0xaf: {  	_ = 	snop;
	(pc) =	sbr.rel @p0 .LBB2_1-.Ltmp1, $3  }
0xb0: {  	_ =	sdelay $0x1  }
0xb1: {  	[sflag:s0] =	ssyncset.done $0x0  }
0xb2: {  	[sflag:s0] =	ssyncadd.s32 $0xFFFFC000  }
0xb3: {  	_ =	sfence.sel $0x180000  }
0xb4: {  	[bflag:$0x0] =	sbarrier.arrive $0xFFFF  }
0xb5: {  	_ =	strace $0x90000050  }
0xb6: {  	s0 =	stileid.u32;
	[bflag:$0x2] =	sbarrier.arrive $0xFFFF  }
0xb7: {  	p0 =	sne.s32 s0, $0x0;
	s0 =	rddreg [dreg:$0x1]  }
0xb8: {  	s0 =	sadd.s32 @!p0 $0x100000, s0  }
0xb9: {  	[sflag:s0] =	ssyncadd.tile.s32 @!p0 $0x1;
	_ =	shalt  }
.Lfunc_end2:
_tile_overlayer_lowered:
.L_overlay_start_2:
0xba: {  	(tag) =	ssettag $0x2  }
0xbb: {  	s0 =	rddreg [dreg:$0x0];
	s2 =	stileid.u32  }
0xbc: {  	s1 =	rddreg [dreg:$0x1];
	p0 =	sne.s32 s2, $0x0  }
0xbd: {  	s3 =	rddreg [dreg:$0x2];
	[bflag:$0x3] =	sbarrier.arrive $0xFFFF;
	s2 =	simm.s32 @!p0 $0x1C05  }
0xbe: {  	[timem:s3], [sflag:s2] =	dma.local @!p0 [hbm:s0], s1  }
0xbf: {  	s0 =	simm.s32 @!p0 $0x5  }
0xc0: {  	_ =	swait.ge @!p0 [sflag:s0], s1  }
0xc1: {  	s1 =	ssub.s32 @!p0 $0x0, s1;
	[sflag:s0] =	ssyncset.done @!p0 $0x0  }
0xc2: {  	[sflag:s0] =	ssyncadd.s32 @!p0 s1  }
0xc3: {  	[bflag:$0x3] =	sbarrier.arrive $0xFFFF  }
0xc4: {  	_ =	shalt  }

// kernel: kernel.38.cloned.1.call-start
scs
__scs_entry_jumppad:
0x0: {  	(pc) =	sbr.rel $0x88, $3  }
0x1: {  	(tag) =	ssettag $0x0;
	lr =	simm.s32 $0x1  }
0x2: {  	[smem:$0x3F41] =	sst lr;
	_ =	strace $0xD0000000  }
0x3: {  	_ = 	snop  }
0x4: {  	_ = 	snop  }
0x5: {  	_ = 	snop  }
0x6: {  	_ = 	snop  }
0x7: {  	_ = 	snop  }
__scs_overlays_trampoline_lowered:
0x8: {  	[smem:$0x3F50] =	sst s0  }
0x9: {  	[smem:$0x3F51] =	sst s1  }
0xa: {  	[smem:$0x3F52] =	sst s2  }
0xb: {  	[smem:$0x3F53] =	sst s3  }
0xc: {  	[smem:$0x3F54] =	sst s4  }
0xd: {  	[smem:$0x3F55] =	sst s5  }
0xe: {  	[smem:$0x3F56] =	sst s6  }
0xf: {  	[smem:$0x3F57] =	sst s7  }
0x10: {  	[smem:$0x3F58] =	sst s8  }
0x11: {  	[smem:$0x3F59] =	sst s9;
	s0 =	simm.s32 @!p0 $0x0  }
0x12: {  	s1 =	sld [smem:$0x3F3F];
	s0 =	simm.s32 @p0 $0x1  }
0x13: {  	[smem:$0x3F5A] =	sst s0;
	s0 =	simm.s32 @!p1 $0x0  }
0x14: {  	s2 =	sld [smem:$0x3F3E];
	s0 =	simm.s32 @p1 $0x1  }
0x15: {  	[smem:$0x3F5B] =	sst s0;
	s0 =	simm.s32 @!p2 $0x0  }
0x16: {  	s3 =	sld [smem:$0x3FDB];
	s0 =	simm.s32 @p2 $0x1  }
0x17: {  	s4 =	simm.s32 $0x1BF5;
	[smem:$0x3F5D] =	sst s0  }
0x18: {  	s0 =	sld [smem:$0x3F40];
	_ =	swait.ge [sflag:s4], $0x0  }
0x19: {  	s7 =	sld [smem:$0x3F41]  }
0x1a: {  	s8 =	sadd.s32 $0xFFFFE003, lr  }
0x1b: {  	s9 =	sadd.s32 $0xFFFFFEF7, lr;
	s5 =	simm.s32 $0xFFFFFFFF;
	p2 =	slt.u32 s8, $0xFFFFF086  }
0x1c: {  	p1 =	slt.u32 s9, $0xF7A;
	s5 =	simm.s32 @!p2 $0x0  }
0x1d: {  	s5 =	simm.s32 @p1 $0x1;
	p0 =	seq.s32 s7, s2  }
0x1e: {  	s7 =	smul.u32 @!p0 $0xF7A, s2;
	p2 =	seq.s32 @!p0 s5, $0x0  }
0x1f: {  	s9 =	smul.u32 $0xF7A, s1;
	s8 =	simm.s32 @!p0 $0x1BF5;
	p2 =	por !p2, p0  }
0x20: {  	[sflag:s8] =	ssyncset.s32 @!p0 $0xFFFFF086;
	s6 =	sadd.s32 @!p0 s3, s7;
	s7 =	simm.s32 @!p0 $0x108  }
0x21: {  	s3 =	sadd.s32 s3, s9;
	s6 =	sadd.s32 @!p0 $0x88, s6;
	s7 =	simm.s32 @p2 $0x1082  }
0x22: {  	[simem:s7], [sflag:s8] =	dma.local @!p0 [hbm:s6], $0xF7A  }
0x23: {  	s9 =	sor.u32 $0xD0000000, s2;
	s6 =	simm.s32 $0x108;
	_ =	swait.ge @!p0 [sflag:s8], $0x0  }
0x24: {  	s3 =	sadd.s32 $0x88, s3;
	s6 =	simm.s32 @!p1 $0x1082;
	[sflag:s4] =	ssyncset.s32 $0xFFFFF086  }
0x25: {  	[simem:s6], [sflag:s4] =	dma.local [hbm:s3], $0xF7A  }
0x26: {  	[smem:$0x3F41] =	sst s1;
	(tag) =	ssettag s2;
	_ =	strace s9  }
0x27: {  	s1 =	sld [smem:$0x3F51]  }
0x28: {  	s2 =	sld [smem:$0x3F52]  }
0x29: {  	s4 =	sld [smem:$0x3F54]  }
0x2a: {  	p0 =	seq.s32 s5, $0x0;
	s5 =	sld [smem:$0x3F55]  }
0x2b: {  	s6 =	sld [smem:$0x3F56]  }
0x2c: {  	s7 =	sld [smem:$0x3F57]  }
0x2d: {  	s3 =	simm.s32 $0x108;
	s8 =	sld [smem:$0x3F58]  }
0x2e: {  	s3 =	simm.s32 @!p0 $0x1082;
	s9 =	sld [smem:$0x3F59]  }
0x2f: {  	lr =	sadd.s32 s0, s3;
	s0 =	sld [smem:$0x3F50]  }
0x30: {  	s3 =	sld [smem:$0x3F53]  }
0x31: {  	[smem:$0x3F5C] =	sst s10  }
0x32: {  	s10 =	sld [smem:$0x3F5A];
	_ =	sdelay $0x3  }
0x33: {  	p0 =	seq.s32 s10, $0x1;
	s10 =	sld [smem:$0x3F5C];
	_ =	sdelay $0x3  }
0x34: {  	[smem:$0x3F5C] =	sst s10  }
0x35: {  	s10 =	sld [smem:$0x3F5B];
	_ =	sdelay $0x3  }
0x36: {  	p1 =	seq.s32 s10, $0x1;
	s10 =	sld [smem:$0x3F5C];
	_ =	sdelay $0x3  }
0x37: {  	[smem:$0x3F5C] =	sst s10  }
0x38: {  	s10 =	sld [smem:$0x3F5D]  }
0x39: {  	_ = 	snop;
	(pc) =	sbr.ind lr, $3  }
0x3a: {  	_ = 	snop  }
0x3b: {  	_ = 	snop  }
0x3c: {  	p2 =	seq.s32 s10, $0x1;
	s10 =	sld [smem:$0x3F5C]  }
0x3d: {  	_ =	shalt  }
0x3e: {  	_ =	shalt  }
0x3f: {  	_ =	shalt  }
0x40: {  	_ =	shalt  }
0x41: {  	_ =	shalt  }
0x42: {  	_ =	shalt  }
0x43: {  	_ =	shalt  }
0x44: {  	_ =	shalt  }
0x45: {  	_ =	shalt  }
0x46: {  	_ =	shalt  }
0x47: {  	_ =	shalt  }
0x48: {  	_ =	shalt  }
0x49: {  	_ =	shalt  }
0x4a: {  	_ =	shalt  }
0x4b: {  	_ =	shalt  }
0x4c: {  	_ =	shalt  }
0x4d: {  	_ =	shalt  }
0x4e: {  	_ =	shalt  }
0x4f: {  	_ =	shalt  }
0x50: {  	_ =	shalt  }
0x51: {  	_ =	shalt  }
0x52: {  	_ =	shalt  }
0x53: {  	_ =	shalt  }
0x54: {  	_ =	shalt  }
0x55: {  	_ =	shalt  }
0x56: {  	_ =	shalt  }
0x57: {  	_ =	shalt  }
0x58: {  	_ =	shalt  }
0x59: {  	_ =	shalt  }
0x5a: {  	_ =	shalt  }
0x5b: {  	_ =	shalt  }
0x5c: {  	_ =	shalt  }
0x5d: {  	_ =	shalt  }
0x5e: {  	_ =	shalt  }
0x5f: {  	_ =	shalt  }
0x60: {  	_ =	shalt  }
0x61: {  	_ =	shalt  }
0x62: {  	_ =	shalt  }
0x63: {  	_ =	shalt  }
0x64: {  	_ =	shalt  }
0x65: {  	_ =	shalt  }
0x66: {  	_ =	shalt  }
0x67: {  	_ =	shalt  }
0x68: {  	_ =	shalt  }
0x69: {  	_ =	shalt  }
0x6a: {  	_ =	shalt  }
0x6b: {  	_ =	shalt  }
0x6c: {  	_ =	shalt  }
0x6d: {  	_ =	shalt  }
0x6e: {  	_ =	shalt  }
0x6f: {  	_ =	shalt  }
0x70: {  	_ =	shalt  }
0x71: {  	_ =	shalt  }
0x72: {  	_ =	shalt  }
0x73: {  	_ =	shalt  }
0x74: {  	_ =	shalt  }
0x75: {  	_ =	shalt  }
0x76: {  	_ =	shalt  }
0x77: {  	_ =	shalt  }
0x78: {  	_ =	shalt  }
0x79: {  	_ =	shalt  }
0x7a: {  	_ =	shalt  }
0x7b: {  	_ =	shalt  }
0x7c: {  	_ =	shalt  }
0x7d: {  	_ =	shalt  }
0x7e: {  	_ =	shalt  }
0x7f: {  	_ =	shalt  }
0x80: {  	_ =	shalt  }
0x81: {  	_ =	shalt  }
0x82: {  	_ =	shalt  }
0x83: {  	_ =	shalt  }
0x84: {  	_ =	shalt  }
0x85: {  	_ =	shalt  }
0x86: {  	_ =	shalt  }
0x87: {  	_ =	shalt  }
.Lfunc_end0:
.L_simem_size_0:
called_computation.4_lowered:
.L_overlay_start_0:
0x88: {  	s2 =	sld [smem:$0x3FD9]  }
0x89: {  	s3 =	sld [smem:$0x3FFE];
	_ =	sdelay $0x1  }
0x8a: {  	s1 =	srdreg.scid  }
0x8b: {  	s0 =	sand.u32 $0x1, s1  }
0x8c: {  	s16 =	sshll.u32 s0, $0xA;
	s2 =	sadd.s32 s3, s2  }
0x8d: {  	s2 =	sadd.s32 s2, s16  }
0x8e: {  	[smem:$0x3F68] =	sst s2  }
0x8f: {  	_ = 	snop  }
0x90: {  	(tm) =	ssettm $0x1  }
0x91: {  	s17 =	sld [smem:$0x3FFB];
	_ =	sdelay $0x3  }
0x92: {  	_ =	strace s17  }
0x93: {  	s2 =	sld [smem:$0x3FFC];
	_ =	sdelay $0x3  }
0x94: {  	_ =	strace s2  }
0x95: {  	s2 =	sld [smem:$0x3FFD];
	_ =	sdelay $0x3  }
0x96: {  	_ =	strace s2  }
0x97: {  	_ =	strace $0x8FFFFFFF  }
0x98: {  	s18 =	sld [smem:$0x3FDB];
	_ =	sdelay $0x1  }
0x99: {  	s19 =	simm.s32 $_scs_section_size  }
0x9a: {  	s4 =	simm.s32 $_size__tile_overlayer_lowered;
	s5 =	simm.s32 $_tile_overlayer_lowered  }
0x9b: {  	s22 =	simm.s32 $0x1BFF;
	s21 =	sshll.u32 s5, $0x1;
	s2 =	sadd.s32 s19, s18  }
0x9c: {  	s6 =	simm.s32 $0x0;
	s20 =	sshll.u32 s4, $0x1;
	s4 =	sadd.s32 s21, s2  }
0x9d: {  	[timem:s6], [sflag:s22] =	dma.local [hbm:s4], s20  }
0x9e: {  	_ =	swait.ge [sflag:s22], s20  }
0x9f: {  	s3 =	ssub.s32 $0x0, s20;
	[sflag:s22] =	ssyncset.done $0x0  }
0xa0: {  	[sflag:s22] =	ssyncadd.s32 s3;
	_ =	sdelay $0x1  }
0xa1: {  	s23 =	simm.s32 $0x1B8B  }
0xa2: {  	_ =	swait.ge [sflag:s23], $0x1  }
0xa3: {  	[sflag:s23] =	ssyncset.done $0x0  }
0xa4: {  	s25 =	simm.s32 $0x1B8E;
	s24 =	sld [smem:$0x3FFE];
	[sflag:s23] =	ssyncadd.s32 $0xFFFFFFFF  }
0xa5: {  	s26 =	simm.s32 $execute0_lowered;
	[smem:$0x3FD2] =	sst s25  }
0xa6: {  	s4 =	sshll.u32 s26, $0x1;
	_ =	strace $0x80000052;
	[dreg:$0x1] =	wrdreg $0xFFFFFFFF  }
0xa7: {  	s28 =	simm.s32 $_size_execute0_lowered;
	s2 =	sadd.s32 s2, s4;
	[dreg:$0x0] =	wrdreg $0x0  }
0xa8: {  	s4 =	sshll.u32 s28, $0x1;
	[dreg:$0x2] =	wrdreg s2  }
0xa9: {  	[dreg:$0x3] =	wrdreg s4  }
0xaa: {  	[dreg:$0x4] =	wrdreg $0xC0  }
0xab: {  	_ =	task [dreg:s6], $0x5FFFF  }
0xac: {  	[dreg:$0x1] =	wrdreg $0xFFFFFFFF  }
0xad: {  	[dreg:$0x0] =	wrdreg $0x60  }
0xae: {  	[dreg:$0x2] =	wrdreg s24  }
0xaf: {  	[dreg:$0x3] =	wrdreg $0xA8000  }
0xb0: {  	[dreg:$0x4] =	wrdreg $0x9  }
0xb1: {  	_ =	task.clear_ibuf [dreg:s6], $0x5FFFF;
	_ =	strace $0x90000052  }
0xb2: {  	s29 =	simm.s32 $0x9;
	_ =	strace $0x80000054  }
0xb3: {  	_ =	swait.ge [sflag:s29], $0x1  }
0xb4: {  	[sflag:s29] =	ssyncadd.s32 $0xFFFFFFFF  }
0xb5: {  	_ =	strace $0x90000054  }
0xb6: {  	_ =	sfence  }
0xb7: {  	s30 =	sld [smem:$0x0];
	_ =	sdelay $0x2  }
0xb8: {  	s31 =	sshll.u32 s1, $0xD;
	s1 =	sshrl.u32 s1, $0x2  }
0xb9: {  	s3 =	sand.u32 $0x4000, s31;
	s1 =	sadd.s32 s1, s30  }
0xba: {  	s0 =	sor.u32 s3, s0;
	s1 =	sshll.u32 s1, $0x11  }
0xbb: {  	s0 =	sor.u32 s1, s0  }
0xbc: {  	s0 =	sadd.s32 $0x8F2B, s0  }
0xbd: {  	[sflag:s0] =	ssyncadd.remote.s32 $0x1  }
0xbe: {  	_ =	sfence.sel $0xFFFF  }
0xbf: {  	[dreg:$0x0] =	wrdreg $0xFFFFFFFF;
	(pc) =	sbr.abs _section_cstart, $3  }
0xc0: {  	[dreg:$0x1] =	wrdreg $0xFFFFFFFF  }
0xc1: {  	_ =	task.clear_ibuf [dreg:s6], $0x2FFFF;
	_ =	strace $0x9FFFFFFF  }
0xc2: {  	(tm) =	ssettm $0x7FFFFFFF  }
0xc3: {  	_ =	shalt  }
tec
execute0_lowered:
.L_overlay_start_1:
0x0: {  	(tag) =	ssettag $0x1  }
0x1: {  	s5 =	rddreg [dreg:$0x0];
	s1 =	srdreg.scid  }
0x2: {  	s0 =	stileid.u32;
	s2 =	rddreg [dreg:$0x1];
	s3 =	simm.s32 $0x0  }
0x3: {  	s16 =	simm.s32 $0x2800;
	s17 =	simm.s32 $0x6800;
	s18 =	simm.s32 $0x1  }
0x4: {  	s19 =	simm.s32 $0x80;
	s6 =	sand.u32 $0x1, s1;
	s24 =	smul.u32 $0x2800, s0  }
0x5: {  	s4 =	sshll.u32 s0, $0x1;
	[smem:$0x7FF] =	sst s3;
	s11 =	smul.u32 $0x50000, s0  }
0x6: {  	s21 =	smul.u32 $0x278000, s0;
	s22 =	sshll.u32 s0, $0x6;
	_ =	strace $0x80000053  }
0x7: {  	s7 =	sor.u32 s6, s4;
	s4 =	sadd.s32 $0x14D1200, s5;
	s9 =	smul.u32 $0x28000, s6  }
0x8: {  	s20 =	ssub.s32 $0x2, s6;
	s23 =	smul.u32 $0x13C000, s6;
	s6 =	sor.u32 $0x1C03, s22  }
0x9: {  	s22 =	simm.s32 $0x2680;
	s8 =	smul.u32 $0x500, s7;
	s10 =	sadd.s32 s24, s5  }
0xa: {  	s12 =	smul.u32 $0x27800, s7;
	s13 =	sshrl.u32 s20, $0x1;
	s11 =	sshrl.u32 s11, $0x2  }
0xb: {  	s14 =	smul.u32 $0x13C000, s7;
	s9 =	sadd.s32 s9, s5;
	s13 =	ssub.s32 s20, s13  }
0xc: {  	s15 =	sadd.s32 s11, s2;
	s28 =	sadd.s32 s23, s21;
	s20 =	simm.s32 $0x2  }
0xd: {  	s21 =	simm.s32 $0x2600;
	s23 =	simm.s32 $0x2700;
	s8 =	sadd.s32 s8, s5  }
0xe: {  	s5 =	sadd.s32 $0xA87200, s10;
	s25 =	sadd.s32 $0xB30400, s9;
	s26 =	sshrl.u32 s14, $0x3  }
0xf: {  	s9 =	smax.u32 s13, $0x1;
	s30 =	sadd.s32 $0x4000, s28;
	s14 =	sshrl.u32 s15, $0x3  }
0x10: {  	s15 =	simm.s32 $0x3;
	s7 =	sadd.s32 $0xAFF200, s8;
	s8 =	sadd.s32 s4, s12  }
0x11: {  	s29 =	sadd.s32 s4, s26;
	s31 =	sshrl.u32 s30, $0x3;
	s12 =	sadd.s32 $0x8000, s28  }
0x12: {  	s24 =	sadd.s32 s24, s25;
	s25 =	simm.s32 $0x2780;
	s26 =	simm.s32 $0x0  }
0x13: {  	s10 =	sadd.s32 $0x27000, s29;
	s11 =	sadd.s32 $0x26800, s29;
	s13 =	sadd.s32 s31, s4  }
.LBB2_1:
0x14: {  	[spmem:s14], [sflag:s6] =	dma.local [hbm:s5], $0x2800  }
0x15: {  	_ =	swait.ge [sflag:s15], $0x2800  }
0x16: {  	[sflag:s15] =	ssyncset.done $0x0  }
0x17: {  	[sflag:s15] =	ssyncadd.s32 $0xFFFFD800  }
0x18: {  	[tilespmem:s3], [sflag:$0x3] =	stream.linear.gather [hbm4b:s7+s3], $0x2800, $0x38;
	[tilespmem:$0x1E800] =	vst v63  }
0x19: {  	_ =	swait.ge [sflag:s15], $0x2800  }
0x1a: {  	[sflag:s15] =	ssyncset.done $0x0  }
0x1b: {  	[sflag:s15] =	ssyncadd.s32 $0xFFFFD800  }
0x1c: {  	[bflag:$0x0] =	sbarrier.arrive $0xFFFF  }
0x1d: {  	[tilespmem:s16], [sflag:$0x1] =	stream.linear.gather [hbm4b:s8+s3], $0x4000, $0x38;
	[tilespmem:$0x1E800] =	vst v63  }
0x1e: {  	s28 =	sadd.s32 $0x0, s13  }
0x1f: {  	[tilespmem:s17], [sflag:$0x2] =	stream.linear.gather [hbm4b:s28+s3], $0x4000, $0x38;
	[tilespmem:$0x1E800] =	vst v63  }
0x20: {  	_ =	swait.ge [sflag:s18], $0x4000  }
0x21: {  	[sflag:s18] =	ssyncset.done $0x0  }
0x22: {  	[sflag:s18] =	ssyncadd.s32 $0xFFFFC000  }
0x23: {  	[spmem:s2] =	stream.indirect.scatter.add.f32 [tilespmem:s16], [sflag:$0x3], $0x80, s3, s19, $0xb8;
	[tilespmem:$0x1E800] =	vst v63  }
0x24: {  	_ =	swait.ge [sflag:s15], $0x4000  }
0x25: {  	s28 =	sshrl.u32 s12, $0x3;
	[sflag:s15] =	ssyncset.done $0x0  }
0x26: {  	s28 =	sadd.s32 s4, s28;
	[sflag:s15] =	ssyncadd.s32 $0xFFFFC000  }
0x27: {  	[tilespmem:s16], [sflag:$0x1] =	stream.linear.gather [hbm4b:s28+s3], $0x4000, $0x38;
	[tilespmem:$0x1E800] =	vst v63  }
0x28: {  	_ =	swait.ge [sflag:s20], $0x4000  }
0x29: {  	[sflag:s20] =	ssyncset.done $0x0  }
0x2a: {  	s28 =	simm.s32 $0x80;
	[sflag:s20] =	ssyncadd.s32 $0xFFFFC000  }
0x2b: {  	[spmem:s2] =	stream.indirect.scatter.add.f32 [tilespmem:s17], [sflag:$0x3], $0x80, s28, s19, $0xb8;
	[tilespmem:$0x1E800] =	vst v63  }
0x2c: {  	s30 =	simm.s32 $0x1000;
	s31 =	simm.s32 $0x2000;
	_ =	swait.ge [sflag:s15], $0x4000  }
0x2d: {  	s29 =	sadd.s32 $0x8000, s12;
	s28 =	simm.s32 $0x100;
	[sflag:s15] =	ssyncset.done $0x0  }
.LBB2_2:
0x2e: {  	s1 =	sadd.s32 s30, s13  }
0x2f: {  	[sflag:s15] =	ssyncadd.s32 $0xFFFFC000;
	s30 =	smov.u32 s31;
	s0 =	sadd.s32 $0x1000, s31  }
0x30: {  	[tilespmem:s17], [sflag:$0x2] =	stream.linear.gather [hbm4b:s1+s3], $0x4000, $0x38;
	[tilespmem:$0x1E800] =	vst v63  }
0x31: {  	p0 =	sne.s32 s31, $0x25000;
	_ =	swait.ge [sflag:s18], $0x4000  }
0x32: {  	[sflag:s18] =	ssyncset.done $0x0  }
0x33: {  	[sflag:s18] =	ssyncadd.s32 $0xFFFFC000  }
0x34: {  	[spmem:s2] =	stream.indirect.scatter.add.f32 [tilespmem:s16], [sflag:$0x3], $0x80, s28, s19, $0xb8;
	[tilespmem:$0x1E800] =	vst v63  }
0x35: {  	_ =	swait.ge [sflag:s15], $0x4000  }
0x36: {  	s1 =	sshrl.u32 s29, $0x3;
	[sflag:s15] =	ssyncset.done $0x0  }
0x37: {  	s1 =	sadd.s32 s4, s1;
	[sflag:s15] =	ssyncadd.s32 $0xFFFFC000  }
0x38: {  	[tilespmem:s16], [sflag:$0x1] =	stream.linear.gather [hbm4b:s1+s3], $0x4000, $0x38;
	[tilespmem:$0x1E800] =	vst v63  }
0x39: {  	_ =	swait.ge [sflag:s20], $0x4000  }
.Ltmp0:
0x3a: {  	[sflag:s20] =	ssyncset.done $0x0;
	(pc) =	sbr.rel @p0 .LBB2_2-.Ltmp0, $4  }
0x3b: {  	s1 =	sadd.s32 $0x80, s28;
	[sflag:s20] =	ssyncadd.s32 $0xFFFFC000  }
0x3c: {  	[spmem:s2] =	stream.indirect.scatter.add.f32 [tilespmem:s17], [sflag:$0x3], $0x80, s1, s19, $0xb8;
	[tilespmem:$0x1E800] =	vst v63  }
0x3d: {  	s29 =	sadd.s32 $0x8000, s29;
	_ =	swait.ge [sflag:s15], $0x4000  }
0x3e: {  	s31 =	smov.u32 s0;
	s28 =	sadd.s32 $0x100, s28;
	[sflag:s15] =	ssyncset.done $0x0  }
0x3f: {  	s0 =	sadd.s32 s30, s13;
	[sflag:s15] =	ssyncadd.s32 $0xFFFFC000  }
0x40: {  	[tilespmem:s17], [sflag:$0x2] =	stream.linear.gather [hbm4b:s0+s3], $0x4000, $0x38;
	[tilespmem:$0x1E800] =	vst v63  }
0x41: {  	_ =	swait.ge [sflag:s18], $0x4000  }
0x42: {  	[sflag:s18] =	ssyncset.done $0x0  }
0x43: {  	[sflag:s18] =	ssyncadd.s32 $0xFFFFC000  }
0x44: {  	[spmem:s2] =	stream.indirect.scatter.add.f32 [tilespmem:s16], [sflag:$0x3], $0x80, s28, s19, $0xb8;
	[tilespmem:$0x1E800] =	vst v63  }
0x45: {  	_ =	swait.ge [sflag:s15], $0x4000  }
0x46: {  	s30 =	sshrl.u32 s29, $0x3;
	[sflag:s15] =	ssyncset.done $0x0  }
0x47: {  	s0 =	sadd.s32 s4, s30;
	[sflag:s15] =	ssyncadd.s32 $0xFFFFC000  }
0x48: {  	[tilespmem:s16], [sflag:$0x1] =	stream.linear.gather [hbm4b:s0+s3], $0x4000, $0x38;
	[tilespmem:$0x1E800] =	vst v63  }
0x49: {  	_ =	swait.ge [sflag:s20], $0x4000  }
0x4a: {  	[sflag:s20] =	ssyncset.done $0x0  }
0x4b: {  	s31 =	sadd.s32 $0x80, s28;
	[sflag:s20] =	ssyncadd.s32 $0xFFFFC000  }
0x4c: {  	[spmem:s2] =	stream.indirect.scatter.add.f32 [tilespmem:s17], [sflag:$0x3], $0x80, s31, s19, $0xb8;
	[tilespmem:$0x1E800] =	vst v63  }
0x4d: {  	_ =	swait.ge [sflag:s15], $0x4000  }
0x4e: {  	[sflag:s15] =	ssyncset.done $0x0  }
0x4f: {  	[sflag:s15] =	ssyncadd.s32 $0xFFFFC000  }
0x50: {  	[tilespmem:s17], [sflag:$0x2] =	stream.linear.gather [hbm4b:s11+s3], $0x4000, $0x38;
	[tilespmem:$0x1E800] =	vst v63  }
0x51: {  	_ =	swait.ge [sflag:s18], $0x4000  }
0x52: {  	[sflag:s18] =	ssyncset.done $0x0  }
0x53: {  	[sflag:s18] =	ssyncadd.s32 $0xFFFFC000  }
0x54: {  	[spmem:s2] =	stream.indirect.scatter.add.f32 [tilespmem:s16], [sflag:$0x3], $0x80, s21, s19, $0xb8;
	[tilespmem:$0x1E800] =	vst v63  }
0x55: {  	_ =	swait.ge [sflag:s15], $0x4000  }
0x56: {  	[sflag:s15] =	ssyncset.done $0x0  }
0x57: {  	[sflag:s15] =	ssyncadd.s32 $0xFFFFC000  }
0x58: {  	[tilespmem:s16], [sflag:$0x1] =	stream.linear.gather [hbm4b:s10+s3], $0x4000, $0x38;
	[tilespmem:$0x1E800] =	vst v63  }
0x59: {  	_ =	swait.ge [sflag:s20], $0x4000  }
0x5a: {  	[sflag:s20] =	ssyncset.done $0x0  }
0x5b: {  	[sflag:s20] =	ssyncadd.s32 $0xFFFFC000  }
0x5c: {  	[spmem:s2] =	stream.indirect.scatter.add.f32 [tilespmem:s17], [sflag:$0x3], $0x80, s22, s19, $0xb8;
	[tilespmem:$0x1E800] =	vst v63  }
0x5d: {  	_ =	swait.ge [sflag:s15], $0x4000  }
0x5e: {  	[sflag:s15] =	ssyncset.done $0x0  }
0x5f: {  	[sflag:s15] =	ssyncadd.s32 $0xFFFFC000  }
0x60: {  	[tilespmem:s17], [sflag:$0x2] =	stream.linear.gather [hbm4b:s10+s3], $0x4000, $0x38;
	[tilespmem:$0x1E800] =	vst v63  }
0x61: {  	_ =	swait.ge [sflag:s18], $0x4000  }
0x62: {  	[sflag:s18] =	ssyncset.done $0x0  }
0x63: {  	[sflag:s18] =	ssyncadd.s32 $0xFFFFC000  }
0x64: {  	[spmem:s2] =	stream.indirect.scatter.add.f32 [tilespmem:s16], [sflag:$0x3], $0x80, s23, s19, $0xb8;
	[tilespmem:$0x1E800] =	vst v63  }
0x65: {  	_ =	swait.ge [sflag:s15], $0x4000  }
0x66: {  	[sflag:s15] =	ssyncset.done $0x0  }
0x67: {  	[sflag:s15] =	ssyncadd.s32 $0xFFFFC000  }
0x68: {  	_ =	swait.ge [sflag:s20], $0x4000  }
0x69: {  	[sflag:s20] =	ssyncset.done $0x0  }
0x6a: {  	[sflag:s20] =	ssyncadd.s32 $0xFFFFC000  }
0x6b: {  	[spmem:s2] =	stream.indirect.scatter.add.f32 [tilespmem:s17], [sflag:$0x3], $0x80, s25, s19, $0xb8;
	[tilespmem:$0x1E800] =	vst v63  }
0x6c: {  	_ =	swait.ge [sflag:s15], $0x4000  }
0x6d: {  	s26 =	sadd.s32 $0x1, s26;
	[sflag:s15] =	ssyncset.done $0x0  }
0x6e: {  	p0 =	sne.s32 s26, s9;
	[sflag:s15] =	ssyncadd.s32 $0xFFFFC000  }
.Ltmp1:
0x6f: {  	[bflag:$0x0] =	sbarrier.arrive $0xFFFF;
	(pc) =	sbr.rel @p0 .LBB2_1-.Ltmp1, $4  }
0x70: {  	[hbm:s24], [sflag:s6] =	dma.local [spmem:s14], $0x2800  }
0x71: {  	_ =	swait.ge [sflag:s15], $0x2800  }
0x72: {  	[sflag:s15] =	ssyncset.done $0x0  }
0x73: {  	[sflag:s15] =	ssyncadd.s32 $0xFFFFD800  }
0x74: {  	_ =	sfence.sel $0x180000  }
0x75: {  	[bflag:$0x0] =	sbarrier.arrive $0xFFFF  }
0x76: {  	_ =	strace $0x90000053  }
0x77: {  	s0 =	stileid.u32;
	[bflag:$0x2] =	sbarrier.arrive $0xFFFF  }
0x78: {  	p0 =	sne.s32 s0, $0x0;
	s0 =	rddreg [dreg:$0x2]  }
0x79: {  	s0 =	sadd.s32 @!p0 $0x100000, s0  }
0x7a: {  	[sflag:s0] =	ssyncadd.tile.s32 @!p0 $0x1;
	_ =	shalt  }
.Lfunc_end2:
_tile_overlayer_lowered:
.L_overlay_start_2:
0x7b: {  	(tag) =	ssettag $0x2  }
0x7c: {  	s0 =	rddreg [dreg:$0x0];
	s2 =	stileid.u32  }
0x7d: {  	s1 =	rddreg [dreg:$0x1];
	p0 =	sne.s32 s2, $0x0  }
0x7e: {  	s3 =	rddreg [dreg:$0x2];
	[bflag:$0x3] =	sbarrier.arrive $0xFFFF;
	s2 =	simm.s32 @!p0 $0x1C03  }
0x7f: {  	[timem:s3], [sflag:s2] =	dma.local @!p0 [hbm:s0], s1  }
0x80: {  	s0 =	simm.s32 @!p0 $0x3  }
0x81: {  	_ =	swait.ge @!p0 [sflag:s0], s1  }
0x82: {  	s1 =	ssub.s32 @!p0 $0x0, s1;
	[sflag:s0] =	ssyncset.done @!p0 $0x0  }
0x83: {  	[sflag:s0] =	ssyncadd.s32 @!p0 s1  }
0x84: {  	[bflag:$0x3] =	sbarrier.arrive $0xFFFF  }
0x85: {  	_ =	shalt  }

// kernel: kernel.41.cloned.1.call-start
scs
__scs_entry_jumppad:
0x0: {  	(pc) =	sbr.rel $0x88, $3  }
0x1: {  	(tag) =	ssettag $0x0;
	lr =	simm.s32 $0x1  }
0x2: {  	[smem:$0x3F41] =	sst lr;
	_ =	strace $0xD0000000  }
0x3: {  	_ = 	snop  }
0x4: {  	_ = 	snop  }
0x5: {  	_ = 	snop  }
0x6: {  	_ = 	snop  }
0x7: {  	_ = 	snop  }
__scs_overlays_trampoline_lowered:
0x8: {  	[smem:$0x3F50] =	sst s0  }
0x9: {  	[smem:$0x3F51] =	sst s1  }
0xa: {  	[smem:$0x3F52] =	sst s2  }
0xb: {  	[smem:$0x3F53] =	sst s3  }
0xc: {  	[smem:$0x3F54] =	sst s4  }
0xd: {  	[smem:$0x3F55] =	sst s5  }
0xe: {  	[smem:$0x3F56] =	sst s6  }
0xf: {  	[smem:$0x3F57] =	sst s7  }
0x10: {  	[smem:$0x3F58] =	sst s8  }
0x11: {  	[smem:$0x3F59] =	sst s9;
	s0 =	simm.s32 @!p0 $0x0  }
0x12: {  	s1 =	sld [smem:$0x3F3F];
	s0 =	simm.s32 @p0 $0x1  }
0x13: {  	[smem:$0x3F5A] =	sst s0;
	s0 =	simm.s32 @!p1 $0x0  }
0x14: {  	s2 =	sld [smem:$0x3F3E];
	s0 =	simm.s32 @p1 $0x1  }
0x15: {  	[smem:$0x3F5B] =	sst s0;
	s0 =	simm.s32 @!p2 $0x0  }
0x16: {  	s3 =	sld [smem:$0x3FDB];
	s0 =	simm.s32 @p2 $0x1  }
0x17: {  	s4 =	simm.s32 $0x1BF5;
	[smem:$0x3F5D] =	sst s0  }
0x18: {  	s0 =	sld [smem:$0x3F40];
	_ =	swait.ge [sflag:s4], $0x0  }
0x19: {  	s7 =	sld [smem:$0x3F41]  }
0x1a: {  	s8 =	sadd.s32 $0xFFFFE003, lr  }
0x1b: {  	s9 =	sadd.s32 $0xFFFFFEF7, lr;
	s5 =	simm.s32 $0xFFFFFFFF;
	p2 =	slt.u32 s8, $0xFFFFF086  }
0x1c: {  	p1 =	slt.u32 s9, $0xF7A;
	s5 =	simm.s32 @!p2 $0x0  }
0x1d: {  	s5 =	simm.s32 @p1 $0x1;
	p0 =	seq.s32 s7, s2  }
0x1e: {  	s7 =	smul.u32 @!p0 $0xF7A, s2;
	p2 =	seq.s32 @!p0 s5, $0x0  }
0x1f: {  	s9 =	smul.u32 $0xF7A, s1;
	s8 =	simm.s32 @!p0 $0x1BF5;
	p2 =	por !p2, p0  }
0x20: {  	[sflag:s8] =	ssyncset.s32 @!p0 $0xFFFFF086;
	s6 =	sadd.s32 @!p0 s3, s7;
	s7 =	simm.s32 @!p0 $0x108  }
0x21: {  	s3 =	sadd.s32 s3, s9;
	s6 =	sadd.s32 @!p0 $0x88, s6;
	s7 =	simm.s32 @p2 $0x1082  }
0x22: {  	[simem:s7], [sflag:s8] =	dma.local @!p0 [hbm:s6], $0xF7A  }
0x23: {  	s9 =	sor.u32 $0xD0000000, s2;
	s6 =	simm.s32 $0x108;
	_ =	swait.ge @!p0 [sflag:s8], $0x0  }
0x24: {  	s3 =	sadd.s32 $0x88, s3;
	s6 =	simm.s32 @!p1 $0x1082;
	[sflag:s4] =	ssyncset.s32 $0xFFFFF086  }
0x25: {  	[simem:s6], [sflag:s4] =	dma.local [hbm:s3], $0xF7A  }
0x26: {  	[smem:$0x3F41] =	sst s1;
	(tag) =	ssettag s2;
	_ =	strace s9  }
0x27: {  	s1 =	sld [smem:$0x3F51]  }
0x28: {  	s2 =	sld [smem:$0x3F52]  }
0x29: {  	s4 =	sld [smem:$0x3F54]  }
0x2a: {  	p0 =	seq.s32 s5, $0x0;
	s5 =	sld [smem:$0x3F55]  }
0x2b: {  	s6 =	sld [smem:$0x3F56]  }
0x2c: {  	s7 =	sld [smem:$0x3F57]  }
0x2d: {  	s3 =	simm.s32 $0x108;
	s8 =	sld [smem:$0x3F58]  }
0x2e: {  	s3 =	simm.s32 @!p0 $0x1082;
	s9 =	sld [smem:$0x3F59]  }
0x2f: {  	lr =	sadd.s32 s0, s3;
	s0 =	sld [smem:$0x3F50]  }
0x30: {  	s3 =	sld [smem:$0x3F53]  }
0x31: {  	[smem:$0x3F5C] =	sst s10  }
0x32: {  	s10 =	sld [smem:$0x3F5A];
	_ =	sdelay $0x3  }
0x33: {  	p0 =	seq.s32 s10, $0x1;
	s10 =	sld [smem:$0x3F5C];
	_ =	sdelay $0x3  }
0x34: {  	[smem:$0x3F5C] =	sst s10  }
0x35: {  	s10 =	sld [smem:$0x3F5B];
	_ =	sdelay $0x3  }
0x36: {  	p1 =	seq.s32 s10, $0x1;
	s10 =	sld [smem:$0x3F5C];
	_ =	sdelay $0x3  }
0x37: {  	[smem:$0x3F5C] =	sst s10  }
0x38: {  	s10 =	sld [smem:$0x3F5D]  }
0x39: {  	_ = 	snop;
	(pc) =	sbr.ind lr, $3  }
0x3a: {  	_ = 	snop  }
0x3b: {  	_ = 	snop  }
0x3c: {  	p2 =	seq.s32 s10, $0x1;
	s10 =	sld [smem:$0x3F5C]  }
0x3d: {  	_ =	shalt  }
0x3e: {  	_ =	shalt  }
0x3f: {  	_ =	shalt  }
0x40: {  	_ =	shalt  }
0x41: {  	_ =	shalt  }
0x42: {  	_ =	shalt  }
0x43: {  	_ =	shalt  }
0x44: {  	_ =	shalt  }
0x45: {  	_ =	shalt  }
0x46: {  	_ =	shalt  }
0x47: {  	_ =	shalt  }
0x48: {  	_ =	shalt  }
0x49: {  	_ =	shalt  }
0x4a: {  	_ =	shalt  }
0x4b: {  	_ =	shalt  }
0x4c: {  	_ =	shalt  }
0x4d: {  	_ =	shalt  }
0x4e: {  	_ =	shalt  }
0x4f: {  	_ =	shalt  }
0x50: {  	_ =	shalt  }
0x51: {  	_ =	shalt  }
0x52: {  	_ =	shalt  }
0x53: {  	_ =	shalt  }
0x54: {  	_ =	shalt  }
0x55: {  	_ =	shalt  }
0x56: {  	_ =	shalt  }
0x57: {  	_ =	shalt  }
0x58: {  	_ =	shalt  }
0x59: {  	_ =	shalt  }
0x5a: {  	_ =	shalt  }
0x5b: {  	_ =	shalt  }
0x5c: {  	_ =	shalt  }
0x5d: {  	_ =	shalt  }
0x5e: {  	_ =	shalt  }
0x5f: {  	_ =	shalt  }
0x60: {  	_ =	shalt  }
0x61: {  	_ =	shalt  }
0x62: {  	_ =	shalt  }
0x63: {  	_ =	shalt  }
0x64: {  	_ =	shalt  }
0x65: {  	_ =	shalt  }
0x66: {  	_ =	shalt  }
0x67: {  	_ =	shalt  }
0x68: {  	_ =	shalt  }
0x69: {  	_ =	shalt  }
0x6a: {  	_ =	shalt  }
0x6b: {  	_ =	shalt  }
0x6c: {  	_ =	shalt  }
0x6d: {  	_ =	shalt  }
0x6e: {  	_ =	shalt  }
0x6f: {  	_ =	shalt  }
0x70: {  	_ =	shalt  }
0x71: {  	_ =	shalt  }
0x72: {  	_ =	shalt  }
0x73: {  	_ =	shalt  }
0x74: {  	_ =	shalt  }
0x75: {  	_ =	shalt  }
0x76: {  	_ =	shalt  }
0x77: {  	_ =	shalt  }
0x78: {  	_ =	shalt  }
0x79: {  	_ =	shalt  }
0x7a: {  	_ =	shalt  }
0x7b: {  	_ =	shalt  }
0x7c: {  	_ =	shalt  }
0x7d: {  	_ =	shalt  }
0x7e: {  	_ =	shalt  }
0x7f: {  	_ =	shalt  }
0x80: {  	_ =	shalt  }
0x81: {  	_ =	shalt  }
0x82: {  	_ =	shalt  }
0x83: {  	_ =	shalt  }
0x84: {  	_ =	shalt  }
0x85: {  	_ =	shalt  }
0x86: {  	_ =	shalt  }
0x87: {  	_ =	shalt  }
.Lfunc_end0:
.L_simem_size_0:
called_computation.5_lowered:
.L_overlay_start_0:
0x88: {  	s2 =	sld [smem:$0x3FD9]  }
0x89: {  	s3 =	sld [smem:$0x3FFE];
	_ =	sdelay $0x1  }
0x8a: {  	s1 =	srdreg.scid  }
0x8b: {  	s0 =	sand.u32 $0x1, s1  }
0x8c: {  	s16 =	sshll.u32 s0, $0xA;
	s2 =	sadd.s32 s3, s2  }
0x8d: {  	s2 =	sadd.s32 s2, s16  }
0x8e: {  	[smem:$0x3F68] =	sst s2  }
0x8f: {  	_ = 	snop  }
0x90: {  	(tm) =	ssettm $0x1  }
0x91: {  	s17 =	sld [smem:$0x3FFB];
	_ =	sdelay $0x3  }
0x92: {  	_ =	strace s17  }
0x93: {  	s2 =	sld [smem:$0x3FFC];
	_ =	sdelay $0x3  }
0x94: {  	_ =	strace s2  }
0x95: {  	s2 =	sld [smem:$0x3FFD];
	_ =	sdelay $0x3  }
0x96: {  	_ =	strace s2  }
0x97: {  	_ =	strace $0x8FFFFFFF  }
0x98: {  	s18 =	sld [smem:$0x3FDB];
	_ =	sdelay $0x1  }
0x99: {  	s19 =	simm.s32 $_scs_section_size  }
0x9a: {  	s4 =	simm.s32 $_size__tile_overlayer_lowered;
	s5 =	simm.s32 $_tile_overlayer_lowered  }
0x9b: {  	s22 =	simm.s32 $0x1BFF;
	s21 =	sshll.u32 s5, $0x1;
	s2 =	sadd.s32 s19, s18  }
0x9c: {  	s6 =	simm.s32 $0x0;
	s20 =	sshll.u32 s4, $0x1;
	s4 =	sadd.s32 s21, s2  }
0x9d: {  	[timem:s6], [sflag:s22] =	dma.local [hbm:s4], s20  }
0x9e: {  	_ =	swait.ge [sflag:s22], s20  }
0x9f: {  	s3 =	ssub.s32 $0x0, s20;
	[sflag:s22] =	ssyncset.done $0x0  }
0xa0: {  	[sflag:s22] =	ssyncadd.s32 s3;
	_ =	sdelay $0x1  }
0xa1: {  	s23 =	simm.s32 $0x1B8B  }
0xa2: {  	_ =	swait.ge [sflag:s23], $0x1  }
0xa3: {  	[sflag:s23] =	ssyncset.done $0x0  }
0xa4: {  	s25 =	simm.s32 $0x1B8E;
	s24 =	sld [smem:$0x3FFE];
	[sflag:s23] =	ssyncadd.s32 $0xFFFFFFFF  }
0xa5: {  	s26 =	simm.s32 $execute0_lowered;
	[smem:$0x3FD2] =	sst s25  }
0xa6: {  	s4 =	sshll.u32 s26, $0x1;
	_ =	strace $0x80000055;
	[dreg:$0x1] =	wrdreg $0xFFFFFFFF  }
0xa7: {  	s28 =	simm.s32 $_size_execute0_lowered;
	s2 =	sadd.s32 s2, s4;
	[dreg:$0x0] =	wrdreg $0x0  }
0xa8: {  	s4 =	sshll.u32 s28, $0x1;
	[dreg:$0x2] =	wrdreg s2  }
0xa9: {  	[dreg:$0x3] =	wrdreg s4  }
0xaa: {  	[dreg:$0x4] =	wrdreg $0xC0  }
0xab: {  	_ =	task [dreg:s6], $0x5FFFF  }
0xac: {  	[dreg:$0x1] =	wrdreg $0xFFFFFFFF  }
0xad: {  	[dreg:$0x0] =	wrdreg $0x60  }
0xae: {  	[dreg:$0x2] =	wrdreg s24  }
0xaf: {  	[dreg:$0x3] =	wrdreg $0x9  }
0xb0: {  	_ =	task.clear_ibuf [dreg:s6], $0x4FFFF;
	_ =	strace $0x90000055  }
0xb1: {  	s29 =	simm.s32 $0x9;
	_ =	strace $0x80000057  }
0xb2: {  	_ =	swait.ge [sflag:s29], $0x1  }
0xb3: {  	[sflag:s29] =	ssyncadd.s32 $0xFFFFFFFF  }
0xb4: {  	_ =	strace $0x90000057  }
0xb5: {  	_ =	sfence  }
0xb6: {  	s30 =	sld [smem:$0x0];
	_ =	sdelay $0x2  }
0xb7: {  	s31 =	sshll.u32 s1, $0xD;
	s1 =	sshrl.u32 s1, $0x2  }
0xb8: {  	s3 =	sand.u32 $0x4000, s31;
	s1 =	sadd.s32 s1, s30  }
0xb9: {  	s0 =	sor.u32 s3, s0;
	s1 =	sshll.u32 s1, $0x11  }
0xba: {  	s0 =	sor.u32 s1, s0  }
0xbb: {  	s0 =	sadd.s32 $0x8F2B, s0  }
0xbc: {  	[sflag:s0] =	ssyncadd.remote.s32 $0x1  }
0xbd: {  	_ =	sfence.sel $0xFFFF  }
0xbe: {  	[dreg:$0x0] =	wrdreg $0xFFFFFFFF;
	(pc) =	sbr.abs _section_cstart, $3  }
0xbf: {  	[dreg:$0x1] =	wrdreg $0xFFFFFFFF  }
0xc0: {  	_ =	task.clear_ibuf [dreg:s6], $0x2FFFF;
	_ =	strace $0x9FFFFFFF  }
0xc1: {  	(tm) =	ssettm $0x7FFFFFFF  }
tec
execute0_lowered:
.L_overlay_start_1:
0x0: {  	(tag) =	ssettag $0x1  }
0x1: {  	s0 =	srdreg.scid  }
0x2: {  	s11 =	stileid.u32;
	s1 =	rddreg [dreg:$0x0]  }
0x3: {  	s2 =	simm.s32 $0x0;
	s28 =	simm.s32 $0x1;
	s29 =	simm.s32 $0x3  }
0x4: {  	s0 =	sand.u32 $0x1, s0;
	s3 =	sshll.u32 s11, $0x1;
	[smem:$0x7FF] =	sst s2  }
0x5: {  	s4 =	sadd.s32 $0xB57600, s1;
	s19 =	smul.u32 $0x278000, s11;
	s6 =	sor.u32 s0, s3  }
0x6: {  	_ =	strace $0x80000056;
	s8 =	ssub.s32 $0x2, s0;
	s0 =	smul.u32 $0x13C000, s0  }
0x7: {  	s31 =	simm.s32 $0x0;
	s3 =	sadd.s32 $0xB30400, s1;
	s5 =	smul.u32 $0x4F0, s6  }
0x8: {  	s9 =	sshrl.u32 s8, $0x1;
	s10 =	smul.u32 $0x13C000, s6;
	s6 =	sadd.s32 $0x521C00, s1  }
0x9: {  	s18 =	ssub.s32 s8, s9;
	s0 =	sadd.s32 s0, s19;
	s19 =	simm.s32 $0x5  }
0xa: {  	s7 =	sadd.s32 s5, s1;
	s5 =	sadd.s32 $0x31C00, s1;
	s21 =	sshrl.u32 s10, $0x3  }
0xb: {  	s1 =	smax.u32 s18, $0x1;
	s8 =	sadd.s32 $0xC000, s0;
	s16 =	sadd.s32 $0x8000, s0  }
0xc: {  	s0 =	simm.s32 $0x4;
	s20 =	sadd.s32 $0x1E000, s7;
	[dreg:$0x4] =	wrdreg s1  }
0xd: {  	s7 =	sadd.s32 $0x27E00, s7;
	s22 =	sadd.s32 s5, s21;
	[dreg:$0x2] =	wrdreg s20  }
0xe: {  	s23 =	sadd.s32 s6, s21;
	s24 =	sadd.s32 $0x800, s21;
	[dreg:$0x3] =	wrdreg s7  }
0xf: {  	s26 =	sadd.s32 $0x27000, s21;
	s30 =	sshrl.u32 s8, $0x3;
	[dreg:$0x5] =	wrdreg s22  }
0x10: {  	s21 =	simm.s32 $0x80;
	s1 =	simm.s32 $0x2;
	[dreg:$0x6] =	wrdreg s23  }
0x11: {  	s25 =	sadd.s32 s5, s24;
	s13 =	sadd.s32 s6, s24;
	s14 =	sadd.s32 s5, s26  }
0x12: {  	s15 =	sadd.s32 s6, s26;
	s9 =	sadd.s32 s30, s6;
	s18 =	sadd.s32 s30, s5  }
0x13: {  	s20 =	simm.s32 $0x2780;
	s22 =	simm.s32 $0x4F00;
	s23 =	simm.s32 $0xCF00  }
0x14: {  	s24 =	simm.s32 $0x8F00;
	s26 =	simm.s32 $0x10F00;
	[dreg:$0x7] =	wrdreg s25  }
.LBB2_1:
0x15: {  	s7 =	rddreg [dreg:$0x2]  }
0x16: {  	[tilespmem:s2], [sflag:$0x5] =	stream.linear.gather [hbm4b:s7+s2], $0x2780, $0x38;
	[tilespmem:$0x14F00] =	vst v63  }
0x17: {  	_ =	swait.ge [sflag:s19], $0x2780  }
0x18: {  	[sflag:s19] =	ssyncset.done $0x0  }
0x19: {  	s8 =	rddreg [dreg:$0x3];
	[sflag:s19] =	ssyncadd.s32 $0xFFFFD880  }
0x1a: {  	[tilespmem:s20], [sflag:$0x5] =	stream.linear.gather [hbm4b:s8+s2], $0x2780, $0x38;
	[tilespmem:$0x14F00] =	vst v63  }
0x1b: {  	_ =	swait.ge [sflag:s19], $0x2780  }
0x1c: {  	[sflag:s19] =	ssyncset.done $0x0  }
0x1d: {  	[sflag:s19] =	ssyncadd.s32 $0xFFFFD880  }
0x1e: {  	[tilespmem:s22], [sflag:$0x1] =	stream.indirect.gather [hbm4b:s3+s21], $0x80, s2, s21, $0xb8;
	[tilespmem:$0x14F00] =	vst v63  }
0x1f: {  	_ = 	snop  }
0x20: {  	[tilespmem:s23], [sflag:$0x1] =	stream.indirect.gather [hbm4b:s4+s21], $0x80, s20, s21, $0xb8;
	[tilespmem:$0x14F00] =	vst v63  }
0x21: {  	_ = 	snop  }
0x22: {  	[tilespmem:s24], [sflag:$0x2] =	stream.indirect.gather [hbm4b:s3+s21], $0x80, s21, s21, $0xb8;
	[tilespmem:$0x14F00] =	vst v63  }
0x23: {  	s10 =	simm.s32 $0x2800  }
0x24: {  	[tilespmem:s26], [sflag:$0x2] =	stream.indirect.gather [hbm4b:s4+s21], $0x80, s10, s21, $0xb8;
	[tilespmem:$0x14F00] =	vst v63  }
0x25: {  	_ =	swait.ge [sflag:s28], $0x4000  }
0x26: {  	[sflag:s28] =	ssyncset.done $0x0  }
0x27: {  	[sflag:s28] =	ssyncadd.s32 $0xFFFFC000  }
0x28: {  	_ =	swait.ge [sflag:s28], $0x4000  }
0x29: {  	[sflag:s28] =	ssyncset.done $0x0  }
0x2a: {  	s11 =	rddreg [dreg:$0x5];
	[sflag:s28] =	ssyncadd.s32 $0xFFFFC000  }
0x2b: {  	[hbm4b:s11+s2] =	stream.linear.scatter [tilespmem:s22], [sflag:$0x3], $0x4000, $0x38;
	[tilespmem:$0x14F00] =	vst v63  }
0x2c: {  	s12 =	rddreg [dreg:$0x6]  }
0x2d: {  	[hbm4b:s12+s2] =	stream.linear.scatter [tilespmem:s23], [sflag:$0x3], $0x4000, $0x38;
	[tilespmem:$0x14F00] =	vst v63  }
0x2e: {  	_ =	swait.ge [sflag:s29], $0x4000  }
0x2f: {  	[sflag:s29] =	ssyncset.done $0x0  }
0x30: {  	[sflag:s29] =	ssyncadd.s32 $0xFFFFC000  }
0x31: {  	_ =	swait.ge [sflag:s29], $0x4000  }
0x32: {  	[sflag:s29] =	ssyncset.done $0x0  }
0x33: {  	s17 =	simm.s32 $0x100;
	[sflag:s29] =	ssyncadd.s32 $0xFFFFC000  }
0x34: {  	[tilespmem:s22], [sflag:$0x1] =	stream.indirect.gather [hbm4b:s3+s21], $0x80, s17, s21, $0xb8;
	[tilespmem:$0x14F00] =	vst v63  }
0x35: {  	s25 =	simm.s32 $0x2880  }
0x36: {  	[tilespmem:s23], [sflag:$0x1] =	stream.indirect.gather [hbm4b:s4+s21], $0x80, s25, s21, $0xb8;
	[tilespmem:$0x14F00] =	vst v63  }
0x37: {  	_ =	swait.ge [sflag:s1], $0x4000  }
0x38: {  	[sflag:s1] =	ssyncset.done $0x0  }
0x39: {  	[sflag:s1] =	ssyncadd.s32 $0xFFFFC000  }
0x3a: {  	_ =	swait.ge [sflag:s1], $0x4000  }
0x3b: {  	[sflag:s1] =	ssyncset.done $0x0  }
0x3c: {  	s8 =	rddreg [dreg:$0x7];
	[sflag:s1] =	ssyncadd.s32 $0xFFFFC000  }
0x3d: {  	[hbm4b:s8+s2] =	stream.linear.scatter [tilespmem:s24], [sflag:$0x4], $0x4000, $0x38;
	[tilespmem:$0x14F00] =	vst v63  }
0x3e: {  	_ = 	snop  }
0x3f: {  	[hbm4b:s13+s2] =	stream.linear.scatter [tilespmem:s26], [sflag:$0x4], $0x4000, $0x38;
	[tilespmem:$0x14F00] =	vst v63  }
0x40: {  	_ =	swait.ge [sflag:s0], $0x4000  }
0x41: {  	[sflag:s0] =	ssyncset.done $0x0  }
0x42: {  	[sflag:s0] =	ssyncadd.s32 $0xFFFFC000  }
0x43: {  	_ =	swait.ge [sflag:s0], $0x4000  }
0x44: {  	[sflag:s0] =	ssyncset.done $0x0  }
0x45: {  	s10 =	simm.s32 $0x180;
	[sflag:s0] =	ssyncadd.s32 $0xFFFFC000  }
0x46: {  	[tilespmem:s24], [sflag:$0x2] =	stream.indirect.gather [hbm4b:s3+s21], $0x80, s10, s21, $0xb8;
	[tilespmem:$0x14F00] =	vst v63  }
0x47: {  	s11 =	simm.s32 $0x2900  }
0x48: {  	[tilespmem:s26], [sflag:$0x2] =	stream.indirect.gather [hbm4b:s4+s21], $0x80, s11, s21, $0xb8;
	[tilespmem:$0x14F00] =	vst v63  }
0x49: {  	_ =	swait.ge [sflag:s28], $0x4000  }
0x4a: {  	[sflag:s28] =	ssyncset.done $0x0  }
0x4b: {  	[sflag:s28] =	ssyncadd.s32 $0xFFFFC000  }
0x4c: {  	_ =	swait.ge [sflag:s28], $0x4000  }
0x4d: {  	s12 =	sshrl.u32 s16, $0x3;
	[sflag:s28] =	ssyncset.done $0x0  }
0x4e: {  	s8 =	sadd.s32 s5, s12;
	[sflag:s28] =	ssyncadd.s32 $0xFFFFC000  }
0x4f: {  	[hbm4b:s8+s2] =	stream.linear.scatter [tilespmem:s22], [sflag:$0x3], $0x4000, $0x38;
	[tilespmem:$0x14F00] =	vst v63  }
0x50: {  	s7 =	sadd.s32 s6, s12  }
0x51: {  	[hbm4b:s7+s2] =	stream.linear.scatter [tilespmem:s23], [sflag:$0x3], $0x4000, $0x38;
	[tilespmem:$0x14F00] =	vst v63  }
0x52: {  	_ =	swait.ge [sflag:s29], $0x4000  }
0x53: {  	[sflag:s29] =	ssyncset.done $0x0  }
0x54: {  	[sflag:s29] =	ssyncadd.s32 $0xFFFFC000  }
0x55: {  	_ =	swait.ge [sflag:s29], $0x4000  }
0x56: {  	[sflag:s29] =	ssyncset.done $0x0  }
0x57: {  	s17 =	simm.s32 $0x200;
	[sflag:s29] =	ssyncadd.s32 $0xFFFFC000  }
0x58: {  	[tilespmem:s22], [sflag:$0x1] =	stream.indirect.gather [hbm4b:s3+s21], $0x80, s17, s21, $0xb8;
	[tilespmem:$0x14F00] =	vst v63  }
0x59: {  	s25 =	simm.s32 $0x2980  }
0x5a: {  	[tilespmem:s23], [sflag:$0x1] =	stream.indirect.gather [hbm4b:s4+s21], $0x80, s25, s21, $0xb8;
	[tilespmem:$0x14F00] =	vst v63  }
0x5b: {  	_ =	swait.ge [sflag:s1], $0x4000  }
0x5c: {  	[sflag:s1] =	ssyncset.done $0x0  }
0x5d: {  	[sflag:s1] =	ssyncadd.s32 $0xFFFFC000  }
0x5e: {  	s30 =	sadd.s32 $0x8000, s16;
	_ =	swait.ge [sflag:s1], $0x4000  }
0x5f: {  	s8 =	sadd.s32 $0x1000, s18;
	s7 =	sadd.s32 $0x1000, s9;
	[sflag:s1] =	ssyncset.done $0x0  }
0x60: {  	s17 =	smov.u32 s9;
	s25 =	simm.s32 $0x400;
	[sflag:s1] =	ssyncadd.s32 $0xFFFFC000  }
0x61: {  	[hbm4b:s18+s2] =	stream.linear.scatter [tilespmem:s24], [sflag:$0x4], $0x4000, $0x38;
	[tilespmem:$0x14F00] =	vst v63  }
.LBB2_2:
0x62: {  	[hbm4b:s17+s2] =	stream.linear.scatter [tilespmem:s26], [sflag:$0x4], $0x4000, $0x38;
	[tilespmem:$0x14F00] =	vst v63  }
0x63: {  	s10 =	smov.u32 s25;
	s17 =	smov.u32 s7  }
0x64: {  	p0 =	sne.s32 s25, $0x9400;
	s25 =	sadd.s32 $0x400, s25;
	_ =	swait.ge [sflag:s0], $0x4000  }
0x65: {  	[sflag:s0] =	ssyncset.done $0x0  }
0x66: {  	[sflag:s0] =	ssyncadd.s32 $0xFFFFC000  }
0x67: {  	_ =	swait.ge [sflag:s0], $0x4000  }
0x68: {  	s10 =	sshra.s32 s10, $0x2;
	[sflag:s0] =	ssyncset.done $0x0  }
0x69: {  	s11 =	sadd.s32 $0x180, s10;
	[sflag:s0] =	ssyncadd.s32 $0xFFFFC000  }
0x6a: {  	[tilespmem:s24], [sflag:$0x2] =	stream.indirect.gather [hbm4b:s3+s21], $0x80, s11, s21, $0xb8;
	[tilespmem:$0x14F00] =	vst v63  }
0x6b: {  	s11 =	sadd.s32 $0x2900, s10  }
0x6c: {  	[tilespmem:s26], [sflag:$0x2] =	stream.indirect.gather [hbm4b:s4+s21], $0x80, s11, s21, $0xb8;
	[tilespmem:$0x14F00] =	vst v63  }
0x6d: {  	_ =	swait.ge [sflag:s28], $0x4000  }
0x6e: {  	[sflag:s28] =	ssyncset.done $0x0  }
0x6f: {  	[sflag:s28] =	ssyncadd.s32 $0xFFFFC000  }
0x70: {  	_ =	swait.ge [sflag:s28], $0x4000  }
0x71: {  	s11 =	sshrl.u32 s30, $0x3;
	[sflag:s28] =	ssyncset.done $0x0  }
0x72: {  	s12 =	sadd.s32 s5, s11;
	[sflag:s28] =	ssyncadd.s32 $0xFFFFC000  }
0x73: {  	[hbm4b:s12+s2] =	stream.linear.scatter [tilespmem:s22], [sflag:$0x3], $0x4000, $0x38;
	[tilespmem:$0x14F00] =	vst v63  }
0x74: {  	s11 =	sadd.s32 s6, s11  }
0x75: {  	[hbm4b:s11+s2] =	stream.linear.scatter [tilespmem:s23], [sflag:$0x3], $0x4000, $0x38;
	[tilespmem:$0x14F00] =	vst v63  }
0x76: {  	_ =	swait.ge [sflag:s29], $0x4000  }
0x77: {  	[sflag:s29] =	ssyncset.done $0x0  }
0x78: {  	[sflag:s29] =	ssyncadd.s32 $0xFFFFC000  }
0x79: {  	_ =	swait.ge [sflag:s29], $0x4000  }
0x7a: {  	[sflag:s29] =	ssyncset.done $0x0  }
0x7b: {  	s11 =	sadd.s32 $0x200, s10;
	[sflag:s29] =	ssyncadd.s32 $0xFFFFC000  }
0x7c: {  	[tilespmem:s22], [sflag:$0x1] =	stream.indirect.gather [hbm4b:s3+s21], $0x80, s11, s21, $0xb8;
	[tilespmem:$0x14F00] =	vst v63  }
0x7d: {  	s10 =	sadd.s32 $0x2980, s10  }
0x7e: {  	[tilespmem:s23], [sflag:$0x1] =	stream.indirect.gather [hbm4b:s4+s21], $0x80, s10, s21, $0xb8;
	[tilespmem:$0x14F00] =	vst v63  }
0x7f: {  	_ =	swait.ge [sflag:s1], $0x4000  }
0x80: {  	[sflag:s1] =	ssyncset.done $0x0  }
0x81: {  	[sflag:s1] =	ssyncadd.s32 $0xFFFFC000  }
.Ltmp0:
0x82: {  	_ =	swait.ge [sflag:s1], $0x4000;
	(pc) =	sbr.rel @p0 .LBB2_2-.Ltmp0, $4  }
0x83: {  	[sflag:s1] =	ssyncset.done $0x0  }
0x84: {  	[sflag:s1] =	ssyncadd.s32 $0xFFFFC000  }
0x85: {  	[hbm4b:s8+s2] =	stream.linear.scatter [tilespmem:s24], [sflag:$0x4], $0x4000, $0x38;
	[tilespmem:$0x14F00] =	vst v63  }
0x86: {  	s7 =	sadd.s32 $0x1000, s7;
	s30 =	sadd.s32 $0x8000, s30;
	s8 =	sadd.s32 $0x1000, s8  }
0x87: {  	[hbm4b:s17+s2] =	stream.linear.scatter [tilespmem:s26], [sflag:$0x4], $0x4000, $0x38;
	[tilespmem:$0x14F00] =	vst v63  }
0x88: {  	_ =	swait.ge [sflag:s0], $0x4000  }
0x89: {  	[sflag:s0] =	ssyncset.done $0x0  }
0x8a: {  	[sflag:s0] =	ssyncadd.s32 $0xFFFFC000  }
0x8b: {  	_ =	swait.ge [sflag:s0], $0x4000  }
0x8c: {  	[sflag:s0] =	ssyncset.done $0x0  }
0x8d: {  	s7 =	simm.s32 $0x2700;
	[sflag:s0] =	ssyncadd.s32 $0xFFFFC000  }
0x8e: {  	[tilespmem:s24], [sflag:$0x2] =	stream.indirect.gather [hbm4b:s3+s21], $0x80, s7, s21, $0xb8;
	[tilespmem:$0x14F00] =	vst v63  }
0x8f: {  	s25 =	simm.s32 $0x4E80  }
0x90: {  	[tilespmem:s26], [sflag:$0x2] =	stream.indirect.gather [hbm4b:s4+s21], $0x80, s25, s21, $0xb8;
	[tilespmem:$0x14F00] =	vst v63  }
0x91: {  	_ =	swait.ge [sflag:s28], $0x4000  }
0x92: {  	[sflag:s28] =	ssyncset.done $0x0  }
0x93: {  	[sflag:s28] =	ssyncadd.s32 $0xFFFFC000  }
0x94: {  	_ =	swait.ge [sflag:s28], $0x4000  }
0x95: {  	[sflag:s28] =	ssyncset.done $0x0  }
0x96: {  	[sflag:s28] =	ssyncadd.s32 $0xFFFFC000  }
0x97: {  	[hbm4b:s14+s2] =	stream.linear.scatter [tilespmem:s22], [sflag:$0x3], $0x4000, $0x38;
	[tilespmem:$0x14F00] =	vst v63  }
0x98: {  	_ = 	snop  }
0x99: {  	[hbm4b:s15+s2] =	stream.linear.scatter [tilespmem:s23], [sflag:$0x3], $0x4000, $0x38;
	[tilespmem:$0x14F00] =	vst v63  }
0x9a: {  	_ =	swait.ge [sflag:s29], $0x4000  }
0x9b: {  	[sflag:s29] =	ssyncset.done $0x0  }
0x9c: {  	[sflag:s29] =	ssyncadd.s32 $0xFFFFC000  }
0x9d: {  	_ =	swait.ge [sflag:s29], $0x4000  }
0x9e: {  	[sflag:s29] =	ssyncset.done $0x0  }
0x9f: {  	[sflag:s29] =	ssyncadd.s32 $0xFFFFC000  }
0xa0: {  	_ =	swait.ge [sflag:s1], $0x4000  }
0xa1: {  	[sflag:s1] =	ssyncset.done $0x0  }
0xa2: {  	[sflag:s1] =	ssyncadd.s32 $0xFFFFC000  }
0xa3: {  	_ =	swait.ge [sflag:s1], $0x4000  }
0xa4: {  	[sflag:s1] =	ssyncset.done $0x0  }
0xa5: {  	[sflag:s1] =	ssyncadd.s32 $0xFFFFC000  }
0xa6: {  	[hbm4b:s14+s2] =	stream.linear.scatter [tilespmem:s24], [sflag:$0x4], $0x4000, $0x38;
	[tilespmem:$0x14F00] =	vst v63  }
0xa7: {  	_ = 	snop  }
0xa8: {  	[hbm4b:s15+s2] =	stream.linear.scatter [tilespmem:s26], [sflag:$0x4], $0x4000, $0x38;
	[tilespmem:$0x14F00] =	vst v63  }
0xa9: {  	_ =	swait.ge [sflag:s0], $0x4000  }
0xaa: {  	[sflag:s0] =	ssyncset.done $0x0  }
0xab: {  	[sflag:s0] =	ssyncadd.s32 $0xFFFFC000  }
0xac: {  	_ =	swait.ge [sflag:s0], $0x4000  }
0xad: {  	s31 =	sadd.s32 $0x1, s31;
	s30 =	rddreg [dreg:$0x4]  }
0xae: {  	p0 =	sne.s32 s31, s30  }
.Ltmp1:
0xaf: {  	_ = 	snop;
	(pc) =	sbr.rel @p0 .LBB2_1-.Ltmp1, $3  }
0xb0: {  	_ =	sdelay $0x1  }
0xb1: {  	[sflag:s0] =	ssyncset.done $0x0  }
0xb2: {  	[sflag:s0] =	ssyncadd.s32 $0xFFFFC000  }
0xb3: {  	_ =	sfence.sel $0x180000  }
0xb4: {  	[bflag:$0x0] =	sbarrier.arrive $0xFFFF  }
0xb5: {  	_ =	strace $0x90000056  }
0xb6: {  	s0 =	stileid.u32;
	[bflag:$0x2] =	sbarrier.arrive $0xFFFF  }
0xb7: {  	p0 =	sne.s32 s0, $0x0;
	s0 =	rddreg [dreg:$0x1]  }
0xb8: {  	s0 =	sadd.s32 @!p0 $0x100000, s0  }
0xb9: {  	[sflag:s0] =	ssyncadd.tile.s32 @!p0 $0x1;
	_ =	shalt  }
.Lfunc_end2:
_tile_overlayer_lowered:
.L_overlay_start_2:
0xba: {  	(tag) =	ssettag $0x2  }
0xbb: {  	s0 =	rddreg [dreg:$0x0];
	s2 =	stileid.u32  }
0xbc: {  	s1 =	rddreg [dreg:$0x1];
	p0 =	sne.s32 s2, $0x0  }
0xbd: {  	s3 =	rddreg [dreg:$0x2];
	[bflag:$0x3] =	sbarrier.arrive $0xFFFF;
	s2 =	simm.s32 @!p0 $0x1C05  }
0xbe: {  	[timem:s3], [sflag:s2] =	dma.local @!p0 [hbm:s0], s1  }
0xbf: {  	s0 =	simm.s32 @!p0 $0x5  }
0xc0: {  	_ =	swait.ge @!p0 [sflag:s0], s1  }
0xc1: {  	s1 =	ssub.s32 @!p0 $0x0, s1;
	[sflag:s0] =	ssyncset.done @!p0 $0x0  }
0xc2: {  	[sflag:s0] =	ssyncadd.s32 @!p0 s1  }
0xc3: {  	[bflag:$0x3] =	sbarrier.arrive $0xFFFF  }
0xc4: {  	_ =	shalt  }

// kernel: kernel.44.cloned.1.call-start
scs
__scs_entry_jumppad:
0x0: {  	(pc) =	sbr.rel $0x88, $3  }
0x1: {  	(tag) =	ssettag $0x0;
	lr =	simm.s32 $0x1  }
0x2: {  	[smem:$0x3F41] =	sst lr;
	_ =	strace $0xD0000000  }
0x3: {  	_ = 	snop  }
0x4: {  	_ = 	snop  }
0x5: {  	_ = 	snop  }
0x6: {  	_ = 	snop  }
0x7: {  	_ = 	snop  }
__scs_overlays_trampoline_lowered:
0x8: {  	[smem:$0x3F50] =	sst s0  }
0x9: {  	[smem:$0x3F51] =	sst s1  }
0xa: {  	[smem:$0x3F52] =	sst s2  }
0xb: {  	[smem:$0x3F53] =	sst s3  }
0xc: {  	[smem:$0x3F54] =	sst s4  }
0xd: {  	[smem:$0x3F55] =	sst s5  }
0xe: {  	[smem:$0x3F56] =	sst s6  }
0xf: {  	[smem:$0x3F57] =	sst s7  }
0x10: {  	[smem:$0x3F58] =	sst s8  }
0x11: {  	[smem:$0x3F59] =	sst s9;
	s0 =	simm.s32 @!p0 $0x0  }
0x12: {  	s1 =	sld [smem:$0x3F3F];
	s0 =	simm.s32 @p0 $0x1  }
0x13: {  	[smem:$0x3F5A] =	sst s0;
	s0 =	simm.s32 @!p1 $0x0  }
0x14: {  	s2 =	sld [smem:$0x3F3E];
	s0 =	simm.s32 @p1 $0x1  }
0x15: {  	[smem:$0x3F5B] =	sst s0;
	s0 =	simm.s32 @!p2 $0x0  }
0x16: {  	s3 =	sld [smem:$0x3FDB];
	s0 =	simm.s32 @p2 $0x1  }
0x17: {  	s4 =	simm.s32 $0x1BF5;
	[smem:$0x3F5D] =	sst s0  }
0x18: {  	s0 =	sld [smem:$0x3F40];
	_ =	swait.ge [sflag:s4], $0x0  }
0x19: {  	s7 =	sld [smem:$0x3F41]  }
0x1a: {  	s8 =	sadd.s32 $0xFFFFE003, lr  }
0x1b: {  	s9 =	sadd.s32 $0xFFFFFEF7, lr;
	s5 =	simm.s32 $0xFFFFFFFF;
	p2 =	slt.u32 s8, $0xFFFFF086  }
0x1c: {  	p1 =	slt.u32 s9, $0xF7A;
	s5 =	simm.s32 @!p2 $0x0  }
0x1d: {  	s5 =	simm.s32 @p1 $0x1;
	p0 =	seq.s32 s7, s2  }
0x1e: {  	s7 =	smul.u32 @!p0 $0xF7A, s2;
	p2 =	seq.s32 @!p0 s5, $0x0  }
0x1f: {  	s9 =	smul.u32 $0xF7A, s1;
	s8 =	simm.s32 @!p0 $0x1BF5;
	p2 =	por !p2, p0  }
0x20: {  	[sflag:s8] =	ssyncset.s32 @!p0 $0xFFFFF086;
	s6 =	sadd.s32 @!p0 s3, s7;
	s7 =	simm.s32 @!p0 $0x108  }
0x21: {  	s3 =	sadd.s32 s3, s9;
	s6 =	sadd.s32 @!p0 $0x88, s6;
	s7 =	simm.s32 @p2 $0x1082  }
0x22: {  	[simem:s7], [sflag:s8] =	dma.local @!p0 [hbm:s6], $0xF7A  }
0x23: {  	s9 =	sor.u32 $0xD0000000, s2;
	s6 =	simm.s32 $0x108;
	_ =	swait.ge @!p0 [sflag:s8], $0x0  }
0x24: {  	s3 =	sadd.s32 $0x88, s3;
	s6 =	simm.s32 @!p1 $0x1082;
	[sflag:s4] =	ssyncset.s32 $0xFFFFF086  }
0x25: {  	[simem:s6], [sflag:s4] =	dma.local [hbm:s3], $0xF7A  }
0x26: {  	[smem:$0x3F41] =	sst s1;
	(tag) =	ssettag s2;
	_ =	strace s9  }
0x27: {  	s1 =	sld [smem:$0x3F51]  }
0x28: {  	s2 =	sld [smem:$0x3F52]  }
0x29: {  	s4 =	sld [smem:$0x3F54]  }
0x2a: {  	p0 =	seq.s32 s5, $0x0;
	s5 =	sld [smem:$0x3F55]  }
0x2b: {  	s6 =	sld [smem:$0x3F56]  }
0x2c: {  	s7 =	sld [smem:$0x3F57]  }
0x2d: {  	s3 =	simm.s32 $0x108;
	s8 =	sld [smem:$0x3F58]  }
0x2e: {  	s3 =	simm.s32 @!p0 $0x1082;
	s9 =	sld [smem:$0x3F59]  }
0x2f: {  	lr =	sadd.s32 s0, s3;
	s0 =	sld [smem:$0x3F50]  }
0x30: {  	s3 =	sld [smem:$0x3F53]  }
0x31: {  	[smem:$0x3F5C] =	sst s10  }
0x32: {  	s10 =	sld [smem:$0x3F5A];
	_ =	sdelay $0x3  }
0x33: {  	p0 =	seq.s32 s10, $0x1;
	s10 =	sld [smem:$0x3F5C];
	_ =	sdelay $0x3  }
0x34: {  	[smem:$0x3F5C] =	sst s10  }
0x35: {  	s10 =	sld [smem:$0x3F5B];
	_ =	sdelay $0x3  }
0x36: {  	p1 =	seq.s32 s10, $0x1;
	s10 =	sld [smem:$0x3F5C];
	_ =	sdelay $0x3  }
0x37: {  	[smem:$0x3F5C] =	sst s10  }
0x38: {  	s10 =	sld [smem:$0x3F5D]  }
0x39: {  	_ = 	snop;
	(pc) =	sbr.ind lr, $3  }
0x3a: {  	_ = 	snop  }
0x3b: {  	_ = 	snop  }
0x3c: {  	p2 =	seq.s32 s10, $0x1;
	s10 =	sld [smem:$0x3F5C]  }
0x3d: {  	_ =	shalt  }
0x3e: {  	_ =	shalt  }
0x3f: {  	_ =	shalt  }
0x40: {  	_ =	shalt  }
0x41: {  	_ =	shalt  }
0x42: {  	_ =	shalt  }
0x43: {  	_ =	shalt  }
0x44: {  	_ =	shalt  }
0x45: {  	_ =	shalt  }
0x46: {  	_ =	shalt  }
0x47: {  	_ =	shalt  }
0x48: {  	_ =	shalt  }
0x49: {  	_ =	shalt  }
0x4a: {  	_ =	shalt  }
0x4b: {  	_ =	shalt  }
0x4c: {  	_ =	shalt  }
0x4d: {  	_ =	shalt  }
0x4e: {  	_ =	shalt  }
0x4f: {  	_ =	shalt  }
0x50: {  	_ =	shalt  }
0x51: {  	_ =	shalt  }
0x52: {  	_ =	shalt  }
0x53: {  	_ =	shalt  }
0x54: {  	_ =	shalt  }
0x55: {  	_ =	shalt  }
0x56: {  	_ =	shalt  }
0x57: {  	_ =	shalt  }
0x58: {  	_ =	shalt  }
0x59: {  	_ =	shalt  }
0x5a: {  	_ =	shalt  }
0x5b: {  	_ =	shalt  }
0x5c: {  	_ =	shalt  }
0x5d: {  	_ =	shalt  }
0x5e: {  	_ =	shalt  }
0x5f: {  	_ =	shalt  }
0x60: {  	_ =	shalt  }
0x61: {  	_ =	shalt  }
0x62: {  	_ =	shalt  }
0x63: {  	_ =	shalt  }
0x64: {  	_ =	shalt  }
0x65: {  	_ =	shalt  }
0x66: {  	_ =	shalt  }
0x67: {  	_ =	shalt  }
0x68: {  	_ =	shalt  }
0x69: {  	_ =	shalt  }
0x6a: {  	_ =	shalt  }
0x6b: {  	_ =	shalt  }
0x6c: {  	_ =	shalt  }
0x6d: {  	_ =	shalt  }
0x6e: {  	_ =	shalt  }
0x6f: {  	_ =	shalt  }
0x70: {  	_ =	shalt  }
0x71: {  	_ =	shalt  }
0x72: {  	_ =	shalt  }
0x73: {  	_ =	shalt  }
0x74: {  	_ =	shalt  }
0x75: {  	_ =	shalt  }
0x76: {  	_ =	shalt  }
0x77: {  	_ =	shalt  }
0x78: {  	_ =	shalt  }
0x79: {  	_ =	shalt  }
0x7a: {  	_ =	shalt  }
0x7b: {  	_ =	shalt  }
0x7c: {  	_ =	shalt  }
0x7d: {  	_ =	shalt  }
0x7e: {  	_ =	shalt  }
0x7f: {  	_ =	shalt  }
0x80: {  	_ =	shalt  }
0x81: {  	_ =	shalt  }
0x82: {  	_ =	shalt  }
0x83: {  	_ =	shalt  }
0x84: {  	_ =	shalt  }
0x85: {  	_ =	shalt  }
0x86: {  	_ =	shalt  }
0x87: {  	_ =	shalt  }
.Lfunc_end0:
.L_simem_size_0:
called_computation.6_lowered:
.L_overlay_start_0:
0x88: {  	s2 =	sld [smem:$0x3FD9]  }
0x89: {  	s3 =	sld [smem:$0x3FFE];
	_ =	sdelay $0x1  }
0x8a: {  	s1 =	srdreg.scid  }
0x8b: {  	s0 =	sand.u32 $0x1, s1  }
0x8c: {  	s16 =	sshll.u32 s0, $0xA;
	s2 =	sadd.s32 s3, s2  }
0x8d: {  	s2 =	sadd.s32 s2, s16  }
0x8e: {  	[smem:$0x3F68] =	sst s2  }
0x8f: {  	_ = 	snop  }
0x90: {  	(tm) =	ssettm $0x1  }
0x91: {  	s17 =	sld [smem:$0x3FFB];
	_ =	sdelay $0x3  }
0x92: {  	_ =	strace s17  }
0x93: {  	s2 =	sld [smem:$0x3FFC];
	_ =	sdelay $0x3  }
0x94: {  	_ =	strace s2  }
0x95: {  	s2 =	sld [smem:$0x3FFD];
	_ =	sdelay $0x3  }
0x96: {  	_ =	strace s2  }
0x97: {  	_ =	strace $0x8FFFFFFF  }
0x98: {  	s18 =	sld [smem:$0x3FDB];
	_ =	sdelay $0x1  }
0x99: {  	s19 =	simm.s32 $_scs_section_size  }
0x9a: {  	s4 =	simm.s32 $_size__tile_overlayer_lowered;
	s5 =	simm.s32 $_tile_overlayer_lowered  }
0x9b: {  	s22 =	simm.s32 $0x1BFF;
	s21 =	sshll.u32 s5, $0x1;
	s2 =	sadd.s32 s19, s18  }
0x9c: {  	s6 =	simm.s32 $0x0;
	s20 =	sshll.u32 s4, $0x1;
	s4 =	sadd.s32 s21, s2  }
0x9d: {  	[timem:s6], [sflag:s22] =	dma.local [hbm:s4], s20  }
0x9e: {  	_ =	swait.ge [sflag:s22], s20  }
0x9f: {  	s3 =	ssub.s32 $0x0, s20;
	[sflag:s22] =	ssyncset.done $0x0  }
0xa0: {  	[sflag:s22] =	ssyncadd.s32 s3;
	_ =	sdelay $0x1  }
0xa1: {  	s23 =	simm.s32 $0x1B8B  }
0xa2: {  	_ =	swait.ge [sflag:s23], $0x1  }
0xa3: {  	[sflag:s23] =	ssyncset.done $0x0  }
0xa4: {  	s25 =	simm.s32 $0x1B8E;
	s24 =	sld [smem:$0x3FFE];
	[sflag:s23] =	ssyncadd.s32 $0xFFFFFFFF  }
0xa5: {  	s26 =	simm.s32 $execute0_lowered;
	[smem:$0x3FD2] =	sst s25  }
0xa6: {  	s4 =	sshll.u32 s26, $0x1;
	_ =	strace $0x80000058;
	[dreg:$0x1] =	wrdreg $0xFFFFFFFF  }
0xa7: {  	s28 =	simm.s32 $_size_execute0_lowered;
	s2 =	sadd.s32 s2, s4;
	[dreg:$0x0] =	wrdreg $0x0  }
0xa8: {  	s4 =	sshll.u32 s28, $0x1;
	[dreg:$0x2] =	wrdreg s2  }
0xa9: {  	[dreg:$0x3] =	wrdreg s4  }
0xaa: {  	[dreg:$0x4] =	wrdreg $0xC0  }
0xab: {  	_ =	task [dreg:s6], $0x5FFFF  }
0xac: {  	[dreg:$0x1] =	wrdreg $0xFFFFFFFF  }
0xad: {  	[dreg:$0x0] =	wrdreg $0x60  }
0xae: {  	[dreg:$0x2] =	wrdreg s24  }
0xaf: {  	[dreg:$0x3] =	wrdreg $0xA8000  }
0xb0: {  	[dreg:$0x4] =	wrdreg $0x9  }
0xb1: {  	_ =	task.clear_ibuf [dreg:s6], $0x5FFFF;
	_ =	strace $0x90000058  }
0xb2: {  	s29 =	simm.s32 $0x9;
	_ =	strace $0x8000005A  }
0xb3: {  	_ =	swait.ge [sflag:s29], $0x1  }
0xb4: {  	[sflag:s29] =	ssyncadd.s32 $0xFFFFFFFF  }
0xb5: {  	_ =	strace $0x9000005A  }
0xb6: {  	_ =	sfence  }
0xb7: {  	s30 =	sld [smem:$0x0];
	_ =	sdelay $0x2  }
0xb8: {  	s31 =	sshll.u32 s1, $0xD;
	s1 =	sshrl.u32 s1, $0x2  }
0xb9: {  	s3 =	sand.u32 $0x4000, s31;
	s1 =	sadd.s32 s1, s30  }
0xba: {  	s0 =	sor.u32 s3, s0;
	s1 =	sshll.u32 s1, $0x11  }
0xbb: {  	s0 =	sor.u32 s1, s0  }
0xbc: {  	s0 =	sadd.s32 $0x8F2B, s0  }
0xbd: {  	[sflag:s0] =	ssyncadd.remote.s32 $0x1  }
0xbe: {  	_ =	sfence.sel $0xFFFF  }
0xbf: {  	[dreg:$0x0] =	wrdreg $0xFFFFFFFF;
	(pc) =	sbr.abs _section_cstart, $3  }
0xc0: {  	[dreg:$0x1] =	wrdreg $0xFFFFFFFF  }
0xc1: {  	_ =	task.clear_ibuf [dreg:s6], $0x2FFFF;
	_ =	strace $0x9FFFFFFF  }
0xc2: {  	(tm) =	ssettm $0x7FFFFFFF  }
0xc3: {  	_ =	shalt  }
tec
execute0_lowered:
.L_overlay_start_1:
0x0: {  	(tag) =	ssettag $0x1  }
0x1: {  	s5 =	rddreg [dreg:$0x0];
	s1 =	srdreg.scid  }
0x2: {  	s0 =	stileid.u32;
	s2 =	rddreg [dreg:$0x1];
	s3 =	simm.s32 $0x0  }
0x3: {  	s16 =	simm.s32 $0x2800;
	s17 =	simm.s32 $0x6800;
	s18 =	simm.s32 $0x1  }
0x4: {  	s19 =	simm.s32 $0x80;
	s6 =	sand.u32 $0x1, s1;
	s24 =	smul.u32 $0x2800, s0  }
0x5: {  	s4 =	sshll.u32 s0, $0x1;
	[smem:$0x7FF] =	sst s3;
	s11 =	smul.u32 $0x50000, s0  }
0x6: {  	s21 =	smul.u32 $0x278000, s0;
	s22 =	sshll.u32 s0, $0x6;
	_ =	strace $0x80000059  }
0x7: {  	s7 =	sor.u32 s6, s4;
	s4 =	sadd.s32 $0x14D1200, s5;
	s9 =	smul.u32 $0x28000, s6  }
0x8: {  	s20 =	ssub.s32 $0x2, s6;
	s23 =	smul.u32 $0x13C000, s6;
	s6 =	sor.u32 $0x1C03, s22  }
0x9: {  	s22 =	simm.s32 $0x2680;
	s8 =	smul.u32 $0x500, s7;
	s10 =	sadd.s32 s24, s5  }
0xa: {  	s12 =	smul.u32 $0x27800, s7;
	s13 =	sshrl.u32 s20, $0x1;
	s11 =	sshrl.u32 s11, $0x2  }
0xb: {  	s14 =	smul.u32 $0x13C000, s7;
	s9 =	sadd.s32 s9, s5;
	s13 =	ssub.s32 s20, s13  }
0xc: {  	s15 =	sadd.s32 s11, s2;
	s28 =	sadd.s32 s23, s21;
	s20 =	simm.s32 $0x2  }
0xd: {  	s21 =	simm.s32 $0x2600;
	s23 =	simm.s32 $0x2700;
	s8 =	sadd.s32 s8, s5  }
0xe: {  	s5 =	sadd.s32 $0xA87200, s10;
	s25 =	sadd.s32 $0xB30400, s9;
	s26 =	sshrl.u32 s14, $0x3  }
0xf: {  	s9 =	smax.u32 s13, $0x1;
	s30 =	sadd.s32 $0x4000, s28;
	s14 =	sshrl.u32 s15, $0x3  }
0x10: {  	s15 =	simm.s32 $0x3;
	s7 =	sadd.s32 $0xAFF200, s8;
	s8 =	sadd.s32 s4, s12  }
0x11: {  	s29 =	sadd.s32 s4, s26;
	s31 =	sshrl.u32 s30, $0x3;
	s12 =	sadd.s32 $0x8000, s28  }
0x12: {  	s24 =	sadd.s32 s24, s25;
	s25 =	simm.s32 $0x2780;
	s26 =	simm.s32 $0x0  }
0x13: {  	s10 =	sadd.s32 $0x27000, s29;
	s11 =	sadd.s32 $0x26800, s29;
	s13 =	sadd.s32 s31, s4  }
.LBB2_1:
0x14: {  	[spmem:s14], [sflag:s6] =	dma.local [hbm:s5], $0x2800  }
0x15: {  	_ =	swait.ge [sflag:s15], $0x2800  }
0x16: {  	[sflag:s15] =	ssyncset.done $0x0  }
0x17: {  	[sflag:s15] =	ssyncadd.s32 $0xFFFFD800  }
0x18: {  	[tilespmem:s3], [sflag:$0x3] =	stream.linear.gather [hbm4b:s7+s3], $0x2800, $0x38;
	[tilespmem:$0x1E800] =	vst v63  }
0x19: {  	_ =	swait.ge [sflag:s15], $0x2800  }
0x1a: {  	[sflag:s15] =	ssyncset.done $0x0  }
0x1b: {  	[sflag:s15] =	ssyncadd.s32 $0xFFFFD800  }
0x1c: {  	[bflag:$0x0] =	sbarrier.arrive $0xFFFF  }
0x1d: {  	[tilespmem:s16], [sflag:$0x1] =	stream.linear.gather [hbm4b:s8+s3], $0x4000, $0x38;
	[tilespmem:$0x1E800] =	vst v63  }
0x1e: {  	s28 =	sadd.s32 $0x0, s13  }
0x1f: {  	[tilespmem:s17], [sflag:$0x2] =	stream.linear.gather [hbm4b:s28+s3], $0x4000, $0x38;
	[tilespmem:$0x1E800] =	vst v63  }
0x20: {  	_ =	swait.ge [sflag:s18], $0x4000  }
0x21: {  	[sflag:s18] =	ssyncset.done $0x0  }
0x22: {  	[sflag:s18] =	ssyncadd.s32 $0xFFFFC000  }
0x23: {  	[spmem:s2] =	stream.indirect.scatter.add.f32 [tilespmem:s16], [sflag:$0x3], $0x80, s3, s19, $0xb8;
	[tilespmem:$0x1E800] =	vst v63  }
0x24: {  	_ =	swait.ge [sflag:s15], $0x4000  }
0x25: {  	s28 =	sshrl.u32 s12, $0x3;
	[sflag:s15] =	ssyncset.done $0x0  }
0x26: {  	s28 =	sadd.s32 s4, s28;
	[sflag:s15] =	ssyncadd.s32 $0xFFFFC000  }
0x27: {  	[tilespmem:s16], [sflag:$0x1] =	stream.linear.gather [hbm4b:s28+s3], $0x4000, $0x38;
	[tilespmem:$0x1E800] =	vst v63  }
0x28: {  	_ =	swait.ge [sflag:s20], $0x4000  }
0x29: {  	[sflag:s20] =	ssyncset.done $0x0  }
0x2a: {  	s28 =	simm.s32 $0x80;
	[sflag:s20] =	ssyncadd.s32 $0xFFFFC000  }
0x2b: {  	[spmem:s2] =	stream.indirect.scatter.add.f32 [tilespmem:s17], [sflag:$0x3], $0x80, s28, s19, $0xb8;
	[tilespmem:$0x1E800] =	vst v63  }
0x2c: {  	s30 =	simm.s32 $0x1000;
	s31 =	simm.s32 $0x2000;
	_ =	swait.ge [sflag:s15], $0x4000  }
0x2d: {  	s29 =	sadd.s32 $0x8000, s12;
	s28 =	simm.s32 $0x100;
	[sflag:s15] =	ssyncset.done $0x0  }
.LBB2_2:
0x2e: {  	s1 =	sadd.s32 s30, s13  }
0x2f: {  	[sflag:s15] =	ssyncadd.s32 $0xFFFFC000;
	s30 =	smov.u32 s31;
	s0 =	sadd.s32 $0x1000, s31  }
0x30: {  	[tilespmem:s17], [sflag:$0x2] =	stream.linear.gather [hbm4b:s1+s3], $0x4000, $0x38;
	[tilespmem:$0x1E800] =	vst v63  }
0x31: {  	p0 =	sne.s32 s31, $0x25000;
	_ =	swait.ge [sflag:s18], $0x4000  }
0x32: {  	[sflag:s18] =	ssyncset.done $0x0  }
0x33: {  	[sflag:s18] =	ssyncadd.s32 $0xFFFFC000  }
0x34: {  	[spmem:s2] =	stream.indirect.scatter.add.f32 [tilespmem:s16], [sflag:$0x3], $0x80, s28, s19, $0xb8;
	[tilespmem:$0x1E800] =	vst v63  }
0x35: {  	_ =	swait.ge [sflag:s15], $0x4000  }
0x36: {  	s1 =	sshrl.u32 s29, $0x3;
	[sflag:s15] =	ssyncset.done $0x0  }
0x37: {  	s1 =	sadd.s32 s4, s1;
	[sflag:s15] =	ssyncadd.s32 $0xFFFFC000  }
0x38: {  	[tilespmem:s16], [sflag:$0x1] =	stream.linear.gather [hbm4b:s1+s3], $0x4000, $0x38;
	[tilespmem:$0x1E800] =	vst v63  }
0x39: {  	_ =	swait.ge [sflag:s20], $0x4000  }
.Ltmp0:
0x3a: {  	[sflag:s20] =	ssyncset.done $0x0;
	(pc) =	sbr.rel @p0 .LBB2_2-.Ltmp0, $4  }
0x3b: {  	s1 =	sadd.s32 $0x80, s28;
	[sflag:s20] =	ssyncadd.s32 $0xFFFFC000  }
0x3c: {  	[spmem:s2] =	stream.indirect.scatter.add.f32 [tilespmem:s17], [sflag:$0x3], $0x80, s1, s19, $0xb8;
	[tilespmem:$0x1E800] =	vst v63  }
0x3d: {  	s29 =	sadd.s32 $0x8000, s29;
	_ =	swait.ge [sflag:s15], $0x4000  }
0x3e: {  	s31 =	smov.u32 s0;
	s28 =	sadd.s32 $0x100, s28;
	[sflag:s15] =	ssyncset.done $0x0  }
0x3f: {  	s0 =	sadd.s32 s30, s13;
	[sflag:s15] =	ssyncadd.s32 $0xFFFFC000  }
0x40: {  	[tilespmem:s17], [sflag:$0x2] =	stream.linear.gather [hbm4b:s0+s3], $0x4000, $0x38;
	[tilespmem:$0x1E800] =	vst v63  }
0x41: {  	_ =	swait.ge [sflag:s18], $0x4000  }
0x42: {  	[sflag:s18] =	ssyncset.done $0x0  }
0x43: {  	[sflag:s18] =	ssyncadd.s32 $0xFFFFC000  }
0x44: {  	[spmem:s2] =	stream.indirect.scatter.add.f32 [tilespmem:s16], [sflag:$0x3], $0x80, s28, s19, $0xb8;
	[tilespmem:$0x1E800] =	vst v63  }
0x45: {  	_ =	swait.ge [sflag:s15], $0x4000  }
0x46: {  	s30 =	sshrl.u32 s29, $0x3;
	[sflag:s15] =	ssyncset.done $0x0  }
0x47: {  	s0 =	sadd.s32 s4, s30;
	[sflag:s15] =	ssyncadd.s32 $0xFFFFC000  }
0x48: {  	[tilespmem:s16], [sflag:$0x1] =	stream.linear.gather [hbm4b:s0+s3], $0x4000, $0x38;
	[tilespmem:$0x1E800] =	vst v63  }
0x49: {  	_ =	swait.ge [sflag:s20], $0x4000  }
0x4a: {  	[sflag:s20] =	ssyncset.done $0x0  }
0x4b: {  	s31 =	sadd.s32 $0x80, s28;
	[sflag:s20] =	ssyncadd.s32 $0xFFFFC000  }
0x4c: {  	[spmem:s2] =	stream.indirect.scatter.add.f32 [tilespmem:s17], [sflag:$0x3], $0x80, s31, s19, $0xb8;
	[tilespmem:$0x1E800] =	vst v63  }
0x4d: {  	_ =	swait.ge [sflag:s15], $0x4000  }
0x4e: {  	[sflag:s15] =	ssyncset.done $0x0  }
0x4f: {  	[sflag:s15] =	ssyncadd.s32 $0xFFFFC000  }
0x50: {  	[tilespmem:s17], [sflag:$0x2] =	stream.linear.gather [hbm4b:s11+s3], $0x4000, $0x38;
	[tilespmem:$0x1E800] =	vst v63  }
0x51: {  	_ =	swait.ge [sflag:s18], $0x4000  }
0x52: {  	[sflag:s18] =	ssyncset.done $0x0  }
0x53: {  	[sflag:s18] =	ssyncadd.s32 $0xFFFFC000  }
0x54: {  	[spmem:s2] =	stream.indirect.scatter.add.f32 [tilespmem:s16], [sflag:$0x3], $0x80, s21, s19, $0xb8;
	[tilespmem:$0x1E800] =	vst v63  }
0x55: {  	_ =	swait.ge [sflag:s15], $0x4000  }
0x56: {  	[sflag:s15] =	ssyncset.done $0x0  }
0x57: {  	[sflag:s15] =	ssyncadd.s32 $0xFFFFC000  }
0x58: {  	[tilespmem:s16], [sflag:$0x1] =	stream.linear.gather [hbm4b:s10+s3], $0x4000, $0x38;
	[tilespmem:$0x1E800] =	vst v63  }
0x59: {  	_ =	swait.ge [sflag:s20], $0x4000  }
0x5a: {  	[sflag:s20] =	ssyncset.done $0x0  }
0x5b: {  	[sflag:s20] =	ssyncadd.s32 $0xFFFFC000  }
0x5c: {  	[spmem:s2] =	stream.indirect.scatter.add.f32 [tilespmem:s17], [sflag:$0x3], $0x80, s22, s19, $0xb8;
	[tilespmem:$0x1E800] =	vst v63  }
0x5d: {  	_ =	swait.ge [sflag:s15], $0x4000  }
0x5e: {  	[sflag:s15] =	ssyncset.done $0x0  }
0x5f: {  	[sflag:s15] =	ssyncadd.s32 $0xFFFFC000  }
0x60: {  	[tilespmem:s17], [sflag:$0x2] =	stream.linear.gather [hbm4b:s10+s3], $0x4000, $0x38;
	[tilespmem:$0x1E800] =	vst v63  }
0x61: {  	_ =	swait.ge [sflag:s18], $0x4000  }
0x62: {  	[sflag:s18] =	ssyncset.done $0x0  }
0x63: {  	[sflag:s18] =	ssyncadd.s32 $0xFFFFC000  }
0x64: {  	[spmem:s2] =	stream.indirect.scatter.add.f32 [tilespmem:s16], [sflag:$0x3], $0x80, s23, s19, $0xb8;
	[tilespmem:$0x1E800] =	vst v63  }
0x65: {  	_ =	swait.ge [sflag:s15], $0x4000  }
0x66: {  	[sflag:s15] =	ssyncset.done $0x0  }
0x67: {  	[sflag:s15] =	ssyncadd.s32 $0xFFFFC000  }
0x68: {  	_ =	swait.ge [sflag:s20], $0x4000  }
0x69: {  	[sflag:s20] =	ssyncset.done $0x0  }
0x6a: {  	[sflag:s20] =	ssyncadd.s32 $0xFFFFC000  }
0x6b: {  	[spmem:s2] =	stream.indirect.scatter.add.f32 [tilespmem:s17], [sflag:$0x3], $0x80, s25, s19, $0xb8;
	[tilespmem:$0x1E800] =	vst v63  }
0x6c: {  	_ =	swait.ge [sflag:s15], $0x4000  }
0x6d: {  	s26 =	sadd.s32 $0x1, s26;
	[sflag:s15] =	ssyncset.done $0x0  }
0x6e: {  	p0 =	sne.s32 s26, s9;
	[sflag:s15] =	ssyncadd.s32 $0xFFFFC000  }
.Ltmp1:
0x6f: {  	[bflag:$0x0] =	sbarrier.arrive $0xFFFF;
	(pc) =	sbr.rel @p0 .LBB2_1-.Ltmp1, $4  }
0x70: {  	[hbm:s24], [sflag:s6] =	dma.local [spmem:s14], $0x2800  }
0x71: {  	_ =	swait.ge [sflag:s15], $0x2800  }
0x72: {  	[sflag:s15] =	ssyncset.done $0x0  }
0x73: {  	[sflag:s15] =	ssyncadd.s32 $0xFFFFD800  }
0x74: {  	_ =	sfence.sel $0x180000  }
0x75: {  	[bflag:$0x0] =	sbarrier.arrive $0xFFFF  }
0x76: {  	_ =	strace $0x90000059  }
0x77: {  	s0 =	stileid.u32;
	[bflag:$0x2] =	sbarrier.arrive $0xFFFF  }
0x78: {  	p0 =	sne.s32 s0, $0x0;
	s0 =	rddreg [dreg:$0x2]  }
0x79: {  	s0 =	sadd.s32 @!p0 $0x100000, s0  }
0x7a: {  	[sflag:s0] =	ssyncadd.tile.s32 @!p0 $0x1;
	_ =	shalt  }
.Lfunc_end2:
_tile_overlayer_lowered:
.L_overlay_start_2:
0x7b: {  	(tag) =	ssettag $0x2  }
0x7c: {  	s0 =	rddreg [dreg:$0x0];
	s2 =	stileid.u32  }
0x7d: {  	s1 =	rddreg [dreg:$0x1];
	p0 =	sne.s32 s2, $0x0  }
0x7e: {  	s3 =	rddreg [dreg:$0x2];
	[bflag:$0x3] =	sbarrier.arrive $0xFFFF;
	s2 =	simm.s32 @!p0 $0x1C03  }
0x7f: {  	[timem:s3], [sflag:s2] =	dma.local @!p0 [hbm:s0], s1  }
0x80: {  	s0 =	simm.s32 @!p0 $0x3  }
0x81: {  	_ =	swait.ge @!p0 [sflag:s0], s1  }
0x82: {  	s1 =	ssub.s32 @!p0 $0x0, s1;
	[sflag:s0] =	ssyncset.done @!p0 $0x0  }
0x83: {  	[sflag:s0] =	ssyncadd.s32 @!p0 s1  }
0x84: {  	[bflag:$0x3] =	sbarrier.arrive $0xFFFF  }
0x85: {  	_ =	shalt  }

// kernel: kernel.47.cloned.1.call-start
scs
__scs_entry_jumppad:
0x0: {  	(pc) =	sbr.rel $0x88, $3  }
0x1: {  	(tag) =	ssettag $0x0;
	lr =	simm.s32 $0x1  }
0x2: {  	[smem:$0x3F41] =	sst lr;
	_ =	strace $0xD0000000  }
0x3: {  	_ = 	snop  }
0x4: {  	_ = 	snop  }
0x5: {  	_ = 	snop  }
0x6: {  	_ = 	snop  }
0x7: {  	_ = 	snop  }
__scs_overlays_trampoline_lowered:
0x8: {  	[smem:$0x3F50] =	sst s0  }
0x9: {  	[smem:$0x3F51] =	sst s1  }
0xa: {  	[smem:$0x3F52] =	sst s2  }
0xb: {  	[smem:$0x3F53] =	sst s3  }
0xc: {  	[smem:$0x3F54] =	sst s4  }
0xd: {  	[smem:$0x3F55] =	sst s5  }
0xe: {  	[smem:$0x3F56] =	sst s6  }
0xf: {  	[smem:$0x3F57] =	sst s7  }
0x10: {  	[smem:$0x3F58] =	sst s8  }
0x11: {  	[smem:$0x3F59] =	sst s9;
	s0 =	simm.s32 @!p0 $0x0  }
0x12: {  	s1 =	sld [smem:$0x3F3F];
	s0 =	simm.s32 @p0 $0x1  }
0x13: {  	[smem:$0x3F5A] =	sst s0;
	s0 =	simm.s32 @!p1 $0x0  }
0x14: {  	s2 =	sld [smem:$0x3F3E];
	s0 =	simm.s32 @p1 $0x1  }
0x15: {  	[smem:$0x3F5B] =	sst s0;
	s0 =	simm.s32 @!p2 $0x0  }
0x16: {  	s3 =	sld [smem:$0x3FDB];
	s0 =	simm.s32 @p2 $0x1  }
0x17: {  	s4 =	simm.s32 $0x1BF5;
	[smem:$0x3F5D] =	sst s0  }
0x18: {  	s0 =	sld [smem:$0x3F40];
	_ =	swait.ge [sflag:s4], $0x0  }
0x19: {  	s7 =	sld [smem:$0x3F41]  }
0x1a: {  	s8 =	sadd.s32 $0xFFFFE003, lr  }
0x1b: {  	s9 =	sadd.s32 $0xFFFFFEF7, lr;
	s5 =	simm.s32 $0xFFFFFFFF;
	p2 =	slt.u32 s8, $0xFFFFF086  }
0x1c: {  	p1 =	slt.u32 s9, $0xF7A;
	s5 =	simm.s32 @!p2 $0x0  }
0x1d: {  	s5 =	simm.s32 @p1 $0x1;
	p0 =	seq.s32 s7, s2  }
0x1e: {  	s7 =	smul.u32 @!p0 $0xF7A, s2;
	p2 =	seq.s32 @!p0 s5, $0x0  }
0x1f: {  	s9 =	smul.u32 $0xF7A, s1;
	s8 =	simm.s32 @!p0 $0x1BF5;
	p2 =	por !p2, p0  }
0x20: {  	[sflag:s8] =	ssyncset.s32 @!p0 $0xFFFFF086;
	s6 =	sadd.s32 @!p0 s3, s7;
	s7 =	simm.s32 @!p0 $0x108  }
0x21: {  	s3 =	sadd.s32 s3, s9;
	s6 =	sadd.s32 @!p0 $0x88, s6;
	s7 =	simm.s32 @p2 $0x1082  }
0x22: {  	[simem:s7], [sflag:s8] =	dma.local @!p0 [hbm:s6], $0xF7A  }
0x23: {  	s9 =	sor.u32 $0xD0000000, s2;
	s6 =	simm.s32 $0x108;
	_ =	swait.ge @!p0 [sflag:s8], $0x0  }
0x24: {  	s3 =	sadd.s32 $0x88, s3;
	s6 =	simm.s32 @!p1 $0x1082;
	[sflag:s4] =	ssyncset.s32 $0xFFFFF086  }
0x25: {  	[simem:s6], [sflag:s4] =	dma.local [hbm:s3], $0xF7A  }
0x26: {  	[smem:$0x3F41] =	sst s1;
	(tag) =	ssettag s2;
	_ =	strace s9  }
0x27: {  	s1 =	sld [smem:$0x3F51]  }
0x28: {  	s2 =	sld [smem:$0x3F52]  }
0x29: {  	s4 =	sld [smem:$0x3F54]  }
0x2a: {  	p0 =	seq.s32 s5, $0x0;
	s5 =	sld [smem:$0x3F55]  }
0x2b: {  	s6 =	sld [smem:$0x3F56]  }
0x2c: {  	s7 =	sld [smem:$0x3F57]  }
0x2d: {  	s3 =	simm.s32 $0x108;
	s8 =	sld [smem:$0x3F58]  }
0x2e: {  	s3 =	simm.s32 @!p0 $0x1082;
	s9 =	sld [smem:$0x3F59]  }
0x2f: {  	lr =	sadd.s32 s0, s3;
	s0 =	sld [smem:$0x3F50]  }
0x30: {  	s3 =	sld [smem:$0x3F53]  }
0x31: {  	[smem:$0x3F5C] =	sst s10  }
0x32: {  	s10 =	sld [smem:$0x3F5A];
	_ =	sdelay $0x3  }
0x33: {  	p0 =	seq.s32 s10, $0x1;
	s10 =	sld [smem:$0x3F5C];
	_ =	sdelay $0x3  }
0x34: {  	[smem:$0x3F5C] =	sst s10  }
0x35: {  	s10 =	sld [smem:$0x3F5B];
	_ =	sdelay $0x3  }
0x36: {  	p1 =	seq.s32 s10, $0x1;
	s10 =	sld [smem:$0x3F5C];
	_ =	sdelay $0x3  }
0x37: {  	[smem:$0x3F5C] =	sst s10  }
0x38: {  	s10 =	sld [smem:$0x3F5D]  }
0x39: {  	_ = 	snop;
	(pc) =	sbr.ind lr, $3  }
0x3a: {  	_ = 	snop  }
0x3b: {  	_ = 	snop  }
0x3c: {  	p2 =	seq.s32 s10, $0x1;
	s10 =	sld [smem:$0x3F5C]  }
0x3d: {  	_ =	shalt  }
0x3e: {  	_ =	shalt  }
0x3f: {  	_ =	shalt  }
0x40: {  	_ =	shalt  }
0x41: {  	_ =	shalt  }
0x42: {  	_ =	shalt  }
0x43: {  	_ =	shalt  }
0x44: {  	_ =	shalt  }
0x45: {  	_ =	shalt  }
0x46: {  	_ =	shalt  }
0x47: {  	_ =	shalt  }
0x48: {  	_ =	shalt  }
0x49: {  	_ =	shalt  }
0x4a: {  	_ =	shalt  }
0x4b: {  	_ =	shalt  }
0x4c: {  	_ =	shalt  }
0x4d: {  	_ =	shalt  }
0x4e: {  	_ =	shalt  }
0x4f: {  	_ =	shalt  }
0x50: {  	_ =	shalt  }
0x51: {  	_ =	shalt  }
0x52: {  	_ =	shalt  }
0x53: {  	_ =	shalt  }
0x54: {  	_ =	shalt  }
0x55: {  	_ =	shalt  }
0x56: {  	_ =	shalt  }
0x57: {  	_ =	shalt  }
0x58: {  	_ =	shalt  }
0x59: {  	_ =	shalt  }
0x5a: {  	_ =	shalt  }
0x5b: {  	_ =	shalt  }
0x5c: {  	_ =	shalt  }
0x5d: {  	_ =	shalt  }
0x5e: {  	_ =	shalt  }
0x5f: {  	_ =	shalt  }
0x60: {  	_ =	shalt  }
0x61: {  	_ =	shalt  }
0x62: {  	_ =	shalt  }
0x63: {  	_ =	shalt  }
0x64: {  	_ =	shalt  }
0x65: {  	_ =	shalt  }
0x66: {  	_ =	shalt  }
0x67: {  	_ =	shalt  }
0x68: {  	_ =	shalt  }
0x69: {  	_ =	shalt  }
0x6a: {  	_ =	shalt  }
0x6b: {  	_ =	shalt  }
0x6c: {  	_ =	shalt  }
0x6d: {  	_ =	shalt  }
0x6e: {  	_ =	shalt  }
0x6f: {  	_ =	shalt  }
0x70: {  	_ =	shalt  }
0x71: {  	_ =	shalt  }
0x72: {  	_ =	shalt  }
0x73: {  	_ =	shalt  }
0x74: {  	_ =	shalt  }
0x75: {  	_ =	shalt  }
0x76: {  	_ =	shalt  }
0x77: {  	_ =	shalt  }
0x78: {  	_ =	shalt  }
0x79: {  	_ =	shalt  }
0x7a: {  	_ =	shalt  }
0x7b: {  	_ =	shalt  }
0x7c: {  	_ =	shalt  }
0x7d: {  	_ =	shalt  }
0x7e: {  	_ =	shalt  }
0x7f: {  	_ =	shalt  }
0x80: {  	_ =	shalt  }
0x81: {  	_ =	shalt  }
0x82: {  	_ =	shalt  }
0x83: {  	_ =	shalt  }
0x84: {  	_ =	shalt  }
0x85: {  	_ =	shalt  }
0x86: {  	_ =	shalt  }
0x87: {  	_ =	shalt  }
.Lfunc_end0:
.L_simem_size_0:
called_computation.7_lowered:
.L_overlay_start_0:
0x88: {  	s2 =	sld [smem:$0x3FD9]  }
0x89: {  	s3 =	sld [smem:$0x3FFE];
	_ =	sdelay $0x1  }
0x8a: {  	s1 =	srdreg.scid  }
0x8b: {  	s0 =	sand.u32 $0x1, s1  }
0x8c: {  	s16 =	sshll.u32 s0, $0xA;
	s2 =	sadd.s32 s3, s2  }
0x8d: {  	s2 =	sadd.s32 s2, s16  }
0x8e: {  	[smem:$0x3F68] =	sst s2  }
0x8f: {  	_ = 	snop  }
0x90: {  	(tm) =	ssettm $0x1  }
0x91: {  	s17 =	sld [smem:$0x3FFB];
	_ =	sdelay $0x3  }
0x92: {  	_ =	strace s17  }
0x93: {  	s2 =	sld [smem:$0x3FFC];
	_ =	sdelay $0x3  }
0x94: {  	_ =	strace s2  }
0x95: {  	s2 =	sld [smem:$0x3FFD];
	_ =	sdelay $0x3  }
0x96: {  	_ =	strace s2  }
0x97: {  	_ =	strace $0x8FFFFFFF  }
0x98: {  	s18 =	sld [smem:$0x3FDB];
	_ =	sdelay $0x1  }
0x99: {  	s19 =	simm.s32 $_scs_section_size  }
0x9a: {  	s4 =	simm.s32 $_size__tile_overlayer_lowered;
	s5 =	simm.s32 $_tile_overlayer_lowered  }
0x9b: {  	s22 =	simm.s32 $0x1BFF;
	s21 =	sshll.u32 s5, $0x1;
	s2 =	sadd.s32 s19, s18  }
0x9c: {  	s6 =	simm.s32 $0x0;
	s20 =	sshll.u32 s4, $0x1;
	s4 =	sadd.s32 s21, s2  }
0x9d: {  	[timem:s6], [sflag:s22] =	dma.local [hbm:s4], s20  }
0x9e: {  	_ =	swait.ge [sflag:s22], s20  }
0x9f: {  	s3 =	ssub.s32 $0x0, s20;
	[sflag:s22] =	ssyncset.done $0x0  }
0xa0: {  	[sflag:s22] =	ssyncadd.s32 s3;
	_ =	sdelay $0x1  }
0xa1: {  	s23 =	simm.s32 $0x1B8B  }
0xa2: {  	_ =	swait.ge [sflag:s23], $0x1  }
0xa3: {  	[sflag:s23] =	ssyncset.done $0x0  }
0xa4: {  	s25 =	simm.s32 $0x1B8E;
	s24 =	sld [smem:$0x3FFE];
	[sflag:s23] =	ssyncadd.s32 $0xFFFFFFFF  }
0xa5: {  	s26 =	simm.s32 $execute0_lowered;
	[smem:$0x3FD2] =	sst s25  }
0xa6: {  	s4 =	sshll.u32 s26, $0x1;
	_ =	strace $0x8000005B;
	[dreg:$0x1] =	wrdreg $0xFFFFFFFF  }
0xa7: {  	s28 =	simm.s32 $_size_execute0_lowered;
	s2 =	sadd.s32 s2, s4;
	[dreg:$0x0] =	wrdreg $0x0  }
0xa8: {  	s4 =	sshll.u32 s28, $0x1;
	[dreg:$0x2] =	wrdreg s2  }
0xa9: {  	[dreg:$0x3] =	wrdreg s4  }
0xaa: {  	[dreg:$0x4] =	wrdreg $0xC0  }
0xab: {  	_ =	task [dreg:s6], $0x5FFFF  }
0xac: {  	[dreg:$0x1] =	wrdreg $0xFFFFFFFF  }
0xad: {  	[dreg:$0x0] =	wrdreg $0x60  }
0xae: {  	[dreg:$0x2] =	wrdreg s24  }
0xaf: {  	[dreg:$0x3] =	wrdreg $0x9  }
0xb0: {  	_ =	task.clear_ibuf [dreg:s6], $0x4FFFF;
	_ =	strace $0x9000005B  }
0xb1: {  	s29 =	simm.s32 $0x9;
	_ =	strace $0x8000005D  }
0xb2: {  	_ =	swait.ge [sflag:s29], $0x1  }
0xb3: {  	[sflag:s29] =	ssyncadd.s32 $0xFFFFFFFF  }
0xb4: {  	_ =	strace $0x9000005D  }
0xb5: {  	_ =	sfence  }
0xb6: {  	s30 =	sld [smem:$0x0];
	_ =	sdelay $0x2  }
0xb7: {  	s31 =	sshll.u32 s1, $0xD;
	s1 =	sshrl.u32 s1, $0x2  }
0xb8: {  	s3 =	sand.u32 $0x4000, s31;
	s1 =	sadd.s32 s1, s30  }
0xb9: {  	s0 =	sor.u32 s3, s0;
	s1 =	sshll.u32 s1, $0x11  }
0xba: {  	s0 =	sor.u32 s1, s0  }
0xbb: {  	s0 =	sadd.s32 $0x8F2B, s0  }
0xbc: {  	[sflag:s0] =	ssyncadd.remote.s32 $0x1  }
0xbd: {  	_ =	sfence.sel $0xFFFF  }
0xbe: {  	[dreg:$0x0] =	wrdreg $0xFFFFFFFF;
	(pc) =	sbr.abs _section_cstart, $3  }
0xbf: {  	[dreg:$0x1] =	wrdreg $0xFFFFFFFF  }
0xc0: {  	_ =	task.clear_ibuf [dreg:s6], $0x2FFFF;
	_ =	strace $0x9FFFFFFF  }
0xc1: {  	(tm) =	ssettm $0x7FFFFFFF  }
tec
execute0_lowered:
.L_overlay_start_1:
0x0: {  	(tag) =	ssettag $0x1  }
0x1: {  	s0 =	srdreg.scid  }
0x2: {  	s11 =	stileid.u32;
	s1 =	rddreg [dreg:$0x0]  }
0x3: {  	s2 =	simm.s32 $0x0;
	s28 =	simm.s32 $0x1;
	s29 =	simm.s32 $0x3  }
0x4: {  	s0 =	sand.u32 $0x1, s0;
	s3 =	sshll.u32 s11, $0x1;
	[smem:$0x7FF] =	sst s2  }
0x5: {  	s4 =	sadd.s32 $0xB57600, s1;
	s19 =	smul.u32 $0x278000, s11;
	s6 =	sor.u32 s0, s3  }
0x6: {  	_ =	strace $0x8000005C;
	s8 =	ssub.s32 $0x2, s0;
	s0 =	smul.u32 $0x13C000, s0  }
0x7: {  	s31 =	simm.s32 $0x0;
	s3 =	sadd.s32 $0xB30400, s1;
	s5 =	smul.u32 $0x4F0, s6  }
0x8: {  	s9 =	sshrl.u32 s8, $0x1;
	s10 =	smul.u32 $0x13C000, s6;
	s6 =	sadd.s32 $0x521C00, s1  }
0x9: {  	s18 =	ssub.s32 s8, s9;
	s0 =	sadd.s32 s0, s19;
	s19 =	simm.s32 $0x5  }
0xa: {  	s7 =	sadd.s32 s5, s1;
	s5 =	sadd.s32 $0x31C00, s1;
	s21 =	sshrl.u32 s10, $0x3  }
0xb: {  	s1 =	smax.u32 s18, $0x1;
	s8 =	sadd.s32 $0xC000, s0;
	s16 =	sadd.s32 $0x8000, s0  }
0xc: {  	s0 =	simm.s32 $0x4;
	s20 =	sadd.s32 $0x1E000, s7;
	[dreg:$0x4] =	wrdreg s1  }
0xd: {  	s7 =	sadd.s32 $0x27E00, s7;
	s22 =	sadd.s32 s5, s21;
	[dreg:$0x2] =	wrdreg s20  }
0xe: {  	s23 =	sadd.s32 s6, s21;
	s24 =	sadd.s32 $0x800, s21;
	[dreg:$0x3] =	wrdreg s7  }
0xf: {  	s26 =	sadd.s32 $0x27000, s21;
	s30 =	sshrl.u32 s8, $0x3;
	[dreg:$0x5] =	wrdreg s22  }
0x10: {  	s21 =	simm.s32 $0x80;
	s1 =	simm.s32 $0x2;
	[dreg:$0x6] =	wrdreg s23  }
0x11: {  	s25 =	sadd.s32 s5, s24;
	s13 =	sadd.s32 s6, s24;
	s14 =	sadd.s32 s5, s26  }
0x12: {  	s15 =	sadd.s32 s6, s26;
	s9 =	sadd.s32 s30, s6;
	s18 =	sadd.s32 s30, s5  }
0x13: {  	s20 =	simm.s32 $0x2780;
	s22 =	simm.s32 $0x4F00;
	s23 =	simm.s32 $0xCF00  }
0x14: {  	s24 =	simm.s32 $0x8F00;
	s26 =	simm.s32 $0x10F00;
	[dreg:$0x7] =	wrdreg s25  }
.LBB2_1:
0x15: {  	s7 =	rddreg [dreg:$0x2]  }
0x16: {  	[tilespmem:s2], [sflag:$0x5] =	stream.linear.gather [hbm4b:s7+s2], $0x2780, $0x38;
	[tilespmem:$0x14F00] =	vst v63  }
0x17: {  	_ =	swait.ge [sflag:s19], $0x2780  }
0x18: {  	[sflag:s19] =	ssyncset.done $0x0  }
0x19: {  	s8 =	rddreg [dreg:$0x3];
	[sflag:s19] =	ssyncadd.s32 $0xFFFFD880  }
0x1a: {  	[tilespmem:s20], [sflag:$0x5] =	stream.linear.gather [hbm4b:s8+s2], $0x2780, $0x38;
	[tilespmem:$0x14F00] =	vst v63  }
0x1b: {  	_ =	swait.ge [sflag:s19], $0x2780  }
0x1c: {  	[sflag:s19] =	ssyncset.done $0x0  }
0x1d: {  	[sflag:s19] =	ssyncadd.s32 $0xFFFFD880  }
0x1e: {  	[tilespmem:s22], [sflag:$0x1] =	stream.indirect.gather [hbm4b:s3+s21], $0x80, s2, s21, $0xb8;
	[tilespmem:$0x14F00] =	vst v63  }
0x1f: {  	_ = 	snop  }
0x20: {  	[tilespmem:s23], [sflag:$0x1] =	stream.indirect.gather [hbm4b:s4+s21], $0x80, s20, s21, $0xb8;
	[tilespmem:$0x14F00] =	vst v63  }
0x21: {  	_ = 	snop  }
0x22: {  	[tilespmem:s24], [sflag:$0x2] =	stream.indirect.gather [hbm4b:s3+s21], $0x80, s21, s21, $0xb8;
	[tilespmem:$0x14F00] =	vst v63  }
0x23: {  	s10 =	simm.s32 $0x2800  }
0x24: {  	[tilespmem:s26], [sflag:$0x2] =	stream.indirect.gather [hbm4b:s4+s21], $0x80, s10, s21, $0xb8;
	[tilespmem:$0x14F00] =	vst v63  }
0x25: {  	_ =	swait.ge [sflag:s28], $0x4000  }
0x26: {  	[sflag:s28] =	ssyncset.done $0x0  }
0x27: {  	[sflag:s28] =	ssyncadd.s32 $0xFFFFC000  }
0x28: {  	_ =	swait.ge [sflag:s28], $0x4000  }
0x29: {  	[sflag:s28] =	ssyncset.done $0x0  }
0x2a: {  	s11 =	rddreg [dreg:$0x5];
	[sflag:s28] =	ssyncadd.s32 $0xFFFFC000  }
0x2b: {  	[hbm4b:s11+s2] =	stream.linear.scatter [tilespmem:s22], [sflag:$0x3], $0x4000, $0x38;
	[tilespmem:$0x14F00] =	vst v63  }
0x2c: {  	s12 =	rddreg [dreg:$0x6]  }
0x2d: {  	[hbm4b:s12+s2] =	stream.linear.scatter [tilespmem:s23], [sflag:$0x3], $0x4000, $0x38;
	[tilespmem:$0x14F00] =	vst v63  }
0x2e: {  	_ =	swait.ge [sflag:s29], $0x4000  }
0x2f: {  	[sflag:s29] =	ssyncset.done $0x0  }
0x30: {  	[sflag:s29] =	ssyncadd.s32 $0xFFFFC000  }
0x31: {  	_ =	swait.ge [sflag:s29], $0x4000  }
0x32: {  	[sflag:s29] =	ssyncset.done $0x0  }
0x33: {  	s17 =	simm.s32 $0x100;
	[sflag:s29] =	ssyncadd.s32 $0xFFFFC000  }
0x34: {  	[tilespmem:s22], [sflag:$0x1] =	stream.indirect.gather [hbm4b:s3+s21], $0x80, s17, s21, $0xb8;
	[tilespmem:$0x14F00] =	vst v63  }
0x35: {  	s25 =	simm.s32 $0x2880  }
0x36: {  	[tilespmem:s23], [sflag:$0x1] =	stream.indirect.gather [hbm4b:s4+s21], $0x80, s25, s21, $0xb8;
	[tilespmem:$0x14F00] =	vst v63  }
0x37: {  	_ =	swait.ge [sflag:s1], $0x4000  }
0x38: {  	[sflag:s1] =	ssyncset.done $0x0  }
0x39: {  	[sflag:s1] =	ssyncadd.s32 $0xFFFFC000  }
0x3a: {  	_ =	swait.ge [sflag:s1], $0x4000  }
0x3b: {  	[sflag:s1] =	ssyncset.done $0x0  }
0x3c: {  	s8 =	rddreg [dreg:$0x7];
	[sflag:s1] =	ssyncadd.s32 $0xFFFFC000  }
0x3d: {  	[hbm4b:s8+s2] =	stream.linear.scatter [tilespmem:s24], [sflag:$0x4], $0x4000, $0x38;
	[tilespmem:$0x14F00] =	vst v63  }
0x3e: {  	_ = 	snop  }
0x3f: {  	[hbm4b:s13+s2] =	stream.linear.scatter [tilespmem:s26], [sflag:$0x4], $0x4000, $0x38;
	[tilespmem:$0x14F00] =	vst v63  }
0x40: {  	_ =	swait.ge [sflag:s0], $0x4000  }
0x41: {  	[sflag:s0] =	ssyncset.done $0x0  }
0x42: {  	[sflag:s0] =	ssyncadd.s32 $0xFFFFC000  }
0x43: {  	_ =	swait.ge [sflag:s0], $0x4000  }
0x44: {  	[sflag:s0] =	ssyncset.done $0x0  }
0x45: {  	s10 =	simm.s32 $0x180;
	[sflag:s0] =	ssyncadd.s32 $0xFFFFC000  }
0x46: {  	[tilespmem:s24], [sflag:$0x2] =	stream.indirect.gather [hbm4b:s3+s21], $0x80, s10, s21, $0xb8;
	[tilespmem:$0x14F00] =	vst v63  }
0x47: {  	s11 =	simm.s32 $0x2900  }
0x48: {  	[tilespmem:s26], [sflag:$0x2] =	stream.indirect.gather [hbm4b:s4+s21], $0x80, s11, s21, $0xb8;
	[tilespmem:$0x14F00] =	vst v63  }
0x49: {  	_ =	swait.ge [sflag:s28], $0x4000  }
0x4a: {  	[sflag:s28] =	ssyncset.done $0x0  }
0x4b: {  	[sflag:s28] =	ssyncadd.s32 $0xFFFFC000  }
0x4c: {  	_ =	swait.ge [sflag:s28], $0x4000  }
0x4d: {  	s12 =	sshrl.u32 s16, $0x3;
	[sflag:s28] =	ssyncset.done $0x0  }
0x4e: {  	s8 =	sadd.s32 s5, s12;
	[sflag:s28] =	ssyncadd.s32 $0xFFFFC000  }
0x4f: {  	[hbm4b:s8+s2] =	stream.linear.scatter [tilespmem:s22], [sflag:$0x3], $0x4000, $0x38;
	[tilespmem:$0x14F00] =	vst v63  }
0x50: {  	s7 =	sadd.s32 s6, s12  }
0x51: {  	[hbm4b:s7+s2] =	stream.linear.scatter [tilespmem:s23], [sflag:$0x3], $0x4000, $0x38;
	[tilespmem:$0x14F00] =	vst v63  }
0x52: {  	_ =	swait.ge [sflag:s29], $0x4000  }
0x53: {  	[sflag:s29] =	ssyncset.done $0x0  }
0x54: {  	[sflag:s29] =	ssyncadd.s32 $0xFFFFC000  }
0x55: {  	_ =	swait.ge [sflag:s29], $0x4000  }
0x56: {  	[sflag:s29] =	ssyncset.done $0x0  }
0x57: {  	s17 =	simm.s32 $0x200;
	[sflag:s29] =	ssyncadd.s32 $0xFFFFC000  }
0x58: {  	[tilespmem:s22], [sflag:$0x1] =	stream.indirect.gather [hbm4b:s3+s21], $0x80, s17, s21, $0xb8;
	[tilespmem:$0x14F00] =	vst v63  }
0x59: {  	s25 =	simm.s32 $0x2980  }
0x5a: {  	[tilespmem:s23], [sflag:$0x1] =	stream.indirect.gather [hbm4b:s4+s21], $0x80, s25, s21, $0xb8;
	[tilespmem:$0x14F00] =	vst v63  }
0x5b: {  	_ =	swait.ge [sflag:s1], $0x4000  }
0x5c: {  	[sflag:s1] =	ssyncset.done $0x0  }
0x5d: {  	[sflag:s1] =	ssyncadd.s32 $0xFFFFC000  }
0x5e: {  	s30 =	sadd.s32 $0x8000, s16;
	_ =	swait.ge [sflag:s1], $0x4000  }
0x5f: {  	s8 =	sadd.s32 $0x1000, s18;
	s7 =	sadd.s32 $0x1000, s9;
	[sflag:s1] =	ssyncset.done $0x0  }
0x60: {  	s17 =	smov.u32 s9;
	s25 =	simm.s32 $0x400;
	[sflag:s1] =	ssyncadd.s32 $0xFFFFC000  }
0x61: {  	[hbm4b:s18+s2] =	stream.linear.scatter [tilespmem:s24], [sflag:$0x4], $0x4000, $0x38;
	[tilespmem:$0x14F00] =	vst v63  }
.LBB2_2:
0x62: {  	[hbm4b:s17+s2] =	stream.linear.scatter [tilespmem:s26], [sflag:$0x4], $0x4000, $0x38;
	[tilespmem:$0x14F00] =	vst v63  }
0x63: {  	s10 =	smov.u32 s25;
	s17 =	smov.u32 s7  }
0x64: {  	p0 =	sne.s32 s25, $0x9400;
	s25 =	sadd.s32 $0x400, s25;
	_ =	swait.ge [sflag:s0], $0x4000  }
0x65: {  	[sflag:s0] =	ssyncset.done $0x0  }
0x66: {  	[sflag:s0] =	ssyncadd.s32 $0xFFFFC000  }
0x67: {  	_ =	swait.ge [sflag:s0], $0x4000  }
0x68: {  	s10 =	sshra.s32 s10, $0x2;
	[sflag:s0] =	ssyncset.done $0x0  }
0x69: {  	s11 =	sadd.s32 $0x180, s10;
	[sflag:s0] =	ssyncadd.s32 $0xFFFFC000  }
0x6a: {  	[tilespmem:s24], [sflag:$0x2] =	stream.indirect.gather [hbm4b:s3+s21], $0x80, s11, s21, $0xb8;
	[tilespmem:$0x14F00] =	vst v63  }
0x6b: {  	s11 =	sadd.s32 $0x2900, s10  }
0x6c: {  	[tilespmem:s26], [sflag:$0x2] =	stream.indirect.gather [hbm4b:s4+s21], $0x80, s11, s21, $0xb8;
	[tilespmem:$0x14F00] =	vst v63  }
0x6d: {  	_ =	swait.ge [sflag:s28], $0x4000  }
0x6e: {  	[sflag:s28] =	ssyncset.done $0x0  }
0x6f: {  	[sflag:s28] =	ssyncadd.s32 $0xFFFFC000  }
0x70: {  	_ =	swait.ge [sflag:s28], $0x4000  }
0x71: {  	s11 =	sshrl.u32 s30, $0x3;
	[sflag:s28] =	ssyncset.done $0x0  }
0x72: {  	s12 =	sadd.s32 s5, s11;
	[sflag:s28] =	ssyncadd.s32 $0xFFFFC000  }
0x73: {  	[hbm4b:s12+s2] =	stream.linear.scatter [tilespmem:s22], [sflag:$0x3], $0x4000, $0x38;
	[tilespmem:$0x14F00] =	vst v63  }
0x74: {  	s11 =	sadd.s32 s6, s11  }
0x75: {  	[hbm4b:s11+s2] =	stream.linear.scatter [tilespmem:s23], [sflag:$0x3], $0x4000, $0x38;
	[tilespmem:$0x14F00] =	vst v63  }
0x76: {  	_ =	swait.ge [sflag:s29], $0x4000  }
0x77: {  	[sflag:s29] =	ssyncset.done $0x0  }
0x78: {  	[sflag:s29] =	ssyncadd.s32 $0xFFFFC000  }
0x79: {  	_ =	swait.ge [sflag:s29], $0x4000  }
0x7a: {  	[sflag:s29] =	ssyncset.done $0x0  }
0x7b: {  	s11 =	sadd.s32 $0x200, s10;
	[sflag:s29] =	ssyncadd.s32 $0xFFFFC000  }
0x7c: {  	[tilespmem:s22], [sflag:$0x1] =	stream.indirect.gather [hbm4b:s3+s21], $0x80, s11, s21, $0xb8;
	[tilespmem:$0x14F00] =	vst v63  }
0x7d: {  	s10 =	sadd.s32 $0x2980, s10  }
0x7e: {  	[tilespmem:s23], [sflag:$0x1] =	stream.indirect.gather [hbm4b:s4+s21], $0x80, s10, s21, $0xb8;
	[tilespmem:$0x14F00] =	vst v63  }
0x7f: {  	_ =	swait.ge [sflag:s1], $0x4000  }
0x80: {  	[sflag:s1] =	ssyncset.done $0x0  }
0x81: {  	[sflag:s1] =	ssyncadd.s32 $0xFFFFC000  }
.Ltmp0:
0x82: {  	_ =	swait.ge [sflag:s1], $0x4000;
	(pc) =	sbr.rel @p0 .LBB2_2-.Ltmp0, $4  }
0x83: {  	[sflag:s1] =	ssyncset.done $0x0  }
0x84: {  	[sflag:s1] =	ssyncadd.s32 $0xFFFFC000  }
0x85: {  	[hbm4b:s8+s2] =	stream.linear.scatter [tilespmem:s24], [sflag:$0x4], $0x4000, $0x38;
	[tilespmem:$0x14F00] =	vst v63  }
0x86: {  	s7 =	sadd.s32 $0x1000, s7;
	s30 =	sadd.s32 $0x8000, s30;
	s8 =	sadd.s32 $0x1000, s8  }
0x87: {  	[hbm4b:s17+s2] =	stream.linear.scatter [tilespmem:s26], [sflag:$0x4], $0x4000, $0x38;
	[tilespmem:$0x14F00] =	vst v63  }
0x88: {  	_ =	swait.ge [sflag:s0], $0x4000  }
0x89: {  	[sflag:s0] =	ssyncset.done $0x0  }
0x8a: {  	[sflag:s0] =	ssyncadd.s32 $0xFFFFC000  }
0x8b: {  	_ =	swait.ge [sflag:s0], $0x4000  }
0x8c: {  	[sflag:s0] =	ssyncset.done $0x0  }
0x8d: {  	s7 =	simm.s32 $0x2700;
	[sflag:s0] =	ssyncadd.s32 $0xFFFFC000  }
0x8e: {  	[tilespmem:s24], [sflag:$0x2] =	stream.indirect.gather [hbm4b:s3+s21], $0x80, s7, s21, $0xb8;
	[tilespmem:$0x14F00] =	vst v63  }
0x8f: {  	s25 =	simm.s32 $0x4E80  }
0x90: {  	[tilespmem:s26], [sflag:$0x2] =	stream.indirect.gather [hbm4b:s4+s21], $0x80, s25, s21, $0xb8;
	[tilespmem:$0x14F00] =	vst v63  }
0x91: {  	_ =	swait.ge [sflag:s28], $0x4000  }
0x92: {  	[sflag:s28] =	ssyncset.done $0x0  }
0x93: {  	[sflag:s28] =	ssyncadd.s32 $0xFFFFC000  }
0x94: {  	_ =	swait.ge [sflag:s28], $0x4000  }
0x95: {  	[sflag:s28] =	ssyncset.done $0x0  }
0x96: {  	[sflag:s28] =	ssyncadd.s32 $0xFFFFC000  }
0x97: {  	[hbm4b:s14+s2] =	stream.linear.scatter [tilespmem:s22], [sflag:$0x3], $0x4000, $0x38;
	[tilespmem:$0x14F00] =	vst v63  }
0x98: {  	_ = 	snop  }
0x99: {  	[hbm4b:s15+s2] =	stream.linear.scatter [tilespmem:s23], [sflag:$0x3], $0x4000, $0x38;
	[tilespmem:$0x14F00] =	vst v63  }
0x9a: {  	_ =	swait.ge [sflag:s29], $0x4000  }
0x9b: {  	[sflag:s29] =	ssyncset.done $0x0  }
0x9c: {  	[sflag:s29] =	ssyncadd.s32 $0xFFFFC000  }
0x9d: {  	_ =	swait.ge [sflag:s29], $0x4000  }
0x9e: {  	[sflag:s29] =	ssyncset.done $0x0  }
0x9f: {  	[sflag:s29] =	ssyncadd.s32 $0xFFFFC000  }
0xa0: {  	_ =	swait.ge [sflag:s1], $0x4000  }
0xa1: {  	[sflag:s1] =	ssyncset.done $0x0  }
0xa2: {  	[sflag:s1] =	ssyncadd.s32 $0xFFFFC000  }
0xa3: {  	_ =	swait.ge [sflag:s1], $0x4000  }
0xa4: {  	[sflag:s1] =	ssyncset.done $0x0  }
0xa5: {  	[sflag:s1] =	ssyncadd.s32 $0xFFFFC000  }
0xa6: {  	[hbm4b:s14+s2] =	stream.linear.scatter [tilespmem:s24], [sflag:$0x4], $0x4000, $0x38;
	[tilespmem:$0x14F00] =	vst v63  }
0xa7: {  	_ = 	snop  }
0xa8: {  	[hbm4b:s15+s2] =	stream.linear.scatter [tilespmem:s26], [sflag:$0x4], $0x4000, $0x38;
	[tilespmem:$0x14F00] =	vst v63  }
0xa9: {  	_ =	swait.ge [sflag:s0], $0x4000  }
0xaa: {  	[sflag:s0] =	ssyncset.done $0x0  }
0xab: {  	[sflag:s0] =	ssyncadd.s32 $0xFFFFC000  }
0xac: {  	_ =	swait.ge [sflag:s0], $0x4000  }
0xad: {  	s31 =	sadd.s32 $0x1, s31;
	s30 =	rddreg [dreg:$0x4]  }
0xae: {  	p0 =	sne.s32 s31, s30  }
.Ltmp1:
0xaf: {  	_ = 	snop;
	(pc) =	sbr.rel @p0 .LBB2_1-.Ltmp1, $3  }
0xb0: {  	_ =	sdelay $0x1  }
0xb1: {  	[sflag:s0] =	ssyncset.done $0x0  }
0xb2: {  	[sflag:s0] =	ssyncadd.s32 $0xFFFFC000  }
0xb3: {  	_ =	sfence.sel $0x180000  }
0xb4: {  	[bflag:$0x0] =	sbarrier.arrive $0xFFFF  }
0xb5: {  	_ =	strace $0x9000005C  }
0xb6: {  	s0 =	stileid.u32;
	[bflag:$0x2] =	sbarrier.arrive $0xFFFF  }
0xb7: {  	p0 =	sne.s32 s0, $0x0;
	s0 =	rddreg [dreg:$0x1]  }
0xb8: {  	s0 =	sadd.s32 @!p0 $0x100000, s0  }
0xb9: {  	[sflag:s0] =	ssyncadd.tile.s32 @!p0 $0x1;
	_ =	shalt  }
.Lfunc_end2:
_tile_overlayer_lowered:
.L_overlay_start_2:
0xba: {  	(tag) =	ssettag $0x2  }
0xbb: {  	s0 =	rddreg [dreg:$0x0];
	s2 =	stileid.u32  }
0xbc: {  	s1 =	rddreg [dreg:$0x1];
	p0 =	sne.s32 s2, $0x0  }
0xbd: {  	s3 =	rddreg [dreg:$0x2];
	[bflag:$0x3] =	sbarrier.arrive $0xFFFF;
	s2 =	simm.s32 @!p0 $0x1C05  }
0xbe: {  	[timem:s3], [sflag:s2] =	dma.local @!p0 [hbm:s0], s1  }
0xbf: {  	s0 =	simm.s32 @!p0 $0x5  }
0xc0: {  	_ =	swait.ge @!p0 [sflag:s0], s1  }
0xc1: {  	s1 =	ssub.s32 @!p0 $0x0, s1;
	[sflag:s0] =	ssyncset.done @!p0 $0x0  }
0xc2: {  	[sflag:s0] =	ssyncadd.s32 @!p0 s1  }
0xc3: {  	[bflag:$0x3] =	sbarrier.arrive $0xFFFF  }
0xc4: {  	_ =	shalt  }

// kernel: kernel.50.cloned.1.call-start
scs
__scs_entry_jumppad:
0x0: {  	(pc) =	sbr.rel $0x88, $3  }
0x1: {  	(tag) =	ssettag $0x0;
	lr =	simm.s32 $0x1  }
0x2: {  	[smem:$0x3F41] =	sst lr;
	_ =	strace $0xD0000000  }
0x3: {  	_ = 	snop  }
0x4: {  	_ = 	snop  }
0x5: {  	_ = 	snop  }
0x6: {  	_ = 	snop  }
0x7: {  	_ = 	snop  }
__scs_overlays_trampoline_lowered:
0x8: {  	[smem:$0x3F50] =	sst s0  }
0x9: {  	[smem:$0x3F51] =	sst s1  }
0xa: {  	[smem:$0x3F52] =	sst s2  }
0xb: {  	[smem:$0x3F53] =	sst s3  }
0xc: {  	[smem:$0x3F54] =	sst s4  }
0xd: {  	[smem:$0x3F55] =	sst s5  }
0xe: {  	[smem:$0x3F56] =	sst s6  }
0xf: {  	[smem:$0x3F57] =	sst s7  }
0x10: {  	[smem:$0x3F58] =	sst s8  }
0x11: {  	[smem:$0x3F59] =	sst s9;
	s0 =	simm.s32 @!p0 $0x0  }
0x12: {  	s1 =	sld [smem:$0x3F3F];
	s0 =	simm.s32 @p0 $0x1  }
0x13: {  	[smem:$0x3F5A] =	sst s0;
	s0 =	simm.s32 @!p1 $0x0  }
0x14: {  	s2 =	sld [smem:$0x3F3E];
	s0 =	simm.s32 @p1 $0x1  }
0x15: {  	[smem:$0x3F5B] =	sst s0;
	s0 =	simm.s32 @!p2 $0x0  }
0x16: {  	s3 =	sld [smem:$0x3FDB];
	s0 =	simm.s32 @p2 $0x1  }
0x17: {  	s4 =	simm.s32 $0x1BF5;
	[smem:$0x3F5D] =	sst s0  }
0x18: {  	s0 =	sld [smem:$0x3F40];
	_ =	swait.ge [sflag:s4], $0x0  }
0x19: {  	s7 =	sld [smem:$0x3F41]  }
0x1a: {  	s8 =	sadd.s32 $0xFFFFE003, lr  }
0x1b: {  	s9 =	sadd.s32 $0xFFFFFEF7, lr;
	s5 =	simm.s32 $0xFFFFFFFF;
	p2 =	slt.u32 s8, $0xFFFFF086  }
0x1c: {  	p1 =	slt.u32 s9, $0xF7A;
	s5 =	simm.s32 @!p2 $0x0  }
0x1d: {  	s5 =	simm.s32 @p1 $0x1;
	p0 =	seq.s32 s7, s2  }
0x1e: {  	s7 =	smul.u32 @!p0 $0xF7A, s2;
	p2 =	seq.s32 @!p0 s5, $0x0  }
0x1f: {  	s9 =	smul.u32 $0xF7A, s1;
	s8 =	simm.s32 @!p0 $0x1BF5;
	p2 =	por !p2, p0  }
0x20: {  	[sflag:s8] =	ssyncset.s32 @!p0 $0xFFFFF086;
	s6 =	sadd.s32 @!p0 s3, s7;
	s7 =	simm.s32 @!p0 $0x108  }
0x21: {  	s3 =	sadd.s32 s3, s9;
	s6 =	sadd.s32 @!p0 $0x88, s6;
	s7 =	simm.s32 @p2 $0x1082  }
0x22: {  	[simem:s7], [sflag:s8] =	dma.local @!p0 [hbm:s6], $0xF7A  }
0x23: {  	s9 =	sor.u32 $0xD0000000, s2;
	s6 =	simm.s32 $0x108;
	_ =	swait.ge @!p0 [sflag:s8], $0x0  }
0x24: {  	s3 =	sadd.s32 $0x88, s3;
	s6 =	simm.s32 @!p1 $0x1082;
	[sflag:s4] =	ssyncset.s32 $0xFFFFF086  }
0x25: {  	[simem:s6], [sflag:s4] =	dma.local [hbm:s3], $0xF7A  }
0x26: {  	[smem:$0x3F41] =	sst s1;
	(tag) =	ssettag s2;
	_ =	strace s9  }
0x27: {  	s1 =	sld [smem:$0x3F51]  }
0x28: {  	s2 =	sld [smem:$0x3F52]  }
0x29: {  	s4 =	sld [smem:$0x3F54]  }
0x2a: {  	p0 =	seq.s32 s5, $0x0;
	s5 =	sld [smem:$0x3F55]  }
0x2b: {  	s6 =	sld [smem:$0x3F56]  }
0x2c: {  	s7 =	sld [smem:$0x3F57]  }
0x2d: {  	s3 =	simm.s32 $0x108;
	s8 =	sld [smem:$0x3F58]  }
0x2e: {  	s3 =	simm.s32 @!p0 $0x1082;
	s9 =	sld [smem:$0x3F59]  }
0x2f: {  	lr =	sadd.s32 s0, s3;
	s0 =	sld [smem:$0x3F50]  }
0x30: {  	s3 =	sld [smem:$0x3F53]  }
0x31: {  	[smem:$0x3F5C] =	sst s10  }
0x32: {  	s10 =	sld [smem:$0x3F5A];
	_ =	sdelay $0x3  }
0x33: {  	p0 =	seq.s32 s10, $0x1;
	s10 =	sld [smem:$0x3F5C];
	_ =	sdelay $0x3  }
0x34: {  	[smem:$0x3F5C] =	sst s10  }
0x35: {  	s10 =	sld [smem:$0x3F5B];
	_ =	sdelay $0x3  }
0x36: {  	p1 =	seq.s32 s10, $0x1;
	s10 =	sld [smem:$0x3F5C];
	_ =	sdelay $0x3  }
0x37: {  	[smem:$0x3F5C] =	sst s10  }
0x38: {  	s10 =	sld [smem:$0x3F5D]  }
0x39: {  	_ = 	snop;
	(pc) =	sbr.ind lr, $3  }
0x3a: {  	_ = 	snop  }
0x3b: {  	_ = 	snop  }
0x3c: {  	p2 =	seq.s32 s10, $0x1;
	s10 =	sld [smem:$0x3F5C]  }
0x3d: {  	_ =	shalt  }
0x3e: {  	_ =	shalt  }
0x3f: {  	_ =	shalt  }
0x40: {  	_ =	shalt  }
0x41: {  	_ =	shalt  }
0x42: {  	_ =	shalt  }
0x43: {  	_ =	shalt  }
0x44: {  	_ =	shalt  }
0x45: {  	_ =	shalt  }
0x46: {  	_ =	shalt  }
0x47: {  	_ =	shalt  }
0x48: {  	_ =	shalt  }
0x49: {  	_ =	shalt  }
0x4a: {  	_ =	shalt  }
0x4b: {  	_ =	shalt  }
0x4c: {  	_ =	shalt  }
0x4d: {  	_ =	shalt  }
0x4e: {  	_ =	shalt  }
0x4f: {  	_ =	shalt  }
0x50: {  	_ =	shalt  }
0x51: {  	_ =	shalt  }
0x52: {  	_ =	shalt  }
0x53: {  	_ =	shalt  }
0x54: {  	_ =	shalt  }
0x55: {  	_ =	shalt  }
0x56: {  	_ =	shalt  }
0x57: {  	_ =	shalt  }
0x58: {  	_ =	shalt  }
0x59: {  	_ =	shalt  }
0x5a: {  	_ =	shalt  }
0x5b: {  	_ =	shalt  }
0x5c: {  	_ =	shalt  }
0x5d: {  	_ =	shalt  }
0x5e: {  	_ =	shalt  }
0x5f: {  	_ =	shalt  }
0x60: {  	_ =	shalt  }
0x61: {  	_ =	shalt  }
0x62: {  	_ =	shalt  }
0x63: {  	_ =	shalt  }
0x64: {  	_ =	shalt  }
0x65: {  	_ =	shalt  }
0x66: {  	_ =	shalt  }
0x67: {  	_ =	shalt  }
0x68: {  	_ =	shalt  }
0x69: {  	_ =	shalt  }
0x6a: {  	_ =	shalt  }
0x6b: {  	_ =	shalt  }
0x6c: {  	_ =	shalt  }
0x6d: {  	_ =	shalt  }
0x6e: {  	_ =	shalt  }
0x6f: {  	_ =	shalt  }
0x70: {  	_ =	shalt  }
0x71: {  	_ =	shalt  }
0x72: {  	_ =	shalt  }
0x73: {  	_ =	shalt  }
0x74: {  	_ =	shalt  }
0x75: {  	_ =	shalt  }
0x76: {  	_ =	shalt  }
0x77: {  	_ =	shalt  }
0x78: {  	_ =	shalt  }
0x79: {  	_ =	shalt  }
0x7a: {  	_ =	shalt  }
0x7b: {  	_ =	shalt  }
0x7c: {  	_ =	shalt  }
0x7d: {  	_ =	shalt  }
0x7e: {  	_ =	shalt  }
0x7f: {  	_ =	shalt  }
0x80: {  	_ =	shalt  }
0x81: {  	_ =	shalt  }
0x82: {  	_ =	shalt  }
0x83: {  	_ =	shalt  }
0x84: {  	_ =	shalt  }
0x85: {  	_ =	shalt  }
0x86: {  	_ =	shalt  }
0x87: {  	_ =	shalt  }
.Lfunc_end0:
.L_simem_size_0:
called_computation.8_lowered:
.L_overlay_start_0:
0x88: {  	s2 =	sld [smem:$0x3FD9]  }
0x89: {  	s3 =	sld [smem:$0x3FFE];
	_ =	sdelay $0x1  }
0x8a: {  	s1 =	srdreg.scid  }
0x8b: {  	s0 =	sand.u32 $0x1, s1  }
0x8c: {  	s16 =	sshll.u32 s0, $0xA;
	s2 =	sadd.s32 s3, s2  }
0x8d: {  	s2 =	sadd.s32 s2, s16  }
0x8e: {  	[smem:$0x3F68] =	sst s2  }
0x8f: {  	_ = 	snop  }
0x90: {  	(tm) =	ssettm $0x1  }
0x91: {  	s17 =	sld [smem:$0x3FFB];
	_ =	sdelay $0x3  }
0x92: {  	_ =	strace s17  }
0x93: {  	s2 =	sld [smem:$0x3FFC];
	_ =	sdelay $0x3  }
0x94: {  	_ =	strace s2  }
0x95: {  	s2 =	sld [smem:$0x3FFD];
	_ =	sdelay $0x3  }
0x96: {  	_ =	strace s2  }
0x97: {  	_ =	strace $0x8FFFFFFF  }
0x98: {  	s18 =	sld [smem:$0x3FDB];
	_ =	sdelay $0x1  }
0x99: {  	s19 =	simm.s32 $_scs_section_size  }
0x9a: {  	s4 =	simm.s32 $_size__tile_overlayer_lowered;
	s5 =	simm.s32 $_tile_overlayer_lowered  }
0x9b: {  	s22 =	simm.s32 $0x1BFF;
	s21 =	sshll.u32 s5, $0x1;
	s2 =	sadd.s32 s19, s18  }
0x9c: {  	s6 =	simm.s32 $0x0;
	s20 =	sshll.u32 s4, $0x1;
	s4 =	sadd.s32 s21, s2  }
0x9d: {  	[timem:s6], [sflag:s22] =	dma.local [hbm:s4], s20  }
0x9e: {  	_ =	swait.ge [sflag:s22], s20  }
0x9f: {  	s3 =	ssub.s32 $0x0, s20;
	[sflag:s22] =	ssyncset.done $0x0  }
0xa0: {  	[sflag:s22] =	ssyncadd.s32 s3;
	_ =	sdelay $0x1  }
0xa1: {  	s23 =	simm.s32 $0x1B8B  }
0xa2: {  	_ =	swait.ge [sflag:s23], $0x1  }
0xa3: {  	[sflag:s23] =	ssyncset.done $0x0  }
0xa4: {  	s25 =	simm.s32 $0x1B8E;
	s24 =	sld [smem:$0x3FFE];
	[sflag:s23] =	ssyncadd.s32 $0xFFFFFFFF  }
0xa5: {  	s26 =	simm.s32 $execute0_lowered;
	[smem:$0x3FD2] =	sst s25  }
0xa6: {  	s4 =	sshll.u32 s26, $0x1;
	_ =	strace $0x8000005E;
	[dreg:$0x1] =	wrdreg $0xFFFFFFFF  }
0xa7: {  	s28 =	simm.s32 $_size_execute0_lowered;
	s2 =	sadd.s32 s2, s4;
	[dreg:$0x0] =	wrdreg $0x0  }
0xa8: {  	s4 =	sshll.u32 s28, $0x1;
	[dreg:$0x2] =	wrdreg s2  }
0xa9: {  	[dreg:$0x3] =	wrdreg s4  }
0xaa: {  	[dreg:$0x4] =	wrdreg $0xC0  }
0xab: {  	_ =	task [dreg:s6], $0x5FFFF  }
0xac: {  	[dreg:$0x1] =	wrdreg $0xFFFFFFFF  }
0xad: {  	[dreg:$0x0] =	wrdreg $0x60  }
0xae: {  	[dreg:$0x2] =	wrdreg s24  }
0xaf: {  	[dreg:$0x3] =	wrdreg $0xA8000  }
0xb0: {  	[dreg:$0x4] =	wrdreg $0x9  }
0xb1: {  	_ =	task.clear_ibuf [dreg:s6], $0x5FFFF;
	_ =	strace $0x9000005E  }
0xb2: {  	s29 =	simm.s32 $0x9;
	_ =	strace $0x80000060  }
0xb3: {  	_ =	swait.ge [sflag:s29], $0x1  }
0xb4: {  	[sflag:s29] =	ssyncadd.s32 $0xFFFFFFFF  }
0xb5: {  	_ =	strace $0x90000060  }
0xb6: {  	_ =	sfence  }
0xb7: {  	s30 =	sld [smem:$0x0];
	_ =	sdelay $0x2  }
0xb8: {  	s31 =	sshll.u32 s1, $0xD;
	s1 =	sshrl.u32 s1, $0x2  }
0xb9: {  	s3 =	sand.u32 $0x4000, s31;
	s1 =	sadd.s32 s1, s30  }
0xba: {  	s0 =	sor.u32 s3, s0;
	s1 =	sshll.u32 s1, $0x11  }
0xbb: {  	s0 =	sor.u32 s1, s0  }
0xbc: {  	s0 =	sadd.s32 $0x8F2B, s0  }
0xbd: {  	[sflag:s0] =	ssyncadd.remote.s32 $0x1  }
0xbe: {  	_ =	sfence.sel $0xFFFF  }
0xbf: {  	[dreg:$0x0] =	wrdreg $0xFFFFFFFF;
	(pc) =	sbr.abs _section_cstart, $3  }
0xc0: {  	[dreg:$0x1] =	wrdreg $0xFFFFFFFF  }
0xc1: {  	_ =	task.clear_ibuf [dreg:s6], $0x2FFFF;
	_ =	strace $0x9FFFFFFF  }
0xc2: {  	(tm) =	ssettm $0x7FFFFFFF  }
0xc3: {  	_ =	shalt  }
tec
execute0_lowered:
.L_overlay_start_1:
0x0: {  	(tag) =	ssettag $0x1  }
0x1: {  	s5 =	rddreg [dreg:$0x0];
	s1 =	srdreg.scid  }
0x2: {  	s0 =	stileid.u32;
	s2 =	rddreg [dreg:$0x1];
	s3 =	simm.s32 $0x0  }
0x3: {  	s16 =	simm.s32 $0x2800;
	s17 =	simm.s32 $0x6800;
	s18 =	simm.s32 $0x1  }
0x4: {  	s19 =	simm.s32 $0x80;
	s6 =	sand.u32 $0x1, s1;
	s24 =	smul.u32 $0x2800, s0  }
0x5: {  	s4 =	sshll.u32 s0, $0x1;
	[smem:$0x7FF] =	sst s3;
	s11 =	smul.u32 $0x50000, s0  }
0x6: {  	s21 =	smul.u32 $0x278000, s0;
	s22 =	sshll.u32 s0, $0x6;
	_ =	strace $0x8000005F  }
0x7: {  	s7 =	sor.u32 s6, s4;
	s4 =	sadd.s32 $0x14D1200, s5;
	s9 =	smul.u32 $0x28000, s6  }
0x8: {  	s20 =	ssub.s32 $0x2, s6;
	s23 =	smul.u32 $0x13C000, s6;
	s6 =	sor.u32 $0x1C03, s22  }
0x9: {  	s22 =	simm.s32 $0x2680;
	s8 =	smul.u32 $0x500, s7;
	s10 =	sadd.s32 s24, s5  }
0xa: {  	s12 =	smul.u32 $0x27800, s7;
	s13 =	sshrl.u32 s20, $0x1;
	s11 =	sshrl.u32 s11, $0x2  }
0xb: {  	s14 =	smul.u32 $0x13C000, s7;
	s9 =	sadd.s32 s9, s5;
	s13 =	ssub.s32 s20, s13  }
0xc: {  	s15 =	sadd.s32 s11, s2;
	s28 =	sadd.s32 s23, s21;
	s20 =	simm.s32 $0x2  }
0xd: {  	s21 =	simm.s32 $0x2600;
	s23 =	simm.s32 $0x2700;
	s8 =	sadd.s32 s8, s5  }
0xe: {  	s5 =	sadd.s32 $0xA87200, s10;
	s25 =	sadd.s32 $0xB30400, s9;
	s26 =	sshrl.u32 s14, $0x3  }
0xf: {  	s9 =	smax.u32 s13, $0x1;
	s30 =	sadd.s32 $0x4000, s28;
	s14 =	sshrl.u32 s15, $0x3  }
0x10: {  	s15 =	simm.s32 $0x3;
	s7 =	sadd.s32 $0xAFF200, s8;
	s8 =	sadd.s32 s4, s12  }
0x11: {  	s29 =	sadd.s32 s4, s26;
	s31 =	sshrl.u32 s30, $0x3;
	s12 =	sadd.s32 $0x8000, s28  }
0x12: {  	s24 =	sadd.s32 s24, s25;
	s25 =	simm.s32 $0x2780;
	s26 =	simm.s32 $0x0  }
0x13: {  	s10 =	sadd.s32 $0x27000, s29;
	s11 =	sadd.s32 $0x26800, s29;
	s13 =	sadd.s32 s31, s4  }
.LBB2_1:
0x14: {  	[spmem:s14], [sflag:s6] =	dma.local [hbm:s5], $0x2800  }
0x15: {  	_ =	swait.ge [sflag:s15], $0x2800  }
0x16: {  	[sflag:s15] =	ssyncset.done $0x0  }
0x17: {  	[sflag:s15] =	ssyncadd.s32 $0xFFFFD800  }
0x18: {  	[tilespmem:s3], [sflag:$0x3] =	stream.linear.gather [hbm4b:s7+s3], $0x2800, $0x38;
	[tilespmem:$0x1E800] =	vst v63  }
0x19: {  	_ =	swait.ge [sflag:s15], $0x2800  }
0x1a: {  	[sflag:s15] =	ssyncset.done $0x0  }
0x1b: {  	[sflag:s15] =	ssyncadd.s32 $0xFFFFD800  }
0x1c: {  	[bflag:$0x0] =	sbarrier.arrive $0xFFFF  }
0x1d: {  	[tilespmem:s16], [sflag:$0x1] =	stream.linear.gather [hbm4b:s8+s3], $0x4000, $0x38;
	[tilespmem:$0x1E800] =	vst v63  }
0x1e: {  	s28 =	sadd.s32 $0x0, s13  }
0x1f: {  	[tilespmem:s17], [sflag:$0x2] =	stream.linear.gather [hbm4b:s28+s3], $0x4000, $0x38;
	[tilespmem:$0x1E800] =	vst v63  }
0x20: {  	_ =	swait.ge [sflag:s18], $0x4000  }
0x21: {  	[sflag:s18] =	ssyncset.done $0x0  }
0x22: {  	[sflag:s18] =	ssyncadd.s32 $0xFFFFC000  }
0x23: {  	[spmem:s2] =	stream.indirect.scatter.add.f32 [tilespmem:s16], [sflag:$0x3], $0x80, s3, s19, $0xb8;
	[tilespmem:$0x1E800] =	vst v63  }
0x24: {  	_ =	swait.ge [sflag:s15], $0x4000  }
0x25: {  	s28 =	sshrl.u32 s12, $0x3;
	[sflag:s15] =	ssyncset.done $0x0  }
0x26: {  	s28 =	sadd.s32 s4, s28;
	[sflag:s15] =	ssyncadd.s32 $0xFFFFC000  }
0x27: {  	[tilespmem:s16], [sflag:$0x1] =	stream.linear.gather [hbm4b:s28+s3], $0x4000, $0x38;
	[tilespmem:$0x1E800] =	vst v63  }
0x28: {  	_ =	swait.ge [sflag:s20], $0x4000  }
0x29: {  	[sflag:s20] =	ssyncset.done $0x0  }
0x2a: {  	s28 =	simm.s32 $0x80;
	[sflag:s20] =	ssyncadd.s32 $0xFFFFC000  }
0x2b: {  	[spmem:s2] =	stream.indirect.scatter.add.f32 [tilespmem:s17], [sflag:$0x3], $0x80, s28, s19, $0xb8;
	[tilespmem:$0x1E800] =	vst v63  }
0x2c: {  	s30 =	simm.s32 $0x1000;
	s31 =	simm.s32 $0x2000;
	_ =	swait.ge [sflag:s15], $0x4000  }
0x2d: {  	s29 =	sadd.s32 $0x8000, s12;
	s28 =	simm.s32 $0x100;
	[sflag:s15] =	ssyncset.done $0x0  }
.LBB2_2:
0x2e: {  	s1 =	sadd.s32 s30, s13  }
0x2f: {  	[sflag:s15] =	ssyncadd.s32 $0xFFFFC000;
	s30 =	smov.u32 s31;
	s0 =	sadd.s32 $0x1000, s31  }
0x30: {  	[tilespmem:s17], [sflag:$0x2] =	stream.linear.gather [hbm4b:s1+s3], $0x4000, $0x38;
	[tilespmem:$0x1E800] =	vst v63  }
0x31: {  	p0 =	sne.s32 s31, $0x25000;
	_ =	swait.ge [sflag:s18], $0x4000  }
0x32: {  	[sflag:s18] =	ssyncset.done $0x0  }
0x33: {  	[sflag:s18] =	ssyncadd.s32 $0xFFFFC000  }
0x34: {  	[spmem:s2] =	stream.indirect.scatter.add.f32 [tilespmem:s16], [sflag:$0x3], $0x80, s28, s19, $0xb8;
	[tilespmem:$0x1E800] =	vst v63  }
0x35: {  	_ =	swait.ge [sflag:s15], $0x4000  }
0x36: {  	s1 =	sshrl.u32 s29, $0x3;
	[sflag:s15] =	ssyncset.done $0x0  }
0x37: {  	s1 =	sadd.s32 s4, s1;
	[sflag:s15] =	ssyncadd.s32 $0xFFFFC000  }
0x38: {  	[tilespmem:s16], [sflag:$0x1] =	stream.linear.gather [hbm4b:s1+s3], $0x4000, $0x38;
	[tilespmem:$0x1E800] =	vst v63  }
0x39: {  	_ =	swait.ge [sflag:s20], $0x4000  }
.Ltmp0:
0x3a: {  	[sflag:s20] =	ssyncset.done $0x0;
	(pc) =	sbr.rel @p0 .LBB2_2-.Ltmp0, $4  }
0x3b: {  	s1 =	sadd.s32 $0x80, s28;
	[sflag:s20] =	ssyncadd.s32 $0xFFFFC000  }
0x3c: {  	[spmem:s2] =	stream.indirect.scatter.add.f32 [tilespmem:s17], [sflag:$0x3], $0x80, s1, s19, $0xb8;
	[tilespmem:$0x1E800] =	vst v63  }
0x3d: {  	s29 =	sadd.s32 $0x8000, s29;
	_ =	swait.ge [sflag:s15], $0x4000  }
0x3e: {  	s31 =	smov.u32 s0;
	s28 =	sadd.s32 $0x100, s28;
	[sflag:s15] =	ssyncset.done $0x0  }
0x3f: {  	s0 =	sadd.s32 s30, s13;
	[sflag:s15] =	ssyncadd.s32 $0xFFFFC000  }
0x40: {  	[tilespmem:s17], [sflag:$0x2] =	stream.linear.gather [hbm4b:s0+s3], $0x4000, $0x38;
	[tilespmem:$0x1E800] =	vst v63  }
0x41: {  	_ =	swait.ge [sflag:s18], $0x4000  }
0x42: {  	[sflag:s18] =	ssyncset.done $0x0  }
0x43: {  	[sflag:s18] =	ssyncadd.s32 $0xFFFFC000  }
0x44: {  	[spmem:s2] =	stream.indirect.scatter.add.f32 [tilespmem:s16], [sflag:$0x3], $0x80, s28, s19, $0xb8;
	[tilespmem:$0x1E800] =	vst v63  }
0x45: {  	_ =	swait.ge [sflag:s15], $0x4000  }
0x46: {  	s30 =	sshrl.u32 s29, $0x3;
	[sflag:s15] =	ssyncset.done $0x0  }
0x47: {  	s0 =	sadd.s32 s4, s30;
	[sflag:s15] =	ssyncadd.s32 $0xFFFFC000  }
0x48: {  	[tilespmem:s16], [sflag:$0x1] =	stream.linear.gather [hbm4b:s0+s3], $0x4000, $0x38;
	[tilespmem:$0x1E800] =	vst v63  }
0x49: {  	_ =	swait.ge [sflag:s20], $0x4000  }
0x4a: {  	[sflag:s20] =	ssyncset.done $0x0  }
0x4b: {  	s31 =	sadd.s32 $0x80, s28;
	[sflag:s20] =	ssyncadd.s32 $0xFFFFC000  }
0x4c: {  	[spmem:s2] =	stream.indirect.scatter.add.f32 [tilespmem:s17], [sflag:$0x3], $0x80, s31, s19, $0xb8;
	[tilespmem:$0x1E800] =	vst v63  }
0x4d: {  	_ =	swait.ge [sflag:s15], $0x4000  }
0x4e: {  	[sflag:s15] =	ssyncset.done $0x0  }
0x4f: {  	[sflag:s15] =	ssyncadd.s32 $0xFFFFC000  }
0x50: {  	[tilespmem:s17], [sflag:$0x2] =	stream.linear.gather [hbm4b:s11+s3], $0x4000, $0x38;
	[tilespmem:$0x1E800] =	vst v63  }
0x51: {  	_ =	swait.ge [sflag:s18], $0x4000  }
0x52: {  	[sflag:s18] =	ssyncset.done $0x0  }
0x53: {  	[sflag:s18] =	ssyncadd.s32 $0xFFFFC000  }
0x54: {  	[spmem:s2] =	stream.indirect.scatter.add.f32 [tilespmem:s16], [sflag:$0x3], $0x80, s21, s19, $0xb8;
	[tilespmem:$0x1E800] =	vst v63  }
0x55: {  	_ =	swait.ge [sflag:s15], $0x4000  }
0x56: {  	[sflag:s15] =	ssyncset.done $0x0  }
0x57: {  	[sflag:s15] =	ssyncadd.s32 $0xFFFFC000  }
0x58: {  	[tilespmem:s16], [sflag:$0x1] =	stream.linear.gather [hbm4b:s10+s3], $0x4000, $0x38;
	[tilespmem:$0x1E800] =	vst v63  }
0x59: {  	_ =	swait.ge [sflag:s20], $0x4000  }
0x5a: {  	[sflag:s20] =	ssyncset.done $0x0  }
0x5b: {  	[sflag:s20] =	ssyncadd.s32 $0xFFFFC000  }
0x5c: {  	[spmem:s2] =	stream.indirect.scatter.add.f32 [tilespmem:s17], [sflag:$0x3], $0x80, s22, s19, $0xb8;
	[tilespmem:$0x1E800] =	vst v63  }
0x5d: {  	_ =	swait.ge [sflag:s15], $0x4000  }
0x5e: {  	[sflag:s15] =	ssyncset.done $0x0  }
0x5f: {  	[sflag:s15] =	ssyncadd.s32 $0xFFFFC000  }
0x60: {  	[tilespmem:s17], [sflag:$0x2] =	stream.linear.gather [hbm4b:s10+s3], $0x4000, $0x38;
	[tilespmem:$0x1E800] =	vst v63  }
0x61: {  	_ =	swait.ge [sflag:s18], $0x4000  }
0x62: {  	[sflag:s18] =	ssyncset.done $0x0  }
0x63: {  	[sflag:s18] =	ssyncadd.s32 $0xFFFFC000  }
0x64: {  	[spmem:s2] =	stream.indirect.scatter.add.f32 [tilespmem:s16], [sflag:$0x3], $0x80, s23, s19, $0xb8;
	[tilespmem:$0x1E800] =	vst v63  }
0x65: {  	_ =	swait.ge [sflag:s15], $0x4000  }
0x66: {  	[sflag:s15] =	ssyncset.done $0x0  }
0x67: {  	[sflag:s15] =	ssyncadd.s32 $0xFFFFC000  }
0x68: {  	_ =	swait.ge [sflag:s20], $0x4000  }
0x69: {  	[sflag:s20] =	ssyncset.done $0x0  }
0x6a: {  	[sflag:s20] =	ssyncadd.s32 $0xFFFFC000  }
0x6b: {  	[spmem:s2] =	stream.indirect.scatter.add.f32 [tilespmem:s17], [sflag:$0x3], $0x80, s25, s19, $0xb8;
	[tilespmem:$0x1E800] =	vst v63  }
0x6c: {  	_ =	swait.ge [sflag:s15], $0x4000  }
0x6d: {  	s26 =	sadd.s32 $0x1, s26;
	[sflag:s15] =	ssyncset.done $0x0  }
0x6e: {  	p0 =	sne.s32 s26, s9;
	[sflag:s15] =	ssyncadd.s32 $0xFFFFC000  }
.Ltmp1:
0x6f: {  	[bflag:$0x0] =	sbarrier.arrive $0xFFFF;
	(pc) =	sbr.rel @p0 .LBB2_1-.Ltmp1, $4  }
0x70: {  	[hbm:s24], [sflag:s6] =	dma.local [spmem:s14], $0x2800  }
0x71: {  	_ =	swait.ge [sflag:s15], $0x2800  }
0x72: {  	[sflag:s15] =	ssyncset.done $0x0  }
0x73: {  	[sflag:s15] =	ssyncadd.s32 $0xFFFFD800  }
0x74: {  	_ =	sfence.sel $0x180000  }
0x75: {  	[bflag:$0x0] =	sbarrier.arrive $0xFFFF  }
0x76: {  	_ =	strace $0x9000005F  }
0x77: {  	s0 =	stileid.u32;
	[bflag:$0x2] =	sbarrier.arrive $0xFFFF  }
0x78: {  	p0 =	sne.s32 s0, $0x0;
	s0 =	rddreg [dreg:$0x2]  }
0x79: {  	s0 =	sadd.s32 @!p0 $0x100000, s0  }
0x7a: {  	[sflag:s0] =	ssyncadd.tile.s32 @!p0 $0x1;
	_ =	shalt  }
.Lfunc_end2:
_tile_overlayer_lowered:
.L_overlay_start_2:
0x7b: {  	(tag) =	ssettag $0x2  }
0x7c: {  	s0 =	rddreg [dreg:$0x0];
	s2 =	stileid.u32  }
0x7d: {  	s1 =	rddreg [dreg:$0x1];
	p0 =	sne.s32 s2, $0x0  }
0x7e: {  	s3 =	rddreg [dreg:$0x2];
	[bflag:$0x3] =	sbarrier.arrive $0xFFFF;
	s2 =	simm.s32 @!p0 $0x1C03  }
0x7f: {  	[timem:s3], [sflag:s2] =	dma.local @!p0 [hbm:s0], s1  }
0x80: {  	s0 =	simm.s32 @!p0 $0x3  }
0x81: {  	_ =	swait.ge @!p0 [sflag:s0], s1  }
0x82: {  	s1 =	ssub.s32 @!p0 $0x0, s1;
	[sflag:s0] =	ssyncset.done @!p0 $0x0  }
0x83: {  	[sflag:s0] =	ssyncadd.s32 @!p0 s1  }
0x84: {  	[bflag:$0x3] =	sbarrier.arrive $0xFFFF  }
0x85: {  	_ =	shalt  }

</sc_bundles>
